<compile_context>
chip_gen: v7x
topology: tpu7x:2x2x1
jax: 0.10.2.dev20260603
libtpu: 0.0.44.dev20260713+nightly
codegen_flags: <defaults>
</compile_context>

<pallas_src>
import functools

import jax
import jax.numpy as jnp
from jax import lax
from jax.experimental import pallas as pl
from jax.experimental.pallas import tpu as pltpu
from jax.experimental.pallas import tpu_sc as plsc

N = 10000
E = 320000
D_IN = 128
D_HID = 128
D_OUT = 64

NC = 2
NS = 16
NW = NC * NS
LANES = 16

CHUNK = 128
NBUF = 4
K = 80
E_PAD = NW * K * CHUNK
N_PAD = 10240
RPT = N_PAD // NS

WCHUNK = 64
NWB = RPT // WCHUNK

_SC_MESH = plsc.VectorSubcoreMesh(core_axis_name="c", subcore_axis_name="s")
_SC_PARAMS = pltpu.CompilerParams(use_tc_tiling_on_sc=False,
                                  needs_layout_passes=False)


def _counts_body(dst_hbm, zeros_hbm, out_hbm, dst_v, ones_v, zbuf_v, cnt_sh):
    c = lax.axis_index("c")
    s = lax.axis_index("s")
    wid = c * NS + s
    pltpu.sync_copy(dst_hbm.at[wid], dst_v)
    for i in range(CHUNK // LANES):
        ones_v[pl.ds(i * LANES, LANES)] = jnp.ones((LANES,), jnp.float32)
    row0 = s * RPT
    pltpu.sync_copy(zeros_hbm.at[pl.ds(row0, RPT)], zbuf_v)
    pltpu.sync_copy(zbuf_v, cnt_sh.at[pl.ds(row0, RPT)])
    plsc.subcore_barrier()

    def body(j, carry):
        pltpu.sync_copy(ones_v, cnt_sh.at[dst_v.at[j]], add=True)
        return carry

    lax.fori_loop(0, K, body, 0)
    plsc.subcore_barrier()
    pltpu.sync_copy(cnt_sh.at[pl.ds(row0, RPT)], zbuf_v)
    pltpu.sync_copy(zbuf_v, out_hbm.at[pl.ds(c * N_PAD + row0, RPT)])


@functools.partial(
    pl.kernel,
    out_type=jax.ShapeDtypeStruct((NC * N_PAD,), jnp.float32),
    mesh=_SC_MESH,
    scratch_types=[
        pltpu.VMEM((K, CHUNK), jnp.int32),
        pltpu.VMEM((CHUNK,), jnp.float32),
        pltpu.VMEM((RPT,), jnp.float32),
        pltpu.VMEM_SHARED((N_PAD,), jnp.float32),
    ],
)
def _sc_counts(dst_hbm, zeros_hbm, out_hbm, dst_v, ones_v, zbuf_v, cnt_sh):
    _counts_body(dst_hbm, zeros_hbm, out_hbm, dst_v, ones_v, zbuf_v, cnt_sh)


def _agg_body(hp_hbm, src_hbm, dst_hbm, zeros_hbm, out_hbm,
              src_v, dst_v, rows, sems, acc_sh):
    c = lax.axis_index("c")
    s = lax.axis_index("s")
    wid = c * NS + s
    pltpu.sync_copy(src_hbm.at[wid], src_v)
    pltpu.sync_copy(dst_hbm.at[wid], dst_v)
    tbl = hp_hbm.at[c]
    row0 = s * RPT
    zbuf = rows[0].at[pl.ds(0, WCHUNK)]
    pltpu.sync_copy(zeros_hbm.at[pl.ds(0, WCHUNK)], zbuf)
    for i in range(NWB):
        pltpu.sync_copy(zbuf, acc_sh.at[pl.ds(row0 + i * WCHUNK, WCHUNK)])
    plsc.subcore_barrier()

    for b in range(NBUF):
        pltpu.async_copy(tbl.at[src_v.at[b]], rows[b], sems[b])

    def outer(g, carry):
        for b in range(NBUF):
            j = g * NBUF + b
            pltpu.make_async_copy(tbl.at[src_v.at[j]], rows[b],
                                  sems[b]).wait()
            pltpu.sync_copy(rows[b], acc_sh.at[dst_v.at[j]], add=True)

            @pl.when(j + NBUF < K)
            def _():
                pltpu.async_copy(tbl.at[src_v.at[j + NBUF]], rows[b],
                                 sems[b])
        return carry

    lax.fori_loop(0, K // NBUF, outer, 0)
    plsc.subcore_barrier()
    for i in range(NWB):
        r = row0 + i * WCHUNK
        pltpu.sync_copy(acc_sh.at[pl.ds(r, WCHUNK)], zbuf)
        pltpu.sync_copy(zbuf, out_hbm.at[c, pl.ds(r, WCHUNK)])


def _make_sc_agg(d):
    @functools.partial(
        pl.kernel,
        out_type=jax.ShapeDtypeStruct((NC, N_PAD, d), jnp.bfloat16),
        mesh=_SC_MESH,
        compiler_params=_SC_PARAMS,
        scratch_types=[
            pltpu.VMEM((K, CHUNK), jnp.int32),
            pltpu.VMEM((K, CHUNK), jnp.int32),
            [pltpu.VMEM((CHUNK, d), jnp.bfloat16) for _ in range(NBUF)],
            [pltpu.SemaphoreType.DMA for _ in range(NBUF)],
            pltpu.VMEM_SHARED((N_PAD, d), jnp.bfloat16),
        ],
    )
    def agg(hp_hbm, src_hbm, dst_hbm, zeros_hbm, out_hbm,
            src_v, dst_v, rows, sems, acc_sh):
        _agg_body(hp_hbm, src_hbm, dst_hbm, zeros_hbm, out_hbm,
                  src_v, dst_v, rows, sems, acc_sh)

    return agg


_sc_agg_l1 = _make_sc_agg(D_HID)
_sc_agg_l2 = _make_sc_agg(D_OUT)

TCB = 512
_GRID = N_PAD // TCB
NBLK = N_PAD // TCB


def _tc1_body(x_ref, w1_ref, c0_ref, c1_ref, hp_ref, hpb_ref, dinv_ref):
    deg = 1.0 + c0_ref[...] + c1_ref[...]
    dv = lax.rsqrt(deg)
    dinv_ref[...] = dv
    hp = jnp.dot(x_ref[...], w1_ref[...],
                 preferred_element_type=jnp.float32) * dv[:, None]
    hp_ref[...] = hp
    bf = hp.astype(jnp.bfloat16)
    hpb_ref[0] = bf
    hpb_ref[1] = bf


def _tc1(x_pad, w1, cnt):
    return pl.pallas_call(
        _tc1_body,
        grid=(_GRID,),
        in_specs=[
            pl.BlockSpec((TCB, D_IN), lambda i: (i, 0)),
            pl.BlockSpec((D_IN, D_HID), lambda i: (0, 0)),
            pl.BlockSpec((TCB,), lambda i: (i,)),
            pl.BlockSpec((TCB,), lambda i: (NBLK + i,)),
        ],
        out_specs=[
            pl.BlockSpec((TCB, D_HID), lambda i: (i, 0)),
            pl.BlockSpec((NC, TCB, D_HID), lambda i: (0, i, 0)),
            pl.BlockSpec((TCB,), lambda i: (i,)),
        ],
        out_shape=[
            jax.ShapeDtypeStruct((N_PAD, D_HID), jnp.float32),
            jax.ShapeDtypeStruct((NC, N_PAD, D_HID), jnp.bfloat16),
            jax.ShapeDtypeStruct((N_PAD,), jnp.float32),
        ],
    )(x_pad, w1, cnt, cnt)


def _tc2_body(p_ref, hp1_ref, dinv_ref, b1_ref, w2_ref, hp2_ref, hp2b_ref):
    dv = dinv_ref[...]
    agg = (p_ref[0].astype(jnp.float32) + p_ref[1].astype(jnp.float32)
           + hp1_ref[...])
    h = dv[:, None] * agg + b1_ref[...][None, :]
    h = jnp.maximum(h, 0.0)
    hp2 = jnp.dot(h, w2_ref[...],
                  preferred_element_type=jnp.float32) * dv[:, None]
    hp2_ref[...] = hp2
    bf2 = hp2.astype(jnp.bfloat16)
    hp2b_ref[0] = bf2
    hp2b_ref[1] = bf2


def _tc2(p, hp1, dinv, b1, w2):
    return pl.pallas_call(
        _tc2_body,
        grid=(_GRID,),
        in_specs=[
            pl.BlockSpec((NC, TCB, D_HID), lambda i: (0, i, 0)),
            pl.BlockSpec((TCB, D_HID), lambda i: (i, 0)),
            pl.BlockSpec((TCB,), lambda i: (i,)),
            pl.BlockSpec((D_HID,), lambda i: (0,)),
            pl.BlockSpec((D_HID, D_OUT), lambda i: (0, 0)),
        ],
        out_specs=[
            pl.BlockSpec((TCB, D_OUT), lambda i: (i, 0)),
            pl.BlockSpec((NC, TCB, D_OUT), lambda i: (0, i, 0)),
        ],
        out_shape=[
            jax.ShapeDtypeStruct((N_PAD, D_OUT), jnp.float32),
            jax.ShapeDtypeStruct((NC, N_PAD, D_OUT), jnp.bfloat16),
        ],
    )(p, hp1, dinv, b1, w2)


def _tc3_body(q_ref, hp2_ref, dinv_ref, b2_ref, out_ref):
    dv = dinv_ref[...]
    agg = (q_ref[0].astype(jnp.float32) + q_ref[1].astype(jnp.float32)
           + hp2_ref[...])
    out_ref[...] = dv[:, None] * agg + b2_ref[...][None, :]


def _tc3(q, hp2, dinv, b2):
    return pl.pallas_call(
        _tc3_body,
        grid=(_GRID,),
        in_specs=[
            pl.BlockSpec((NC, TCB, D_OUT), lambda i: (0, i, 0)),
            pl.BlockSpec((TCB, D_OUT), lambda i: (i, 0)),
            pl.BlockSpec((TCB,), lambda i: (i,)),
            pl.BlockSpec((D_OUT,), lambda i: (0,)),
        ],
        out_specs=pl.BlockSpec((TCB, D_OUT), lambda i: (i, 0)),
        out_shape=jax.ShapeDtypeStruct((N_PAD, D_OUT), jnp.float32),
    )(q, hp2, dinv, b2)


def kernel(x, edge_index, W1, b1, W2, b2):
    src = edge_index[0]
    dst = edge_index[1]
    pad = jnp.full((E_PAD - E,), N, jnp.int32)
    srcp = jnp.concatenate([src, pad]).reshape(NW, K, CHUNK)
    dstp = jnp.concatenate([dst, pad]).reshape(NW, K, CHUNK)
    x_pad = jnp.pad(x, ((0, N_PAD - N), (0, 0)))
    zeros1 = jnp.zeros((N_PAD,), jnp.float32)
    zeros_h = jnp.zeros((WCHUNK, D_HID), jnp.bfloat16)
    zeros_o = jnp.zeros((WCHUNK, D_OUT), jnp.bfloat16)

    cnt = _sc_counts(dstp, zeros1)
    hp1, hpb, dinv = _tc1(x_pad, W1, cnt)
    p = _sc_agg_l1(hpb, srcp, dstp, zeros_h)
    hp2, hp2b = _tc2(p, hp1, dinv, b1, W2)
    q = _sc_agg_l2(hp2b, srcp, dstp, zeros_o)
    outp = _tc3(q, hp2, dinv, b2)
    return outp[:N]

# --- scband reference (transcript-rebuilt; emitter-appended) ---
"""Pipeline reference for scband-ontology-gnn-3959959847532 (READ-ONLY COPY).

The authoritative reference and input builder live on the scoring server;
editing this copy changes nothing except your own understanding.
"""

import jax, jax.numpy as jnp
import numpy as np

N = 10000
E = 320000
D_IN = 128
D_HID = 128
D_OUT = 64


def setup_inputs(seed: int = 0) -> dict:
    key = jax.random.key(seed)
    k1, k2, k3, k4, k5, k6 = jax.random.split(key, 6)
    x = jax.random.normal(k1, (N, D_IN), dtype=jnp.float32)
    edge_index = jax.random.randint(k2, (2, E), 0, N, dtype=jnp.int32)
    # Glorot-style init for GCN layer weights
    W1 = jax.random.normal(k3, (D_IN, D_HID), dtype=jnp.float32) * (1.0 / np.sqrt(D_IN))
    b1 = jnp.zeros((D_HID,), dtype=jnp.float32)
    W2 = jax.random.normal(k4, (D_HID, D_OUT), dtype=jnp.float32) * (1.0 / np.sqrt(D_HID))
    b2 = jnp.zeros((D_OUT,), dtype=jnp.float32)
    return {"x": x, "edge_index": edge_index, "W1": W1, "b1": b1, "W2": W2, "b2": b2}


def _gcn_conv(x, edge_index, W, b):
    # Faithful GCNConv: add self-loops, symmetric normalization D^-1/2 A D^-1/2,
    # linear transform, scatter-add aggregation, bias.
    n = x.shape[0]
    self_loops = jnp.arange(n, dtype=edge_index.dtype)
    src = jnp.concatenate([edge_index[0], self_loops])
    dst = jnp.concatenate([edge_index[1], self_loops])
    deg = jnp.zeros((n,), dtype=x.dtype).at[dst].add(1.0)
    dinv = jnp.where(deg > 0, 1.0 / jnp.sqrt(deg), 0.0)
    norm = dinv[src] * dinv[dst]
    h = x @ W
    msgs = h[src] * norm[:, None]
    out = jnp.zeros((n, W.shape[1]), dtype=x.dtype).at[dst].add(msgs)
    return out + b


def reference(x, edge_index, W1, b1, W2, b2):
    h = _gcn_conv(x, edge_index, W1, b1)
    h = jax.nn.relu(h)
    out = _gcn_conv(h, edge_index, W2, b2)
    return out

if __name__ == "__main__":
    import jax
    _d = setup_inputs()
    print(jax.jit(kernel)(*tuple(_d.values())))

</pallas_src>

<mosaic_0001>
#map = affine_map<(d0, d1) -> (0, 0, 0)>
#map1 = affine_map<(d0, d1) -> (0)>
module attributes {stable_mosaic.version = 14 : i64} {
  func.func @_sc_counts(%arg0: i32, %arg1: i32, %arg2: memref<32x80x128xi32, #tpu.memory_space<hbm>>, %arg3: memref<10240xf32, #tpu.memory_space<hbm>>, %arg4: memref<20480xf32, #tpu.memory_space<hbm>>, %arg5: memref<80x128xi32, #tpu.memory_space<vmem>>, %arg6: memref<128xf32, #tpu.memory_space<vmem>>, %arg7: memref<640xf32, #tpu.memory_space<vmem>>, %arg8: memref<10240xf32, #tpu.memory_space<vmem_shared>>) attributes {dimension_semantics = [#tpu.dimension_semantics<core_parallel>, #tpu.dimension_semantics<subcore_parallel>], iteration_bounds = array<i64: 2, 16>, scalar_prefetch = 0 : i64, scratch_operands = 4 : i64, tpu.core_type = #tpu.core_type<sc_vector_subcore>, window_params = [{transform_indices = #map}, {transform_indices = #map1}, {transform_indices = #map1}]} {
    %mul3A = arith.constant 16 : i32
    %mul3A_0 = arith.muli %arg0, %mul3A : i32
    %add3A = arith.addi %mul3A_0, %arg1 : i32
    "tpu.region"() ({
      %run_scoped3A = tpu.sem_alloc : memref<!tpu.dma_semaphore, #tpu.memory_space<semaphore_mem>>
      %dma_start3A = arith.constant 0 : i32
      %dma_start3A_58 = arith.constant 0 : i32
      %dma_start3A_59 = tpu.memref_slice %arg2[%add3A, %dma_start3A, %dma_start3A_58] : memref<32x80x128xi32, #tpu.memory_space<hbm>> -> memref<1x80x128xi32, #tpu.memory_space<hbm>>
      %dma_start3A_60 = tpu.memref_squeeze %dma_start3A_59 : memref<1x80x128xi32, #tpu.memory_space<hbm>> -> memref<80x128xi32, #tpu.memory_space<hbm>>
      %dma_start3A_61 = arith.constant 0 : i32
      %dma_start3A_62 = arith.constant 0 : i32
      %dma_start3A_63 = tpu.memref_slice %arg2[%add3A, %dma_start3A_61, %dma_start3A_62] : memref<32x80x128xi32, #tpu.memory_space<hbm>> -> memref<1x80x128xi32, #tpu.memory_space<hbm>>
      %dma_start3A_64 = tpu.memref_squeeze %dma_start3A_63 : memref<1x80x128xi32, #tpu.memory_space<hbm>> -> memref<80x128xi32, #tpu.memory_space<hbm>>
      tpu.enqueue_dma source(%dma_start3A_64 : memref<80x128xi32, #tpu.memory_space<hbm>>) target(%arg5 : memref<80x128xi32, #tpu.memory_space<vmem>>) target_semaphore(%run_scoped3A : memref<!tpu.dma_semaphore, #tpu.memory_space<semaphore_mem>>)
      %dma_wait3A = arith.constant 0 : i32
      %dma_wait3A_65 = arith.constant 0 : i32
      %dma_wait3A_66 = tpu.memref_slice %arg2[%add3A, %dma_wait3A, %dma_wait3A_65] : memref<32x80x128xi32, #tpu.memory_space<hbm>> -> memref<1x80x128xi32, #tpu.memory_space<hbm>>
      %dma_wait3A_67 = tpu.memref_squeeze %dma_wait3A_66 : memref<1x80x128xi32, #tpu.memory_space<hbm>> -> memref<80x128xi32, #tpu.memory_space<hbm>>
      %dma_wait3A_68 = arith.constant 0 : i32
      %dma_wait3A_69 = arith.constant 0 : i32
      %dma_wait3A_70 = tpu.memref_slice %arg2[%add3A, %dma_wait3A_68, %dma_wait3A_69] : memref<32x80x128xi32, #tpu.memory_space<hbm>> -> memref<1x80x128xi32, #tpu.memory_space<hbm>>
      %dma_wait3A_71 = tpu.memref_squeeze %dma_wait3A_70 : memref<1x80x128xi32, #tpu.memory_space<hbm>> -> memref<80x128xi32, #tpu.memory_space<hbm>>
      tpu.wait_dma2 semaphore(%run_scoped3A : memref<!tpu.dma_semaphore, #tpu.memory_space<semaphore_mem>>) src(%dma_wait3A_71 : memref<80x128xi32, #tpu.memory_space<hbm>>) dst(%arg5 : memref<80x128xi32, #tpu.memory_space<vmem>>)
      tpu.yield
    }) : () -> ()
    %broadcast_in_dim3A = arith.constant 1.000000e+00 : f32
    %broadcast_in_dim3A_1 = vector.broadcast %broadcast_in_dim3A : f32 to vector<16xf32>
    %swap3A = arith.constant 0 : index
    %swap3A_2 = tpu.vector_load %arg6[%swap3A] {strides = array<i32>} : memref<128xf32, #tpu.memory_space<vmem>>, vector<16xf32>,
    %swap3A_3 = vector.shape_cast %swap3A_2 : vector<16xf32> to vector<16xf32>
    %swap3A_4 = vector.shape_cast %broadcast_in_dim3A_1 : vector<16xf32> to vector<16xf32>
    tpu.vector_store %arg6[%swap3A], %swap3A_4 {strides = array<i32>} : memref<128xf32, #tpu.memory_space<vmem>>, vector<16xf32>,
    %broadcast_in_dim3A_5 = arith.constant 1.000000e+00 : f32
    %broadcast_in_dim3A_6 = vector.broadcast %broadcast_in_dim3A_5 : f32 to vector<16xf32>
    %swap3A_7 = arith.constant 16 : index
    %swap3A_8 = tpu.vector_load %arg6[%swap3A_7] {strides = array<i32>} : memref<128xf32, #tpu.memory_space<vmem>>, vector<16xf32>,
    %swap3A_9 = vector.shape_cast %swap3A_8 : vector<16xf32> to vector<16xf32>
    %swap3A_10 = vector.shape_cast %broadcast_in_dim3A_6 : vector<16xf32> to vector<16xf32>
    tpu.vector_store %arg6[%swap3A_7], %swap3A_10 {strides = array<i32>} : memref<128xf32, #tpu.memory_space<vmem>>, vector<16xf32>,
    %broadcast_in_dim3A_11 = arith.constant 1.000000e+00 : f32
    %broadcast_in_dim3A_12 = vector.broadcast %broadcast_in_dim3A_11 : f32 to vector<16xf32>
    %swap3A_13 = arith.constant 32 : index
    %swap3A_14 = tpu.vector_load %arg6[%swap3A_13] {strides = array<i32>} : memref<128xf32, #tpu.memory_space<vmem>>, vector<16xf32>,
    %swap3A_15 = vector.shape_cast %swap3A_14 : vector<16xf32> to vector<16xf32>
    %swap3A_16 = vector.shape_cast %broadcast_in_dim3A_12 : vector<16xf32> to vector<16xf32>
    tpu.vector_store %arg6[%swap3A_13], %swap3A_16 {strides = array<i32>} : memref<128xf32, #tpu.memory_space<vmem>>, vector<16xf32>,
    %broadcast_in_dim3A_17 = arith.constant 1.000000e+00 : f32
    %broadcast_in_dim3A_18 = vector.broadcast %broadcast_in_dim3A_17 : f32 to vector<16xf32>
    %swap3A_19 = arith.constant 48 : index
    %swap3A_20 = tpu.vector_load %arg6[%swap3A_19] {strides = array<i32>} : memref<128xf32, #tpu.memory_space<vmem>>, vector<16xf32>,
    %swap3A_21 = vector.shape_cast %swap3A_20 : vector<16xf32> to vector<16xf32>
    %swap3A_22 = vector.shape_cast %broadcast_in_dim3A_18 : vector<16xf32> to vector<16xf32>
    tpu.vector_store %arg6[%swap3A_19], %swap3A_22 {strides = array<i32>} : memref<128xf32, #tpu.memory_space<vmem>>, vector<16xf32>,
    %broadcast_in_dim3A_23 = arith.constant 1.000000e+00 : f32
    %broadcast_in_dim3A_24 = vector.broadcast %broadcast_in_dim3A_23 : f32 to vector<16xf32>
    %swap3A_25 = arith.constant 64 : index
    %swap3A_26 = tpu.vector_load %arg6[%swap3A_25] {strides = array<i32>} : memref<128xf32, #tpu.memory_space<vmem>>, vector<16xf32>,
    %swap3A_27 = vector.shape_cast %swap3A_26 : vector<16xf32> to vector<16xf32>
    %swap3A_28 = vector.shape_cast %broadcast_in_dim3A_24 : vector<16xf32> to vector<16xf32>
    tpu.vector_store %arg6[%swap3A_25], %swap3A_28 {strides = array<i32>} : memref<128xf32, #tpu.memory_space<vmem>>, vector<16xf32>,
    %broadcast_in_dim3A_29 = arith.constant 1.000000e+00 : f32
    %broadcast_in_dim3A_30 = vector.broadcast %broadcast_in_dim3A_29 : f32 to vector<16xf32>
    %swap3A_31 = arith.constant 80 : index
    %swap3A_32 = tpu.vector_load %arg6[%swap3A_31] {strides = array<i32>} : memref<128xf32, #tpu.memory_space<vmem>>, vector<16xf32>,
    %swap3A_33 = vector.shape_cast %swap3A_32 : vector<16xf32> to vector<16xf32>
    %swap3A_34 = vector.shape_cast %broadcast_in_dim3A_30 : vector<16xf32> to vector<16xf32>
    tpu.vector_store %arg6[%swap3A_31], %swap3A_34 {strides = array<i32>} : memref<128xf32, #tpu.memory_space<vmem>>, vector<16xf32>,
    %broadcast_in_dim3A_35 = arith.constant 1.000000e+00 : f32
    %broadcast_in_dim3A_36 = vector.broadcast %broadcast_in_dim3A_35 : f32 to vector<16xf32>
    %swap3A_37 = arith.constant 96 : index
    %swap3A_38 = tpu.vector_load %arg6[%swap3A_37] {strides = array<i32>} : memref<128xf32, #tpu.memory_space<vmem>>, vector<16xf32>,
    %swap3A_39 = vector.shape_cast %swap3A_38 : vector<16xf32> to vector<16xf32>
    %swap3A_40 = vector.shape_cast %broadcast_in_dim3A_36 : vector<16xf32> to vector<16xf32>
    tpu.vector_store %arg6[%swap3A_37], %swap3A_40 {strides = array<i32>} : memref<128xf32, #tpu.memory_space<vmem>>, vector<16xf32>,
    %broadcast_in_dim3A_41 = arith.constant 1.000000e+00 : f32
    %broadcast_in_dim3A_42 = vector.broadcast %broadcast_in_dim3A_41 : f32 to vector<16xf32>
    %swap3A_43 = arith.constant 112 : index
    %swap3A_44 = tpu.vector_load %arg6[%swap3A_43] {strides = array<i32>} : memref<128xf32, #tpu.memory_space<vmem>>, vector<16xf32>,
    %swap3A_45 = vector.shape_cast %swap3A_44 : vector<16xf32> to vector<16xf32>
    %swap3A_46 = vector.shape_cast %broadcast_in_dim3A_42 : vector<16xf32> to vector<16xf32>
    tpu.vector_store %arg6[%swap3A_43], %swap3A_46 {strides = array<i32>} : memref<128xf32, #tpu.memory_space<vmem>>, vector<16xf32>,
    %mul3A_47 = arith.constant 640 : i32
    %mul3A_48 = arith.muli %arg1, %mul3A_47 : i32
    "tpu.region"() ({
      %run_scoped3A = tpu.sem_alloc : memref<!tpu.dma_semaphore, #tpu.memory_space<semaphore_mem>>
      %dma_start3A = tpu.memref_slice %arg3[%mul3A_48] : memref<10240xf32, #tpu.memory_space<hbm>> -> memref<640xf32, #tpu.memory_space<hbm>>
      %dma_start3A_58 = tpu.memref_slice %arg3[%mul3A_48] : memref<10240xf32, #tpu.memory_space<hbm>> -> memref<640xf32, #tpu.memory_space<hbm>>
      tpu.enqueue_dma source(%dma_start3A_58 : memref<640xf32, #tpu.memory_space<hbm>>) target(%arg7 : memref<640xf32, #tpu.memory_space<vmem>>) target_semaphore(%run_scoped3A : memref<!tpu.dma_semaphore, #tpu.memory_space<semaphore_mem>>)
      %dma_wait3A = tpu.memref_slice %arg3[%mul3A_48] : memref<10240xf32, #tpu.memory_space<hbm>> -> memref<640xf32, #tpu.memory_space<hbm>>
      %dma_wait3A_59 = tpu.memref_slice %arg3[%mul3A_48] : memref<10240xf32, #tpu.memory_space<hbm>> -> memref<640xf32, #tpu.memory_space<hbm>>
      tpu.wait_dma2 semaphore(%run_scoped3A : memref<!tpu.dma_semaphore, #tpu.memory_space<semaphore_mem>>) src(%dma_wait3A_59 : memref<640xf32, #tpu.memory_space<hbm>>) dst(%arg7 : memref<640xf32, #tpu.memory_space<vmem>>)
      tpu.yield
    }) : () -> ()
    "tpu.region"() ({
      %run_scoped3A = tpu.sem_alloc : memref<!tpu.dma_semaphore, #tpu.memory_space<semaphore_mem>>
      %dma_start3A = tpu.memref_slice %arg8[%mul3A_48] : memref<10240xf32, #tpu.memory_space<vmem_shared>> -> memref<640xf32, #tpu.memory_space<vmem_shared>>
      %dma_start3A_58 = tpu.memref_slice %arg8[%mul3A_48] : memref<10240xf32, #tpu.memory_space<vmem_shared>> -> memref<640xf32, #tpu.memory_space<vmem_shared>>
      tpu.enqueue_dma source(%arg7 : memref<640xf32, #tpu.memory_space<vmem>>) target(%dma_start3A_58 : memref<640xf32, #tpu.memory_space<vmem_shared>>) target_semaphore(%run_scoped3A : memref<!tpu.dma_semaphore, #tpu.memory_space<semaphore_mem>>)
      %dma_wait3A = tpu.memref_slice %arg8[%mul3A_48] : memref<10240xf32, #tpu.memory_space<vmem_shared>> -> memref<640xf32, #tpu.memory_space<vmem_shared>>
      %dma_wait3A_59 = tpu.memref_slice %arg8[%mul3A_48] : memref<10240xf32, #tpu.memory_space<vmem_shared>> -> memref<640xf32, #tpu.memory_space<vmem_shared>>
      tpu.wait_dma2 semaphore(%run_scoped3A : memref<!tpu.dma_semaphore, #tpu.memory_space<semaphore_mem>>) src(%arg7 : memref<640xf32, #tpu.memory_space<vmem>>) dst(%dma_wait3A_59 : memref<640xf32, #tpu.memory_space<vmem_shared>>)
      tpu.yield
    }) : () -> ()
    %barrier3A = arith.constant 0 : index
    tpu.barrier barrier_id(%barrier3A)
    %scan3A = arith.constant 0 : i32
    %scan3A_49 = arith.constant 0 : i32
    %scan3A_50 = arith.constant 80 : i32
    %scan3A_51 = arith.addi %scan3A_49, %scan3A_50 : i32
    %scan3A_52 = arith.constant 1 : i32
    scf.for %scan3A_58 = %scan3A_49 to %scan3A_51 step %scan3A_52  : i32 {
      "tpu.region"() ({
        %run_scoped3A = tpu.sem_alloc : memref<!tpu.dma_semaphore, #tpu.memory_space<semaphore_mem>>
        %dma_start3A = arith.constant 0 : i32
        %dma_start3A_59 = tpu.memref_slice %arg5[%scan3A_58, %dma_start3A] : memref<80x128xi32, #tpu.memory_space<vmem>> -> memref<1x128xi32, #tpu.memory_space<vmem>>
        %dma_start3A_60 = tpu.memref_squeeze %dma_start3A_59 : memref<1x128xi32, #tpu.memory_space<vmem>> -> memref<128xi32, #tpu.memory_space<vmem>>
        %dma_start3A_61 = arith.constant 0 : i32
        %dma_start3A_62 = tpu.memref_slice %arg8[%dma_start3A_61] : memref<10240xf32, #tpu.memory_space<vmem_shared>> -> memref<10240xf32, #tpu.memory_space<vmem_shared>>
        tpu.enqueue_indirect_dma source(%arg6 : memref<128xf32, #tpu.memory_space<vmem>>) target(%dma_start3A_62 : memref<10240xf32, #tpu.memory_space<vmem_shared>>) offsets(%dma_start3A_60 : memref<128xi32, #tpu.memory_space<vmem>>) semaphore(%run_scoped3A : memref<!tpu.dma_semaphore, #tpu.memory_space<semaphore_mem>>) {add = true}
        %dma_wait3A = arith.constant 0 : i32
        %dma_wait3A_63 = tpu.memref_slice %arg5[%scan3A_58, %dma_wait3A] : memref<80x128xi32, #tpu.memory_space<vmem>> -> memref<1x128xi32, #tpu.memory_space<vmem>>
        %dma_wait3A_64 = tpu.memref_squeeze %dma_wait3A_63 : memref<1x128xi32, #tpu.memory_space<vmem>> -> memref<128xi32, #tpu.memory_space<vmem>>
        %dma_wait3A_65 = arith.constant 0 : i32
        %dma_wait3A_66 = tpu.memref_slice %arg8[%dma_wait3A_65] : memref<10240xf32, #tpu.memory_space<vmem_shared>> -> memref<10240xf32, #tpu.memory_space<vmem_shared>>
        tpu.wait_indirect_dma semaphore(%run_scoped3A : memref<!tpu.dma_semaphore, #tpu.memory_space<semaphore_mem>>) src(%arg6 : memref<128xf32, #tpu.memory_space<vmem>>) dst(%dma_wait3A_66 : memref<10240xf32, #tpu.memory_space<vmem_shared>>)
        tpu.yield
      }) : () -> ()
    }
    %scan3A_53 = arith.constant 80 : i32
    %barrier3A_54 = arith.constant 0 : index
    tpu.barrier barrier_id(%barrier3A_54)
    "tpu.region"() ({
      %run_scoped3A = tpu.sem_alloc : memref<!tpu.dma_semaphore, #tpu.memory_space<semaphore_mem>>
      %dma_start3A = tpu.memref_slice %arg8[%mul3A_48] : memref<10240xf32, #tpu.memory_space<vmem_shared>> -> memref<640xf32, #tpu.memory_space<vmem_shared>>
      %dma_start3A_58 = tpu.memref_slice %arg8[%mul3A_48] : memref<10240xf32, #tpu.memory_space<vmem_shared>> -> memref<640xf32, #tpu.memory_space<vmem_shared>>
      tpu.enqueue_dma source(%dma_start3A_58 : memref<640xf32, #tpu.memory_space<vmem_shared>>) target(%arg7 : memref<640xf32, #tpu.memory_space<vmem>>) target_semaphore(%run_scoped3A : memref<!tpu.dma_semaphore, #tpu.memory_space<semaphore_mem>>)
      %dma_wait3A = tpu.memref_slice %arg8[%mul3A_48] : memref<10240xf32, #tpu.memory_space<vmem_shared>> -> memref<640xf32, #tpu.memory_space<vmem_shared>>
      %dma_wait3A_59 = tpu.memref_slice %arg8[%mul3A_48] : memref<10240xf32, #tpu.memory_space<vmem_shared>> -> memref<640xf32, #tpu.memory_space<vmem_shared>>
      tpu.wait_dma2 semaphore(%run_scoped3A : memref<!tpu.dma_semaphore, #tpu.memory_space<semaphore_mem>>) src(%dma_wait3A_59 : memref<640xf32, #tpu.memory_space<vmem_shared>>) dst(%arg7 : memref<640xf32, #tpu.memory_space<vmem>>)
      tpu.yield
    }) : () -> ()
    %mul3A_55 = arith.constant 10240 : i32
    %mul3A_56 = arith.muli %arg0, %mul3A_55 : i32
    %add3A_57 = arith.addi %mul3A_56, %mul3A_48 : i32
    "tpu.region"() ({
      %run_scoped3A = tpu.sem_alloc : memref<!tpu.dma_semaphore, #tpu.memory_space<semaphore_mem>>
      %dma_start3A = tpu.memref_slice %arg4[%add3A_57] : memref<20480xf32, #tpu.memory_space<hbm>> -> memref<640xf32, #tpu.memory_space<hbm>>
      %dma_start3A_58 = tpu.memref_slice %arg4[%add3A_57] : memref<20480xf32, #tpu.memory_space<hbm>> -> memref<640xf32, #tpu.memory_space<hbm>>
      tpu.enqueue_dma source(%arg7 : memref<640xf32, #tpu.memory_space<vmem>>) target(%dma_start3A_58 : memref<640xf32, #tpu.memory_space<hbm>>) target_semaphore(%run_scoped3A : memref<!tpu.dma_semaphore, #tpu.memory_space<semaphore_mem>>)
      %dma_wait3A = tpu.memref_slice %arg4[%add3A_57] : memref<20480xf32, #tpu.memory_space<hbm>> -> memref<640xf32, #tpu.memory_space<hbm>>
      %dma_wait3A_59 = tpu.memref_slice %arg4[%add3A_57] : memref<20480xf32, #tpu.memory_space<hbm>> -> memref<640xf32, #tpu.memory_space<hbm>>
      tpu.wait_dma2 semaphore(%run_scoped3A : memref<!tpu.dma_semaphore, #tpu.memory_space<semaphore_mem>>) src(%arg7 : memref<640xf32, #tpu.memory_space<vmem>>) dst(%dma_wait3A_59 : memref<640xf32, #tpu.memory_space<hbm>>)
      tpu.yield
    }) : () -> ()
    return
  }
}

#map = affine_map<(d0, d1) -> (0, 0, 0)>
#map1 = affine_map<(d0, d1) -> (0, 0)>
module attributes {stable_mosaic.version = 14 : i64} {
  func.func @agg(%arg0: i32, %arg1: i32, %arg2: memref<2x10240x128xbf16, #tpu.memory_space<hbm>>, %arg3: memref<32x80x128xi32, #tpu.memory_space<hbm>>, %arg4: memref<32x80x128xi32, #tpu.memory_space<hbm>>, %arg5: memref<64x128xbf16, #tpu.memory_space<hbm>>, %arg6: memref<2x10240x128xbf16, #tpu.memory_space<hbm>>, %arg7: memref<80x128xi32, #tpu.memory_space<vmem>>, %arg8: memref<80x128xi32, #tpu.memory_space<vmem>>, %arg9: memref<128x128xbf16, #tpu.memory_space<vmem>>, %arg10: memref<128x128xbf16, #tpu.memory_space<vmem>>, %arg11: memref<128x128xbf16, #tpu.memory_space<vmem>>, %arg12: memref<128x128xbf16, #tpu.memory_space<vmem>>, %arg13: memref<!tpu.dma_semaphore, #tpu.memory_space<semaphore_mem>>, %arg14: memref<!tpu.dma_semaphore, #tpu.memory_space<semaphore_mem>>, %arg15: memref<!tpu.dma_semaphore, #tpu.memory_space<semaphore_mem>>, %arg16: memref<!tpu.dma_semaphore, #tpu.memory_space<semaphore_mem>>, %arg17: memref<10240x128xbf16, #tpu.memory_space<vmem_shared>>) attributes {dimension_semantics = [#tpu.dimension_semantics<core_parallel>, #tpu.dimension_semantics<subcore_parallel>], iteration_bounds = array<i64: 2, 16>, scalar_prefetch = 0 : i64, scratch_operands = 11 : i64, tpu.core_type = #tpu.core_type<sc_vector_subcore>, window_params = [{transform_indices = #map}, {transform_indices = #map}, {transform_indices = #map}, {transform_indices = #map1}, {transform_indices = #map}]} {
    %mul3A = arith.constant 16 : i32
    %mul3A_0 = arith.muli %arg0, %mul3A : i32
    %add3A = arith.addi %mul3A_0, %arg1 : i32
    "tpu.region"() ({
      %run_scoped3A = tpu.sem_alloc : memref<!tpu.dma_semaphore, #tpu.memory_space<semaphore_mem>>
      %dma_start3A_92 = arith.constant 0 : i32
      %dma_start3A_93 = arith.constant 0 : i32
      %dma_start3A_94 = tpu.memref_slice %arg3[%add3A, %dma_start3A_92, %dma_start3A_93] : memref<32x80x128xi32, #tpu.memory_space<hbm>> -> memref<1x80x128xi32, #tpu.memory_space<hbm>>
      %dma_start3A_95 = tpu.memref_squeeze %dma_start3A_94 : memref<1x80x128xi32, #tpu.memory_space<hbm>> -> memref<80x128xi32, #tpu.memory_space<hbm>>
      %dma_start3A_96 = arith.constant 0 : i32
      %dma_start3A_97 = arith.constant 0 : i32
      %dma_start3A_98 = tpu.memref_slice %arg3[%add3A, %dma_start3A_96, %dma_start3A_97] : memref<32x80x128xi32, #tpu.memory_space<hbm>> -> memref<1x80x128xi32, #tpu.memory_space<hbm>>
      %dma_start3A_99 = tpu.memref_squeeze %dma_start3A_98 : memref<1x80x128xi32, #tpu.memory_space<hbm>> -> memref<80x128xi32, #tpu.memory_space<hbm>>
      tpu.enqueue_dma source(%dma_start3A_99 : memref<80x128xi32, #tpu.memory_space<hbm>>) target(%arg7 : memref<80x128xi32, #tpu.memory_space<vmem>>) target_semaphore(%run_scoped3A : memref<!tpu.dma_semaphore, #tpu.memory_space<semaphore_mem>>)
      %dma_wait3A = arith.constant 0 : i32
      %dma_wait3A_100 = arith.constant 0 : i32
      %dma_wait3A_101 = tpu.memref_slice %arg3[%add3A, %dma_wait3A, %dma_wait3A_100] : memref<32x80x128xi32, #tpu.memory_space<hbm>> -> memref<1x80x128xi32, #tpu.memory_space<hbm>>
      %dma_wait3A_102 = tpu.memref_squeeze %dma_wait3A_101 : memref<1x80x128xi32, #tpu.memory_space<hbm>> -> memref<80x128xi32, #tpu.memory_space<hbm>>
      %dma_wait3A_103 = arith.constant 0 : i32
      %dma_wait3A_104 = arith.constant 0 : i32
      %dma_wait3A_105 = tpu.memref_slice %arg3[%add3A, %dma_wait3A_103, %dma_wait3A_104] : memref<32x80x128xi32, #tpu.memory_space<hbm>> -> memref<1x80x128xi32, #tpu.memory_space<hbm>>
      %dma_wait3A_106 = tpu.memref_squeeze %dma_wait3A_105 : memref<1x80x128xi32, #tpu.memory_space<hbm>> -> memref<80x128xi32, #tpu.memory_space<hbm>>
      tpu.wait_dma2 semaphore(%run_scoped3A : memref<!tpu.dma_semaphore, #tpu.memory_space<semaphore_mem>>) src(%dma_wait3A_106 : memref<80x128xi32, #tpu.memory_space<hbm>>) dst(%arg7 : memref<80x128xi32, #tpu.memory_space<vmem>>)
      tpu.yield
    }) : () -> ()
    "tpu.region"() ({
      %run_scoped3A = tpu.sem_alloc : memref<!tpu.dma_semaphore, #tpu.memory_space<semaphore_mem>>
      %dma_start3A_92 = arith.constant 0 : i32
      %dma_start3A_93 = arith.constant 0 : i32
      %dma_start3A_94 = tpu.memref_slice %arg4[%add3A, %dma_start3A_92, %dma_start3A_93] : memref<32x80x128xi32, #tpu.memory_space<hbm>> -> memref<1x80x128xi32, #tpu.memory_space<hbm>>
      %dma_start3A_95 = tpu.memref_squeeze %dma_start3A_94 : memref<1x80x128xi32, #tpu.memory_space<hbm>> -> memref<80x128xi32, #tpu.memory_space<hbm>>
      %dma_start3A_96 = arith.constant 0 : i32
      %dma_start3A_97 = arith.constant 0 : i32
      %dma_start3A_98 = tpu.memref_slice %arg4[%add3A, %dma_start3A_96, %dma_start3A_97] : memref<32x80x128xi32, #tpu.memory_space<hbm>> -> memref<1x80x128xi32, #tpu.memory_space<hbm>>
      %dma_start3A_99 = tpu.memref_squeeze %dma_start3A_98 : memref<1x80x128xi32, #tpu.memory_space<hbm>> -> memref<80x128xi32, #tpu.memory_space<hbm>>
      tpu.enqueue_dma source(%dma_start3A_99 : memref<80x128xi32, #tpu.memory_space<hbm>>) target(%arg8 : memref<80x128xi32, #tpu.memory_space<vmem>>) target_semaphore(%run_scoped3A : memref<!tpu.dma_semaphore, #tpu.memory_space<semaphore_mem>>)
      %dma_wait3A = arith.constant 0 : i32
      %dma_wait3A_100 = arith.constant 0 : i32
      %dma_wait3A_101 = tpu.memref_slice %arg4[%add3A, %dma_wait3A, %dma_wait3A_100] : memref<32x80x128xi32, #tpu.memory_space<hbm>> -> memref<1x80x128xi32, #tpu.memory_space<hbm>>
      %dma_wait3A_102 = tpu.memref_squeeze %dma_wait3A_101 : memref<1x80x128xi32, #tpu.memory_space<hbm>> -> memref<80x128xi32, #tpu.memory_space<hbm>>
      %dma_wait3A_103 = arith.constant 0 : i32
      %dma_wait3A_104 = arith.constant 0 : i32
      %dma_wait3A_105 = tpu.memref_slice %arg4[%add3A, %dma_wait3A_103, %dma_wait3A_104] : memref<32x80x128xi32, #tpu.memory_space<hbm>> -> memref<1x80x128xi32, #tpu.memory_space<hbm>>
      %dma_wait3A_106 = tpu.memref_squeeze %dma_wait3A_105 : memref<1x80x128xi32, #tpu.memory_space<hbm>> -> memref<80x128xi32, #tpu.memory_space<hbm>>
      tpu.wait_dma2 semaphore(%run_scoped3A : memref<!tpu.dma_semaphore, #tpu.memory_space<semaphore_mem>>) src(%dma_wait3A_106 : memref<80x128xi32, #tpu.memory_space<hbm>>) dst(%arg8 : memref<80x128xi32, #tpu.memory_space<vmem>>)
      tpu.yield
    }) : () -> ()
    %mul3A_1 = arith.constant 640 : i32
    %mul3A_2 = arith.muli %arg1, %mul3A_1 : i32
    "tpu.region"() ({
      %run_scoped3A = tpu.sem_alloc : memref<!tpu.dma_semaphore, #tpu.memory_space<semaphore_mem>>
      %dma_start3A_92 = arith.constant 0 : i32
      %dma_start3A_93 = arith.constant 0 : i32
      %dma_start3A_94 = tpu.memref_slice %arg9[%dma_start3A_92, %dma_start3A_93] : memref<128x128xbf16, #tpu.memory_space<vmem>> -> memref<64x128xbf16, #tpu.memory_space<vmem>>
      %dma_start3A_95 = arith.constant 0 : i32
      %dma_start3A_96 = arith.constant 0 : i32
      %dma_start3A_97 = tpu.memref_slice %arg5[%dma_start3A_95, %dma_start3A_96] : memref<64x128xbf16, #tpu.memory_space<hbm>> -> memref<64x128xbf16, #tpu.memory_space<hbm>>
      %dma_start3A_98 = arith.constant 0 : i32
      %dma_start3A_99 = arith.constant 0 : i32
      %dma_start3A_100 = tpu.memref_slice %arg9[%dma_start3A_98, %dma_start3A_99] : memref<128x128xbf16, #tpu.memory_space<vmem>> -> memref<64x128xbf16, #tpu.memory_space<vmem>>
      %dma_start3A_101 = arith.constant 0 : i32
      %dma_start3A_102 = arith.constant 0 : i32
      %dma_start3A_103 = tpu.memref_slice %arg5[%dma_start3A_101, %dma_start3A_102] : memref<64x128xbf16, #tpu.memory_space<hbm>> -> memref<64x128xbf16, #tpu.memory_space<hbm>>
      tpu.enqueue_dma source(%dma_start3A_103 : memref<64x128xbf16, #tpu.memory_space<hbm>>) target(%dma_start3A_100 : memref<64x128xbf16, #tpu.memory_space<vmem>>) target_semaphore(%run_scoped3A : memref<!tpu.dma_semaphore, #tpu.memory_space<semaphore_mem>>)
      %dma_wait3A = arith.constant 0 : i32
      %dma_wait3A_104 = arith.constant 0 : i32
      %dma_wait3A_105 = tpu.memref_slice %arg9[%dma_wait3A, %dma_wait3A_104] : memref<128x128xbf16, #tpu.memory_space<vmem>> -> memref<64x128xbf16, #tpu.memory_space<vmem>>
      %dma_wait3A_106 = arith.constant 0 : i32
      %dma_wait3A_107 = arith.constant 0 : i32
      %dma_wait3A_108 = tpu.memref_slice %arg5[%dma_wait3A_106, %dma_wait3A_107] : memref<64x128xbf16, #tpu.memory_space<hbm>> -> memref<64x128xbf16, #tpu.memory_space<hbm>>
      %dma_wait3A_109 = arith.constant 0 : i32
      %dma_wait3A_110 = arith.constant 0 : i32
      %dma_wait3A_111 = tpu.memref_slice %arg9[%dma_wait3A_109, %dma_wait3A_110] : memref<128x128xbf16, #tpu.memory_space<vmem>> -> memref<64x128xbf16, #tpu.memory_space<vmem>>
      %dma_wait3A_112 = arith.constant 0 : i32
      %dma_wait3A_113 = arith.constant 0 : i32
      %dma_wait3A_114 = tpu.memref_slice %arg5[%dma_wait3A_112, %dma_wait3A_113] : memref<64x128xbf16, #tpu.memory_space<hbm>> -> memref<64x128xbf16, #tpu.memory_space<hbm>>
      tpu.wait_dma2 semaphore(%run_scoped3A : memref<!tpu.dma_semaphore, #tpu.memory_space<semaphore_mem>>) src(%dma_wait3A_114 : memref<64x128xbf16, #tpu.memory_space<hbm>>) dst(%dma_wait3A_111 : memref<64x128xbf16, #tpu.memory_space<vmem>>)
      tpu.yield
    }) : () -> ()
    %add3A_3 = arith.constant 0 : i32
    %add3A_4 = arith.addi %mul3A_2, %add3A_3 : i32
    "tpu.region"() ({
      %run_scoped3A = tpu.sem_alloc : memref<!tpu.dma_semaphore, #tpu.memory_space<semaphore_mem>>
      %dma_start3A_92 = arith.constant 0 : i32
      %dma_start3A_93 = arith.constant 0 : i32
      %dma_start3A_94 = tpu.memref_slice %arg9[%dma_start3A_92, %dma_start3A_93] : memref<128x128xbf16, #tpu.memory_space<vmem>> -> memref<64x128xbf16, #tpu.memory_space<vmem>>
      %dma_start3A_95 = arith.constant 0 : i32
      %dma_start3A_96 = tpu.memref_slice %arg17[%add3A_4, %dma_start3A_95] : memref<10240x128xbf16, #tpu.memory_space<vmem_shared>> -> memref<64x128xbf16, #tpu.memory_space<vmem_shared>>
      %dma_start3A_97 = arith.constant 0 : i32
      %dma_start3A_98 = tpu.memref_slice %arg17[%add3A_4, %dma_start3A_97] : memref<10240x128xbf16, #tpu.memory_space<vmem_shared>> -> memref<64x128xbf16, #tpu.memory_space<vmem_shared>>
      %dma_start3A_99 = arith.constant 0 : i32
      %dma_start3A_100 = arith.constant 0 : i32
      %dma_start3A_101 = tpu.memref_slice %arg9[%dma_start3A_99, %dma_start3A_100] : memref<128x128xbf16, #tpu.memory_space<vmem>> -> memref<64x128xbf16, #tpu.memory_space<vmem>>
      tpu.enqueue_dma source(%dma_start3A_101 : memref<64x128xbf16, #tpu.memory_space<vmem>>) target(%dma_start3A_98 : memref<64x128xbf16, #tpu.memory_space<vmem_shared>>) target_semaphore(%run_scoped3A : memref<!tpu.dma_semaphore, #tpu.memory_space<semaphore_mem>>)
      %dma_wait3A = arith.constant 0 : i32
      %dma_wait3A_102 = arith.constant 0 : i32
      %dma_wait3A_103 = tpu.memref_slice %arg9[%dma_wait3A, %dma_wait3A_102] : memref<128x128xbf16, #tpu.memory_space<vmem>> -> memref<64x128xbf16, #tpu.memory_space<vmem>>
      %dma_wait3A_104 = arith.constant 0 : i32
      %dma_wait3A_105 = tpu.memref_slice %arg17[%add3A_4, %dma_wait3A_104] : memref<10240x128xbf16, #tpu.memory_space<vmem_shared>> -> memref<64x128xbf16, #tpu.memory_space<vmem_shared>>
      %dma_wait3A_106 = arith.constant 0 : i32
      %dma_wait3A_107 = tpu.memref_slice %arg17[%add3A_4, %dma_wait3A_106] : memref<10240x128xbf16, #tpu.memory_space<vmem_shared>> -> memref<64x128xbf16, #tpu.memory_space<vmem_shared>>
      %dma_wait3A_108 = arith.constant 0 : i32
      %dma_wait3A_109 = arith.constant 0 : i32
      %dma_wait3A_110 = tpu.memref_slice %arg9[%dma_wait3A_108, %dma_wait3A_109] : memref<128x128xbf16, #tpu.memory_space<vmem>> -> memref<64x128xbf16, #tpu.memory_space<vmem>>
      tpu.wait_dma2 semaphore(%run_scoped3A : memref<!tpu.dma_semaphore, #tpu.memory_space<semaphore_mem>>) src(%dma_wait3A_110 : memref<64x128xbf16, #tpu.memory_space<vmem>>) dst(%dma_wait3A_107 : memref<64x128xbf16, #tpu.memory_space<vmem_shared>>)
      tpu.yield
    }) : () -> ()
    %add3A_5 = arith.constant 64 : i32
    %add3A_6 = arith.addi %mul3A_2, %add3A_5 : i32
    "tpu.region"() ({
      %run_scoped3A = tpu.sem_alloc : memref<!tpu.dma_semaphore, #tpu.memory_space<semaphore_mem>>
      %dma_start3A_92 = arith.constant 0 : i32
      %dma_start3A_93 = arith.constant 0 : i32
      %dma_start3A_94 = tpu.memref_slice %arg9[%dma_start3A_92, %dma_start3A_93] : memref<128x128xbf16, #tpu.memory_space<vmem>> -> memref<64x128xbf16, #tpu.memory_space<vmem>>
      %dma_start3A_95 = arith.constant 0 : i32
      %dma_start3A_96 = tpu.memref_slice %arg17[%add3A_6, %dma_start3A_95] : memref<10240x128xbf16, #tpu.memory_space<vmem_shared>> -> memref<64x128xbf16, #tpu.memory_space<vmem_shared>>
      %dma_start3A_97 = arith.constant 0 : i32
      %dma_start3A_98 = tpu.memref_slice %arg17[%add3A_6, %dma_start3A_97] : memref<10240x128xbf16, #tpu.memory_space<vmem_shared>> -> memref<64x128xbf16, #tpu.memory_space<vmem_shared>>
      %dma_start3A_99 = arith.constant 0 : i32
      %dma_start3A_100 = arith.constant 0 : i32
      %dma_start3A_101 = tpu.memref_slice %arg9[%dma_start3A_99, %dma_start3A_100] : memref<128x128xbf16, #tpu.memory_space<vmem>> -> memref<64x128xbf16, #tpu.memory_space<vmem>>
      tpu.enqueue_dma source(%dma_start3A_101 : memref<64x128xbf16, #tpu.memory_space<vmem>>) target(%dma_start3A_98 : memref<64x128xbf16, #tpu.memory_space<vmem_shared>>) target_semaphore(%run_scoped3A : memref<!tpu.dma_semaphore, #tpu.memory_space<semaphore_mem>>)
      %dma_wait3A = arith.constant 0 : i32
      %dma_wait3A_102 = arith.constant 0 : i32
      %dma_wait3A_103 = tpu.memref_slice %arg9[%dma_wait3A, %dma_wait3A_102] : memref<128x128xbf16, #tpu.memory_space<vmem>> -> memref<64x128xbf16, #tpu.memory_space<vmem>>
      %dma_wait3A_104 = arith.constant 0 : i32
      %dma_wait3A_105 = tpu.memref_slice %arg17[%add3A_6, %dma_wait3A_104] : memref<10240x128xbf16, #tpu.memory_space<vmem_shared>> -> memref<64x128xbf16, #tpu.memory_space<vmem_shared>>
      %dma_wait3A_106 = arith.constant 0 : i32
      %dma_wait3A_107 = tpu.memref_slice %arg17[%add3A_6, %dma_wait3A_106] : memref<10240x128xbf16, #tpu.memory_space<vmem_shared>> -> memref<64x128xbf16, #tpu.memory_space<vmem_shared>>
      %dma_wait3A_108 = arith.constant 0 : i32
      %dma_wait3A_109 = arith.constant 0 : i32
      %dma_wait3A_110 = tpu.memref_slice %arg9[%dma_wait3A_108, %dma_wait3A_109] : memref<128x128xbf16, #tpu.memory_space<vmem>> -> memref<64x128xbf16, #tpu.memory_space<vmem>>
      tpu.wait_dma2 semaphore(%run_scoped3A : memref<!tpu.dma_semaphore, #tpu.memory_space<semaphore_mem>>) src(%dma_wait3A_110 : memref<64x128xbf16, #tpu.memory_space<vmem>>) dst(%dma_wait3A_107 : memref<64x128xbf16, #tpu.memory_space<vmem_shared>>)
      tpu.yield
    }) : () -> ()
    %add3A_7 = arith.constant 128 : i32
    %add3A_8 = arith.addi %mul3A_2, %add3A_7 : i32
    "tpu.region"() ({
      %run_scoped3A = tpu.sem_alloc : memref<!tpu.dma_semaphore, #tpu.memory_space<semaphore_mem>>
      %dma_start3A_92 = arith.constant 0 : i32
      %dma_start3A_93 = arith.constant 0 : i32
      %dma_start3A_94 = tpu.memref_slice %arg9[%dma_start3A_92, %dma_start3A_93] : memref<128x128xbf16, #tpu.memory_space<vmem>> -> memref<64x128xbf16, #tpu.memory_space<vmem>>
      %dma_start3A_95 = arith.constant 0 : i32
      %dma_start3A_96 = tpu.memref_slice %arg17[%add3A_8, %dma_start3A_95] : memref<10240x128xbf16, #tpu.memory_space<vmem_shared>> -> memref<64x128xbf16, #tpu.memory_space<vmem_shared>>
      %dma_start3A_97 = arith.constant 0 : i32
      %dma_start3A_98 = tpu.memref_slice %arg17[%add3A_8, %dma_start3A_97] : memref<10240x128xbf16, #tpu.memory_space<vmem_shared>> -> memref<64x128xbf16, #tpu.memory_space<vmem_shared>>
      %dma_start3A_99 = arith.constant 0 : i32
      %dma_start3A_100 = arith.constant 0 : i32
      %dma_start3A_101 = tpu.memref_slice %arg9[%dma_start3A_99, %dma_start3A_100] : memref<128x128xbf16, #tpu.memory_space<vmem>> -> memref<64x128xbf16, #tpu.memory_space<vmem>>
      tpu.enqueue_dma source(%dma_start3A_101 : memref<64x128xbf16, #tpu.memory_space<vmem>>) target(%dma_start3A_98 : memref<64x128xbf16, #tpu.memory_space<vmem_shared>>) target_semaphore(%run_scoped3A : memref<!tpu.dma_semaphore, #tpu.memory_space<semaphore_mem>>)
      %dma_wait3A = arith.constant 0 : i32
      %dma_wait3A_102 = arith.constant 0 : i32
      %dma_wait3A_103 = tpu.memref_slice %arg9[%dma_wait3A, %dma_wait3A_102] : memref<128x128xbf16, #tpu.memory_space<vmem>> -> memref<64x128xbf16, #tpu.memory_space<vmem>>
      %dma_wait3A_104 = arith.constant 0 : i32
      %dma_wait3A_105 = tpu.memref_slice %arg17[%add3A_8, %dma_wait3A_104] : memref<10240x128xbf16, #tpu.memory_space<vmem_shared>> -> memref<64x128xbf16, #tpu.memory_space<vmem_shared>>
      %dma_wait3A_106 = arith.constant 0 : i32
      %dma_wait3A_107 = tpu.memref_slice %arg17[%add3A_8, %dma_wait3A_106] : memref<10240x128xbf16, #tpu.memory_space<vmem_shared>> -> memref<64x128xbf16, #tpu.memory_space<vmem_shared>>
      %dma_wait3A_108 = arith.constant 0 : i32
      %dma_wait3A_109 = arith.constant 0 : i32
      %dma_wait3A_110 = tpu.memref_slice %arg9[%dma_wait3A_108, %dma_wait3A_109] : memref<128x128xbf16, #tpu.memory_space<vmem>> -> memref<64x128xbf16, #tpu.memory_space<vmem>>
      tpu.wait_dma2 semaphore(%run_scoped3A : memref<!tpu.dma_semaphore, #tpu.memory_space<semaphore_mem>>) src(%dma_wait3A_110 : memref<64x128xbf16, #tpu.memory_space<vmem>>) dst(%dma_wait3A_107 : memref<64x128xbf16, #tpu.memory_space<vmem_shared>>)
      tpu.yield
    }) : () -> ()
    %add3A_9 = arith.constant 192 : i32
    %add3A_10 = arith.addi %mul3A_2, %add3A_9 : i32
    "tpu.region"() ({
      %run_scoped3A = tpu.sem_alloc : memref<!tpu.dma_semaphore, #tpu.memory_space<semaphore_mem>>
      %dma_start3A_92 = arith.constant 0 : i32
      %dma_start3A_93 = arith.constant 0 : i32
      %dma_start3A_94 = tpu.memref_slice %arg9[%dma_start3A_92, %dma_start3A_93] : memref<128x128xbf16, #tpu.memory_space<vmem>> -> memref<64x128xbf16, #tpu.memory_space<vmem>>
      %dma_start3A_95 = arith.constant 0 : i32
      %dma_start3A_96 = tpu.memref_slice %arg17[%add3A_10, %dma_start3A_95] : memref<10240x128xbf16, #tpu.memory_space<vmem_shared>> -> memref<64x128xbf16, #tpu.memory_space<vmem_shared>>
      %dma_start3A_97 = arith.constant 0 : i32
      %dma_start3A_98 = tpu.memref_slice %arg17[%add3A_10, %dma_start3A_97] : memref<10240x128xbf16, #tpu.memory_space<vmem_shared>> -> memref<64x128xbf16, #tpu.memory_space<vmem_shared>>
      %dma_start3A_99 = arith.constant 0 : i32
      %dma_start3A_100 = arith.constant 0 : i32
      %dma_start3A_101 = tpu.memref_slice %arg9[%dma_start3A_99, %dma_start3A_100] : memref<128x128xbf16, #tpu.memory_space<vmem>> -> memref<64x128xbf16, #tpu.memory_space<vmem>>
      tpu.enqueue_dma source(%dma_start3A_101 : memref<64x128xbf16, #tpu.memory_space<vmem>>) target(%dma_start3A_98 : memref<64x128xbf16, #tpu.memory_space<vmem_shared>>) target_semaphore(%run_scoped3A : memref<!tpu.dma_semaphore, #tpu.memory_space<semaphore_mem>>)
      %dma_wait3A = arith.constant 0 : i32
      %dma_wait3A_102 = arith.constant 0 : i32
      %dma_wait3A_103 = tpu.memref_slice %arg9[%dma_wait3A, %dma_wait3A_102] : memref<128x128xbf16, #tpu.memory_space<vmem>> -> memref<64x128xbf16, #tpu.memory_space<vmem>>
      %dma_wait3A_104 = arith.constant 0 : i32
      %dma_wait3A_105 = tpu.memref_slice %arg17[%add3A_10, %dma_wait3A_104] : memref<10240x128xbf16, #tpu.memory_space<vmem_shared>> -> memref<64x128xbf16, #tpu.memory_space<vmem_shared>>
      %dma_wait3A_106 = arith.constant 0 : i32
      %dma_wait3A_107 = tpu.memref_slice %arg17[%add3A_10, %dma_wait3A_106] : memref<10240x128xbf16, #tpu.memory_space<vmem_shared>> -> memref<64x128xbf16, #tpu.memory_space<vmem_shared>>
      %dma_wait3A_108 = arith.constant 0 : i32
      %dma_wait3A_109 = arith.constant 0 : i32
      %dma_wait3A_110 = tpu.memref_slice %arg9[%dma_wait3A_108, %dma_wait3A_109] : memref<128x128xbf16, #tpu.memory_space<vmem>> -> memref<64x128xbf16, #tpu.memory_space<vmem>>
      tpu.wait_dma2 semaphore(%run_scoped3A : memref<!tpu.dma_semaphore, #tpu.memory_space<semaphore_mem>>) src(%dma_wait3A_110 : memref<64x128xbf16, #tpu.memory_space<vmem>>) dst(%dma_wait3A_107 : memref<64x128xbf16, #tpu.memory_space<vmem_shared>>)
      tpu.yield
    }) : () -> ()
    %add3A_11 = arith.constant 256 : i32
    %add3A_12 = arith.addi %mul3A_2, %add3A_11 : i32
    "tpu.region"() ({
      %run_scoped3A = tpu.sem_alloc : memref<!tpu.dma_semaphore, #tpu.memory_space<semaphore_mem>>
      %dma_start3A_92 = arith.constant 0 : i32
      %dma_start3A_93 = arith.constant 0 : i32
      %dma_start3A_94 = tpu.memref_slice %arg9[%dma_start3A_92, %dma_start3A_93] : memref<128x128xbf16, #tpu.memory_space<vmem>> -> memref<64x128xbf16, #tpu.memory_space<vmem>>
      %dma_start3A_95 = arith.constant 0 : i32
      %dma_start3A_96 = tpu.memref_slice %arg17[%add3A_12, %dma_start3A_95] : memref<10240x128xbf16, #tpu.memory_space<vmem_shared>> -> memref<64x128xbf16, #tpu.memory_space<vmem_shared>>
      %dma_start3A_97 = arith.constant 0 : i32
      %dma_start3A_98 = tpu.memref_slice %arg17[%add3A_12, %dma_start3A_97] : memref<10240x128xbf16, #tpu.memory_space<vmem_shared>> -> memref<64x128xbf16, #tpu.memory_space<vmem_shared>>
      %dma_start3A_99 = arith.constant 0 : i32
      %dma_start3A_100 = arith.constant 0 : i32
      %dma_start3A_101 = tpu.memref_slice %arg9[%dma_start3A_99, %dma_start3A_100] : memref<128x128xbf16, #tpu.memory_space<vmem>> -> memref<64x128xbf16, #tpu.memory_space<vmem>>
      tpu.enqueue_dma source(%dma_start3A_101 : memref<64x128xbf16, #tpu.memory_space<vmem>>) target(%dma_start3A_98 : memref<64x128xbf16, #tpu.memory_space<vmem_shared>>) target_semaphore(%run_scoped3A : memref<!tpu.dma_semaphore, #tpu.memory_space<semaphore_mem>>)
      %dma_wait3A = arith.constant 0 : i32
      %dma_wait3A_102 = arith.constant 0 : i32
      %dma_wait3A_103 = tpu.memref_slice %arg9[%dma_wait3A, %dma_wait3A_102] : memref<128x128xbf16, #tpu.memory_space<vmem>> -> memref<64x128xbf16, #tpu.memory_space<vmem>>
      %dma_wait3A_104 = arith.constant 0 : i32
      %dma_wait3A_105 = tpu.memref_slice %arg17[%add3A_12, %dma_wait3A_104] : memref<10240x128xbf16, #tpu.memory_space<vmem_shared>> -> memref<64x128xbf16, #tpu.memory_space<vmem_shared>>
      %dma_wait3A_106 = arith.constant 0 : i32
      %dma_wait3A_107 = tpu.memref_slice %arg17[%add3A_12, %dma_wait3A_106] : memref<10240x128xbf16, #tpu.memory_space<vmem_shared>> -> memref<64x128xbf16, #tpu.memory_space<vmem_shared>>
      %dma_wait3A_108 = arith.constant 0 : i32
      %dma_wait3A_109 = arith.constant 0 : i32
      %dma_wait3A_110 = tpu.memref_slice %arg9[%dma_wait3A_108, %dma_wait3A_109] : memref<128x128xbf16, #tpu.memory_space<vmem>> -> memref<64x128xbf16, #tpu.memory_space<vmem>>
      tpu.wait_dma2 semaphore(%run_scoped3A : memref<!tpu.dma_semaphore, #tpu.memory_space<semaphore_mem>>) src(%dma_wait3A_110 : memref<64x128xbf16, #tpu.memory_space<vmem>>) dst(%dma_wait3A_107 : memref<64x128xbf16, #tpu.memory_space<vmem_shared>>)
      tpu.yield
    }) : () -> ()
    %add3A_13 = arith.constant 320 : i32
    %add3A_14 = arith.addi %mul3A_2, %add3A_13 : i32
    "tpu.region"() ({
      %run_scoped3A = tpu.sem_alloc : memref<!tpu.dma_semaphore, #tpu.memory_space<semaphore_mem>>
      %dma_start3A_92 = arith.constant 0 : i32
      %dma_start3A_93 = arith.constant 0 : i32
      %dma_start3A_94 = tpu.memref_slice %arg9[%dma_start3A_92, %dma_start3A_93] : memref<128x128xbf16, #tpu.memory_space<vmem>> -> memref<64x128xbf16, #tpu.memory_space<vmem>>
      %dma_start3A_95 = arith.constant 0 : i32
      %dma_start3A_96 = tpu.memref_slice %arg17[%add3A_14, %dma_start3A_95] : memref<10240x128xbf16, #tpu.memory_space<vmem_shared>> -> memref<64x128xbf16, #tpu.memory_space<vmem_shared>>
      %dma_start3A_97 = arith.constant 0 : i32
      %dma_start3A_98 = tpu.memref_slice %arg17[%add3A_14, %dma_start3A_97] : memref<10240x128xbf16, #tpu.memory_space<vmem_shared>> -> memref<64x128xbf16, #tpu.memory_space<vmem_shared>>
      %dma_start3A_99 = arith.constant 0 : i32
      %dma_start3A_100 = arith.constant 0 : i32
      %dma_start3A_101 = tpu.memref_slice %arg9[%dma_start3A_99, %dma_start3A_100] : memref<128x128xbf16, #tpu.memory_space<vmem>> -> memref<64x128xbf16, #tpu.memory_space<vmem>>
      tpu.enqueue_dma source(%dma_start3A_101 : memref<64x128xbf16, #tpu.memory_space<vmem>>) target(%dma_start3A_98 : memref<64x128xbf16, #tpu.memory_space<vmem_shared>>) target_semaphore(%run_scoped3A : memref<!tpu.dma_semaphore, #tpu.memory_space<semaphore_mem>>)
      %dma_wait3A = arith.constant 0 : i32
      %dma_wait3A_102 = arith.constant 0 : i32
      %dma_wait3A_103 = tpu.memref_slice %arg9[%dma_wait3A, %dma_wait3A_102] : memref<128x128xbf16, #tpu.memory_space<vmem>> -> memref<64x128xbf16, #tpu.memory_space<vmem>>
      %dma_wait3A_104 = arith.constant 0 : i32
      %dma_wait3A_105 = tpu.memref_slice %arg17[%add3A_14, %dma_wait3A_104] : memref<10240x128xbf16, #tpu.memory_space<vmem_shared>> -> memref<64x128xbf16, #tpu.memory_space<vmem_shared>>
      %dma_wait3A_106 = arith.constant 0 : i32
      %dma_wait3A_107 = tpu.memref_slice %arg17[%add3A_14, %dma_wait3A_106] : memref<10240x128xbf16, #tpu.memory_space<vmem_shared>> -> memref<64x128xbf16, #tpu.memory_space<vmem_shared>>
      %dma_wait3A_108 = arith.constant 0 : i32
      %dma_wait3A_109 = arith.constant 0 : i32
      %dma_wait3A_110 = tpu.memref_slice %arg9[%dma_wait3A_108, %dma_wait3A_109] : memref<128x128xbf16, #tpu.memory_space<vmem>> -> memref<64x128xbf16, #tpu.memory_space<vmem>>
      tpu.wait_dma2 semaphore(%run_scoped3A : memref<!tpu.dma_semaphore, #tpu.memory_space<semaphore_mem>>) src(%dma_wait3A_110 : memref<64x128xbf16, #tpu.memory_space<vmem>>) dst(%dma_wait3A_107 : memref<64x128xbf16, #tpu.memory_space<vmem_shared>>)
      tpu.yield
    }) : () -> ()
    %add3A_15 = arith.constant 384 : i32
    %add3A_16 = arith.addi %mul3A_2, %add3A_15 : i32
    "tpu.region"() ({
      %run_scoped3A = tpu.sem_alloc : memref<!tpu.dma_semaphore, #tpu.memory_space<semaphore_mem>>
      %dma_start3A_92 = arith.constant 0 : i32
      %dma_start3A_93 = arith.constant 0 : i32
      %dma_start3A_94 = tpu.memref_slice %arg9[%dma_start3A_92, %dma_start3A_93] : memref<128x128xbf16, #tpu.memory_space<vmem>> -> memref<64x128xbf16, #tpu.memory_space<vmem>>
      %dma_start3A_95 = arith.constant 0 : i32
      %dma_start3A_96 = tpu.memref_slice %arg17[%add3A_16, %dma_start3A_95] : memref<10240x128xbf16, #tpu.memory_space<vmem_shared>> -> memref<64x128xbf16, #tpu.memory_space<vmem_shared>>
      %dma_start3A_97 = arith.constant 0 : i32
      %dma_start3A_98 = tpu.memref_slice %arg17[%add3A_16, %dma_start3A_97] : memref<10240x128xbf16, #tpu.memory_space<vmem_shared>> -> memref<64x128xbf16, #tpu.memory_space<vmem_shared>>
      %dma_start3A_99 = arith.constant 0 : i32
      %dma_start3A_100 = arith.constant 0 : i32
      %dma_start3A_101 = tpu.memref_slice %arg9[%dma_start3A_99, %dma_start3A_100] : memref<128x128xbf16, #tpu.memory_space<vmem>> -> memref<64x128xbf16, #tpu.memory_space<vmem>>
      tpu.enqueue_dma source(%dma_start3A_101 : memref<64x128xbf16, #tpu.memory_space<vmem>>) target(%dma_start3A_98 : memref<64x128xbf16, #tpu.memory_space<vmem_shared>>) target_semaphore(%run_scoped3A : memref<!tpu.dma_semaphore, #tpu.memory_space<semaphore_mem>>)
      %dma_wait3A = arith.constant 0 : i32
      %dma_wait3A_102 = arith.constant 0 : i32
      %dma_wait3A_103 = tpu.memref_slice %arg9[%dma_wait3A, %dma_wait3A_102] : memref<128x128xbf16, #tpu.memory_space<vmem>> -> memref<64x128xbf16, #tpu.memory_space<vmem>>
      %dma_wait3A_104 = arith.constant 0 : i32
      %dma_wait3A_105 = tpu.memref_slice %arg17[%add3A_16, %dma_wait3A_104] : memref<10240x128xbf16, #tpu.memory_space<vmem_shared>> -> memref<64x128xbf16, #tpu.memory_space<vmem_shared>>
      %dma_wait3A_106 = arith.constant 0 : i32
      %dma_wait3A_107 = tpu.memref_slice %arg17[%add3A_16, %dma_wait3A_106] : memref<10240x128xbf16, #tpu.memory_space<vmem_shared>> -> memref<64x128xbf16, #tpu.memory_space<vmem_shared>>
      %dma_wait3A_108 = arith.constant 0 : i32
      %dma_wait3A_109 = arith.constant 0 : i32
      %dma_wait3A_110 = tpu.memref_slice %arg9[%dma_wait3A_108, %dma_wait3A_109] : memref<128x128xbf16, #tpu.memory_space<vmem>> -> memref<64x128xbf16, #tpu.memory_space<vmem>>
      tpu.wait_dma2 semaphore(%run_scoped3A : memref<!tpu.dma_semaphore, #tpu.memory_space<semaphore_mem>>) src(%dma_wait3A_110 : memref<64x128xbf16, #tpu.memory_space<vmem>>) dst(%dma_wait3A_107 : memref<64x128xbf16, #tpu.memory_space<vmem_shared>>)
      tpu.yield
    }) : () -> ()
    %add3A_17 = arith.constant 448 : i32
    %add3A_18 = arith.addi %mul3A_2, %add3A_17 : i32
    "tpu.region"() ({
      %run_scoped3A = tpu.sem_alloc : memref<!tpu.dma_semaphore, #tpu.memory_space<semaphore_mem>>
      %dma_start3A_92 = arith.constant 0 : i32
      %dma_start3A_93 = arith.constant 0 : i32
      %dma_start3A_94 = tpu.memref_slice %arg9[%dma_start3A_92, %dma_start3A_93] : memref<128x128xbf16, #tpu.memory_space<vmem>> -> memref<64x128xbf16, #tpu.memory_space<vmem>>
      %dma_start3A_95 = arith.constant 0 : i32
      %dma_start3A_96 = tpu.memref_slice %arg17[%add3A_18, %dma_start3A_95] : memref<10240x128xbf16, #tpu.memory_space<vmem_shared>> -> memref<64x128xbf16, #tpu.memory_space<vmem_shared>>
      %dma_start3A_97 = arith.constant 0 : i32
      %dma_start3A_98 = tpu.memref_slice %arg17[%add3A_18, %dma_start3A_97] : memref<10240x128xbf16, #tpu.memory_space<vmem_shared>> -> memref<64x128xbf16, #tpu.memory_space<vmem_shared>>
      %dma_start3A_99 = arith.constant 0 : i32
      %dma_start3A_100 = arith.constant 0 : i32
      %dma_start3A_101 = tpu.memref_slice %arg9[%dma_start3A_99, %dma_start3A_100] : memref<128x128xbf16, #tpu.memory_space<vmem>> -> memref<64x128xbf16, #tpu.memory_space<vmem>>
      tpu.enqueue_dma source(%dma_start3A_101 : memref<64x128xbf16, #tpu.memory_space<vmem>>) target(%dma_start3A_98 : memref<64x128xbf16, #tpu.memory_space<vmem_shared>>) target_semaphore(%run_scoped3A : memref<!tpu.dma_semaphore, #tpu.memory_space<semaphore_mem>>)
      %dma_wait3A = arith.constant 0 : i32
      %dma_wait3A_102 = arith.constant 0 : i32
      %dma_wait3A_103 = tpu.memref_slice %arg9[%dma_wait3A, %dma_wait3A_102] : memref<128x128xbf16, #tpu.memory_space<vmem>> -> memref<64x128xbf16, #tpu.memory_space<vmem>>
      %dma_wait3A_104 = arith.constant 0 : i32
      %dma_wait3A_105 = tpu.memref_slice %arg17[%add3A_18, %dma_wait3A_104] : memref<10240x128xbf16, #tpu.memory_space<vmem_shared>> -> memref<64x128xbf16, #tpu.memory_space<vmem_shared>>
      %dma_wait3A_106 = arith.constant 0 : i32
      %dma_wait3A_107 = tpu.memref_slice %arg17[%add3A_18, %dma_wait3A_106] : memref<10240x128xbf16, #tpu.memory_space<vmem_shared>> -> memref<64x128xbf16, #tpu.memory_space<vmem_shared>>
      %dma_wait3A_108 = arith.constant 0 : i32
      %dma_wait3A_109 = arith.constant 0 : i32
      %dma_wait3A_110 = tpu.memref_slice %arg9[%dma_wait3A_108, %dma_wait3A_109] : memref<128x128xbf16, #tpu.memory_space<vmem>> -> memref<64x128xbf16, #tpu.memory_space<vmem>>
      tpu.wait_dma2 semaphore(%run_scoped3A : memref<!tpu.dma_semaphore, #tpu.memory_space<semaphore_mem>>) src(%dma_wait3A_110 : memref<64x128xbf16, #tpu.memory_space<vmem>>) dst(%dma_wait3A_107 : memref<64x128xbf16, #tpu.memory_space<vmem_shared>>)
      tpu.yield
    }) : () -> ()
    %add3A_19 = arith.constant 512 : i32
    %add3A_20 = arith.addi %mul3A_2, %add3A_19 : i32
    "tpu.region"() ({
      %run_scoped3A = tpu.sem_alloc : memref<!tpu.dma_semaphore, #tpu.memory_space<semaphore_mem>>
      %dma_start3A_92 = arith.constant 0 : i32
      %dma_start3A_93 = arith.constant 0 : i32
      %dma_start3A_94 = tpu.memref_slice %arg9[%dma_start3A_92, %dma_start3A_93] : memref<128x128xbf16, #tpu.memory_space<vmem>> -> memref<64x128xbf16, #tpu.memory_space<vmem>>
      %dma_start3A_95 = arith.constant 0 : i32
      %dma_start3A_96 = tpu.memref_slice %arg17[%add3A_20, %dma_start3A_95] : memref<10240x128xbf16, #tpu.memory_space<vmem_shared>> -> memref<64x128xbf16, #tpu.memory_space<vmem_shared>>
      %dma_start3A_97 = arith.constant 0 : i32
      %dma_start3A_98 = tpu.memref_slice %arg17[%add3A_20, %dma_start3A_97] : memref<10240x128xbf16, #tpu.memory_space<vmem_shared>> -> memref<64x128xbf16, #tpu.memory_space<vmem_shared>>
      %dma_start3A_99 = arith.constant 0 : i32
      %dma_start3A_100 = arith.constant 0 : i32
      %dma_start3A_101 = tpu.memref_slice %arg9[%dma_start3A_99, %dma_start3A_100] : memref<128x128xbf16, #tpu.memory_space<vmem>> -> memref<64x128xbf16, #tpu.memory_space<vmem>>
      tpu.enqueue_dma source(%dma_start3A_101 : memref<64x128xbf16, #tpu.memory_space<vmem>>) target(%dma_start3A_98 : memref<64x128xbf16, #tpu.memory_space<vmem_shared>>) target_semaphore(%run_scoped3A : memref<!tpu.dma_semaphore, #tpu.memory_space<semaphore_mem>>)
      %dma_wait3A = arith.constant 0 : i32
      %dma_wait3A_102 = arith.constant 0 : i32
      %dma_wait3A_103 = tpu.memref_slice %arg9[%dma_wait3A, %dma_wait3A_102] : memref<128x128xbf16, #tpu.memory_space<vmem>> -> memref<64x128xbf16, #tpu.memory_space<vmem>>
      %dma_wait3A_104 = arith.constant 0 : i32
      %dma_wait3A_105 = tpu.memref_slice %arg17[%add3A_20, %dma_wait3A_104] : memref<10240x128xbf16, #tpu.memory_space<vmem_shared>> -> memref<64x128xbf16, #tpu.memory_space<vmem_shared>>
      %dma_wait3A_106 = arith.constant 0 : i32
      %dma_wait3A_107 = tpu.memref_slice %arg17[%add3A_20, %dma_wait3A_106] : memref<10240x128xbf16, #tpu.memory_space<vmem_shared>> -> memref<64x128xbf16, #tpu.memory_space<vmem_shared>>
      %dma_wait3A_108 = arith.constant 0 : i32
      %dma_wait3A_109 = arith.constant 0 : i32
      %dma_wait3A_110 = tpu.memref_slice %arg9[%dma_wait3A_108, %dma_wait3A_109] : memref<128x128xbf16, #tpu.memory_space<vmem>> -> memref<64x128xbf16, #tpu.memory_space<vmem>>
      tpu.wait_dma2 semaphore(%run_scoped3A : memref<!tpu.dma_semaphore, #tpu.memory_space<semaphore_mem>>) src(%dma_wait3A_110 : memref<64x128xbf16, #tpu.memory_space<vmem>>) dst(%dma_wait3A_107 : memref<64x128xbf16, #tpu.memory_space<vmem_shared>>)
      tpu.yield
    }) : () -> ()
    %add3A_21 = arith.constant 576 : i32
    %add3A_22 = arith.addi %mul3A_2, %add3A_21 : i32
    "tpu.region"() ({
      %run_scoped3A = tpu.sem_alloc : memref<!tpu.dma_semaphore, #tpu.memory_space<semaphore_mem>>
      %dma_start3A_92 = arith.constant 0 : i32
      %dma_start3A_93 = arith.constant 0 : i32
      %dma_start3A_94 = tpu.memref_slice %arg9[%dma_start3A_92, %dma_start3A_93] : memref<128x128xbf16, #tpu.memory_space<vmem>> -> memref<64x128xbf16, #tpu.memory_space<vmem>>
      %dma_start3A_95 = arith.constant 0 : i32
      %dma_start3A_96 = tpu.memref_slice %arg17[%add3A_22, %dma_start3A_95] : memref<10240x128xbf16, #tpu.memory_space<vmem_shared>> -> memref<64x128xbf16, #tpu.memory_space<vmem_shared>>
      %dma_start3A_97 = arith.constant 0 : i32
      %dma_start3A_98 = tpu.memref_slice %arg17[%add3A_22, %dma_start3A_97] : memref<10240x128xbf16, #tpu.memory_space<vmem_shared>> -> memref<64x128xbf16, #tpu.memory_space<vmem_shared>>
      %dma_start3A_99 = arith.constant 0 : i32
      %dma_start3A_100 = arith.constant 0 : i32
      %dma_start3A_101 = tpu.memref_slice %arg9[%dma_start3A_99, %dma_start3A_100] : memref<128x128xbf16, #tpu.memory_space<vmem>> -> memref<64x128xbf16, #tpu.memory_space<vmem>>
      tpu.enqueue_dma source(%dma_start3A_101 : memref<64x128xbf16, #tpu.memory_space<vmem>>) target(%dma_start3A_98 : memref<64x128xbf16, #tpu.memory_space<vmem_shared>>) target_semaphore(%run_scoped3A : memref<!tpu.dma_semaphore, #tpu.memory_space<semaphore_mem>>)
      %dma_wait3A = arith.constant 0 : i32
      %dma_wait3A_102 = arith.constant 0 : i32
      %dma_wait3A_103 = tpu.memref_slice %arg9[%dma_wait3A, %dma_wait3A_102] : memref<128x128xbf16, #tpu.memory_space<vmem>> -> memref<64x128xbf16, #tpu.memory_space<vmem>>
      %dma_wait3A_104 = arith.constant 0 : i32
      %dma_wait3A_105 = tpu.memref_slice %arg17[%add3A_22, %dma_wait3A_104] : memref<10240x128xbf16, #tpu.memory_space<vmem_shared>> -> memref<64x128xbf16, #tpu.memory_space<vmem_shared>>
      %dma_wait3A_106 = arith.constant 0 : i32
      %dma_wait3A_107 = tpu.memref_slice %arg17[%add3A_22, %dma_wait3A_106] : memref<10240x128xbf16, #tpu.memory_space<vmem_shared>> -> memref<64x128xbf16, #tpu.memory_space<vmem_shared>>
      %dma_wait3A_108 = arith.constant 0 : i32
      %dma_wait3A_109 = arith.constant 0 : i32
      %dma_wait3A_110 = tpu.memref_slice %arg9[%dma_wait3A_108, %dma_wait3A_109] : memref<128x128xbf16, #tpu.memory_space<vmem>> -> memref<64x128xbf16, #tpu.memory_space<vmem>>
      tpu.wait_dma2 semaphore(%run_scoped3A : memref<!tpu.dma_semaphore, #tpu.memory_space<semaphore_mem>>) src(%dma_wait3A_110 : memref<64x128xbf16, #tpu.memory_space<vmem>>) dst(%dma_wait3A_107 : memref<64x128xbf16, #tpu.memory_space<vmem_shared>>)
      tpu.yield
    }) : () -> ()
    %barrier3A = arith.constant 0 : index
    tpu.barrier barrier_id(%barrier3A)
    %dma_start3A = arith.constant 0 : i32
    %dma_start3A_23 = arith.constant 0 : i32
    %dma_start3A_24 = tpu.memref_slice %arg7[%dma_start3A, %dma_start3A_23] : memref<80x128xi32, #tpu.memory_space<vmem>> -> memref<1x128xi32, #tpu.memory_space<vmem>>
    %dma_start3A_25 = tpu.memref_squeeze %dma_start3A_24 : memref<1x128xi32, #tpu.memory_space<vmem>> -> memref<128xi32, #tpu.memory_space<vmem>>
    %dma_start3A_26 = arith.constant 0 : i32
    %dma_start3A_27 = arith.constant 0 : i32
    %dma_start3A_28 = tpu.memref_slice %arg2[%arg0, %dma_start3A_26, %dma_start3A_27] : memref<2x10240x128xbf16, #tpu.memory_space<hbm>> -> memref<1x10240x128xbf16, #tpu.memory_space<hbm>>
    %dma_start3A_29 = tpu.memref_squeeze %dma_start3A_28 : memref<1x10240x128xbf16, #tpu.memory_space<hbm>> -> memref<10240x128xbf16, #tpu.memory_space<hbm>>
    %dma_start3A_30 = arith.constant 0 : i32
    %dma_start3A_31 = arith.constant 0 : i32
    %dma_start3A_32 = tpu.memref_slice %dma_start3A_29[%dma_start3A_30, %dma_start3A_31] : memref<10240x128xbf16, #tpu.memory_space<hbm>> -> memref<10240x128xbf16, #tpu.memory_space<hbm>>
    tpu.enqueue_indirect_dma source(%dma_start3A_32 : memref<10240x128xbf16, #tpu.memory_space<hbm>>) target(%arg9 : memref<128x128xbf16, #tpu.memory_space<vmem>>) offsets(%dma_start3A_25 : memref<128xi32, #tpu.memory_space<vmem>>) semaphore(%arg13 : memref<!tpu.dma_semaphore, #tpu.memory_space<semaphore_mem>>)
    %dma_start3A_33 = arith.constant 1 : i32
    %dma_start3A_34 = arith.constant 0 : i32
    %dma_start3A_35 = tpu.memref_slice %arg7[%dma_start3A_33, %dma_start3A_34] : memref<80x128xi32, #tpu.memory_space<vmem>> -> memref<1x128xi32, #tpu.memory_space<vmem>>
    %dma_start3A_36 = tpu.memref_squeeze %dma_start3A_35 : memref<1x128xi32, #tpu.memory_space<vmem>> -> memref<128xi32, #tpu.memory_space<vmem>>
    %dma_start3A_37 = arith.constant 0 : i32
    %dma_start3A_38 = arith.constant 0 : i32
    %dma_start3A_39 = tpu.memref_slice %arg2[%arg0, %dma_start3A_37, %dma_start3A_38] : memref<2x10240x128xbf16, #tpu.memory_space<hbm>> -> memref<1x10240x128xbf16, #tpu.memory_space<hbm>>
    %dma_start3A_40 = tpu.memref_squeeze %dma_start3A_39 : memref<1x10240x128xbf16, #tpu.memory_space<hbm>> -> memref<10240x128xbf16, #tpu.memory_space<hbm>>
    %dma_start3A_41 = arith.constant 0 : i32
    %dma_start3A_42 = arith.constant 0 : i32
    %dma_start3A_43 = tpu.memref_slice %dma_start3A_40[%dma_start3A_41, %dma_start3A_42] : memref<10240x128xbf16, #tpu.memory_space<hbm>> -> memref<10240x128xbf16, #tpu.memory_space<hbm>>
    tpu.enqueue_indirect_dma source(%dma_start3A_43 : memref<10240x128xbf16, #tpu.memory_space<hbm>>) target(%arg10 : memref<128x128xbf16, #tpu.memory_space<vmem>>) offsets(%dma_start3A_36 : memref<128xi32, #tpu.memory_space<vmem>>) semaphore(%arg14 : memref<!tpu.dma_semaphore, #tpu.memory_space<semaphore_mem>>)
    %dma_start3A_44 = arith.constant 2 : i32
    %dma_start3A_45 = arith.constant 0 : i32
    %dma_start3A_46 = tpu.memref_slice %arg7[%dma_start3A_44, %dma_start3A_45] : memref<80x128xi32, #tpu.memory_space<vmem>> -> memref<1x128xi32, #tpu.memory_space<vmem>>
    %dma_start3A_47 = tpu.memref_squeeze %dma_start3A_46 : memref<1x128xi32, #tpu.memory_space<vmem>> -> memref<128xi32, #tpu.memory_space<vmem>>
    %dma_start3A_48 = arith.constant 0 : i32
    %dma_start3A_49 = arith.constant 0 : i32
    %dma_start3A_50 = tpu.memref_slice %arg2[%arg0, %dma_start3A_48, %dma_start3A_49] : memref<2x10240x128xbf16, #tpu.memory_space<hbm>> -> memref<1x10240x128xbf16, #tpu.memory_space<hbm>>
    %dma_start3A_51 = tpu.memref_squeeze %dma_start3A_50 : memref<1x10240x128xbf16, #tpu.memory_space<hbm>> -> memref<10240x128xbf16, #tpu.memory_space<hbm>>
    %dma_start3A_52 = arith.constant 0 : i32
    %dma_start3A_53 = arith.constant 0 : i32
    %dma_start3A_54 = tpu.memref_slice %dma_start3A_51[%dma_start3A_52, %dma_start3A_53] : memref<10240x128xbf16, #tpu.memory_space<hbm>> -> memref<10240x128xbf16, #tpu.memory_space<hbm>>
    tpu.enqueue_indirect_dma source(%dma_start3A_54 : memref<10240x128xbf16, #tpu.memory_space<hbm>>) target(%arg11 : memref<128x128xbf16, #tpu.memory_space<vmem>>) offsets(%dma_start3A_47 : memref<128xi32, #tpu.memory_space<vmem>>) semaphore(%arg15 : memref<!tpu.dma_semaphore, #tpu.memory_space<semaphore_mem>>)
    %dma_start3A_55 = arith.constant 3 : i32
    %dma_start3A_56 = arith.constant 0 : i32
    %dma_start3A_57 = tpu.memref_slice %arg7[%dma_start3A_55, %dma_start3A_56] : memref<80x128xi32, #tpu.memory_space<vmem>> -> memref<1x128xi32, #tpu.memory_space<vmem>>
    %dma_start3A_58 = tpu.memref_squeeze %dma_start3A_57 : memref<1x128xi32, #tpu.memory_space<vmem>> -> memref<128xi32, #tpu.memory_space<vmem>>
    %dma_start3A_59 = arith.constant 0 : i32
    %dma_start3A_60 = arith.constant 0 : i32
    %dma_start3A_61 = tpu.memref_slice %arg2[%arg0, %dma_start3A_59, %dma_start3A_60] : memref<2x10240x128xbf16, #tpu.memory_space<hbm>> -> memref<1x10240x128xbf16, #tpu.memory_space<hbm>>
    %dma_start3A_62 = tpu.memref_squeeze %dma_start3A_61 : memref<1x10240x128xbf16, #tpu.memory_space<hbm>> -> memref<10240x128xbf16, #tpu.memory_space<hbm>>
    %dma_start3A_63 = arith.constant 0 : i32
    %dma_start3A_64 = arith.constant 0 : i32
    %dma_start3A_65 = tpu.memref_slice %dma_start3A_62[%dma_start3A_63, %dma_start3A_64] : memref<10240x128xbf16, #tpu.memory_space<hbm>> -> memref<10240x128xbf16, #tpu.memory_space<hbm>>
    tpu.enqueue_indirect_dma source(%dma_start3A_65 : memref<10240x128xbf16, #tpu.memory_space<hbm>>) target(%arg12 : memref<128x128xbf16, #tpu.memory_space<vmem>>) offsets(%dma_start3A_58 : memref<128xi32, #tpu.memory_space<vmem>>) semaphore(%arg16 : memref<!tpu.dma_semaphore, #tpu.memory_space<semaphore_mem>>)
    %scan3A = arith.constant 0 : i32
    %scan3A_66 = arith.constant 0 : i32
    %scan3A_67 = arith.constant 20 : i32
    %scan3A_68 = arith.addi %scan3A_66, %scan3A_67 : i32
    %scan3A_69 = arith.constant 1 : i32
    scf.for %scan3A_92 = %scan3A_66 to %scan3A_68 step %scan3A_69  : i32 {
      %mul3A_93 = arith.constant 4 : i32
      %mul3A_94 = arith.muli %scan3A_92, %mul3A_93 : i32
      %add3A_95 = arith.constant 0 : i32
      %add3A_96 = arith.addi %mul3A_94, %add3A_95 : i32
      %dma_wait3A = arith.constant 0 : i32
      %dma_wait3A_97 = tpu.memref_slice %arg7[%add3A_96, %dma_wait3A] : memref<80x128xi32, #tpu.memory_space<vmem>> -> memref<1x128xi32, #tpu.memory_space<vmem>>
      %dma_wait3A_98 = tpu.memref_squeeze %dma_wait3A_97 : memref<1x128xi32, #tpu.memory_space<vmem>> -> memref<128xi32, #tpu.memory_space<vmem>>
      %dma_wait3A_99 = arith.constant 0 : i32
      %dma_wait3A_100 = arith.constant 0 : i32
      %dma_wait3A_101 = tpu.memref_slice %arg2[%arg0, %dma_wait3A_99, %dma_wait3A_100] : memref<2x10240x128xbf16, #tpu.memory_space<hbm>> -> memref<1x10240x128xbf16, #tpu.memory_space<hbm>>
      %dma_wait3A_102 = tpu.memref_squeeze %dma_wait3A_101 : memref<1x10240x128xbf16, #tpu.memory_space<hbm>> -> memref<10240x128xbf16, #tpu.memory_space<hbm>>
      %dma_wait3A_103 = arith.constant 0 : i32
      %dma_wait3A_104 = arith.constant 0 : i32
      %dma_wait3A_105 = tpu.memref_slice %dma_wait3A_102[%dma_wait3A_103, %dma_wait3A_104] : memref<10240x128xbf16, #tpu.memory_space<hbm>> -> memref<10240x128xbf16, #tpu.memory_space<hbm>>
      tpu.wait_indirect_dma semaphore(%arg13 : memref<!tpu.dma_semaphore, #tpu.memory_space<semaphore_mem>>) src(%dma_wait3A_105 : memref<10240x128xbf16, #tpu.memory_space<hbm>>) dst(%arg9 : memref<128x128xbf16, #tpu.memory_space<vmem>>)
      "tpu.region"() ({
        %run_scoped3A = tpu.sem_alloc : memref<!tpu.dma_semaphore, #tpu.memory_space<semaphore_mem>>
        %dma_start3A_173 = arith.constant 0 : i32
        %dma_start3A_174 = tpu.memref_slice %arg8[%add3A_96, %dma_start3A_173] : memref<80x128xi32, #tpu.memory_space<vmem>> -> memref<1x128xi32, #tpu.memory_space<vmem>>
        %dma_start3A_175 = tpu.memref_squeeze %dma_start3A_174 : memref<1x128xi32, #tpu.memory_space<vmem>> -> memref<128xi32, #tpu.memory_space<vmem>>
        %dma_start3A_176 = arith.constant 0 : i32
        %dma_start3A_177 = arith.constant 0 : i32
        %dma_start3A_178 = tpu.memref_slice %arg17[%dma_start3A_176, %dma_start3A_177] : memref<10240x128xbf16, #tpu.memory_space<vmem_shared>> -> memref<10240x128xbf16, #tpu.memory_space<vmem_shared>>
        tpu.enqueue_indirect_dma source(%arg9 : memref<128x128xbf16, #tpu.memory_space<vmem>>) target(%dma_start3A_178 : memref<10240x128xbf16, #tpu.memory_space<vmem_shared>>) offsets(%dma_start3A_175 : memref<128xi32, #tpu.memory_space<vmem>>) semaphore(%run_scoped3A : memref<!tpu.dma_semaphore, #tpu.memory_space<semaphore_mem>>) {add = true}
        %dma_wait3A_179 = arith.constant 0 : i32
        %dma_wait3A_180 = tpu.memref_slice %arg8[%add3A_96, %dma_wait3A_179] : memref<80x128xi32, #tpu.memory_space<vmem>> -> memref<1x128xi32, #tpu.memory_space<vmem>>
        %dma_wait3A_181 = tpu.memref_squeeze %dma_wait3A_180 : memref<1x128xi32, #tpu.memory_space<vmem>> -> memref<128xi32, #tpu.memory_space<vmem>>
        %dma_wait3A_182 = arith.constant 0 : i32
        %dma_wait3A_183 = arith.constant 0 : i32
        %dma_wait3A_184 = tpu.memref_slice %arg17[%dma_wait3A_182, %dma_wait3A_183] : memref<10240x128xbf16, #tpu.memory_space<vmem_shared>> -> memref<10240x128xbf16, #tpu.memory_space<vmem_shared>>
        tpu.wait_indirect_dma semaphore(%run_scoped3A : memref<!tpu.dma_semaphore, #tpu.memory_space<semaphore_mem>>) src(%arg9 : memref<128x128xbf16, #tpu.memory_space<vmem>>) dst(%dma_wait3A_184 : memref<10240x128xbf16, #tpu.memory_space<vmem_shared>>)
        tpu.yield
      }) : () -> ()
      %add3A_106 = arith.constant 4 : i32
      %add3A_107 = arith.addi %add3A_96, %add3A_106 : i32
      %lt3A = arith.constant 80 : i32
      %lt3A_108 = arith.cmpi slt, %add3A_107, %lt3A : i32
      %convert_element_type3A = arith.extui %lt3A_108 : i1 to i32
      %cond3A = arith.constant 0 : i32
      %cond3A_109 = arith.cmpi ne, %convert_element_type3A, %cond3A : i32
      scf.if %cond3A_109 {
        %add3A_173 = arith.constant 4 : i32
        %add3A_174 = arith.addi %add3A_96, %add3A_173 : i32
        %dma_start3A_175 = arith.constant 0 : i32
        %dma_start3A_176 = tpu.memref_slice %arg7[%add3A_174, %dma_start3A_175] : memref<80x128xi32, #tpu.memory_space<vmem>> -> memref<1x128xi32, #tpu.memory_space<vmem>>
        %dma_start3A_177 = tpu.memref_squeeze %dma_start3A_176 : memref<1x128xi32, #tpu.memory_space<vmem>> -> memref<128xi32, #tpu.memory_space<vmem>>
        %dma_start3A_178 = arith.constant 0 : i32
        %dma_start3A_179 = arith.constant 0 : i32
        %dma_start3A_180 = tpu.memref_slice %arg2[%arg0, %dma_start3A_178, %dma_start3A_179] : memref<2x10240x128xbf16, #tpu.memory_space<hbm>> -> memref<1x10240x128xbf16, #tpu.memory_space<hbm>>
        %dma_start3A_181 = tpu.memref_squeeze %dma_start3A_180 : memref<1x10240x128xbf16, #tpu.memory_space<hbm>> -> memref<10240x128xbf16, #tpu.memory_space<hbm>>
        %dma_start3A_182 = arith.constant 0 : i32
        %dma_start3A_183 = arith.constant 0 : i32
        %dma_start3A_184 = tpu.memref_slice %dma_start3A_181[%dma_start3A_182, %dma_start3A_183] : memref<10240x128xbf16, #tpu.memory_space<hbm>> -> memref<10240x128xbf16, #tpu.memory_space<hbm>>
        tpu.enqueue_indirect_dma source(%dma_start3A_184 : memref<10240x128xbf16, #tpu.memory_space<hbm>>) target(%arg9 : memref<128x128xbf16, #tpu.memory_space<vmem>>) offsets(%dma_start3A_177 : memref<128xi32, #tpu.memory_space<vmem>>) semaphore(%arg13 : memref<!tpu.dma_semaphore, #tpu.memory_space<semaphore_mem>>)
      } else {
      }
      %mul3A_110 = arith.constant 4 : i32
      %mul3A_111 = arith.muli %scan3A_92, %mul3A_110 : i32
      %add3A_112 = arith.constant 1 : i32
      %add3A_113 = arith.addi %mul3A_111, %add3A_112 : i32
      %dma_wait3A_114 = arith.constant 0 : i32
      %dma_wait3A_115 = tpu.memref_slice %arg7[%add3A_113, %dma_wait3A_114] : memref<80x128xi32, #tpu.memory_space<vmem>> -> memref<1x128xi32, #tpu.memory_space<vmem>>
      %dma_wait3A_116 = tpu.memref_squeeze %dma_wait3A_115 : memref<1x128xi32, #tpu.memory_space<vmem>> -> memref<128xi32, #tpu.memory_space<vmem>>
      %dma_wait3A_117 = arith.constant 0 : i32
      %dma_wait3A_118 = arith.constant 0 : i32
      %dma_wait3A_119 = tpu.memref_slice %arg2[%arg0, %dma_wait3A_117, %dma_wait3A_118] : memref<2x10240x128xbf16, #tpu.memory_space<hbm>> -> memref<1x10240x128xbf16, #tpu.memory_space<hbm>>
      %dma_wait3A_120 = tpu.memref_squeeze %dma_wait3A_119 : memref<1x10240x128xbf16, #tpu.memory_space<hbm>> -> memref<10240x128xbf16, #tpu.memory_space<hbm>>
      %dma_wait3A_121 = arith.constant 0 : i32
      %dma_wait3A_122 = arith.constant 0 : i32
      %dma_wait3A_123 = tpu.memref_slice %dma_wait3A_120[%dma_wait3A_121, %dma_wait3A_122] : memref<10240x128xbf16, #tpu.memory_space<hbm>> -> memref<10240x128xbf16, #tpu.memory_space<hbm>>
      tpu.wait_indirect_dma semaphore(%arg14 : memref<!tpu.dma_semaphore, #tpu.memory_space<semaphore_mem>>) src(%dma_wait3A_123 : memref<10240x128xbf16, #tpu.memory_space<hbm>>) dst(%arg10 : memref<128x128xbf16, #tpu.memory_space<vmem>>)
      "tpu.region"() ({
        %run_scoped3A = tpu.sem_alloc : memref<!tpu.dma_semaphore, #tpu.memory_space<semaphore_mem>>
        %dma_start3A_173 = arith.constant 0 : i32
        %dma_start3A_174 = tpu.memref_slice %arg8[%add3A_113, %dma_start3A_173] : memref<80x128xi32, #tpu.memory_space<vmem>> -> memref<1x128xi32, #tpu.memory_space<vmem>>
        %dma_start3A_175 = tpu.memref_squeeze %dma_start3A_174 : memref<1x128xi32, #tpu.memory_space<vmem>> -> memref<128xi32, #tpu.memory_space<vmem>>
        %dma_start3A_176 = arith.constant 0 : i32
        %dma_start3A_177 = arith.constant 0 : i32
        %dma_start3A_178 = tpu.memref_slice %arg17[%dma_start3A_176, %dma_start3A_177] : memref<10240x128xbf16, #tpu.memory_space<vmem_shared>> -> memref<10240x128xbf16, #tpu.memory_space<vmem_shared>>
        tpu.enqueue_indirect_dma source(%arg10 : memref<128x128xbf16, #tpu.memory_space<vmem>>) target(%dma_start3A_178 : memref<10240x128xbf16, #tpu.memory_space<vmem_shared>>) offsets(%dma_start3A_175 : memref<128xi32, #tpu.memory_space<vmem>>) semaphore(%run_scoped3A : memref<!tpu.dma_semaphore, #tpu.memory_space<semaphore_mem>>) {add = true}
        %dma_wait3A_179 = arith.constant 0 : i32
        %dma_wait3A_180 = tpu.memref_slice %arg8[%add3A_113, %dma_wait3A_179] : memref<80x128xi32, #tpu.memory_space<vmem>> -> memref<1x128xi32, #tpu.memory_space<vmem>>
        %dma_wait3A_181 = tpu.memref_squeeze %dma_wait3A_180 : memref<1x128xi32, #tpu.memory_space<vmem>> -> memref<128xi32, #tpu.memory_space<vmem>>
        %dma_wait3A_182 = arith.constant 0 : i32
        %dma_wait3A_183 = arith.constant 0 : i32
        %dma_wait3A_184 = tpu.memref_slice %arg17[%dma_wait3A_182, %dma_wait3A_183] : memref<10240x128xbf16, #tpu.memory_space<vmem_shared>> -> memref<10240x128xbf16, #tpu.memory_space<vmem_shared>>
        tpu.wait_indirect_dma semaphore(%run_scoped3A : memref<!tpu.dma_semaphore, #tpu.memory_space<semaphore_mem>>) src(%arg10 : memref<128x128xbf16, #tpu.memory_space<vmem>>) dst(%dma_wait3A_184 : memref<10240x128xbf16, #tpu.memory_space<vmem_shared>>)
        tpu.yield
      }) : () -> ()
      %add3A_124 = arith.constant 4 : i32
      %add3A_125 = arith.addi %add3A_113, %add3A_124 : i32
      %lt3A_126 = arith.constant 80 : i32
      %lt3A_127 = arith.cmpi slt, %add3A_125, %lt3A_126 : i32
      %convert_element_type3A_128 = arith.extui %lt3A_127 : i1 to i32
      %cond3A_129 = arith.constant 0 : i32
      %cond3A_130 = arith.cmpi ne, %convert_element_type3A_128, %cond3A_129 : i32
      scf.if %cond3A_130 {
        %add3A_173 = arith.constant 4 : i32
        %add3A_174 = arith.addi %add3A_113, %add3A_173 : i32
        %dma_start3A_175 = arith.constant 0 : i32
        %dma_start3A_176 = tpu.memref_slice %arg7[%add3A_174, %dma_start3A_175] : memref<80x128xi32, #tpu.memory_space<vmem>> -> memref<1x128xi32, #tpu.memory_space<vmem>>
        %dma_start3A_177 = tpu.memref_squeeze %dma_start3A_176 : memref<1x128xi32, #tpu.memory_space<vmem>> -> memref<128xi32, #tpu.memory_space<vmem>>
        %dma_start3A_178 = arith.constant 0 : i32
        %dma_start3A_179 = arith.constant 0 : i32
        %dma_start3A_180 = tpu.memref_slice %arg2[%arg0, %dma_start3A_178, %dma_start3A_179] : memref<2x10240x128xbf16, #tpu.memory_space<hbm>> -> memref<1x10240x128xbf16, #tpu.memory_space<hbm>>
        %dma_start3A_181 = tpu.memref_squeeze %dma_start3A_180 : memref<1x10240x128xbf16, #tpu.memory_space<hbm>> -> memref<10240x128xbf16, #tpu.memory_space<hbm>>
        %dma_start3A_182 = arith.constant 0 : i32
        %dma_start3A_183 = arith.constant 0 : i32
        %dma_start3A_184 = tpu.memref_slice %dma_start3A_181[%dma_start3A_182, %dma_start3A_183] : memref<10240x128xbf16, #tpu.memory_space<hbm>> -> memref<10240x128xbf16, #tpu.memory_space<hbm>>
        tpu.enqueue_indirect_dma source(%dma_start3A_184 : memref<10240x128xbf16, #tpu.memory_space<hbm>>) target(%arg10 : memref<128x128xbf16, #tpu.memory_space<vmem>>) offsets(%dma_start3A_177 : memref<128xi32, #tpu.memory_space<vmem>>) semaphore(%arg14 : memref<!tpu.dma_semaphore, #tpu.memory_space<semaphore_mem>>)
      } else {
      }
      %mul3A_131 = arith.constant 4 : i32
      %mul3A_132 = arith.muli %scan3A_92, %mul3A_131 : i32
      %add3A_133 = arith.constant 2 : i32
      %add3A_134 = arith.addi %mul3A_132, %add3A_133 : i32
      %dma_wait3A_135 = arith.constant 0 : i32
      %dma_wait3A_136 = tpu.memref_slice %arg7[%add3A_134, %dma_wait3A_135] : memref<80x128xi32, #tpu.memory_space<vmem>> -> memref<1x128xi32, #tpu.memory_space<vmem>>
      %dma_wait3A_137 = tpu.memref_squeeze %dma_wait3A_136 : memref<1x128xi32, #tpu.memory_space<vmem>> -> memref<128xi32, #tpu.memory_space<vmem>>
      %dma_wait3A_138 = arith.constant 0 : i32
      %dma_wait3A_139 = arith.constant 0 : i32
      %dma_wait3A_140 = tpu.memref_slice %arg2[%arg0, %dma_wait3A_138, %dma_wait3A_139] : memref<2x10240x128xbf16, #tpu.memory_space<hbm>> -> memref<1x10240x128xbf16, #tpu.memory_space<hbm>>
      %dma_wait3A_141 = tpu.memref_squeeze %dma_wait3A_140 : memref<1x10240x128xbf16, #tpu.memory_space<hbm>> -> memref<10240x128xbf16, #tpu.memory_space<hbm>>
      %dma_wait3A_142 = arith.constant 0 : i32
      %dma_wait3A_143 = arith.constant 0 : i32
      %dma_wait3A_144 = tpu.memref_slice %dma_wait3A_141[%dma_wait3A_142, %dma_wait3A_143] : memref<10240x128xbf16, #tpu.memory_space<hbm>> -> memref<10240x128xbf16, #tpu.memory_space<hbm>>
      tpu.wait_indirect_dma semaphore(%arg15 : memref<!tpu.dma_semaphore, #tpu.memory_space<semaphore_mem>>) src(%dma_wait3A_144 : memref<10240x128xbf16, #tpu.memory_space<hbm>>) dst(%arg11 : memref<128x128xbf16, #tpu.memory_space<vmem>>)
      "tpu.region"() ({
        %run_scoped3A = tpu.sem_alloc : memref<!tpu.dma_semaphore, #tpu.memory_space<semaphore_mem>>
        %dma_start3A_173 = arith.constant 0 : i32
        %dma_start3A_174 = tpu.memref_slice %arg8[%add3A_134, %dma_start3A_173] : memref<80x128xi32, #tpu.memory_space<vmem>> -> memref<1x128xi32, #tpu.memory_space<vmem>>
        %dma_start3A_175 = tpu.memref_squeeze %dma_start3A_174 : memref<1x128xi32, #tpu.memory_space<vmem>> -> memref<128xi32, #tpu.memory_space<vmem>>
        %dma_start3A_176 = arith.constant 0 : i32
        %dma_start3A_177 = arith.constant 0 : i32
        %dma_start3A_178 = tpu.memref_slice %arg17[%dma_start3A_176, %dma_start3A_177] : memref<10240x128xbf16, #tpu.memory_space<vmem_shared>> -> memref<10240x128xbf16, #tpu.memory_space<vmem_shared>>
        tpu.enqueue_indirect_dma source(%arg11 : memref<128x128xbf16, #tpu.memory_space<vmem>>) target(%dma_start3A_178 : memref<10240x128xbf16, #tpu.memory_space<vmem_shared>>) offsets(%dma_start3A_175 : memref<128xi32, #tpu.memory_space<vmem>>) semaphore(%run_scoped3A : memref<!tpu.dma_semaphore, #tpu.memory_space<semaphore_mem>>) {add = true}
        %dma_wait3A_179 = arith.constant 0 : i32
        %dma_wait3A_180 = tpu.memref_slice %arg8[%add3A_134, %dma_wait3A_179] : memref<80x128xi32, #tpu.memory_space<vmem>> -> memref<1x128xi32, #tpu.memory_space<vmem>>
        %dma_wait3A_181 = tpu.memref_squeeze %dma_wait3A_180 : memref<1x128xi32, #tpu.memory_space<vmem>> -> memref<128xi32, #tpu.memory_space<vmem>>
        %dma_wait3A_182 = arith.constant 0 : i32
        %dma_wait3A_183 = arith.constant 0 : i32
        %dma_wait3A_184 = tpu.memref_slice %arg17[%dma_wait3A_182, %dma_wait3A_183] : memref<10240x128xbf16, #tpu.memory_space<vmem_shared>> -> memref<10240x128xbf16, #tpu.memory_space<vmem_shared>>
        tpu.wait_indirect_dma semaphore(%run_scoped3A : memref<!tpu.dma_semaphore, #tpu.memory_space<semaphore_mem>>) src(%arg11 : memref<128x128xbf16, #tpu.memory_space<vmem>>) dst(%dma_wait3A_184 : memref<10240x128xbf16, #tpu.memory_space<vmem_shared>>)
        tpu.yield
      }) : () -> ()
      %add3A_145 = arith.constant 4 : i32
      %add3A_146 = arith.addi %add3A_134, %add3A_145 : i32
      %lt3A_147 = arith.constant 80 : i32
      %lt3A_148 = arith.cmpi slt, %add3A_146, %lt3A_147 : i32
      %convert_element_type3A_149 = arith.extui %lt3A_148 : i1 to i32
      %cond3A_150 = arith.constant 0 : i32
      %cond3A_151 = arith.cmpi ne, %convert_element_type3A_149, %cond3A_150 : i32
      scf.if %cond3A_151 {
        %add3A_173 = arith.constant 4 : i32
        %add3A_174 = arith.addi %add3A_134, %add3A_173 : i32
        %dma_start3A_175 = arith.constant 0 : i32
        %dma_start3A_176 = tpu.memref_slice %arg7[%add3A_174, %dma_start3A_175] : memref<80x128xi32, #tpu.memory_space<vmem>> -> memref<1x128xi32, #tpu.memory_space<vmem>>
        %dma_start3A_177 = tpu.memref_squeeze %dma_start3A_176 : memref<1x128xi32, #tpu.memory_space<vmem>> -> memref<128xi32, #tpu.memory_space<vmem>>
        %dma_start3A_178 = arith.constant 0 : i32
        %dma_start3A_179 = arith.constant 0 : i32
        %dma_start3A_180 = tpu.memref_slice %arg2[%arg0, %dma_start3A_178, %dma_start3A_179] : memref<2x10240x128xbf16, #tpu.memory_space<hbm>> -> memref<1x10240x128xbf16, #tpu.memory_space<hbm>>
        %dma_start3A_181 = tpu.memref_squeeze %dma_start3A_180 : memref<1x10240x128xbf16, #tpu.memory_space<hbm>> -> memref<10240x128xbf16, #tpu.memory_space<hbm>>
        %dma_start3A_182 = arith.constant 0 : i32
        %dma_start3A_183 = arith.constant 0 : i32
        %dma_start3A_184 = tpu.memref_slice %dma_start3A_181[%dma_start3A_182, %dma_start3A_183] : memref<10240x128xbf16, #tpu.memory_space<hbm>> -> memref<10240x128xbf16, #tpu.memory_space<hbm>>
        tpu.enqueue_indirect_dma source(%dma_start3A_184 : memref<10240x128xbf16, #tpu.memory_space<hbm>>) target(%arg11 : memref<128x128xbf16, #tpu.memory_space<vmem>>) offsets(%dma_start3A_177 : memref<128xi32, #tpu.memory_space<vmem>>) semaphore(%arg15 : memref<!tpu.dma_semaphore, #tpu.memory_space<semaphore_mem>>)
      } else {
      }
      %mul3A_152 = arith.constant 4 : i32
      %mul3A_153 = arith.muli %scan3A_92, %mul3A_152 : i32
      %add3A_154 = arith.constant 3 : i32
      %add3A_155 = arith.addi %mul3A_153, %add3A_154 : i32
      %dma_wait3A_156 = arith.constant 0 : i32
      %dma_wait3A_157 = tpu.memref_slice %arg7[%add3A_155, %dma_wait3A_156] : memref<80x128xi32, #tpu.memory_space<vmem>> -> memref<1x128xi32, #tpu.memory_space<vmem>>
      %dma_wait3A_158 = tpu.memref_squeeze %dma_wait3A_157 : memref<1x128xi32, #tpu.memory_space<vmem>> -> memref<128xi32, #tpu.memory_space<vmem>>
      %dma_wait3A_159 = arith.constant 0 : i32
      %dma_wait3A_160 = arith.constant 0 : i32
      %dma_wait3A_161 = tpu.memref_slice %arg2[%arg0, %dma_wait3A_159, %dma_wait3A_160] : memref<2x10240x128xbf16, #tpu.memory_space<hbm>> -> memref<1x10240x128xbf16, #tpu.memory_space<hbm>>
      %dma_wait3A_162 = tpu.memref_squeeze %dma_wait3A_161 : memref<1x10240x128xbf16, #tpu.memory_space<hbm>> -> memref<10240x128xbf16, #tpu.memory_space<hbm>>
      %dma_wait3A_163 = arith.constant 0 : i32
      %dma_wait3A_164 = arith.constant 0 : i32
      %dma_wait3A_165 = tpu.memref_slice %dma_wait3A_162[%dma_wait3A_163, %dma_wait3A_164] : memref<10240x128xbf16, #tpu.memory_space<hbm>> -> memref<10240x128xbf16, #tpu.memory_space<hbm>>
      tpu.wait_indirect_dma semaphore(%arg16 : memref<!tpu.dma_semaphore, #tpu.memory_space<semaphore_mem>>) src(%dma_wait3A_165 : memref<10240x128xbf16, #tpu.memory_space<hbm>>) dst(%arg12 : memref<128x128xbf16, #tpu.memory_space<vmem>>)
      "tpu.region"() ({
        %run_scoped3A = tpu.sem_alloc : memref<!tpu.dma_semaphore, #tpu.memory_space<semaphore_mem>>
        %dma_start3A_173 = arith.constant 0 : i32
        %dma_start3A_174 = tpu.memref_slice %arg8[%add3A_155, %dma_start3A_173] : memref<80x128xi32, #tpu.memory_space<vmem>> -> memref<1x128xi32, #tpu.memory_space<vmem>>
        %dma_start3A_175 = tpu.memref_squeeze %dma_start3A_174 : memref<1x128xi32, #tpu.memory_space<vmem>> -> memref<128xi32, #tpu.memory_space<vmem>>
        %dma_start3A_176 = arith.constant 0 : i32
        %dma_start3A_177 = arith.constant 0 : i32
        %dma_start3A_178 = tpu.memref_slice %arg17[%dma_start3A_176, %dma_start3A_177] : memref<10240x128xbf16, #tpu.memory_space<vmem_shared>> -> memref<10240x128xbf16, #tpu.memory_space<vmem_shared>>
        tpu.enqueue_indirect_dma source(%arg12 : memref<128x128xbf16, #tpu.memory_space<vmem>>) target(%dma_start3A_178 : memref<10240x128xbf16, #tpu.memory_space<vmem_shared>>) offsets(%dma_start3A_175 : memref<128xi32, #tpu.memory_space<vmem>>) semaphore(%run_scoped3A : memref<!tpu.dma_semaphore, #tpu.memory_space<semaphore_mem>>) {add = true}
        %dma_wait3A_179 = arith.constant 0 : i32
        %dma_wait3A_180 = tpu.memref_slice %arg8[%add3A_155, %dma_wait3A_179] : memref<80x128xi32, #tpu.memory_space<vmem>> -> memref<1x128xi32, #tpu.memory_space<vmem>>
        %dma_wait3A_181 = tpu.memref_squeeze %dma_wait3A_180 : memref<1x128xi32, #tpu.memory_space<vmem>> -> memref<128xi32, #tpu.memory_space<vmem>>
        %dma_wait3A_182 = arith.constant 0 : i32
        %dma_wait3A_183 = arith.constant 0 : i32
        %dma_wait3A_184 = tpu.memref_slice %arg17[%dma_wait3A_182, %dma_wait3A_183] : memref<10240x128xbf16, #tpu.memory_space<vmem_shared>> -> memref<10240x128xbf16, #tpu.memory_space<vmem_shared>>
        tpu.wait_indirect_dma semaphore(%run_scoped3A : memref<!tpu.dma_semaphore, #tpu.memory_space<semaphore_mem>>) src(%arg12 : memref<128x128xbf16, #tpu.memory_space<vmem>>) dst(%dma_wait3A_184 : memref<10240x128xbf16, #tpu.memory_space<vmem_shared>>)
        tpu.yield
      }) : () -> ()
      %add3A_166 = arith.constant 4 : i32
      %add3A_167 = arith.addi %add3A_155, %add3A_166 : i32
      %lt3A_168 = arith.constant 80 : i32
      %lt3A_169 = arith.cmpi slt, %add3A_167, %lt3A_168 : i32
      %convert_element_type3A_170 = arith.extui %lt3A_169 : i1 to i32
      %cond3A_171 = arith.constant 0 : i32
      %cond3A_172 = arith.cmpi ne, %convert_element_type3A_170, %cond3A_171 : i32
      scf.if %cond3A_172 {
        %add3A_173 = arith.constant 4 : i32
        %add3A_174 = arith.addi %add3A_155, %add3A_173 : i32
        %dma_start3A_175 = arith.constant 0 : i32
        %dma_start3A_176 = tpu.memref_slice %arg7[%add3A_174, %dma_start3A_175] : memref<80x128xi32, #tpu.memory_space<vmem>> -> memref<1x128xi32, #tpu.memory_space<vmem>>
        %dma_start3A_177 = tpu.memref_squeeze %dma_start3A_176 : memref<1x128xi32, #tpu.memory_space<vmem>> -> memref<128xi32, #tpu.memory_space<vmem>>
        %dma_start3A_178 = arith.constant 0 : i32
        %dma_start3A_179 = arith.constant 0 : i32
        %dma_start3A_180 = tpu.memref_slice %arg2[%arg0, %dma_start3A_178, %dma_start3A_179] : memref<2x10240x128xbf16, #tpu.memory_space<hbm>> -> memref<1x10240x128xbf16, #tpu.memory_space<hbm>>
        %dma_start3A_181 = tpu.memref_squeeze %dma_start3A_180 : memref<1x10240x128xbf16, #tpu.memory_space<hbm>> -> memref<10240x128xbf16, #tpu.memory_space<hbm>>
        %dma_start3A_182 = arith.constant 0 : i32
        %dma_start3A_183 = arith.constant 0 : i32
        %dma_start3A_184 = tpu.memref_slice %dma_start3A_181[%dma_start3A_182, %dma_start3A_183] : memref<10240x128xbf16, #tpu.memory_space<hbm>> -> memref<10240x128xbf16, #tpu.memory_space<hbm>>
        tpu.enqueue_indirect_dma source(%dma_start3A_184 : memref<10240x128xbf16, #tpu.memory_space<hbm>>) target(%arg12 : memref<128x128xbf16, #tpu.memory_space<vmem>>) offsets(%dma_start3A_177 : memref<128xi32, #tpu.memory_space<vmem>>) semaphore(%arg16 : memref<!tpu.dma_semaphore, #tpu.memory_space<semaphore_mem>>)
      } else {
      }
    }
    %scan3A_70 = arith.constant 20 : i32
    %barrier3A_71 = arith.constant 0 : index
    tpu.barrier barrier_id(%barrier3A_71)
    %add3A_72 = arith.constant 0 : i32
    %add3A_73 = arith.addi %mul3A_2, %add3A_72 : i32
    "tpu.region"() ({
      %run_scoped3A = tpu.sem_alloc : memref<!tpu.dma_semaphore, #tpu.memory_space<semaphore_mem>>
      %dma_start3A_92 = arith.constant 0 : i32
      %dma_start3A_93 = arith.constant 0 : i32
      %dma_start3A_94 = tpu.memref_slice %arg9[%dma_start3A_92, %dma_start3A_93] : memref<128x128xbf16, #tpu.memory_space<vmem>> -> memref<64x128xbf16, #tpu.memory_space<vmem>>
      %dma_start3A_95 = arith.constant 0 : i32
      %dma_start3A_96 = tpu.memref_slice %arg17[%add3A_73, %dma_start3A_95] : memref<10240x128xbf16, #tpu.memory_space<vmem_shared>> -> memref<64x128xbf16, #tpu.memory_space<vmem_shared>>
      %dma_start3A_97 = arith.constant 0 : i32
      %dma_start3A_98 = arith.constant 0 : i32
      %dma_start3A_99 = tpu.memref_slice %arg9[%dma_start3A_97, %dma_start3A_98] : memref<128x128xbf16, #tpu.memory_space<vmem>> -> memref<64x128xbf16, #tpu.memory_space<vmem>>
      %dma_start3A_100 = arith.constant 0 : i32
      %dma_start3A_101 = tpu.memref_slice %arg17[%add3A_73, %dma_start3A_100] : memref<10240x128xbf16, #tpu.memory_space<vmem_shared>> -> memref<64x128xbf16, #tpu.memory_space<vmem_shared>>
      tpu.enqueue_dma source(%dma_start3A_101 : memref<64x128xbf16, #tpu.memory_space<vmem_shared>>) target(%dma_start3A_99 : memref<64x128xbf16, #tpu.memory_space<vmem>>) target_semaphore(%run_scoped3A : memref<!tpu.dma_semaphore, #tpu.memory_space<semaphore_mem>>)
      %dma_wait3A = arith.constant 0 : i32
      %dma_wait3A_102 = arith.constant 0 : i32
      %dma_wait3A_103 = tpu.memref_slice %arg9[%dma_wait3A, %dma_wait3A_102] : memref<128x128xbf16, #tpu.memory_space<vmem>> -> memref<64x128xbf16, #tpu.memory_space<vmem>>
      %dma_wait3A_104 = arith.constant 0 : i32
      %dma_wait3A_105 = tpu.memref_slice %arg17[%add3A_73, %dma_wait3A_104] : memref<10240x128xbf16, #tpu.memory_space<vmem_shared>> -> memref<64x128xbf16, #tpu.memory_space<vmem_shared>>
      %dma_wait3A_106 = arith.constant 0 : i32
      %dma_wait3A_107 = arith.constant 0 : i32
      %dma_wait3A_108 = tpu.memref_slice %arg9[%dma_wait3A_106, %dma_wait3A_107] : memref<128x128xbf16, #tpu.memory_space<vmem>> -> memref<64x128xbf16, #tpu.memory_space<vmem>>
      %dma_wait3A_109 = arith.constant 0 : i32
      %dma_wait3A_110 = tpu.memref_slice %arg17[%add3A_73, %dma_wait3A_109] : memref<10240x128xbf16, #tpu.memory_space<vmem_shared>> -> memref<64x128xbf16, #tpu.memory_space<vmem_shared>>
      tpu.wait_dma2 semaphore(%run_scoped3A : memref<!tpu.dma_semaphore, #tpu.memory_space<semaphore_mem>>) src(%dma_wait3A_110 : memref<64x128xbf16, #tpu.memory_space<vmem_shared>>) dst(%dma_wait3A_108 : memref<64x128xbf16, #tpu.memory_space<vmem>>)
      tpu.yield
    }) : () -> ()
    "tpu.region"() ({
      %run_scoped3A = tpu.sem_alloc : memref<!tpu.dma_semaphore, #tpu.memory_space<semaphore_mem>>
      %dma_start3A_92 = arith.constant 0 : i32
      %dma_start3A_93 = arith.constant 0 : i32
      %dma_start3A_94 = tpu.memref_slice %arg9[%dma_start3A_92, %dma_start3A_93] : memref<128x128xbf16, #tpu.memory_space<vmem>> -> memref<64x128xbf16, #tpu.memory_space<vmem>>
      %dma_start3A_95 = arith.constant 0 : i32
      %dma_start3A_96 = tpu.memref_slice %arg6[%arg0, %add3A_73, %dma_start3A_95] : memref<2x10240x128xbf16, #tpu.memory_space<hbm>> -> memref<1x64x128xbf16, #tpu.memory_space<hbm>>
      %dma_start3A_97 = tpu.memref_squeeze %dma_start3A_96 : memref<1x64x128xbf16, #tpu.memory_space<hbm>> -> memref<64x128xbf16, #tpu.memory_space<hbm>>
      %dma_start3A_98 = arith.constant 0 : i32
      %dma_start3A_99 = tpu.memref_slice %arg6[%arg0, %add3A_73, %dma_start3A_98] : memref<2x10240x128xbf16, #tpu.memory_space<hbm>> -> memref<1x64x128xbf16, #tpu.memory_space<hbm>>
      %dma_start3A_100 = tpu.memref_squeeze %dma_start3A_99 : memref<1x64x128xbf16, #tpu.memory_space<hbm>> -> memref<64x128xbf16, #tpu.memory_space<hbm>>
      %dma_start3A_101 = arith.constant 0 : i32
      %dma_start3A_102 = arith.constant 0 : i32
      %dma_start3A_103 = tpu.memref_slice %arg9[%dma_start3A_101, %dma_start3A_102] : memref<128x128xbf16, #tpu.memory_space<vmem>> -> memref<64x128xbf16, #tpu.memory_space<vmem>>
      tpu.enqueue_dma source(%dma_start3A_103 : memref<64x128xbf16, #tpu.memory_space<vmem>>) target(%dma_start3A_100 : memref<64x128xbf16, #tpu.memory_space<hbm>>) target_semaphore(%run_scoped3A : memref<!tpu.dma_semaphore, #tpu.memory_space<semaphore_mem>>)
      %dma_wait3A = arith.constant 0 : i32
      %dma_wait3A_104 = arith.constant 0 : i32
      %dma_wait3A_105 = tpu.memref_slice %arg9[%dma_wait3A, %dma_wait3A_104] : memref<128x128xbf16, #tpu.memory_space<vmem>> -> memref<64x128xbf16, #tpu.memory_space<vmem>>
      %dma_wait3A_106 = arith.constant 0 : i32
      %dma_wait3A_107 = tpu.memref_slice %arg6[%arg0, %add3A_73, %dma_wait3A_106] : memref<2x10240x128xbf16, #tpu.memory_space<hbm>> -> memref<1x64x128xbf16, #tpu.memory_space<hbm>>
      %dma_wait3A_108 = tpu.memref_squeeze %dma_wait3A_107 : memref<1x64x128xbf16, #tpu.memory_space<hbm>> -> memref<64x128xbf16, #tpu.memory_space<hbm>>
      %dma_wait3A_109 = arith.constant 0 : i32
      %dma_wait3A_110 = tpu.memref_slice %arg6[%arg0, %add3A_73, %dma_wait3A_109] : memref<2x10240x128xbf16, #tpu.memory_space<hbm>> -> memref<1x64x128xbf16, #tpu.memory_space<hbm>>
      %dma_wait3A_111 = tpu.memref_squeeze %dma_wait3A_110 : memref<1x64x128xbf16, #tpu.memory_space<hbm>> -> memref<64x128xbf16, #tpu.memory_space<hbm>>
      %dma_wait3A_112 = arith.constant 0 : i32
      %dma_wait3A_113 = arith.constant 0 : i32
      %dma_wait3A_114 = tpu.memref_slice %arg9[%dma_wait3A_112, %dma_wait3A_113] : memref<128x128xbf16, #tpu.memory_space<vmem>> -> memref<64x128xbf16, #tpu.memory_space<vmem>>
      tpu.wait_dma2 semaphore(%run_scoped3A : memref<!tpu.dma_semaphore, #tpu.memory_space<semaphore_mem>>) src(%dma_wait3A_114 : memref<64x128xbf16, #tpu.memory_space<vmem>>) dst(%dma_wait3A_111 : memref<64x128xbf16, #tpu.memory_space<hbm>>)
      tpu.yield
    }) : () -> ()
    %add3A_74 = arith.constant 64 : i32
    %add3A_75 = arith.addi %mul3A_2, %add3A_74 : i32
    "tpu.region"() ({
      %run_scoped3A = tpu.sem_alloc : memref<!tpu.dma_semaphore, #tpu.memory_space<semaphore_mem>>
      %dma_start3A_92 = arith.constant 0 : i32
      %dma_start3A_93 = arith.constant 0 : i32
      %dma_start3A_94 = tpu.memref_slice %arg9[%dma_start3A_92, %dma_start3A_93] : memref<128x128xbf16, #tpu.memory_space<vmem>> -> memref<64x128xbf16, #tpu.memory_space<vmem>>
      %dma_start3A_95 = arith.constant 0 : i32
      %dma_start3A_96 = tpu.memref_slice %arg17[%add3A_75, %dma_start3A_95] : memref<10240x128xbf16, #tpu.memory_space<vmem_shared>> -> memref<64x128xbf16, #tpu.memory_space<vmem_shared>>
      %dma_start3A_97 = arith.constant 0 : i32
      %dma_start3A_98 = arith.constant 0 : i32
      %dma_start3A_99 = tpu.memref_slice %arg9[%dma_start3A_97, %dma_start3A_98] : memref<128x128xbf16, #tpu.memory_space<vmem>> -> memref<64x128xbf16, #tpu.memory_space<vmem>>
      %dma_start3A_100 = arith.constant 0 : i32
      %dma_start3A_101 = tpu.memref_slice %arg17[%add3A_75, %dma_start3A_100] : memref<10240x128xbf16, #tpu.memory_space<vmem_shared>> -> memref<64x128xbf16, #tpu.memory_space<vmem_shared>>
      tpu.enqueue_dma source(%dma_start3A_101 : memref<64x128xbf16, #tpu.memory_space<vmem_shared>>) target(%dma_start3A_99 : memref<64x128xbf16, #tpu.memory_space<vmem>>) target_semaphore(%run_scoped3A : memref<!tpu.dma_semaphore, #tpu.memory_space<semaphore_mem>>)
      %dma_wait3A = arith.constant 0 : i32
      %dma_wait3A_102 = arith.constant 0 : i32
      %dma_wait3A_103 = tpu.memref_slice %arg9[%dma_wait3A, %dma_wait3A_102] : memref<128x128xbf16, #tpu.memory_space<vmem>> -> memref<64x128xbf16, #tpu.memory_space<vmem>>
      %dma_wait3A_104 = arith.constant 0 : i32
      %dma_wait3A_105 = tpu.memref_slice %arg17[%add3A_75, %dma_wait3A_104] : memref<10240x128xbf16, #tpu.memory_space<vmem_shared>> -> memref<64x128xbf16, #tpu.memory_space<vmem_shared>>
      %dma_wait3A_106 = arith.constant 0 : i32
      %dma_wait3A_107 = arith.constant 0 : i32
      %dma_wait3A_108 = tpu.memref_slice %arg9[%dma_wait3A_106, %dma_wait3A_107] : memref<128x128xbf16, #tpu.memory_space<vmem>> -> memref<64x128xbf16, #tpu.memory_space<vmem>>
      %dma_wait3A_109 = arith.constant 0 : i32
      %dma_wait3A_110 = tpu.memref_slice %arg17[%add3A_75, %dma_wait3A_109] : memref<10240x128xbf16, #tpu.memory_space<vmem_shared>> -> memref<64x128xbf16, #tpu.memory_space<vmem_shared>>
      tpu.wait_dma2 semaphore(%run_scoped3A : memref<!tpu.dma_semaphore, #tpu.memory_space<semaphore_mem>>) src(%dma_wait3A_110 : memref<64x128xbf16, #tpu.memory_space<vmem_shared>>) dst(%dma_wait3A_108 : memref<64x128xbf16, #tpu.memory_space<vmem>>)
      tpu.yield
    }) : () -> ()
    "tpu.region"() ({
      %run_scoped3A = tpu.sem_alloc : memref<!tpu.dma_semaphore, #tpu.memory_space<semaphore_mem>>
      %dma_start3A_92 = arith.constant 0 : i32
      %dma_start3A_93 = arith.constant 0 : i32
      %dma_start3A_94 = tpu.memref_slice %arg9[%dma_start3A_92, %dma_start3A_93] : memref<128x128xbf16, #tpu.memory_space<vmem>> -> memref<64x128xbf16, #tpu.memory_space<vmem>>
      %dma_start3A_95 = arith.constant 0 : i32
      %dma_start3A_96 = tpu.memref_slice %arg6[%arg0, %add3A_75, %dma_start3A_95] : memref<2x10240x128xbf16, #tpu.memory_space<hbm>> -> memref<1x64x128xbf16, #tpu.memory_space<hbm>>
      %dma_start3A_97 = tpu.memref_squeeze %dma_start3A_96 : memref<1x64x128xbf16, #tpu.memory_space<hbm>> -> memref<64x128xbf16, #tpu.memory_space<hbm>>
      %dma_start3A_98 = arith.constant 0 : i32
      %dma_start3A_99 = tpu.memref_slice %arg6[%arg0, %add3A_75, %dma_start3A_98] : memref<2x10240x128xbf16, #tpu.memory_space<hbm>> -> memref<1x64x128xbf16, #tpu.memory_space<hbm>>
      %dma_start3A_100 = tpu.memref_squeeze %dma_start3A_99 : memref<1x64x128xbf16, #tpu.memory_space<hbm>> -> memref<64x128xbf16, #tpu.memory_space<hbm>>
      %dma_start3A_101 = arith.constant 0 : i32
      %dma_start3A_102 = arith.constant 0 : i32
      %dma_start3A_103 = tpu.memref_slice %arg9[%dma_start3A_101, %dma_start3A_102] : memref<128x128xbf16, #tpu.memory_space<vmem>> -> memref<64x128xbf16, #tpu.memory_space<vmem>>
      tpu.enqueue_dma source(%dma_start3A_103 : memref<64x128xbf16, #tpu.memory_space<vmem>>) target(%dma_start3A_100 : memref<64x128xbf16, #tpu.memory_space<hbm>>) target_semaphore(%run_scoped3A : memref<!tpu.dma_semaphore, #tpu.memory_space<semaphore_mem>>)
      %dma_wait3A = arith.constant 0 : i32
      %dma_wait3A_104 = arith.constant 0 : i32
      %dma_wait3A_105 = tpu.memref_slice %arg9[%dma_wait3A, %dma_wait3A_104] : memref<128x128xbf16, #tpu.memory_space<vmem>> -> memref<64x128xbf16, #tpu.memory_space<vmem>>
      %dma_wait3A_106 = arith.constant 0 : i32
      %dma_wait3A_107 = tpu.memref_slice %arg6[%arg0, %add3A_75, %dma_wait3A_106] : memref<2x10240x128xbf16, #tpu.memory_space<hbm>> -> memref<1x64x128xbf16, #tpu.memory_space<hbm>>
      %dma_wait3A_108 = tpu.memref_squeeze %dma_wait3A_107 : memref<1x64x128xbf16, #tpu.memory_space<hbm>> -> memref<64x128xbf16, #tpu.memory_space<hbm>>
      %dma_wait3A_109 = arith.constant 0 : i32
      %dma_wait3A_110 = tpu.memref_slice %arg6[%arg0, %add3A_75, %dma_wait3A_109] : memref<2x10240x128xbf16, #tpu.memory_space<hbm>> -> memref<1x64x128xbf16, #tpu.memory_space<hbm>>
      %dma_wait3A_111 = tpu.memref_squeeze %dma_wait3A_110 : memref<1x64x128xbf16, #tpu.memory_space<hbm>> -> memref<64x128xbf16, #tpu.memory_space<hbm>>
      %dma_wait3A_112 = arith.constant 0 : i32
      %dma_wait3A_113 = arith.constant 0 : i32
      %dma_wait3A_114 = tpu.memref_slice %arg9[%dma_wait3A_112, %dma_wait3A_113] : memref<128x128xbf16, #tpu.memory_space<vmem>> -> memref<64x128xbf16, #tpu.memory_space<vmem>>
      tpu.wait_dma2 semaphore(%run_scoped3A : memref<!tpu.dma_semaphore, #tpu.memory_space<semaphore_mem>>) src(%dma_wait3A_114 : memref<64x128xbf16, #tpu.memory_space<vmem>>) dst(%dma_wait3A_111 : memref<64x128xbf16, #tpu.memory_space<hbm>>)
      tpu.yield
    }) : () -> ()
    %add3A_76 = arith.constant 128 : i32
    %add3A_77 = arith.addi %mul3A_2, %add3A_76 : i32
    "tpu.region"() ({
      %run_scoped3A = tpu.sem_alloc : memref<!tpu.dma_semaphore, #tpu.memory_space<semaphore_mem>>
      %dma_start3A_92 = arith.constant 0 : i32
      %dma_start3A_93 = arith.constant 0 : i32
      %dma_start3A_94 = tpu.memref_slice %arg9[%dma_start3A_92, %dma_start3A_93] : memref<128x128xbf16, #tpu.memory_space<vmem>> -> memref<64x128xbf16, #tpu.memory_space<vmem>>
      %dma_start3A_95 = arith.constant 0 : i32
      %dma_start3A_96 = tpu.memref_slice %arg17[%add3A_77, %dma_start3A_95] : memref<10240x128xbf16, #tpu.memory_space<vmem_shared>> -> memref<64x128xbf16, #tpu.memory_space<vmem_shared>>
      %dma_start3A_97 = arith.constant 0 : i32
      %dma_start3A_98 = arith.constant 0 : i32
      %dma_start3A_99 = tpu.memref_slice %arg9[%dma_start3A_97, %dma_start3A_98] : memref<128x128xbf16, #tpu.memory_space<vmem>> -> memref<64x128xbf16, #tpu.memory_space<vmem>>
      %dma_start3A_100 = arith.constant 0 : i32
      %dma_start3A_101 = tpu.memref_slice %arg17[%add3A_77, %dma_start3A_100] : memref<10240x128xbf16, #tpu.memory_space<vmem_shared>> -> memref<64x128xbf16, #tpu.memory_space<vmem_shared>>
      tpu.enqueue_dma source(%dma_start3A_101 : memref<64x128xbf16, #tpu.memory_space<vmem_shared>>) target(%dma_start3A_99 : memref<64x128xbf16, #tpu.memory_space<vmem>>) target_semaphore(%run_scoped3A : memref<!tpu.dma_semaphore, #tpu.memory_space<semaphore_mem>>)
      %dma_wait3A = arith.constant 0 : i32
      %dma_wait3A_102 = arith.constant 0 : i32
      %dma_wait3A_103 = tpu.memref_slice %arg9[%dma_wait3A, %dma_wait3A_102] : memref<128x128xbf16, #tpu.memory_space<vmem>> -> memref<64x128xbf16, #tpu.memory_space<vmem>>
      %dma_wait3A_104 = arith.constant 0 : i32
      %dma_wait3A_105 = tpu.memref_slice %arg17[%add3A_77, %dma_wait3A_104] : memref<10240x128xbf16, #tpu.memory_space<vmem_shared>> -> memref<64x128xbf16, #tpu.memory_space<vmem_shared>>
      %dma_wait3A_106 = arith.constant 0 : i32
      %dma_wait3A_107 = arith.constant 0 : i32
      %dma_wait3A_108 = tpu.memref_slice %arg9[%dma_wait3A_106, %dma_wait3A_107] : memref<128x128xbf16, #tpu.memory_space<vmem>> -> memref<64x128xbf16, #tpu.memory_space<vmem>>
      %dma_wait3A_109 = arith.constant 0 : i32
      %dma_wait3A_110 = tpu.memref_slice %arg17[%add3A_77, %dma_wait3A_109] : memref<10240x128xbf16, #tpu.memory_space<vmem_shared>> -> memref<64x128xbf16, #tpu.memory_space<vmem_shared>>
      tpu.wait_dma2 semaphore(%run_scoped3A : memref<!tpu.dma_semaphore, #tpu.memory_space<semaphore_mem>>) src(%dma_wait3A_110 : memref<64x128xbf16, #tpu.memory_space<vmem_shared>>) dst(%dma_wait3A_108 : memref<64x128xbf16, #tpu.memory_space<vmem>>)
      tpu.yield
    }) : () -> ()
    "tpu.region"() ({
      %run_scoped3A = tpu.sem_alloc : memref<!tpu.dma_semaphore, #tpu.memory_space<semaphore_mem>>
      %dma_start3A_92 = arith.constant 0 : i32
      %dma_start3A_93 = arith.constant 0 : i32
      %dma_start3A_94 = tpu.memref_slice %arg9[%dma_start3A_92, %dma_start3A_93] : memref<128x128xbf16, #tpu.memory_space<vmem>> -> memref<64x128xbf16, #tpu.memory_space<vmem>>
      %dma_start3A_95 = arith.constant 0 : i32
      %dma_start3A_96 = tpu.memref_slice %arg6[%arg0, %add3A_77, %dma_start3A_95] : memref<2x10240x128xbf16, #tpu.memory_space<hbm>> -> memref<1x64x128xbf16, #tpu.memory_space<hbm>>
      %dma_start3A_97 = tpu.memref_squeeze %dma_start3A_96 : memref<1x64x128xbf16, #tpu.memory_space<hbm>> -> memref<64x128xbf16, #tpu.memory_space<hbm>>
      %dma_start3A_98 = arith.constant 0 : i32
      %dma_start3A_99 = tpu.memref_slice %arg6[%arg0, %add3A_77, %dma_start3A_98] : memref<2x10240x128xbf16, #tpu.memory_space<hbm>> -> memref<1x64x128xbf16, #tpu.memory_space<hbm>>
      %dma_start3A_100 = tpu.memref_squeeze %dma_start3A_99 : memref<1x64x128xbf16, #tpu.memory_space<hbm>> -> memref<64x128xbf16, #tpu.memory_space<hbm>>
      %dma_start3A_101 = arith.constant 0 : i32
      %dma_start3A_102 = arith.constant 0 : i32
      %dma_start3A_103 = tpu.memref_slice %arg9[%dma_start3A_101, %dma_start3A_102] : memref<128x128xbf16, #tpu.memory_space<vmem>> -> memref<64x128xbf16, #tpu.memory_space<vmem>>
      tpu.enqueue_dma source(%dma_start3A_103 : memref<64x128xbf16, #tpu.memory_space<vmem>>) target(%dma_start3A_100 : memref<64x128xbf16, #tpu.memory_space<hbm>>) target_semaphore(%run_scoped3A : memref<!tpu.dma_semaphore, #tpu.memory_space<semaphore_mem>>)
      %dma_wait3A = arith.constant 0 : i32
      %dma_wait3A_104 = arith.constant 0 : i32
      %dma_wait3A_105 = tpu.memref_slice %arg9[%dma_wait3A, %dma_wait3A_104] : memref<128x128xbf16, #tpu.memory_space<vmem>> -> memref<64x128xbf16, #tpu.memory_space<vmem>>
      %dma_wait3A_106 = arith.constant 0 : i32
      %dma_wait3A_107 = tpu.memref_slice %arg6[%arg0, %add3A_77, %dma_wait3A_106] : memref<2x10240x128xbf16, #tpu.memory_space<hbm>> -> memref<1x64x128xbf16, #tpu.memory_space<hbm>>
      %dma_wait3A_108 = tpu.memref_squeeze %dma_wait3A_107 : memref<1x64x128xbf16, #tpu.memory_space<hbm>> -> memref<64x128xbf16, #tpu.memory_space<hbm>>
      %dma_wait3A_109 = arith.constant 0 : i32
      %dma_wait3A_110 = tpu.memref_slice %arg6[%arg0, %add3A_77, %dma_wait3A_109] : memref<2x10240x128xbf16, #tpu.memory_space<hbm>> -> memref<1x64x128xbf16, #tpu.memory_space<hbm>>
      %dma_wait3A_111 = tpu.memref_squeeze %dma_wait3A_110 : memref<1x64x128xbf16, #tpu.memory_space<hbm>> -> memref<64x128xbf16, #tpu.memory_space<hbm>>
      %dma_wait3A_112 = arith.constant 0 : i32
      %dma_wait3A_113 = arith.constant 0 : i32
      %dma_wait3A_114 = tpu.memref_slice %arg9[%dma_wait3A_112, %dma_wait3A_113] : memref<128x128xbf16, #tpu.memory_space<vmem>> -> memref<64x128xbf16, #tpu.memory_space<vmem>>
      tpu.wait_dma2 semaphore(%run_scoped3A : memref<!tpu.dma_semaphore, #tpu.memory_space<semaphore_mem>>) src(%dma_wait3A_114 : memref<64x128xbf16, #tpu.memory_space<vmem>>) dst(%dma_wait3A_111 : memref<64x128xbf16, #tpu.memory_space<hbm>>)
      tpu.yield
    }) : () -> ()
    %add3A_78 = arith.constant 192 : i32
    %add3A_79 = arith.addi %mul3A_2, %add3A_78 : i32
    "tpu.region"() ({
      %run_scoped3A = tpu.sem_alloc : memref<!tpu.dma_semaphore, #tpu.memory_space<semaphore_mem>>
      %dma_start3A_92 = arith.constant 0 : i32
      %dma_start3A_93 = arith.constant 0 : i32
      %dma_start3A_94 = tpu.memref_slice %arg9[%dma_start3A_92, %dma_start3A_93] : memref<128x128xbf16, #tpu.memory_space<vmem>> -> memref<64x128xbf16, #tpu.memory_space<vmem>>
      %dma_start3A_95 = arith.constant 0 : i32
      %dma_start3A_96 = tpu.memref_slice %arg17[%add3A_79, %dma_start3A_95] : memref<10240x128xbf16, #tpu.memory_space<vmem_shared>> -> memref<64x128xbf16, #tpu.memory_space<vmem_shared>>
      %dma_start3A_97 = arith.constant 0 : i32
      %dma_start3A_98 = arith.constant 0 : i32
      %dma_start3A_99 = tpu.memref_slice %arg9[%dma_start3A_97, %dma_start3A_98] : memref<128x128xbf16, #tpu.memory_space<vmem>> -> memref<64x128xbf16, #tpu.memory_space<vmem>>
      %dma_start3A_100 = arith.constant 0 : i32
      %dma_start3A_101 = tpu.memref_slice %arg17[%add3A_79, %dma_start3A_100] : memref<10240x128xbf16, #tpu.memory_space<vmem_shared>> -> memref<64x128xbf16, #tpu.memory_space<vmem_shared>>
      tpu.enqueue_dma source(%dma_start3A_101 : memref<64x128xbf16, #tpu.memory_space<vmem_shared>>) target(%dma_start3A_99 : memref<64x128xbf16, #tpu.memory_space<vmem>>) target_semaphore(%run_scoped3A : memref<!tpu.dma_semaphore, #tpu.memory_space<semaphore_mem>>)
      %dma_wait3A = arith.constant 0 : i32
      %dma_wait3A_102 = arith.constant 0 : i32
      %dma_wait3A_103 = tpu.memref_slice %arg9[%dma_wait3A, %dma_wait3A_102] : memref<128x128xbf16, #tpu.memory_space<vmem>> -> memref<64x128xbf16, #tpu.memory_space<vmem>>
      %dma_wait3A_104 = arith.constant 0 : i32
      %dma_wait3A_105 = tpu.memref_slice %arg17[%add3A_79, %dma_wait3A_104] : memref<10240x128xbf16, #tpu.memory_space<vmem_shared>> -> memref<64x128xbf16, #tpu.memory_space<vmem_shared>>
      %dma_wait3A_106 = arith.constant 0 : i32
      %dma_wait3A_107 = arith.constant 0 : i32
      %dma_wait3A_108 = tpu.memref_slice %arg9[%dma_wait3A_106, %dma_wait3A_107] : memref<128x128xbf16, #tpu.memory_space<vmem>> -> memref<64x128xbf16, #tpu.memory_space<vmem>>
      %dma_wait3A_109 = arith.constant 0 : i32
      %dma_wait3A_110 = tpu.memref_slice %arg17[%add3A_79, %dma_wait3A_109] : memref<10240x128xbf16, #tpu.memory_space<vmem_shared>> -> memref<64x128xbf16, #tpu.memory_space<vmem_shared>>
      tpu.wait_dma2 semaphore(%run_scoped3A : memref<!tpu.dma_semaphore, #tpu.memory_space<semaphore_mem>>) src(%dma_wait3A_110 : memref<64x128xbf16, #tpu.memory_space<vmem_shared>>) dst(%dma_wait3A_108 : memref<64x128xbf16, #tpu.memory_space<vmem>>)
      tpu.yield
    }) : () -> ()
    "tpu.region"() ({
      %run_scoped3A = tpu.sem_alloc : memref<!tpu.dma_semaphore, #tpu.memory_space<semaphore_mem>>
      %dma_start3A_92 = arith.constant 0 : i32
      %dma_start3A_93 = arith.constant 0 : i32
      %dma_start3A_94 = tpu.memref_slice %arg9[%dma_start3A_92, %dma_start3A_93] : memref<128x128xbf16, #tpu.memory_space<vmem>> -> memref<64x128xbf16, #tpu.memory_space<vmem>>
      %dma_start3A_95 = arith.constant 0 : i32
      %dma_start3A_96 = tpu.memref_slice %arg6[%arg0, %add3A_79, %dma_start3A_95] : memref<2x10240x128xbf16, #tpu.memory_space<hbm>> -> memref<1x64x128xbf16, #tpu.memory_space<hbm>>
      %dma_start3A_97 = tpu.memref_squeeze %dma_start3A_96 : memref<1x64x128xbf16, #tpu.memory_space<hbm>> -> memref<64x128xbf16, #tpu.memory_space<hbm>>
      %dma_start3A_98 = arith.constant 0 : i32
      %dma_start3A_99 = tpu.memref_slice %arg6[%arg0, %add3A_79, %dma_start3A_98] : memref<2x10240x128xbf16, #tpu.memory_space<hbm>> -> memref<1x64x128xbf16, #tpu.memory_space<hbm>>
      %dma_start3A_100 = tpu.memref_squeeze %dma_start3A_99 : memref<1x64x128xbf16, #tpu.memory_space<hbm>> -> memref<64x128xbf16, #tpu.memory_space<hbm>>
      %dma_start3A_101 = arith.constant 0 : i32
      %dma_start3A_102 = arith.constant 0 : i32
      %dma_start3A_103 = tpu.memref_slice %arg9[%dma_start3A_101, %dma_start3A_102] : memref<128x128xbf16, #tpu.memory_space<vmem>> -> memref<64x128xbf16, #tpu.memory_space<vmem>>
      tpu.enqueue_dma source(%dma_start3A_103 : memref<64x128xbf16, #tpu.memory_space<vmem>>) target(%dma_start3A_100 : memref<64x128xbf16, #tpu.memory_space<hbm>>) target_semaphore(%run_scoped3A : memref<!tpu.dma_semaphore, #tpu.memory_space<semaphore_mem>>)
      %dma_wait3A = arith.constant 0 : i32
      %dma_wait3A_104 = arith.constant 0 : i32
      %dma_wait3A_105 = tpu.memref_slice %arg9[%dma_wait3A, %dma_wait3A_104] : memref<128x128xbf16, #tpu.memory_space<vmem>> -> memref<64x128xbf16, #tpu.memory_space<vmem>>
      %dma_wait3A_106 = arith.constant 0 : i32
      %dma_wait3A_107 = tpu.memref_slice %arg6[%arg0, %add3A_79, %dma_wait3A_106] : memref<2x10240x128xbf16, #tpu.memory_space<hbm>> -> memref<1x64x128xbf16, #tpu.memory_space<hbm>>
      %dma_wait3A_108 = tpu.memref_squeeze %dma_wait3A_107 : memref<1x64x128xbf16, #tpu.memory_space<hbm>> -> memref<64x128xbf16, #tpu.memory_space<hbm>>
      %dma_wait3A_109 = arith.constant 0 : i32
      %dma_wait3A_110 = tpu.memref_slice %arg6[%arg0, %add3A_79, %dma_wait3A_109] : memref<2x10240x128xbf16, #tpu.memory_space<hbm>> -> memref<1x64x128xbf16, #tpu.memory_space<hbm>>
      %dma_wait3A_111 = tpu.memref_squeeze %dma_wait3A_110 : memref<1x64x128xbf16, #tpu.memory_space<hbm>> -> memref<64x128xbf16, #tpu.memory_space<hbm>>
      %dma_wait3A_112 = arith.constant 0 : i32
      %dma_wait3A_113 = arith.constant 0 : i32
      %dma_wait3A_114 = tpu.memref_slice %arg9[%dma_wait3A_112, %dma_wait3A_113] : memref<128x128xbf16, #tpu.memory_space<vmem>> -> memref<64x128xbf16, #tpu.memory_space<vmem>>
      tpu.wait_dma2 semaphore(%run_scoped3A : memref<!tpu.dma_semaphore, #tpu.memory_space<semaphore_mem>>) src(%dma_wait3A_114 : memref<64x128xbf16, #tpu.memory_space<vmem>>) dst(%dma_wait3A_111 : memref<64x128xbf16, #tpu.memory_space<hbm>>)
      tpu.yield
    }) : () -> ()
    %add3A_80 = arith.constant 256 : i32
    %add3A_81 = arith.addi %mul3A_2, %add3A_80 : i32
    "tpu.region"() ({
      %run_scoped3A = tpu.sem_alloc : memref<!tpu.dma_semaphore, #tpu.memory_space<semaphore_mem>>
      %dma_start3A_92 = arith.constant 0 : i32
      %dma_start3A_93 = arith.constant 0 : i32
      %dma_start3A_94 = tpu.memref_slice %arg9[%dma_start3A_92, %dma_start3A_93] : memref<128x128xbf16, #tpu.memory_space<vmem>> -> memref<64x128xbf16, #tpu.memory_space<vmem>>
      %dma_start3A_95 = arith.constant 0 : i32
      %dma_start3A_96 = tpu.memref_slice %arg17[%add3A_81, %dma_start3A_95] : memref<10240x128xbf16, #tpu.memory_space<vmem_shared>> -> memref<64x128xbf16, #tpu.memory_space<vmem_shared>>
      %dma_start3A_97 = arith.constant 0 : i32
      %dma_start3A_98 = arith.constant 0 : i32
      %dma_start3A_99 = tpu.memref_slice %arg9[%dma_start3A_97, %dma_start3A_98] : memref<128x128xbf16, #tpu.memory_space<vmem>> -> memref<64x128xbf16, #tpu.memory_space<vmem>>
      %dma_start3A_100 = arith.constant 0 : i32
      %dma_start3A_101 = tpu.memref_slice %arg17[%add3A_81, %dma_start3A_100] : memref<10240x128xbf16, #tpu.memory_space<vmem_shared>> -> memref<64x128xbf16, #tpu.memory_space<vmem_shared>>
      tpu.enqueue_dma source(%dma_start3A_101 : memref<64x128xbf16, #tpu.memory_space<vmem_shared>>) target(%dma_start3A_99 : memref<64x128xbf16, #tpu.memory_space<vmem>>) target_semaphore(%run_scoped3A : memref<!tpu.dma_semaphore, #tpu.memory_space<semaphore_mem>>)
      %dma_wait3A = arith.constant 0 : i32
      %dma_wait3A_102 = arith.constant 0 : i32
      %dma_wait3A_103 = tpu.memref_slice %arg9[%dma_wait3A, %dma_wait3A_102] : memref<128x128xbf16, #tpu.memory_space<vmem>> -> memref<64x128xbf16, #tpu.memory_space<vmem>>
      %dma_wait3A_104 = arith.constant 0 : i32
      %dma_wait3A_105 = tpu.memref_slice %arg17[%add3A_81, %dma_wait3A_104] : memref<10240x128xbf16, #tpu.memory_space<vmem_shared>> -> memref<64x128xbf16, #tpu.memory_space<vmem_shared>>
      %dma_wait3A_106 = arith.constant 0 : i32
      %dma_wait3A_107 = arith.constant 0 : i32
      %dma_wait3A_108 = tpu.memref_slice %arg9[%dma_wait3A_106, %dma_wait3A_107] : memref<128x128xbf16, #tpu.memory_space<vmem>> -> memref<64x128xbf16, #tpu.memory_space<vmem>>
      %dma_wait3A_109 = arith.constant 0 : i32
      %dma_wait3A_110 = tpu.memref_slice %arg17[%add3A_81, %dma_wait3A_109] : memref<10240x128xbf16, #tpu.memory_space<vmem_shared>> -> memref<64x128xbf16, #tpu.memory_space<vmem_shared>>
      tpu.wait_dma2 semaphore(%run_scoped3A : memref<!tpu.dma_semaphore, #tpu.memory_space<semaphore_mem>>) src(%dma_wait3A_110 : memref<64x128xbf16, #tpu.memory_space<vmem_shared>>) dst(%dma_wait3A_108 : memref<64x128xbf16, #tpu.memory_space<vmem>>)
      tpu.yield
    }) : () -> ()
    "tpu.region"() ({
      %run_scoped3A = tpu.sem_alloc : memref<!tpu.dma_semaphore, #tpu.memory_space<semaphore_mem>>
      %dma_start3A_92 = arith.constant 0 : i32
      %dma_start3A_93 = arith.constant 0 : i32
      %dma_start3A_94 = tpu.memref_slice %arg9[%dma_start3A_92, %dma_start3A_93] : memref<128x128xbf16, #tpu.memory_space<vmem>> -> memref<64x128xbf16, #tpu.memory_space<vmem>>
      %dma_start3A_95 = arith.constant 0 : i32
      %dma_start3A_96 = tpu.memref_slice %arg6[%arg0, %add3A_81, %dma_start3A_95] : memref<2x10240x128xbf16, #tpu.memory_space<hbm>> -> memref<1x64x128xbf16, #tpu.memory_space<hbm>>
      %dma_start3A_97 = tpu.memref_squeeze %dma_start3A_96 : memref<1x64x128xbf16, #tpu.memory_space<hbm>> -> memref<64x128xbf16, #tpu.memory_space<hbm>>
      %dma_start3A_98 = arith.constant 0 : i32
      %dma_start3A_99 = tpu.memref_slice %arg6[%arg0, %add3A_81, %dma_start3A_98] : memref<2x10240x128xbf16, #tpu.memory_space<hbm>> -> memref<1x64x128xbf16, #tpu.memory_space<hbm>>
      %dma_start3A_100 = tpu.memref_squeeze %dma_start3A_99 : memref<1x64x128xbf16, #tpu.memory_space<hbm>> -> memref<64x128xbf16, #tpu.memory_space<hbm>>
      %dma_start3A_101 = arith.constant 0 : i32
      %dma_start3A_102 = arith.constant 0 : i32
      %dma_start3A_103 = tpu.memref_slice %arg9[%dma_start3A_101, %dma_start3A_102] : memref<128x128xbf16, #tpu.memory_space<vmem>> -> memref<64x128xbf16, #tpu.memory_space<vmem>>
      tpu.enqueue_dma source(%dma_start3A_103 : memref<64x128xbf16, #tpu.memory_space<vmem>>) target(%dma_start3A_100 : memref<64x128xbf16, #tpu.memory_space<hbm>>) target_semaphore(%run_scoped3A : memref<!tpu.dma_semaphore, #tpu.memory_space<semaphore_mem>>)
      %dma_wait3A = arith.constant 0 : i32
      %dma_wait3A_104 = arith.constant 0 : i32
      %dma_wait3A_105 = tpu.memref_slice %arg9[%dma_wait3A, %dma_wait3A_104] : memref<128x128xbf16, #tpu.memory_space<vmem>> -> memref<64x128xbf16, #tpu.memory_space<vmem>>
      %dma_wait3A_106 = arith.constant 0 : i32
      %dma_wait3A_107 = tpu.memref_slice %arg6[%arg0, %add3A_81, %dma_wait3A_106] : memref<2x10240x128xbf16, #tpu.memory_space<hbm>> -> memref<1x64x128xbf16, #tpu.memory_space<hbm>>
      %dma_wait3A_108 = tpu.memref_squeeze %dma_wait3A_107 : memref<1x64x128xbf16, #tpu.memory_space<hbm>> -> memref<64x128xbf16, #tpu.memory_space<hbm>>
      %dma_wait3A_109 = arith.constant 0 : i32
      %dma_wait3A_110 = tpu.memref_slice %arg6[%arg0, %add3A_81, %dma_wait3A_109] : memref<2x10240x128xbf16, #tpu.memory_space<hbm>> -> memref<1x64x128xbf16, #tpu.memory_space<hbm>>
      %dma_wait3A_111 = tpu.memref_squeeze %dma_wait3A_110 : memref<1x64x128xbf16, #tpu.memory_space<hbm>> -> memref<64x128xbf16, #tpu.memory_space<hbm>>
      %dma_wait3A_112 = arith.constant 0 : i32
      %dma_wait3A_113 = arith.constant 0 : i32
      %dma_wait3A_114 = tpu.memref_slice %arg9[%dma_wait3A_112, %dma_wait3A_113] : memref<128x128xbf16, #tpu.memory_space<vmem>> -> memref<64x128xbf16, #tpu.memory_space<vmem>>
      tpu.wait_dma2 semaphore(%run_scoped3A : memref<!tpu.dma_semaphore, #tpu.memory_space<semaphore_mem>>) src(%dma_wait3A_114 : memref<64x128xbf16, #tpu.memory_space<vmem>>) dst(%dma_wait3A_111 : memref<64x128xbf16, #tpu.memory_space<hbm>>)
      tpu.yield
    }) : () -> ()
    %add3A_82 = arith.constant 320 : i32
    %add3A_83 = arith.addi %mul3A_2, %add3A_82 : i32
    "tpu.region"() ({
      %run_scoped3A = tpu.sem_alloc : memref<!tpu.dma_semaphore, #tpu.memory_space<semaphore_mem>>
      %dma_start3A_92 = arith.constant 0 : i32
      %dma_start3A_93 = arith.constant 0 : i32
      %dma_start3A_94 = tpu.memref_slice %arg9[%dma_start3A_92, %dma_start3A_93] : memref<128x128xbf16, #tpu.memory_space<vmem>> -> memref<64x128xbf16, #tpu.memory_space<vmem>>
      %dma_start3A_95 = arith.constant 0 : i32
      %dma_start3A_96 = tpu.memref_slice %arg17[%add3A_83, %dma_start3A_95] : memref<10240x128xbf16, #tpu.memory_space<vmem_shared>> -> memref<64x128xbf16, #tpu.memory_space<vmem_shared>>
      %dma_start3A_97 = arith.constant 0 : i32
      %dma_start3A_98 = arith.constant 0 : i32
      %dma_start3A_99 = tpu.memref_slice %arg9[%dma_start3A_97, %dma_start3A_98] : memref<128x128xbf16, #tpu.memory_space<vmem>> -> memref<64x128xbf16, #tpu.memory_space<vmem>>
      %dma_start3A_100 = arith.constant 0 : i32
      %dma_start3A_101 = tpu.memref_slice %arg17[%add3A_83, %dma_start3A_100] : memref<10240x128xbf16, #tpu.memory_space<vmem_shared>> -> memref<64x128xbf16, #tpu.memory_space<vmem_shared>>
      tpu.enqueue_dma source(%dma_start3A_101 : memref<64x128xbf16, #tpu.memory_space<vmem_shared>>) target(%dma_start3A_99 : memref<64x128xbf16, #tpu.memory_space<vmem>>) target_semaphore(%run_scoped3A : memref<!tpu.dma_semaphore, #tpu.memory_space<semaphore_mem>>)
      %dma_wait3A = arith.constant 0 : i32
      %dma_wait3A_102 = arith.constant 0 : i32
      %dma_wait3A_103 = tpu.memref_slice %arg9[%dma_wait3A, %dma_wait3A_102] : memref<128x128xbf16, #tpu.memory_space<vmem>> -> memref<64x128xbf16, #tpu.memory_space<vmem>>
      %dma_wait3A_104 = arith.constant 0 : i32
      %dma_wait3A_105 = tpu.memref_slice %arg17[%add3A_83, %dma_wait3A_104] : memref<10240x128xbf16, #tpu.memory_space<vmem_shared>> -> memref<64x128xbf16, #tpu.memory_space<vmem_shared>>
      %dma_wait3A_106 = arith.constant 0 : i32
      %dma_wait3A_107 = arith.constant 0 : i32
      %dma_wait3A_108 = tpu.memref_slice %arg9[%dma_wait3A_106, %dma_wait3A_107] : memref<128x128xbf16, #tpu.memory_space<vmem>> -> memref<64x128xbf16, #tpu.memory_space<vmem>>
      %dma_wait3A_109 = arith.constant 0 : i32
      %dma_wait3A_110 = tpu.memref_slice %arg17[%add3A_83, %dma_wait3A_109] : memref<10240x128xbf16, #tpu.memory_space<vmem_shared>> -> memref<64x128xbf16, #tpu.memory_space<vmem_shared>>
      tpu.wait_dma2 semaphore(%run_scoped3A : memref<!tpu.dma_semaphore, #tpu.memory_space<semaphore_mem>>) src(%dma_wait3A_110 : memref<64x128xbf16, #tpu.memory_space<vmem_shared>>) dst(%dma_wait3A_108 : memref<64x128xbf16, #tpu.memory_space<vmem>>)
      tpu.yield
    }) : () -> ()
    "tpu.region"() ({
      %run_scoped3A = tpu.sem_alloc : memref<!tpu.dma_semaphore, #tpu.memory_space<semaphore_mem>>
      %dma_start3A_92 = arith.constant 0 : i32
      %dma_start3A_93 = arith.constant 0 : i32
      %dma_start3A_94 = tpu.memref_slice %arg9[%dma_start3A_92, %dma_start3A_93] : memref<128x128xbf16, #tpu.memory_space<vmem>> -> memref<64x128xbf16, #tpu.memory_space<vmem>>
      %dma_start3A_95 = arith.constant 0 : i32
      %dma_start3A_96 = tpu.memref_slice %arg6[%arg0, %add3A_83, %dma_start3A_95] : memref<2x10240x128xbf16, #tpu.memory_space<hbm>> -> memref<1x64x128xbf16, #tpu.memory_space<hbm>>
      %dma_start3A_97 = tpu.memref_squeeze %dma_start3A_96 : memref<1x64x128xbf16, #tpu.memory_space<hbm>> -> memref<64x128xbf16, #tpu.memory_space<hbm>>
      %dma_start3A_98 = arith.constant 0 : i32
      %dma_start3A_99 = tpu.memref_slice %arg6[%arg0, %add3A_83, %dma_start3A_98] : memref<2x10240x128xbf16, #tpu.memory_space<hbm>> -> memref<1x64x128xbf16, #tpu.memory_space<hbm>>
      %dma_start3A_100 = tpu.memref_squeeze %dma_start3A_99 : memref<1x64x128xbf16, #tpu.memory_space<hbm>> -> memref<64x128xbf16, #tpu.memory_space<hbm>>
      %dma_start3A_101 = arith.constant 0 : i32
      %dma_start3A_102 = arith.constant 0 : i32
      %dma_start3A_103 = tpu.memref_slice %arg9[%dma_start3A_101, %dma_start3A_102] : memref<128x128xbf16, #tpu.memory_space<vmem>> -> memref<64x128xbf16, #tpu.memory_space<vmem>>
      tpu.enqueue_dma source(%dma_start3A_103 : memref<64x128xbf16, #tpu.memory_space<vmem>>) target(%dma_start3A_100 : memref<64x128xbf16, #tpu.memory_space<hbm>>) target_semaphore(%run_scoped3A : memref<!tpu.dma_semaphore, #tpu.memory_space<semaphore_mem>>)
      %dma_wait3A = arith.constant 0 : i32
      %dma_wait3A_104 = arith.constant 0 : i32
      %dma_wait3A_105 = tpu.memref_slice %arg9[%dma_wait3A, %dma_wait3A_104] : memref<128x128xbf16, #tpu.memory_space<vmem>> -> memref<64x128xbf16, #tpu.memory_space<vmem>>
      %dma_wait3A_106 = arith.constant 0 : i32
      %dma_wait3A_107 = tpu.memref_slice %arg6[%arg0, %add3A_83, %dma_wait3A_106] : memref<2x10240x128xbf16, #tpu.memory_space<hbm>> -> memref<1x64x128xbf16, #tpu.memory_space<hbm>>
      %dma_wait3A_108 = tpu.memref_squeeze %dma_wait3A_107 : memref<1x64x128xbf16, #tpu.memory_space<hbm>> -> memref<64x128xbf16, #tpu.memory_space<hbm>>
      %dma_wait3A_109 = arith.constant 0 : i32
      %dma_wait3A_110 = tpu.memref_slice %arg6[%arg0, %add3A_83, %dma_wait3A_109] : memref<2x10240x128xbf16, #tpu.memory_space<hbm>> -> memref<1x64x128xbf16, #tpu.memory_space<hbm>>
      %dma_wait3A_111 = tpu.memref_squeeze %dma_wait3A_110 : memref<1x64x128xbf16, #tpu.memory_space<hbm>> -> memref<64x128xbf16, #tpu.memory_space<hbm>>
      %dma_wait3A_112 = arith.constant 0 : i32
      %dma_wait3A_113 = arith.constant 0 : i32
      %dma_wait3A_114 = tpu.memref_slice %arg9[%dma_wait3A_112, %dma_wait3A_113] : memref<128x128xbf16, #tpu.memory_space<vmem>> -> memref<64x128xbf16, #tpu.memory_space<vmem>>
      tpu.wait_dma2 semaphore(%run_scoped3A : memref<!tpu.dma_semaphore, #tpu.memory_space<semaphore_mem>>) src(%dma_wait3A_114 : memref<64x128xbf16, #tpu.memory_space<vmem>>) dst(%dma_wait3A_111 : memref<64x128xbf16, #tpu.memory_space<hbm>>)
      tpu.yield
    }) : () -> ()
    %add3A_84 = arith.constant 384 : i32
    %add3A_85 = arith.addi %mul3A_2, %add3A_84 : i32
    "tpu.region"() ({
      %run_scoped3A = tpu.sem_alloc : memref<!tpu.dma_semaphore, #tpu.memory_space<semaphore_mem>>
      %dma_start3A_92 = arith.constant 0 : i32
      %dma_start3A_93 = arith.constant 0 : i32
      %dma_start3A_94 = tpu.memref_slice %arg9[%dma_start3A_92, %dma_start3A_93] : memref<128x128xbf16, #tpu.memory_space<vmem>> -> memref<64x128xbf16, #tpu.memory_space<vmem>>
      %dma_start3A_95 = arith.constant 0 : i32
      %dma_start3A_96 = tpu.memref_slice %arg17[%add3A_85, %dma_start3A_95] : memref<10240x128xbf16, #tpu.memory_space<vmem_shared>> -> memref<64x128xbf16, #tpu.memory_space<vmem_shared>>
      %dma_start3A_97 = arith.constant 0 : i32
      %dma_start3A_98 = arith.constant 0 : i32
      %dma_start3A_99 = tpu.memref_slice %arg9[%dma_start3A_97, %dma_start3A_98] : memref<128x128xbf16, #tpu.memory_space<vmem>> -> memref<64x128xbf16, #tpu.memory_space<vmem>>
      %dma_start3A_100 = arith.constant 0 : i32
      %dma_start3A_101 = tpu.memref_slice %arg17[%add3A_85, %dma_start3A_100] : memref<10240x128xbf16, #tpu.memory_space<vmem_shared>> -> memref<64x128xbf16, #tpu.memory_space<vmem_shared>>
      tpu.enqueue_dma source(%dma_start3A_101 : memref<64x128xbf16, #tpu.memory_space<vmem_shared>>) target(%dma_start3A_99 : memref<64x128xbf16, #tpu.memory_space<vmem>>) target_semaphore(%run_scoped3A : memref<!tpu.dma_semaphore, #tpu.memory_space<semaphore_mem>>)
      %dma_wait3A = arith.constant 0 : i32
      %dma_wait3A_102 = arith.constant 0 : i32
      %dma_wait3A_103 = tpu.memref_slice %arg9[%dma_wait3A, %dma_wait3A_102] : memref<128x128xbf16, #tpu.memory_space<vmem>> -> memref<64x128xbf16, #tpu.memory_space<vmem>>
      %dma_wait3A_104 = arith.constant 0 : i32
      %dma_wait3A_105 = tpu.memref_slice %arg17[%add3A_85, %dma_wait3A_104] : memref<10240x128xbf16, #tpu.memory_space<vmem_shared>> -> memref<64x128xbf16, #tpu.memory_space<vmem_shared>>
      %dma_wait3A_106 = arith.constant 0 : i32
      %dma_wait3A_107 = arith.constant 0 : i32
      %dma_wait3A_108 = tpu.memref_slice %arg9[%dma_wait3A_106, %dma_wait3A_107] : memref<128x128xbf16, #tpu.memory_space<vmem>> -> memref<64x128xbf16, #tpu.memory_space<vmem>>
      %dma_wait3A_109 = arith.constant 0 : i32
      %dma_wait3A_110 = tpu.memref_slice %arg17[%add3A_85, %dma_wait3A_109] : memref<10240x128xbf16, #tpu.memory_space<vmem_shared>> -> memref<64x128xbf16, #tpu.memory_space<vmem_shared>>
      tpu.wait_dma2 semaphore(%run_scoped3A : memref<!tpu.dma_semaphore, #tpu.memory_space<semaphore_mem>>) src(%dma_wait3A_110 : memref<64x128xbf16, #tpu.memory_space<vmem_shared>>) dst(%dma_wait3A_108 : memref<64x128xbf16, #tpu.memory_space<vmem>>)
      tpu.yield
    }) : () -> ()
    "tpu.region"() ({
      %run_scoped3A = tpu.sem_alloc : memref<!tpu.dma_semaphore, #tpu.memory_space<semaphore_mem>>
      %dma_start3A_92 = arith.constant 0 : i32
      %dma_start3A_93 = arith.constant 0 : i32
      %dma_start3A_94 = tpu.memref_slice %arg9[%dma_start3A_92, %dma_start3A_93] : memref<128x128xbf16, #tpu.memory_space<vmem>> -> memref<64x128xbf16, #tpu.memory_space<vmem>>
      %dma_start3A_95 = arith.constant 0 : i32
      %dma_start3A_96 = tpu.memref_slice %arg6[%arg0, %add3A_85, %dma_start3A_95] : memref<2x10240x128xbf16, #tpu.memory_space<hbm>> -> memref<1x64x128xbf16, #tpu.memory_space<hbm>>
      %dma_start3A_97 = tpu.memref_squeeze %dma_start3A_96 : memref<1x64x128xbf16, #tpu.memory_space<hbm>> -> memref<64x128xbf16, #tpu.memory_space<hbm>>
      %dma_start3A_98 = arith.constant 0 : i32
      %dma_start3A_99 = tpu.memref_slice %arg6[%arg0, %add3A_85, %dma_start3A_98] : memref<2x10240x128xbf16, #tpu.memory_space<hbm>> -> memref<1x64x128xbf16, #tpu.memory_space<hbm>>
      %dma_start3A_100 = tpu.memref_squeeze %dma_start3A_99 : memref<1x64x128xbf16, #tpu.memory_space<hbm>> -> memref<64x128xbf16, #tpu.memory_space<hbm>>
      %dma_start3A_101 = arith.constant 0 : i32
      %dma_start3A_102 = arith.constant 0 : i32
      %dma_start3A_103 = tpu.memref_slice %arg9[%dma_start3A_101, %dma_start3A_102] : memref<128x128xbf16, #tpu.memory_space<vmem>> -> memref<64x128xbf16, #tpu.memory_space<vmem>>
      tpu.enqueue_dma source(%dma_start3A_103 : memref<64x128xbf16, #tpu.memory_space<vmem>>) target(%dma_start3A_100 : memref<64x128xbf16, #tpu.memory_space<hbm>>) target_semaphore(%run_scoped3A : memref<!tpu.dma_semaphore, #tpu.memory_space<semaphore_mem>>)
      %dma_wait3A = arith.constant 0 : i32
      %dma_wait3A_104 = arith.constant 0 : i32
      %dma_wait3A_105 = tpu.memref_slice %arg9[%dma_wait3A, %dma_wait3A_104] : memref<128x128xbf16, #tpu.memory_space<vmem>> -> memref<64x128xbf16, #tpu.memory_space<vmem>>
      %dma_wait3A_106 = arith.constant 0 : i32
      %dma_wait3A_107 = tpu.memref_slice %arg6[%arg0, %add3A_85, %dma_wait3A_106] : memref<2x10240x128xbf16, #tpu.memory_space<hbm>> -> memref<1x64x128xbf16, #tpu.memory_space<hbm>>
      %dma_wait3A_108 = tpu.memref_squeeze %dma_wait3A_107 : memref<1x64x128xbf16, #tpu.memory_space<hbm>> -> memref<64x128xbf16, #tpu.memory_space<hbm>>
      %dma_wait3A_109 = arith.constant 0 : i32
      %dma_wait3A_110 = tpu.memref_slice %arg6[%arg0, %add3A_85, %dma_wait3A_109] : memref<2x10240x128xbf16, #tpu.memory_space<hbm>> -> memref<1x64x128xbf16, #tpu.memory_space<hbm>>
      %dma_wait3A_111 = tpu.memref_squeeze %dma_wait3A_110 : memref<1x64x128xbf16, #tpu.memory_space<hbm>> -> memref<64x128xbf16, #tpu.memory_space<hbm>>
      %dma_wait3A_112 = arith.constant 0 : i32
      %dma_wait3A_113 = arith.constant 0 : i32
      %dma_wait3A_114 = tpu.memref_slice %arg9[%dma_wait3A_112, %dma_wait3A_113] : memref<128x128xbf16, #tpu.memory_space<vmem>> -> memref<64x128xbf16, #tpu.memory_space<vmem>>
      tpu.wait_dma2 semaphore(%run_scoped3A : memref<!tpu.dma_semaphore, #tpu.memory_space<semaphore_mem>>) src(%dma_wait3A_114 : memref<64x128xbf16, #tpu.memory_space<vmem>>) dst(%dma_wait3A_111 : memref<64x128xbf16, #tpu.memory_space<hbm>>)
      tpu.yield
    }) : () -> ()
    %add3A_86 = arith.constant 448 : i32
    %add3A_87 = arith.addi %mul3A_2, %add3A_86 : i32
    "tpu.region"() ({
      %run_scoped3A = tpu.sem_alloc : memref<!tpu.dma_semaphore, #tpu.memory_space<semaphore_mem>>
      %dma_start3A_92 = arith.constant 0 : i32
      %dma_start3A_93 = arith.constant 0 : i32
      %dma_start3A_94 = tpu.memref_slice %arg9[%dma_start3A_92, %dma_start3A_93] : memref<128x128xbf16, #tpu.memory_space<vmem>> -> memref<64x128xbf16, #tpu.memory_space<vmem>>
      %dma_start3A_95 = arith.constant 0 : i32
      %dma_start3A_96 = tpu.memref_slice %arg17[%add3A_87, %dma_start3A_95] : memref<10240x128xbf16, #tpu.memory_space<vmem_shared>> -> memref<64x128xbf16, #tpu.memory_space<vmem_shared>>
      %dma_start3A_97 = arith.constant 0 : i32
      %dma_start3A_98 = arith.constant 0 : i32
      %dma_start3A_99 = tpu.memref_slice %arg9[%dma_start3A_97, %dma_start3A_98] : memref<128x128xbf16, #tpu.memory_space<vmem>> -> memref<64x128xbf16, #tpu.memory_space<vmem>>
      %dma_start3A_100 = arith.constant 0 : i32
      %dma_start3A_101 = tpu.memref_slice %arg17[%add3A_87, %dma_start3A_100] : memref<10240x128xbf16, #tpu.memory_space<vmem_shared>> -> memref<64x128xbf16, #tpu.memory_space<vmem_shared>>
      tpu.enqueue_dma source(%dma_start3A_101 : memref<64x128xbf16, #tpu.memory_space<vmem_shared>>) target(%dma_start3A_99 : memref<64x128xbf16, #tpu.memory_space<vmem>>) target_semaphore(%run_scoped3A : memref<!tpu.dma_semaphore, #tpu.memory_space<semaphore_mem>>)
      %dma_wait3A = arith.constant 0 : i32
      %dma_wait3A_102 = arith.constant 0 : i32
      %dma_wait3A_103 = tpu.memref_slice %arg9[%dma_wait3A, %dma_wait3A_102] : memref<128x128xbf16, #tpu.memory_space<vmem>> -> memref<64x128xbf16, #tpu.memory_space<vmem>>
      %dma_wait3A_104 = arith.constant 0 : i32
      %dma_wait3A_105 = tpu.memref_slice %arg17[%add3A_87, %dma_wait3A_104] : memref<10240x128xbf16, #tpu.memory_space<vmem_shared>> -> memref<64x128xbf16, #tpu.memory_space<vmem_shared>>
      %dma_wait3A_106 = arith.constant 0 : i32
      %dma_wait3A_107 = arith.constant 0 : i32
      %dma_wait3A_108 = tpu.memref_slice %arg9[%dma_wait3A_106, %dma_wait3A_107] : memref<128x128xbf16, #tpu.memory_space<vmem>> -> memref<64x128xbf16, #tpu.memory_space<vmem>>
      %dma_wait3A_109 = arith.constant 0 : i32
      %dma_wait3A_110 = tpu.memref_slice %arg17[%add3A_87, %dma_wait3A_109] : memref<10240x128xbf16, #tpu.memory_space<vmem_shared>> -> memref<64x128xbf16, #tpu.memory_space<vmem_shared>>
      tpu.wait_dma2 semaphore(%run_scoped3A : memref<!tpu.dma_semaphore, #tpu.memory_space<semaphore_mem>>) src(%dma_wait3A_110 : memref<64x128xbf16, #tpu.memory_space<vmem_shared>>) dst(%dma_wait3A_108 : memref<64x128xbf16, #tpu.memory_space<vmem>>)
      tpu.yield
    }) : () -> ()
    "tpu.region"() ({
      %run_scoped3A = tpu.sem_alloc : memref<!tpu.dma_semaphore, #tpu.memory_space<semaphore_mem>>
      %dma_start3A_92 = arith.constant 0 : i32
      %dma_start3A_93 = arith.constant 0 : i32
      %dma_start3A_94 = tpu.memref_slice %arg9[%dma_start3A_92, %dma_start3A_93] : memref<128x128xbf16, #tpu.memory_space<vmem>> -> memref<64x128xbf16, #tpu.memory_space<vmem>>
      %dma_start3A_95 = arith.constant 0 : i32
      %dma_start3A_96 = tpu.memref_slice %arg6[%arg0, %add3A_87, %dma_start3A_95] : memref<2x10240x128xbf16, #tpu.memory_space<hbm>> -> memref<1x64x128xbf16, #tpu.memory_space<hbm>>
      %dma_start3A_97 = tpu.memref_squeeze %dma_start3A_96 : memref<1x64x128xbf16, #tpu.memory_space<hbm>> -> memref<64x128xbf16, #tpu.memory_space<hbm>>
      %dma_start3A_98 = arith.constant 0 : i32
      %dma_start3A_99 = tpu.memref_slice %arg6[%arg0, %add3A_87, %dma_start3A_98] : memref<2x10240x128xbf16, #tpu.memory_space<hbm>> -> memref<1x64x128xbf16, #tpu.memory_space<hbm>>
      %dma_start3A_100 = tpu.memref_squeeze %dma_start3A_99 : memref<1x64x128xbf16, #tpu.memory_space<hbm>> -> memref<64x128xbf16, #tpu.memory_space<hbm>>
      %dma_start3A_101 = arith.constant 0 : i32
      %dma_start3A_102 = arith.constant 0 : i32
      %dma_start3A_103 = tpu.memref_slice %arg9[%dma_start3A_101, %dma_start3A_102] : memref<128x128xbf16, #tpu.memory_space<vmem>> -> memref<64x128xbf16, #tpu.memory_space<vmem>>
      tpu.enqueue_dma source(%dma_start3A_103 : memref<64x128xbf16, #tpu.memory_space<vmem>>) target(%dma_start3A_100 : memref<64x128xbf16, #tpu.memory_space<hbm>>) target_semaphore(%run_scoped3A : memref<!tpu.dma_semaphore, #tpu.memory_space<semaphore_mem>>)
      %dma_wait3A = arith.constant 0 : i32
      %dma_wait3A_104 = arith.constant 0 : i32
      %dma_wait3A_105 = tpu.memref_slice %arg9[%dma_wait3A, %dma_wait3A_104] : memref<128x128xbf16, #tpu.memory_space<vmem>> -> memref<64x128xbf16, #tpu.memory_space<vmem>>
      %dma_wait3A_106 = arith.constant 0 : i32
      %dma_wait3A_107 = tpu.memref_slice %arg6[%arg0, %add3A_87, %dma_wait3A_106] : memref<2x10240x128xbf16, #tpu.memory_space<hbm>> -> memref<1x64x128xbf16, #tpu.memory_space<hbm>>
      %dma_wait3A_108 = tpu.memref_squeeze %dma_wait3A_107 : memref<1x64x128xbf16, #tpu.memory_space<hbm>> -> memref<64x128xbf16, #tpu.memory_space<hbm>>
      %dma_wait3A_109 = arith.constant 0 : i32
      %dma_wait3A_110 = tpu.memref_slice %arg6[%arg0, %add3A_87, %dma_wait3A_109] : memref<2x10240x128xbf16, #tpu.memory_space<hbm>> -> memref<1x64x128xbf16, #tpu.memory_space<hbm>>
      %dma_wait3A_111 = tpu.memref_squeeze %dma_wait3A_110 : memref<1x64x128xbf16, #tpu.memory_space<hbm>> -> memref<64x128xbf16, #tpu.memory_space<hbm>>
      %dma_wait3A_112 = arith.constant 0 : i32
      %dma_wait3A_113 = arith.constant 0 : i32
      %dma_wait3A_114 = tpu.memref_slice %arg9[%dma_wait3A_112, %dma_wait3A_113] : memref<128x128xbf16, #tpu.memory_space<vmem>> -> memref<64x128xbf16, #tpu.memory_space<vmem>>
      tpu.wait_dma2 semaphore(%run_scoped3A : memref<!tpu.dma_semaphore, #tpu.memory_space<semaphore_mem>>) src(%dma_wait3A_114 : memref<64x128xbf16, #tpu.memory_space<vmem>>) dst(%dma_wait3A_111 : memref<64x128xbf16, #tpu.memory_space<hbm>>)
      tpu.yield
    }) : () -> ()
    %add3A_88 = arith.constant 512 : i32
    %add3A_89 = arith.addi %mul3A_2, %add3A_88 : i32
    "tpu.region"() ({
      %run_scoped3A = tpu.sem_alloc : memref<!tpu.dma_semaphore, #tpu.memory_space<semaphore_mem>>
      %dma_start3A_92 = arith.constant 0 : i32
      %dma_start3A_93 = arith.constant 0 : i32
      %dma_start3A_94 = tpu.memref_slice %arg9[%dma_start3A_92, %dma_start3A_93] : memref<128x128xbf16, #tpu.memory_space<vmem>> -> memref<64x128xbf16, #tpu.memory_space<vmem>>
      %dma_start3A_95 = arith.constant 0 : i32
      %dma_start3A_96 = tpu.memref_slice %arg17[%add3A_89, %dma_start3A_95] : memref<10240x128xbf16, #tpu.memory_space<vmem_shared>> -> memref<64x128xbf16, #tpu.memory_space<vmem_shared>>
      %dma_start3A_97 = arith.constant 0 : i32
      %dma_start3A_98 = arith.constant 0 : i32
      %dma_start3A_99 = tpu.memref_slice %arg9[%dma_start3A_97, %dma_start3A_98] : memref<128x128xbf16, #tpu.memory_space<vmem>> -> memref<64x128xbf16, #tpu.memory_space<vmem>>
      %dma_start3A_100 = arith.constant 0 : i32
      %dma_start3A_101 = tpu.memref_slice %arg17[%add3A_89, %dma_start3A_100] : memref<10240x128xbf16, #tpu.memory_space<vmem_shared>> -> memref<64x128xbf16, #tpu.memory_space<vmem_shared>>
      tpu.enqueue_dma source(%dma_start3A_101 : memref<64x128xbf16, #tpu.memory_space<vmem_shared>>) target(%dma_start3A_99 : memref<64x128xbf16, #tpu.memory_space<vmem>>) target_semaphore(%run_scoped3A : memref<!tpu.dma_semaphore, #tpu.memory_space<semaphore_mem>>)
      %dma_wait3A = arith.constant 0 : i32
      %dma_wait3A_102 = arith.constant 0 : i32
      %dma_wait3A_103 = tpu.memref_slice %arg9[%dma_wait3A, %dma_wait3A_102] : memref<128x128xbf16, #tpu.memory_space<vmem>> -> memref<64x128xbf16, #tpu.memory_space<vmem>>
      %dma_wait3A_104 = arith.constant 0 : i32
      %dma_wait3A_105 = tpu.memref_slice %arg17[%add3A_89, %dma_wait3A_104] : memref<10240x128xbf16, #tpu.memory_space<vmem_shared>> -> memref<64x128xbf16, #tpu.memory_space<vmem_shared>>
      %dma_wait3A_106 = arith.constant 0 : i32
      %dma_wait3A_107 = arith.constant 0 : i32
      %dma_wait3A_108 = tpu.memref_slice %arg9[%dma_wait3A_106, %dma_wait3A_107] : memref<128x128xbf16, #tpu.memory_space<vmem>> -> memref<64x128xbf16, #tpu.memory_space<vmem>>
      %dma_wait3A_109 = arith.constant 0 : i32
      %dma_wait3A_110 = tpu.memref_slice %arg17[%add3A_89, %dma_wait3A_109] : memref<10240x128xbf16, #tpu.memory_space<vmem_shared>> -> memref<64x128xbf16, #tpu.memory_space<vmem_shared>>
      tpu.wait_dma2 semaphore(%run_scoped3A : memref<!tpu.dma_semaphore, #tpu.memory_space<semaphore_mem>>) src(%dma_wait3A_110 : memref<64x128xbf16, #tpu.memory_space<vmem_shared>>) dst(%dma_wait3A_108 : memref<64x128xbf16, #tpu.memory_space<vmem>>)
      tpu.yield
    }) : () -> ()
    "tpu.region"() ({
      %run_scoped3A = tpu.sem_alloc : memref<!tpu.dma_semaphore, #tpu.memory_space<semaphore_mem>>
      %dma_start3A_92 = arith.constant 0 : i32
      %dma_start3A_93 = arith.constant 0 : i32
      %dma_start3A_94 = tpu.memref_slice %arg9[%dma_start3A_92, %dma_start3A_93] : memref<128x128xbf16, #tpu.memory_space<vmem>> -> memref<64x128xbf16, #tpu.memory_space<vmem>>
      %dma_start3A_95 = arith.constant 0 : i32
      %dma_start3A_96 = tpu.memref_slice %arg6[%arg0, %add3A_89, %dma_start3A_95] : memref<2x10240x128xbf16, #tpu.memory_space<hbm>> -> memref<1x64x128xbf16, #tpu.memory_space<hbm>>
      %dma_start3A_97 = tpu.memref_squeeze %dma_start3A_96 : memref<1x64x128xbf16, #tpu.memory_space<hbm>> -> memref<64x128xbf16, #tpu.memory_space<hbm>>
      %dma_start3A_98 = arith.constant 0 : i32
      %dma_start3A_99 = tpu.memref_slice %arg6[%arg0, %add3A_89, %dma_start3A_98] : memref<2x10240x128xbf16, #tpu.memory_space<hbm>> -> memref<1x64x128xbf16, #tpu.memory_space<hbm>>
      %dma_start3A_100 = tpu.memref_squeeze %dma_start3A_99 : memref<1x64x128xbf16, #tpu.memory_space<hbm>> -> memref<64x128xbf16, #tpu.memory_space<hbm>>
      %dma_start3A_101 = arith.constant 0 : i32
      %dma_start3A_102 = arith.constant 0 : i32
      %dma_start3A_103 = tpu.memref_slice %arg9[%dma_start3A_101, %dma_start3A_102] : memref<128x128xbf16, #tpu.memory_space<vmem>> -> memref<64x128xbf16, #tpu.memory_space<vmem>>
      tpu.enqueue_dma source(%dma_start3A_103 : memref<64x128xbf16, #tpu.memory_space<vmem>>) target(%dma_start3A_100 : memref<64x128xbf16, #tpu.memory_space<hbm>>) target_semaphore(%run_scoped3A : memref<!tpu.dma_semaphore, #tpu.memory_space<semaphore_mem>>)
      %dma_wait3A = arith.constant 0 : i32
      %dma_wait3A_104 = arith.constant 0 : i32
      %dma_wait3A_105 = tpu.memref_slice %arg9[%dma_wait3A, %dma_wait3A_104] : memref<128x128xbf16, #tpu.memory_space<vmem>> -> memref<64x128xbf16, #tpu.memory_space<vmem>>
      %dma_wait3A_106 = arith.constant 0 : i32
      %dma_wait3A_107 = tpu.memref_slice %arg6[%arg0, %add3A_89, %dma_wait3A_106] : memref<2x10240x128xbf16, #tpu.memory_space<hbm>> -> memref<1x64x128xbf16, #tpu.memory_space<hbm>>
      %dma_wait3A_108 = tpu.memref_squeeze %dma_wait3A_107 : memref<1x64x128xbf16, #tpu.memory_space<hbm>> -> memref<64x128xbf16, #tpu.memory_space<hbm>>
      %dma_wait3A_109 = arith.constant 0 : i32
      %dma_wait3A_110 = tpu.memref_slice %arg6[%arg0, %add3A_89, %dma_wait3A_109] : memref<2x10240x128xbf16, #tpu.memory_space<hbm>> -> memref<1x64x128xbf16, #tpu.memory_space<hbm>>
      %dma_wait3A_111 = tpu.memref_squeeze %dma_wait3A_110 : memref<1x64x128xbf16, #tpu.memory_space<hbm>> -> memref<64x128xbf16, #tpu.memory_space<hbm>>
      %dma_wait3A_112 = arith.constant 0 : i32
      %dma_wait3A_113 = arith.constant 0 : i32
      %dma_wait3A_114 = tpu.memref_slice %arg9[%dma_wait3A_112, %dma_wait3A_113] : memref<128x128xbf16, #tpu.memory_space<vmem>> -> memref<64x128xbf16, #tpu.memory_space<vmem>>
      tpu.wait_dma2 semaphore(%run_scoped3A : memref<!tpu.dma_semaphore, #tpu.memory_space<semaphore_mem>>) src(%dma_wait3A_114 : memref<64x128xbf16, #tpu.memory_space<vmem>>) dst(%dma_wait3A_111 : memref<64x128xbf16, #tpu.memory_space<hbm>>)
      tpu.yield
    }) : () -> ()
    %add3A_90 = arith.constant 576 : i32
    %add3A_91 = arith.addi %mul3A_2, %add3A_90 : i32
    "tpu.region"() ({
      %run_scoped3A = tpu.sem_alloc : memref<!tpu.dma_semaphore, #tpu.memory_space<semaphore_mem>>
      %dma_start3A_92 = arith.constant 0 : i32
      %dma_start3A_93 = arith.constant 0 : i32
      %dma_start3A_94 = tpu.memref_slice %arg9[%dma_start3A_92, %dma_start3A_93] : memref<128x128xbf16, #tpu.memory_space<vmem>> -> memref<64x128xbf16, #tpu.memory_space<vmem>>
      %dma_start3A_95 = arith.constant 0 : i32
      %dma_start3A_96 = tpu.memref_slice %arg17[%add3A_91, %dma_start3A_95] : memref<10240x128xbf16, #tpu.memory_space<vmem_shared>> -> memref<64x128xbf16, #tpu.memory_space<vmem_shared>>
      %dma_start3A_97 = arith.constant 0 : i32
      %dma_start3A_98 = arith.constant 0 : i32
      %dma_start3A_99 = tpu.memref_slice %arg9[%dma_start3A_97, %dma_start3A_98] : memref<128x128xbf16, #tpu.memory_space<vmem>> -> memref<64x128xbf16, #tpu.memory_space<vmem>>
      %dma_start3A_100 = arith.constant 0 : i32
      %dma_start3A_101 = tpu.memref_slice %arg17[%add3A_91, %dma_start3A_100] : memref<10240x128xbf16, #tpu.memory_space<vmem_shared>> -> memref<64x128xbf16, #tpu.memory_space<vmem_shared>>
      tpu.enqueue_dma source(%dma_start3A_101 : memref<64x128xbf16, #tpu.memory_space<vmem_shared>>) target(%dma_start3A_99 : memref<64x128xbf16, #tpu.memory_space<vmem>>) target_semaphore(%run_scoped3A : memref<!tpu.dma_semaphore, #tpu.memory_space<semaphore_mem>>)
      %dma_wait3A = arith.constant 0 : i32
      %dma_wait3A_102 = arith.constant 0 : i32
      %dma_wait3A_103 = tpu.memref_slice %arg9[%dma_wait3A, %dma_wait3A_102] : memref<128x128xbf16, #tpu.memory_space<vmem>> -> memref<64x128xbf16, #tpu.memory_space<vmem>>
      %dma_wait3A_104 = arith.constant 0 : i32
      %dma_wait3A_105 = tpu.memref_slice %arg17[%add3A_91, %dma_wait3A_104] : memref<10240x128xbf16, #tpu.memory_space<vmem_shared>> -> memref<64x128xbf16, #tpu.memory_space<vmem_shared>>
      %dma_wait3A_106 = arith.constant 0 : i32
      %dma_wait3A_107 = arith.constant 0 : i32
      %dma_wait3A_108 = tpu.memref_slice %arg9[%dma_wait3A_106, %dma_wait3A_107] : memref<128x128xbf16, #tpu.memory_space<vmem>> -> memref<64x128xbf16, #tpu.memory_space<vmem>>
      %dma_wait3A_109 = arith.constant 0 : i32
      %dma_wait3A_110 = tpu.memref_slice %arg17[%add3A_91, %dma_wait3A_109] : memref<10240x128xbf16, #tpu.memory_space<vmem_shared>> -> memref<64x128xbf16, #tpu.memory_space<vmem_shared>>
      tpu.wait_dma2 semaphore(%run_scoped3A : memref<!tpu.dma_semaphore, #tpu.memory_space<semaphore_mem>>) src(%dma_wait3A_110 : memref<64x128xbf16, #tpu.memory_space<vmem_shared>>) dst(%dma_wait3A_108 : memref<64x128xbf16, #tpu.memory_space<vmem>>)
      tpu.yield
    }) : () -> ()
    "tpu.region"() ({
      %run_scoped3A = tpu.sem_alloc : memref<!tpu.dma_semaphore, #tpu.memory_space<semaphore_mem>>
      %dma_start3A_92 = arith.constant 0 : i32
      %dma_start3A_93 = arith.constant 0 : i32
      %dma_start3A_94 = tpu.memref_slice %arg9[%dma_start3A_92, %dma_start3A_93] : memref<128x128xbf16, #tpu.memory_space<vmem>> -> memref<64x128xbf16, #tpu.memory_space<vmem>>
      %dma_start3A_95 = arith.constant 0 : i32
      %dma_start3A_96 = tpu.memref_slice %arg6[%arg0, %add3A_91, %dma_start3A_95] : memref<2x10240x128xbf16, #tpu.memory_space<hbm>> -> memref<1x64x128xbf16, #tpu.memory_space<hbm>>
      %dma_start3A_97 = tpu.memref_squeeze %dma_start3A_96 : memref<1x64x128xbf16, #tpu.memory_space<hbm>> -> memref<64x128xbf16, #tpu.memory_space<hbm>>
      %dma_start3A_98 = arith.constant 0 : i32
      %dma_start3A_99 = tpu.memref_slice %arg6[%arg0, %add3A_91, %dma_start3A_98] : memref<2x10240x128xbf16, #tpu.memory_space<hbm>> -> memref<1x64x128xbf16, #tpu.memory_space<hbm>>
      %dma_start3A_100 = tpu.memref_squeeze %dma_start3A_99 : memref<1x64x128xbf16, #tpu.memory_space<hbm>> -> memref<64x128xbf16, #tpu.memory_space<hbm>>
      %dma_start3A_101 = arith.constant 0 : i32
      %dma_start3A_102 = arith.constant 0 : i32
      %dma_start3A_103 = tpu.memref_slice %arg9[%dma_start3A_101, %dma_start3A_102] : memref<128x128xbf16, #tpu.memory_space<vmem>> -> memref<64x128xbf16, #tpu.memory_space<vmem>>
      tpu.enqueue_dma source(%dma_start3A_103 : memref<64x128xbf16, #tpu.memory_space<vmem>>) target(%dma_start3A_100 : memref<64x128xbf16, #tpu.memory_space<hbm>>) target_semaphore(%run_scoped3A : memref<!tpu.dma_semaphore, #tpu.memory_space<semaphore_mem>>)
      %dma_wait3A = arith.constant 0 : i32
      %dma_wait3A_104 = arith.constant 0 : i32
      %dma_wait3A_105 = tpu.memref_slice %arg9[%dma_wait3A, %dma_wait3A_104] : memref<128x128xbf16, #tpu.memory_space<vmem>> -> memref<64x128xbf16, #tpu.memory_space<vmem>>
      %dma_wait3A_106 = arith.constant 0 : i32
      %dma_wait3A_107 = tpu.memref_slice %arg6[%arg0, %add3A_91, %dma_wait3A_106] : memref<2x10240x128xbf16, #tpu.memory_space<hbm>> -> memref<1x64x128xbf16, #tpu.memory_space<hbm>>
      %dma_wait3A_108 = tpu.memref_squeeze %dma_wait3A_107 : memref<1x64x128xbf16, #tpu.memory_space<hbm>> -> memref<64x128xbf16, #tpu.memory_space<hbm>>
      %dma_wait3A_109 = arith.constant 0 : i32
      %dma_wait3A_110 = tpu.memref_slice %arg6[%arg0, %add3A_91, %dma_wait3A_109] : memref<2x10240x128xbf16, #tpu.memory_space<hbm>> -> memref<1x64x128xbf16, #tpu.memory_space<hbm>>
      %dma_wait3A_111 = tpu.memref_squeeze %dma_wait3A_110 : memref<1x64x128xbf16, #tpu.memory_space<hbm>> -> memref<64x128xbf16, #tpu.memory_space<hbm>>
      %dma_wait3A_112 = arith.constant 0 : i32
      %dma_wait3A_113 = arith.constant 0 : i32
      %dma_wait3A_114 = tpu.memref_slice %arg9[%dma_wait3A_112, %dma_wait3A_113] : memref<128x128xbf16, #tpu.memory_space<vmem>> -> memref<64x128xbf16, #tpu.memory_space<vmem>>
      tpu.wait_dma2 semaphore(%run_scoped3A : memref<!tpu.dma_semaphore, #tpu.memory_space<semaphore_mem>>) src(%dma_wait3A_114 : memref<64x128xbf16, #tpu.memory_space<vmem>>) dst(%dma_wait3A_111 : memref<64x128xbf16, #tpu.memory_space<hbm>>)
      tpu.yield
    }) : () -> ()
    return
  }
}

#map = affine_map<(d0, d1) -> (0, 0, 0)>
#map1 = affine_map<(d0, d1) -> (0, 0)>
module attributes {stable_mosaic.version = 14 : i64} {
  func.func @agg(%arg0: i32, %arg1: i32, %arg2: memref<2x10240x64xbf16, #tpu.memory_space<hbm>>, %arg3: memref<32x80x128xi32, #tpu.memory_space<hbm>>, %arg4: memref<32x80x128xi32, #tpu.memory_space<hbm>>, %arg5: memref<64x64xbf16, #tpu.memory_space<hbm>>, %arg6: memref<2x10240x64xbf16, #tpu.memory_space<hbm>>, %arg7: memref<80x128xi32, #tpu.memory_space<vmem>>, %arg8: memref<80x128xi32, #tpu.memory_space<vmem>>, %arg9: memref<128x64xbf16, #tpu.memory_space<vmem>>, %arg10: memref<128x64xbf16, #tpu.memory_space<vmem>>, %arg11: memref<128x64xbf16, #tpu.memory_space<vmem>>, %arg12: memref<128x64xbf16, #tpu.memory_space<vmem>>, %arg13: memref<!tpu.dma_semaphore, #tpu.memory_space<semaphore_mem>>, %arg14: memref<!tpu.dma_semaphore, #tpu.memory_space<semaphore_mem>>, %arg15: memref<!tpu.dma_semaphore, #tpu.memory_space<semaphore_mem>>, %arg16: memref<!tpu.dma_semaphore, #tpu.memory_space<semaphore_mem>>, %arg17: memref<10240x64xbf16, #tpu.memory_space<vmem_shared>>) attributes {dimension_semantics = [#tpu.dimension_semantics<core_parallel>, #tpu.dimension_semantics<subcore_parallel>], iteration_bounds = array<i64: 2, 16>, scalar_prefetch = 0 : i64, scratch_operands = 11 : i64, tpu.core_type = #tpu.core_type<sc_vector_subcore>, window_params = [{transform_indices = #map}, {transform_indices = #map}, {transform_indices = #map}, {transform_indices = #map1}, {transform_indices = #map}]} {
    %mul3A = arith.constant 16 : i32
    %mul3A_0 = arith.muli %arg0, %mul3A : i32
    %add3A = arith.addi %mul3A_0, %arg1 : i32
    "tpu.region"() ({
      %run_scoped3A = tpu.sem_alloc : memref<!tpu.dma_semaphore, #tpu.memory_space<semaphore_mem>>
      %dma_start3A_92 = arith.constant 0 : i32
      %dma_start3A_93 = arith.constant 0 : i32
      %dma_start3A_94 = tpu.memref_slice %arg3[%add3A, %dma_start3A_92, %dma_start3A_93] : memref<32x80x128xi32, #tpu.memory_space<hbm>> -> memref<1x80x128xi32, #tpu.memory_space<hbm>>
      %dma_start3A_95 = tpu.memref_squeeze %dma_start3A_94 : memref<1x80x128xi32, #tpu.memory_space<hbm>> -> memref<80x128xi32, #tpu.memory_space<hbm>>
      %dma_start3A_96 = arith.constant 0 : i32
      %dma_start3A_97 = arith.constant 0 : i32
      %dma_start3A_98 = tpu.memref_slice %arg3[%add3A, %dma_start3A_96, %dma_start3A_97] : memref<32x80x128xi32, #tpu.memory_space<hbm>> -> memref<1x80x128xi32, #tpu.memory_space<hbm>>
      %dma_start3A_99 = tpu.memref_squeeze %dma_start3A_98 : memref<1x80x128xi32, #tpu.memory_space<hbm>> -> memref<80x128xi32, #tpu.memory_space<hbm>>
      tpu.enqueue_dma source(%dma_start3A_99 : memref<80x128xi32, #tpu.memory_space<hbm>>) target(%arg7 : memref<80x128xi32, #tpu.memory_space<vmem>>) target_semaphore(%run_scoped3A : memref<!tpu.dma_semaphore, #tpu.memory_space<semaphore_mem>>)
      %dma_wait3A = arith.constant 0 : i32
      %dma_wait3A_100 = arith.constant 0 : i32
      %dma_wait3A_101 = tpu.memref_slice %arg3[%add3A, %dma_wait3A, %dma_wait3A_100] : memref<32x80x128xi32, #tpu.memory_space<hbm>> -> memref<1x80x128xi32, #tpu.memory_space<hbm>>
      %dma_wait3A_102 = tpu.memref_squeeze %dma_wait3A_101 : memref<1x80x128xi32, #tpu.memory_space<hbm>> -> memref<80x128xi32, #tpu.memory_space<hbm>>
      %dma_wait3A_103 = arith.constant 0 : i32
      %dma_wait3A_104 = arith.constant 0 : i32
      %dma_wait3A_105 = tpu.memref_slice %arg3[%add3A, %dma_wait3A_103, %dma_wait3A_104] : memref<32x80x128xi32, #tpu.memory_space<hbm>> -> memref<1x80x128xi32, #tpu.memory_space<hbm>>
      %dma_wait3A_106 = tpu.memref_squeeze %dma_wait3A_105 : memref<1x80x128xi32, #tpu.memory_space<hbm>> -> memref<80x128xi32, #tpu.memory_space<hbm>>
      tpu.wait_dma2 semaphore(%run_scoped3A : memref<!tpu.dma_semaphore, #tpu.memory_space<semaphore_mem>>) src(%dma_wait3A_106 : memref<80x128xi32, #tpu.memory_space<hbm>>) dst(%arg7 : memref<80x128xi32, #tpu.memory_space<vmem>>)
      tpu.yield
    }) : () -> ()
    "tpu.region"() ({
      %run_scoped3A = tpu.sem_alloc : memref<!tpu.dma_semaphore, #tpu.memory_space<semaphore_mem>>
      %dma_start3A_92 = arith.constant 0 : i32
      %dma_start3A_93 = arith.constant 0 : i32
      %dma_start3A_94 = tpu.memref_slice %arg4[%add3A, %dma_start3A_92, %dma_start3A_93] : memref<32x80x128xi32, #tpu.memory_space<hbm>> -> memref<1x80x128xi32, #tpu.memory_space<hbm>>
      %dma_start3A_95 = tpu.memref_squeeze %dma_start3A_94 : memref<1x80x128xi32, #tpu.memory_space<hbm>> -> memref<80x128xi32, #tpu.memory_space<hbm>>
      %dma_start3A_96 = arith.constant 0 : i32
      %dma_start3A_97 = arith.constant 0 : i32
      %dma_start3A_98 = tpu.memref_slice %arg4[%add3A, %dma_start3A_96, %dma_start3A_97] : memref<32x80x128xi32, #tpu.memory_space<hbm>> -> memref<1x80x128xi32, #tpu.memory_space<hbm>>
      %dma_start3A_99 = tpu.memref_squeeze %dma_start3A_98 : memref<1x80x128xi32, #tpu.memory_space<hbm>> -> memref<80x128xi32, #tpu.memory_space<hbm>>
      tpu.enqueue_dma source(%dma_start3A_99 : memref<80x128xi32, #tpu.memory_space<hbm>>) target(%arg8 : memref<80x128xi32, #tpu.memory_space<vmem>>) target_semaphore(%run_scoped3A : memref<!tpu.dma_semaphore, #tpu.memory_space<semaphore_mem>>)
      %dma_wait3A = arith.constant 0 : i32
      %dma_wait3A_100 = arith.constant 0 : i32
      %dma_wait3A_101 = tpu.memref_slice %arg4[%add3A, %dma_wait3A, %dma_wait3A_100] : memref<32x80x128xi32, #tpu.memory_space<hbm>> -> memref<1x80x128xi32, #tpu.memory_space<hbm>>
      %dma_wait3A_102 = tpu.memref_squeeze %dma_wait3A_101 : memref<1x80x128xi32, #tpu.memory_space<hbm>> -> memref<80x128xi32, #tpu.memory_space<hbm>>
      %dma_wait3A_103 = arith.constant 0 : i32
      %dma_wait3A_104 = arith.constant 0 : i32
      %dma_wait3A_105 = tpu.memref_slice %arg4[%add3A, %dma_wait3A_103, %dma_wait3A_104] : memref<32x80x128xi32, #tpu.memory_space<hbm>> -> memref<1x80x128xi32, #tpu.memory_space<hbm>>
      %dma_wait3A_106 = tpu.memref_squeeze %dma_wait3A_105 : memref<1x80x128xi32, #tpu.memory_space<hbm>> -> memref<80x128xi32, #tpu.memory_space<hbm>>
      tpu.wait_dma2 semaphore(%run_scoped3A : memref<!tpu.dma_semaphore, #tpu.memory_space<semaphore_mem>>) src(%dma_wait3A_106 : memref<80x128xi32, #tpu.memory_space<hbm>>) dst(%arg8 : memref<80x128xi32, #tpu.memory_space<vmem>>)
      tpu.yield
    }) : () -> ()
    %mul3A_1 = arith.constant 640 : i32
    %mul3A_2 = arith.muli %arg1, %mul3A_1 : i32
    "tpu.region"() ({
      %run_scoped3A = tpu.sem_alloc : memref<!tpu.dma_semaphore, #tpu.memory_space<semaphore_mem>>
      %dma_start3A_92 = arith.constant 0 : i32
      %dma_start3A_93 = arith.constant 0 : i32
      %dma_start3A_94 = tpu.memref_slice %arg9[%dma_start3A_92, %dma_start3A_93] : memref<128x64xbf16, #tpu.memory_space<vmem>> -> memref<64x64xbf16, #tpu.memory_space<vmem>>
      %dma_start3A_95 = arith.constant 0 : i32
      %dma_start3A_96 = arith.constant 0 : i32
      %dma_start3A_97 = tpu.memref_slice %arg5[%dma_start3A_95, %dma_start3A_96] : memref<64x64xbf16, #tpu.memory_space<hbm>> -> memref<64x64xbf16, #tpu.memory_space<hbm>>
      %dma_start3A_98 = arith.constant 0 : i32
      %dma_start3A_99 = arith.constant 0 : i32
      %dma_start3A_100 = tpu.memref_slice %arg9[%dma_start3A_98, %dma_start3A_99] : memref<128x64xbf16, #tpu.memory_space<vmem>> -> memref<64x64xbf16, #tpu.memory_space<vmem>>
      %dma_start3A_101 = arith.constant 0 : i32
      %dma_start3A_102 = arith.constant 0 : i32
      %dma_start3A_103 = tpu.memref_slice %arg5[%dma_start3A_101, %dma_start3A_102] : memref<64x64xbf16, #tpu.memory_space<hbm>> -> memref<64x64xbf16, #tpu.memory_space<hbm>>
      tpu.enqueue_dma source(%dma_start3A_103 : memref<64x64xbf16, #tpu.memory_space<hbm>>) target(%dma_start3A_100 : memref<64x64xbf16, #tpu.memory_space<vmem>>) target_semaphore(%run_scoped3A : memref<!tpu.dma_semaphore, #tpu.memory_space<semaphore_mem>>)
      %dma_wait3A = arith.constant 0 : i32
      %dma_wait3A_104 = arith.constant 0 : i32
      %dma_wait3A_105 = tpu.memref_slice %arg9[%dma_wait3A, %dma_wait3A_104] : memref<128x64xbf16, #tpu.memory_space<vmem>> -> memref<64x64xbf16, #tpu.memory_space<vmem>>
      %dma_wait3A_106 = arith.constant 0 : i32
      %dma_wait3A_107 = arith.constant 0 : i32
      %dma_wait3A_108 = tpu.memref_slice %arg5[%dma_wait3A_106, %dma_wait3A_107] : memref<64x64xbf16, #tpu.memory_space<hbm>> -> memref<64x64xbf16, #tpu.memory_space<hbm>>
      %dma_wait3A_109 = arith.constant 0 : i32
      %dma_wait3A_110 = arith.constant 0 : i32
      %dma_wait3A_111 = tpu.memref_slice %arg9[%dma_wait3A_109, %dma_wait3A_110] : memref<128x64xbf16, #tpu.memory_space<vmem>> -> memref<64x64xbf16, #tpu.memory_space<vmem>>
      %dma_wait3A_112 = arith.constant 0 : i32
      %dma_wait3A_113 = arith.constant 0 : i32
      %dma_wait3A_114 = tpu.memref_slice %arg5[%dma_wait3A_112, %dma_wait3A_113] : memref<64x64xbf16, #tpu.memory_space<hbm>> -> memref<64x64xbf16, #tpu.memory_space<hbm>>
      tpu.wait_dma2 semaphore(%run_scoped3A : memref<!tpu.dma_semaphore, #tpu.memory_space<semaphore_mem>>) src(%dma_wait3A_114 : memref<64x64xbf16, #tpu.memory_space<hbm>>) dst(%dma_wait3A_111 : memref<64x64xbf16, #tpu.memory_space<vmem>>)
      tpu.yield
    }) : () -> ()
    %add3A_3 = arith.constant 0 : i32
    %add3A_4 = arith.addi %mul3A_2, %add3A_3 : i32
    "tpu.region"() ({
      %run_scoped3A = tpu.sem_alloc : memref<!tpu.dma_semaphore, #tpu.memory_space<semaphore_mem>>
      %dma_start3A_92 = arith.constant 0 : i32
      %dma_start3A_93 = arith.constant 0 : i32
      %dma_start3A_94 = tpu.memref_slice %arg9[%dma_start3A_92, %dma_start3A_93] : memref<128x64xbf16, #tpu.memory_space<vmem>> -> memref<64x64xbf16, #tpu.memory_space<vmem>>
      %dma_start3A_95 = arith.constant 0 : i32
      %dma_start3A_96 = tpu.memref_slice %arg17[%add3A_4, %dma_start3A_95] : memref<10240x64xbf16, #tpu.memory_space<vmem_shared>> -> memref<64x64xbf16, #tpu.memory_space<vmem_shared>>
      %dma_start3A_97 = arith.constant 0 : i32
      %dma_start3A_98 = tpu.memref_slice %arg17[%add3A_4, %dma_start3A_97] : memref<10240x64xbf16, #tpu.memory_space<vmem_shared>> -> memref<64x64xbf16, #tpu.memory_space<vmem_shared>>
      %dma_start3A_99 = arith.constant 0 : i32
      %dma_start3A_100 = arith.constant 0 : i32
      %dma_start3A_101 = tpu.memref_slice %arg9[%dma_start3A_99, %dma_start3A_100] : memref<128x64xbf16, #tpu.memory_space<vmem>> -> memref<64x64xbf16, #tpu.memory_space<vmem>>
      tpu.enqueue_dma source(%dma_start3A_101 : memref<64x64xbf16, #tpu.memory_space<vmem>>) target(%dma_start3A_98 : memref<64x64xbf16, #tpu.memory_space<vmem_shared>>) target_semaphore(%run_scoped3A : memref<!tpu.dma_semaphore, #tpu.memory_space<semaphore_mem>>)
      %dma_wait3A = arith.constant 0 : i32
      %dma_wait3A_102 = arith.constant 0 : i32
      %dma_wait3A_103 = tpu.memref_slice %arg9[%dma_wait3A, %dma_wait3A_102] : memref<128x64xbf16, #tpu.memory_space<vmem>> -> memref<64x64xbf16, #tpu.memory_space<vmem>>
      %dma_wait3A_104 = arith.constant 0 : i32
      %dma_wait3A_105 = tpu.memref_slice %arg17[%add3A_4, %dma_wait3A_104] : memref<10240x64xbf16, #tpu.memory_space<vmem_shared>> -> memref<64x64xbf16, #tpu.memory_space<vmem_shared>>
      %dma_wait3A_106 = arith.constant 0 : i32
      %dma_wait3A_107 = tpu.memref_slice %arg17[%add3A_4, %dma_wait3A_106] : memref<10240x64xbf16, #tpu.memory_space<vmem_shared>> -> memref<64x64xbf16, #tpu.memory_space<vmem_shared>>
      %dma_wait3A_108 = arith.constant 0 : i32
      %dma_wait3A_109 = arith.constant 0 : i32
      %dma_wait3A_110 = tpu.memref_slice %arg9[%dma_wait3A_108, %dma_wait3A_109] : memref<128x64xbf16, #tpu.memory_space<vmem>> -> memref<64x64xbf16, #tpu.memory_space<vmem>>
      tpu.wait_dma2 semaphore(%run_scoped3A : memref<!tpu.dma_semaphore, #tpu.memory_space<semaphore_mem>>) src(%dma_wait3A_110 : memref<64x64xbf16, #tpu.memory_space<vmem>>) dst(%dma_wait3A_107 : memref<64x64xbf16, #tpu.memory_space<vmem_shared>>)
      tpu.yield
    }) : () -> ()
    %add3A_5 = arith.constant 64 : i32
    %add3A_6 = arith.addi %mul3A_2, %add3A_5 : i32
    "tpu.region"() ({
      %run_scoped3A = tpu.sem_alloc : memref<!tpu.dma_semaphore, #tpu.memory_space<semaphore_mem>>
      %dma_start3A_92 = arith.constant 0 : i32
      %dma_start3A_93 = arith.constant 0 : i32
      %dma_start3A_94 = tpu.memref_slice %arg9[%dma_start3A_92, %dma_start3A_93] : memref<128x64xbf16, #tpu.memory_space<vmem>> -> memref<64x64xbf16, #tpu.memory_space<vmem>>
      %dma_start3A_95 = arith.constant 0 : i32
      %dma_start3A_96 = tpu.memref_slice %arg17[%add3A_6, %dma_start3A_95] : memref<10240x64xbf16, #tpu.memory_space<vmem_shared>> -> memref<64x64xbf16, #tpu.memory_space<vmem_shared>>
      %dma_start3A_97 = arith.constant 0 : i32
      %dma_start3A_98 = tpu.memref_slice %arg17[%add3A_6, %dma_start3A_97] : memref<10240x64xbf16, #tpu.memory_space<vmem_shared>> -> memref<64x64xbf16, #tpu.memory_space<vmem_shared>>
      %dma_start3A_99 = arith.constant 0 : i32
      %dma_start3A_100 = arith.constant 0 : i32
      %dma_start3A_101 = tpu.memref_slice %arg9[%dma_start3A_99, %dma_start3A_100] : memref<128x64xbf16, #tpu.memory_space<vmem>> -> memref<64x64xbf16, #tpu.memory_space<vmem>>
      tpu.enqueue_dma source(%dma_start3A_101 : memref<64x64xbf16, #tpu.memory_space<vmem>>) target(%dma_start3A_98 : memref<64x64xbf16, #tpu.memory_space<vmem_shared>>) target_semaphore(%run_scoped3A : memref<!tpu.dma_semaphore, #tpu.memory_space<semaphore_mem>>)
      %dma_wait3A = arith.constant 0 : i32
      %dma_wait3A_102 = arith.constant 0 : i32
      %dma_wait3A_103 = tpu.memref_slice %arg9[%dma_wait3A, %dma_wait3A_102] : memref<128x64xbf16, #tpu.memory_space<vmem>> -> memref<64x64xbf16, #tpu.memory_space<vmem>>
      %dma_wait3A_104 = arith.constant 0 : i32
      %dma_wait3A_105 = tpu.memref_slice %arg17[%add3A_6, %dma_wait3A_104] : memref<10240x64xbf16, #tpu.memory_space<vmem_shared>> -> memref<64x64xbf16, #tpu.memory_space<vmem_shared>>
      %dma_wait3A_106 = arith.constant 0 : i32
      %dma_wait3A_107 = tpu.memref_slice %arg17[%add3A_6, %dma_wait3A_106] : memref<10240x64xbf16, #tpu.memory_space<vmem_shared>> -> memref<64x64xbf16, #tpu.memory_space<vmem_shared>>
      %dma_wait3A_108 = arith.constant 0 : i32
      %dma_wait3A_109 = arith.constant 0 : i32
      %dma_wait3A_110 = tpu.memref_slice %arg9[%dma_wait3A_108, %dma_wait3A_109] : memref<128x64xbf16, #tpu.memory_space<vmem>> -> memref<64x64xbf16, #tpu.memory_space<vmem>>
      tpu.wait_dma2 semaphore(%run_scoped3A : memref<!tpu.dma_semaphore, #tpu.memory_space<semaphore_mem>>) src(%dma_wait3A_110 : memref<64x64xbf16, #tpu.memory_space<vmem>>) dst(%dma_wait3A_107 : memref<64x64xbf16, #tpu.memory_space<vmem_shared>>)
      tpu.yield
    }) : () -> ()
    %add3A_7 = arith.constant 128 : i32
    %add3A_8 = arith.addi %mul3A_2, %add3A_7 : i32
    "tpu.region"() ({
      %run_scoped3A = tpu.sem_alloc : memref<!tpu.dma_semaphore, #tpu.memory_space<semaphore_mem>>
      %dma_start3A_92 = arith.constant 0 : i32
      %dma_start3A_93 = arith.constant 0 : i32
      %dma_start3A_94 = tpu.memref_slice %arg9[%dma_start3A_92, %dma_start3A_93] : memref<128x64xbf16, #tpu.memory_space<vmem>> -> memref<64x64xbf16, #tpu.memory_space<vmem>>
      %dma_start3A_95 = arith.constant 0 : i32
      %dma_start3A_96 = tpu.memref_slice %arg17[%add3A_8, %dma_start3A_95] : memref<10240x64xbf16, #tpu.memory_space<vmem_shared>> -> memref<64x64xbf16, #tpu.memory_space<vmem_shared>>
      %dma_start3A_97 = arith.constant 0 : i32
      %dma_start3A_98 = tpu.memref_slice %arg17[%add3A_8, %dma_start3A_97] : memref<10240x64xbf16, #tpu.memory_space<vmem_shared>> -> memref<64x64xbf16, #tpu.memory_space<vmem_shared>>
      %dma_start3A_99 = arith.constant 0 : i32
      %dma_start3A_100 = arith.constant 0 : i32
      %dma_start3A_101 = tpu.memref_slice %arg9[%dma_start3A_99, %dma_start3A_100] : memref<128x64xbf16, #tpu.memory_space<vmem>> -> memref<64x64xbf16, #tpu.memory_space<vmem>>
      tpu.enqueue_dma source(%dma_start3A_101 : memref<64x64xbf16, #tpu.memory_space<vmem>>) target(%dma_start3A_98 : memref<64x64xbf16, #tpu.memory_space<vmem_shared>>) target_semaphore(%run_scoped3A : memref<!tpu.dma_semaphore, #tpu.memory_space<semaphore_mem>>)
      %dma_wait3A = arith.constant 0 : i32
      %dma_wait3A_102 = arith.constant 0 : i32
      %dma_wait3A_103 = tpu.memref_slice %arg9[%dma_wait3A, %dma_wait3A_102] : memref<128x64xbf16, #tpu.memory_space<vmem>> -> memref<64x64xbf16, #tpu.memory_space<vmem>>
      %dma_wait3A_104 = arith.constant 0 : i32
      %dma_wait3A_105 = tpu.memref_slice %arg17[%add3A_8, %dma_wait3A_104] : memref<10240x64xbf16, #tpu.memory_space<vmem_shared>> -> memref<64x64xbf16, #tpu.memory_space<vmem_shared>>
      %dma_wait3A_106 = arith.constant 0 : i32
      %dma_wait3A_107 = tpu.memref_slice %arg17[%add3A_8, %dma_wait3A_106] : memref<10240x64xbf16, #tpu.memory_space<vmem_shared>> -> memref<64x64xbf16, #tpu.memory_space<vmem_shared>>
      %dma_wait3A_108 = arith.constant 0 : i32
      %dma_wait3A_109 = arith.constant 0 : i32
      %dma_wait3A_110 = tpu.memref_slice %arg9[%dma_wait3A_108, %dma_wait3A_109] : memref<128x64xbf16, #tpu.memory_space<vmem>> -> memref<64x64xbf16, #tpu.memory_space<vmem>>
      tpu.wait_dma2 semaphore(%run_scoped3A : memref<!tpu.dma_semaphore, #tpu.memory_space<semaphore_mem>>) src(%dma_wait3A_110 : memref<64x64xbf16, #tpu.memory_space<vmem>>) dst(%dma_wait3A_107 : memref<64x64xbf16, #tpu.memory_space<vmem_shared>>)
      tpu.yield
    }) : () -> ()
    %add3A_9 = arith.constant 192 : i32
    %add3A_10 = arith.addi %mul3A_2, %add3A_9 : i32
    "tpu.region"() ({
      %run_scoped3A = tpu.sem_alloc : memref<!tpu.dma_semaphore, #tpu.memory_space<semaphore_mem>>
      %dma_start3A_92 = arith.constant 0 : i32
      %dma_start3A_93 = arith.constant 0 : i32
      %dma_start3A_94 = tpu.memref_slice %arg9[%dma_start3A_92, %dma_start3A_93] : memref<128x64xbf16, #tpu.memory_space<vmem>> -> memref<64x64xbf16, #tpu.memory_space<vmem>>
      %dma_start3A_95 = arith.constant 0 : i32
      %dma_start3A_96 = tpu.memref_slice %arg17[%add3A_10, %dma_start3A_95] : memref<10240x64xbf16, #tpu.memory_space<vmem_shared>> -> memref<64x64xbf16, #tpu.memory_space<vmem_shared>>
      %dma_start3A_97 = arith.constant 0 : i32
      %dma_start3A_98 = tpu.memref_slice %arg17[%add3A_10, %dma_start3A_97] : memref<10240x64xbf16, #tpu.memory_space<vmem_shared>> -> memref<64x64xbf16, #tpu.memory_space<vmem_shared>>
      %dma_start3A_99 = arith.constant 0 : i32
      %dma_start3A_100 = arith.constant 0 : i32
      %dma_start3A_101 = tpu.memref_slice %arg9[%dma_start3A_99, %dma_start3A_100] : memref<128x64xbf16, #tpu.memory_space<vmem>> -> memref<64x64xbf16, #tpu.memory_space<vmem>>
      tpu.enqueue_dma source(%dma_start3A_101 : memref<64x64xbf16, #tpu.memory_space<vmem>>) target(%dma_start3A_98 : memref<64x64xbf16, #tpu.memory_space<vmem_shared>>) target_semaphore(%run_scoped3A : memref<!tpu.dma_semaphore, #tpu.memory_space<semaphore_mem>>)
      %dma_wait3A = arith.constant 0 : i32
      %dma_wait3A_102 = arith.constant 0 : i32
      %dma_wait3A_103 = tpu.memref_slice %arg9[%dma_wait3A, %dma_wait3A_102] : memref<128x64xbf16, #tpu.memory_space<vmem>> -> memref<64x64xbf16, #tpu.memory_space<vmem>>
      %dma_wait3A_104 = arith.constant 0 : i32
      %dma_wait3A_105 = tpu.memref_slice %arg17[%add3A_10, %dma_wait3A_104] : memref<10240x64xbf16, #tpu.memory_space<vmem_shared>> -> memref<64x64xbf16, #tpu.memory_space<vmem_shared>>
      %dma_wait3A_106 = arith.constant 0 : i32
      %dma_wait3A_107 = tpu.memref_slice %arg17[%add3A_10, %dma_wait3A_106] : memref<10240x64xbf16, #tpu.memory_space<vmem_shared>> -> memref<64x64xbf16, #tpu.memory_space<vmem_shared>>
      %dma_wait3A_108 = arith.constant 0 : i32
      %dma_wait3A_109 = arith.constant 0 : i32
      %dma_wait3A_110 = tpu.memref_slice %arg9[%dma_wait3A_108, %dma_wait3A_109] : memref<128x64xbf16, #tpu.memory_space<vmem>> -> memref<64x64xbf16, #tpu.memory_space<vmem>>
      tpu.wait_dma2 semaphore(%run_scoped3A : memref<!tpu.dma_semaphore, #tpu.memory_space<semaphore_mem>>) src(%dma_wait3A_110 : memref<64x64xbf16, #tpu.memory_space<vmem>>) dst(%dma_wait3A_107 : memref<64x64xbf16, #tpu.memory_space<vmem_shared>>)
      tpu.yield
    }) : () -> ()
    %add3A_11 = arith.constant 256 : i32
    %add3A_12 = arith.addi %mul3A_2, %add3A_11 : i32
    "tpu.region"() ({
      %run_scoped3A = tpu.sem_alloc : memref<!tpu.dma_semaphore, #tpu.memory_space<semaphore_mem>>
      %dma_start3A_92 = arith.constant 0 : i32
      %dma_start3A_93 = arith.constant 0 : i32
      %dma_start3A_94 = tpu.memref_slice %arg9[%dma_start3A_92, %dma_start3A_93] : memref<128x64xbf16, #tpu.memory_space<vmem>> -> memref<64x64xbf16, #tpu.memory_space<vmem>>
      %dma_start3A_95 = arith.constant 0 : i32
      %dma_start3A_96 = tpu.memref_slice %arg17[%add3A_12, %dma_start3A_95] : memref<10240x64xbf16, #tpu.memory_space<vmem_shared>> -> memref<64x64xbf16, #tpu.memory_space<vmem_shared>>
      %dma_start3A_97 = arith.constant 0 : i32
      %dma_start3A_98 = tpu.memref_slice %arg17[%add3A_12, %dma_start3A_97] : memref<10240x64xbf16, #tpu.memory_space<vmem_shared>> -> memref<64x64xbf16, #tpu.memory_space<vmem_shared>>
      %dma_start3A_99 = arith.constant 0 : i32
      %dma_start3A_100 = arith.constant 0 : i32
      %dma_start3A_101 = tpu.memref_slice %arg9[%dma_start3A_99, %dma_start3A_100] : memref<128x64xbf16, #tpu.memory_space<vmem>> -> memref<64x64xbf16, #tpu.memory_space<vmem>>
      tpu.enqueue_dma source(%dma_start3A_101 : memref<64x64xbf16, #tpu.memory_space<vmem>>) target(%dma_start3A_98 : memref<64x64xbf16, #tpu.memory_space<vmem_shared>>) target_semaphore(%run_scoped3A : memref<!tpu.dma_semaphore, #tpu.memory_space<semaphore_mem>>)
      %dma_wait3A = arith.constant 0 : i32
      %dma_wait3A_102 = arith.constant 0 : i32
      %dma_wait3A_103 = tpu.memref_slice %arg9[%dma_wait3A, %dma_wait3A_102] : memref<128x64xbf16, #tpu.memory_space<vmem>> -> memref<64x64xbf16, #tpu.memory_space<vmem>>
      %dma_wait3A_104 = arith.constant 0 : i32
      %dma_wait3A_105 = tpu.memref_slice %arg17[%add3A_12, %dma_wait3A_104] : memref<10240x64xbf16, #tpu.memory_space<vmem_shared>> -> memref<64x64xbf16, #tpu.memory_space<vmem_shared>>
      %dma_wait3A_106 = arith.constant 0 : i32
      %dma_wait3A_107 = tpu.memref_slice %arg17[%add3A_12, %dma_wait3A_106] : memref<10240x64xbf16, #tpu.memory_space<vmem_shared>> -> memref<64x64xbf16, #tpu.memory_space<vmem_shared>>
      %dma_wait3A_108 = arith.constant 0 : i32
      %dma_wait3A_109 = arith.constant 0 : i32
      %dma_wait3A_110 = tpu.memref_slice %arg9[%dma_wait3A_108, %dma_wait3A_109] : memref<128x64xbf16, #tpu.memory_space<vmem>> -> memref<64x64xbf16, #tpu.memory_space<vmem>>
      tpu.wait_dma2 semaphore(%run_scoped3A : memref<!tpu.dma_semaphore, #tpu.memory_space<semaphore_mem>>) src(%dma_wait3A_110 : memref<64x64xbf16, #tpu.memory_space<vmem>>) dst(%dma_wait3A_107 : memref<64x64xbf16, #tpu.memory_space<vmem_shared>>)
      tpu.yield
    }) : () -> ()
    %add3A_13 = arith.constant 320 : i32
    %add3A_14 = arith.addi %mul3A_2, %add3A_13 : i32
    "tpu.region"() ({
      %run_scoped3A = tpu.sem_alloc : memref<!tpu.dma_semaphore, #tpu.memory_space<semaphore_mem>>
      %dma_start3A_92 = arith.constant 0 : i32
      %dma_start3A_93 = arith.constant 0 : i32
      %dma_start3A_94 = tpu.memref_slice %arg9[%dma_start3A_92, %dma_start3A_93] : memref<128x64xbf16, #tpu.memory_space<vmem>> -> memref<64x64xbf16, #tpu.memory_space<vmem>>
      %dma_start3A_95 = arith.constant 0 : i32
      %dma_start3A_96 = tpu.memref_slice %arg17[%add3A_14, %dma_start3A_95] : memref<10240x64xbf16, #tpu.memory_space<vmem_shared>> -> memref<64x64xbf16, #tpu.memory_space<vmem_shared>>
      %dma_start3A_97 = arith.constant 0 : i32
      %dma_start3A_98 = tpu.memref_slice %arg17[%add3A_14, %dma_start3A_97] : memref<10240x64xbf16, #tpu.memory_space<vmem_shared>> -> memref<64x64xbf16, #tpu.memory_space<vmem_shared>>
      %dma_start3A_99 = arith.constant 0 : i32
      %dma_start3A_100 = arith.constant 0 : i32
      %dma_start3A_101 = tpu.memref_slice %arg9[%dma_start3A_99, %dma_start3A_100] : memref<128x64xbf16, #tpu.memory_space<vmem>> -> memref<64x64xbf16, #tpu.memory_space<vmem>>
      tpu.enqueue_dma source(%dma_start3A_101 : memref<64x64xbf16, #tpu.memory_space<vmem>>) target(%dma_start3A_98 : memref<64x64xbf16, #tpu.memory_space<vmem_shared>>) target_semaphore(%run_scoped3A : memref<!tpu.dma_semaphore, #tpu.memory_space<semaphore_mem>>)
      %dma_wait3A = arith.constant 0 : i32
      %dma_wait3A_102 = arith.constant 0 : i32
      %dma_wait3A_103 = tpu.memref_slice %arg9[%dma_wait3A, %dma_wait3A_102] : memref<128x64xbf16, #tpu.memory_space<vmem>> -> memref<64x64xbf16, #tpu.memory_space<vmem>>
      %dma_wait3A_104 = arith.constant 0 : i32
      %dma_wait3A_105 = tpu.memref_slice %arg17[%add3A_14, %dma_wait3A_104] : memref<10240x64xbf16, #tpu.memory_space<vmem_shared>> -> memref<64x64xbf16, #tpu.memory_space<vmem_shared>>
      %dma_wait3A_106 = arith.constant 0 : i32
      %dma_wait3A_107 = tpu.memref_slice %arg17[%add3A_14, %dma_wait3A_106] : memref<10240x64xbf16, #tpu.memory_space<vmem_shared>> -> memref<64x64xbf16, #tpu.memory_space<vmem_shared>>
      %dma_wait3A_108 = arith.constant 0 : i32
      %dma_wait3A_109 = arith.constant 0 : i32
      %dma_wait3A_110 = tpu.memref_slice %arg9[%dma_wait3A_108, %dma_wait3A_109] : memref<128x64xbf16, #tpu.memory_space<vmem>> -> memref<64x64xbf16, #tpu.memory_space<vmem>>
      tpu.wait_dma2 semaphore(%run_scoped3A : memref<!tpu.dma_semaphore, #tpu.memory_space<semaphore_mem>>) src(%dma_wait3A_110 : memref<64x64xbf16, #tpu.memory_space<vmem>>) dst(%dma_wait3A_107 : memref<64x64xbf16, #tpu.memory_space<vmem_shared>>)
      tpu.yield
    }) : () -> ()
    %add3A_15 = arith.constant 384 : i32
    %add3A_16 = arith.addi %mul3A_2, %add3A_15 : i32
    "tpu.region"() ({
      %run_scoped3A = tpu.sem_alloc : memref<!tpu.dma_semaphore, #tpu.memory_space<semaphore_mem>>
      %dma_start3A_92 = arith.constant 0 : i32
      %dma_start3A_93 = arith.constant 0 : i32
      %dma_start3A_94 = tpu.memref_slice %arg9[%dma_start3A_92, %dma_start3A_93] : memref<128x64xbf16, #tpu.memory_space<vmem>> -> memref<64x64xbf16, #tpu.memory_space<vmem>>
      %dma_start3A_95 = arith.constant 0 : i32
      %dma_start3A_96 = tpu.memref_slice %arg17[%add3A_16, %dma_start3A_95] : memref<10240x64xbf16, #tpu.memory_space<vmem_shared>> -> memref<64x64xbf16, #tpu.memory_space<vmem_shared>>
      %dma_start3A_97 = arith.constant 0 : i32
      %dma_start3A_98 = tpu.memref_slice %arg17[%add3A_16, %dma_start3A_97] : memref<10240x64xbf16, #tpu.memory_space<vmem_shared>> -> memref<64x64xbf16, #tpu.memory_space<vmem_shared>>
      %dma_start3A_99 = arith.constant 0 : i32
      %dma_start3A_100 = arith.constant 0 : i32
      %dma_start3A_101 = tpu.memref_slice %arg9[%dma_start3A_99, %dma_start3A_100] : memref<128x64xbf16, #tpu.memory_space<vmem>> -> memref<64x64xbf16, #tpu.memory_space<vmem>>
      tpu.enqueue_dma source(%dma_start3A_101 : memref<64x64xbf16, #tpu.memory_space<vmem>>) target(%dma_start3A_98 : memref<64x64xbf16, #tpu.memory_space<vmem_shared>>) target_semaphore(%run_scoped3A : memref<!tpu.dma_semaphore, #tpu.memory_space<semaphore_mem>>)
      %dma_wait3A = arith.constant 0 : i32
      %dma_wait3A_102 = arith.constant 0 : i32
      %dma_wait3A_103 = tpu.memref_slice %arg9[%dma_wait3A, %dma_wait3A_102] : memref<128x64xbf16, #tpu.memory_space<vmem>> -> memref<64x64xbf16, #tpu.memory_space<vmem>>
      %dma_wait3A_104 = arith.constant 0 : i32
      %dma_wait3A_105 = tpu.memref_slice %arg17[%add3A_16, %dma_wait3A_104] : memref<10240x64xbf16, #tpu.memory_space<vmem_shared>> -> memref<64x64xbf16, #tpu.memory_space<vmem_shared>>
      %dma_wait3A_106 = arith.constant 0 : i32
      %dma_wait3A_107 = tpu.memref_slice %arg17[%add3A_16, %dma_wait3A_106] : memref<10240x64xbf16, #tpu.memory_space<vmem_shared>> -> memref<64x64xbf16, #tpu.memory_space<vmem_shared>>
      %dma_wait3A_108 = arith.constant 0 : i32
      %dma_wait3A_109 = arith.constant 0 : i32
      %dma_wait3A_110 = tpu.memref_slice %arg9[%dma_wait3A_108, %dma_wait3A_109] : memref<128x64xbf16, #tpu.memory_space<vmem>> -> memref<64x64xbf16, #tpu.memory_space<vmem>>
      tpu.wait_dma2 semaphore(%run_scoped3A : memref<!tpu.dma_semaphore, #tpu.memory_space<semaphore_mem>>) src(%dma_wait3A_110 : memref<64x64xbf16, #tpu.memory_space<vmem>>) dst(%dma_wait3A_107 : memref<64x64xbf16, #tpu.memory_space<vmem_shared>>)
      tpu.yield
    }) : () -> ()
    %add3A_17 = arith.constant 448 : i32
    %add3A_18 = arith.addi %mul3A_2, %add3A_17 : i32
    "tpu.region"() ({
      %run_scoped3A = tpu.sem_alloc : memref<!tpu.dma_semaphore, #tpu.memory_space<semaphore_mem>>
      %dma_start3A_92 = arith.constant 0 : i32
      %dma_start3A_93 = arith.constant 0 : i32
      %dma_start3A_94 = tpu.memref_slice %arg9[%dma_start3A_92, %dma_start3A_93] : memref<128x64xbf16, #tpu.memory_space<vmem>> -> memref<64x64xbf16, #tpu.memory_space<vmem>>
      %dma_start3A_95 = arith.constant 0 : i32
      %dma_start3A_96 = tpu.memref_slice %arg17[%add3A_18, %dma_start3A_95] : memref<10240x64xbf16, #tpu.memory_space<vmem_shared>> -> memref<64x64xbf16, #tpu.memory_space<vmem_shared>>
      %dma_start3A_97 = arith.constant 0 : i32
      %dma_start3A_98 = tpu.memref_slice %arg17[%add3A_18, %dma_start3A_97] : memref<10240x64xbf16, #tpu.memory_space<vmem_shared>> -> memref<64x64xbf16, #tpu.memory_space<vmem_shared>>
      %dma_start3A_99 = arith.constant 0 : i32
      %dma_start3A_100 = arith.constant 0 : i32
      %dma_start3A_101 = tpu.memref_slice %arg9[%dma_start3A_99, %dma_start3A_100] : memref<128x64xbf16, #tpu.memory_space<vmem>> -> memref<64x64xbf16, #tpu.memory_space<vmem>>
      tpu.enqueue_dma source(%dma_start3A_101 : memref<64x64xbf16, #tpu.memory_space<vmem>>) target(%dma_start3A_98 : memref<64x64xbf16, #tpu.memory_space<vmem_shared>>) target_semaphore(%run_scoped3A : memref<!tpu.dma_semaphore, #tpu.memory_space<semaphore_mem>>)
      %dma_wait3A = arith.constant 0 : i32
      %dma_wait3A_102 = arith.constant 0 : i32
      %dma_wait3A_103 = tpu.memref_slice %arg9[%dma_wait3A, %dma_wait3A_102] : memref<128x64xbf16, #tpu.memory_space<vmem>> -> memref<64x64xbf16, #tpu.memory_space<vmem>>
      %dma_wait3A_104 = arith.constant 0 : i32
      %dma_wait3A_105 = tpu.memref_slice %arg17[%add3A_18, %dma_wait3A_104] : memref<10240x64xbf16, #tpu.memory_space<vmem_shared>> -> memref<64x64xbf16, #tpu.memory_space<vmem_shared>>
      %dma_wait3A_106 = arith.constant 0 : i32
      %dma_wait3A_107 = tpu.memref_slice %arg17[%add3A_18, %dma_wait3A_106] : memref<10240x64xbf16, #tpu.memory_space<vmem_shared>> -> memref<64x64xbf16, #tpu.memory_space<vmem_shared>>
      %dma_wait3A_108 = arith.constant 0 : i32
      %dma_wait3A_109 = arith.constant 0 : i32
      %dma_wait3A_110 = tpu.memref_slice %arg9[%dma_wait3A_108, %dma_wait3A_109] : memref<128x64xbf16, #tpu.memory_space<vmem>> -> memref<64x64xbf16, #tpu.memory_space<vmem>>
      tpu.wait_dma2 semaphore(%run_scoped3A : memref<!tpu.dma_semaphore, #tpu.memory_space<semaphore_mem>>) src(%dma_wait3A_110 : memref<64x64xbf16, #tpu.memory_space<vmem>>) dst(%dma_wait3A_107 : memref<64x64xbf16, #tpu.memory_space<vmem_shared>>)
      tpu.yield
    }) : () -> ()
    %add3A_19 = arith.constant 512 : i32
    %add3A_20 = arith.addi %mul3A_2, %add3A_19 : i32
    "tpu.region"() ({
      %run_scoped3A = tpu.sem_alloc : memref<!tpu.dma_semaphore, #tpu.memory_space<semaphore_mem>>
      %dma_start3A_92 = arith.constant 0 : i32
      %dma_start3A_93 = arith.constant 0 : i32
      %dma_start3A_94 = tpu.memref_slice %arg9[%dma_start3A_92, %dma_start3A_93] : memref<128x64xbf16, #tpu.memory_space<vmem>> -> memref<64x64xbf16, #tpu.memory_space<vmem>>
      %dma_start3A_95 = arith.constant 0 : i32
      %dma_start3A_96 = tpu.memref_slice %arg17[%add3A_20, %dma_start3A_95] : memref<10240x64xbf16, #tpu.memory_space<vmem_shared>> -> memref<64x64xbf16, #tpu.memory_space<vmem_shared>>
      %dma_start3A_97 = arith.constant 0 : i32
      %dma_start3A_98 = tpu.memref_slice %arg17[%add3A_20, %dma_start3A_97] : memref<10240x64xbf16, #tpu.memory_space<vmem_shared>> -> memref<64x64xbf16, #tpu.memory_space<vmem_shared>>
      %dma_start3A_99 = arith.constant 0 : i32
      %dma_start3A_100 = arith.constant 0 : i32
      %dma_start3A_101 = tpu.memref_slice %arg9[%dma_start3A_99, %dma_start3A_100] : memref<128x64xbf16, #tpu.memory_space<vmem>> -> memref<64x64xbf16, #tpu.memory_space<vmem>>
      tpu.enqueue_dma source(%dma_start3A_101 : memref<64x64xbf16, #tpu.memory_space<vmem>>) target(%dma_start3A_98 : memref<64x64xbf16, #tpu.memory_space<vmem_shared>>) target_semaphore(%run_scoped3A : memref<!tpu.dma_semaphore, #tpu.memory_space<semaphore_mem>>)
      %dma_wait3A = arith.constant 0 : i32
      %dma_wait3A_102 = arith.constant 0 : i32
      %dma_wait3A_103 = tpu.memref_slice %arg9[%dma_wait3A, %dma_wait3A_102] : memref<128x64xbf16, #tpu.memory_space<vmem>> -> memref<64x64xbf16, #tpu.memory_space<vmem>>
      %dma_wait3A_104 = arith.constant 0 : i32
      %dma_wait3A_105 = tpu.memref_slice %arg17[%add3A_20, %dma_wait3A_104] : memref<10240x64xbf16, #tpu.memory_space<vmem_shared>> -> memref<64x64xbf16, #tpu.memory_space<vmem_shared>>
      %dma_wait3A_106 = arith.constant 0 : i32
      %dma_wait3A_107 = tpu.memref_slice %arg17[%add3A_20, %dma_wait3A_106] : memref<10240x64xbf16, #tpu.memory_space<vmem_shared>> -> memref<64x64xbf16, #tpu.memory_space<vmem_shared>>
      %dma_wait3A_108 = arith.constant 0 : i32
      %dma_wait3A_109 = arith.constant 0 : i32
      %dma_wait3A_110 = tpu.memref_slice %arg9[%dma_wait3A_108, %dma_wait3A_109] : memref<128x64xbf16, #tpu.memory_space<vmem>> -> memref<64x64xbf16, #tpu.memory_space<vmem>>
      tpu.wait_dma2 semaphore(%run_scoped3A : memref<!tpu.dma_semaphore, #tpu.memory_space<semaphore_mem>>) src(%dma_wait3A_110 : memref<64x64xbf16, #tpu.memory_space<vmem>>) dst(%dma_wait3A_107 : memref<64x64xbf16, #tpu.memory_space<vmem_shared>>)
      tpu.yield
    }) : () -> ()
    %add3A_21 = arith.constant 576 : i32
    %add3A_22 = arith.addi %mul3A_2, %add3A_21 : i32
    "tpu.region"() ({
      %run_scoped3A = tpu.sem_alloc : memref<!tpu.dma_semaphore, #tpu.memory_space<semaphore_mem>>
      %dma_start3A_92 = arith.constant 0 : i32
      %dma_start3A_93 = arith.constant 0 : i32
      %dma_start3A_94 = tpu.memref_slice %arg9[%dma_start3A_92, %dma_start3A_93] : memref<128x64xbf16, #tpu.memory_space<vmem>> -> memref<64x64xbf16, #tpu.memory_space<vmem>>
      %dma_start3A_95 = arith.constant 0 : i32
      %dma_start3A_96 = tpu.memref_slice %arg17[%add3A_22, %dma_start3A_95] : memref<10240x64xbf16, #tpu.memory_space<vmem_shared>> -> memref<64x64xbf16, #tpu.memory_space<vmem_shared>>
      %dma_start3A_97 = arith.constant 0 : i32
      %dma_start3A_98 = tpu.memref_slice %arg17[%add3A_22, %dma_start3A_97] : memref<10240x64xbf16, #tpu.memory_space<vmem_shared>> -> memref<64x64xbf16, #tpu.memory_space<vmem_shared>>
      %dma_start3A_99 = arith.constant 0 : i32
      %dma_start3A_100 = arith.constant 0 : i32
      %dma_start3A_101 = tpu.memref_slice %arg9[%dma_start3A_99, %dma_start3A_100] : memref<128x64xbf16, #tpu.memory_space<vmem>> -> memref<64x64xbf16, #tpu.memory_space<vmem>>
      tpu.enqueue_dma source(%dma_start3A_101 : memref<64x64xbf16, #tpu.memory_space<vmem>>) target(%dma_start3A_98 : memref<64x64xbf16, #tpu.memory_space<vmem_shared>>) target_semaphore(%run_scoped3A : memref<!tpu.dma_semaphore, #tpu.memory_space<semaphore_mem>>)
      %dma_wait3A = arith.constant 0 : i32
      %dma_wait3A_102 = arith.constant 0 : i32
      %dma_wait3A_103 = tpu.memref_slice %arg9[%dma_wait3A, %dma_wait3A_102] : memref<128x64xbf16, #tpu.memory_space<vmem>> -> memref<64x64xbf16, #tpu.memory_space<vmem>>
      %dma_wait3A_104 = arith.constant 0 : i32
      %dma_wait3A_105 = tpu.memref_slice %arg17[%add3A_22, %dma_wait3A_104] : memref<10240x64xbf16, #tpu.memory_space<vmem_shared>> -> memref<64x64xbf16, #tpu.memory_space<vmem_shared>>
      %dma_wait3A_106 = arith.constant 0 : i32
      %dma_wait3A_107 = tpu.memref_slice %arg17[%add3A_22, %dma_wait3A_106] : memref<10240x64xbf16, #tpu.memory_space<vmem_shared>> -> memref<64x64xbf16, #tpu.memory_space<vmem_shared>>
      %dma_wait3A_108 = arith.constant 0 : i32
      %dma_wait3A_109 = arith.constant 0 : i32
      %dma_wait3A_110 = tpu.memref_slice %arg9[%dma_wait3A_108, %dma_wait3A_109] : memref<128x64xbf16, #tpu.memory_space<vmem>> -> memref<64x64xbf16, #tpu.memory_space<vmem>>
      tpu.wait_dma2 semaphore(%run_scoped3A : memref<!tpu.dma_semaphore, #tpu.memory_space<semaphore_mem>>) src(%dma_wait3A_110 : memref<64x64xbf16, #tpu.memory_space<vmem>>) dst(%dma_wait3A_107 : memref<64x64xbf16, #tpu.memory_space<vmem_shared>>)
      tpu.yield
    }) : () -> ()
    %barrier3A = arith.constant 0 : index
    tpu.barrier barrier_id(%barrier3A)
    %dma_start3A = arith.constant 0 : i32
    %dma_start3A_23 = arith.constant 0 : i32
    %dma_start3A_24 = tpu.memref_slice %arg7[%dma_start3A, %dma_start3A_23] : memref<80x128xi32, #tpu.memory_space<vmem>> -> memref<1x128xi32, #tpu.memory_space<vmem>>
    %dma_start3A_25 = tpu.memref_squeeze %dma_start3A_24 : memref<1x128xi32, #tpu.memory_space<vmem>> -> memref<128xi32, #tpu.memory_space<vmem>>
    %dma_start3A_26 = arith.constant 0 : i32
    %dma_start3A_27 = arith.constant 0 : i32
    %dma_start3A_28 = tpu.memref_slice %arg2[%arg0, %dma_start3A_26, %dma_start3A_27] : memref<2x10240x64xbf16, #tpu.memory_space<hbm>> -> memref<1x10240x64xbf16, #tpu.memory_space<hbm>>
    %dma_start3A_29 = tpu.memref_squeeze %dma_start3A_28 : memref<1x10240x64xbf16, #tpu.memory_space<hbm>> -> memref<10240x64xbf16, #tpu.memory_space<hbm>>
    %dma_start3A_30 = arith.constant 0 : i32
    %dma_start3A_31 = arith.constant 0 : i32
    %dma_start3A_32 = tpu.memref_slice %dma_start3A_29[%dma_start3A_30, %dma_start3A_31] : memref<10240x64xbf16, #tpu.memory_space<hbm>> -> memref<10240x64xbf16, #tpu.memory_space<hbm>>
    tpu.enqueue_indirect_dma source(%dma_start3A_32 : memref<10240x64xbf16, #tpu.memory_space<hbm>>) target(%arg9 : memref<128x64xbf16, #tpu.memory_space<vmem>>) offsets(%dma_start3A_25 : memref<128xi32, #tpu.memory_space<vmem>>) semaphore(%arg13 : memref<!tpu.dma_semaphore, #tpu.memory_space<semaphore_mem>>)
    %dma_start3A_33 = arith.constant 1 : i32
    %dma_start3A_34 = arith.constant 0 : i32
    %dma_start3A_35 = tpu.memref_slice %arg7[%dma_start3A_33, %dma_start3A_34] : memref<80x128xi32, #tpu.memory_space<vmem>> -> memref<1x128xi32, #tpu.memory_space<vmem>>
    %dma_start3A_36 = tpu.memref_squeeze %dma_start3A_35 : memref<1x128xi32, #tpu.memory_space<vmem>> -> memref<128xi32, #tpu.memory_space<vmem>>
    %dma_start3A_37 = arith.constant 0 : i32
    %dma_start3A_38 = arith.constant 0 : i32
    %dma_start3A_39 = tpu.memref_slice %arg2[%arg0, %dma_start3A_37, %dma_start3A_38] : memref<2x10240x64xbf16, #tpu.memory_space<hbm>> -> memref<1x10240x64xbf16, #tpu.memory_space<hbm>>
    %dma_start3A_40 = tpu.memref_squeeze %dma_start3A_39 : memref<1x10240x64xbf16, #tpu.memory_space<hbm>> -> memref<10240x64xbf16, #tpu.memory_space<hbm>>
    %dma_start3A_41 = arith.constant 0 : i32
    %dma_start3A_42 = arith.constant 0 : i32
    %dma_start3A_43 = tpu.memref_slice %dma_start3A_40[%dma_start3A_41, %dma_start3A_42] : memref<10240x64xbf16, #tpu.memory_space<hbm>> -> memref<10240x64xbf16, #tpu.memory_space<hbm>>
    tpu.enqueue_indirect_dma source(%dma_start3A_43 : memref<10240x64xbf16, #tpu.memory_space<hbm>>) target(%arg10 : memref<128x64xbf16, #tpu.memory_space<vmem>>) offsets(%dma_start3A_36 : memref<128xi32, #tpu.memory_space<vmem>>) semaphore(%arg14 : memref<!tpu.dma_semaphore, #tpu.memory_space<semaphore_mem>>)
    %dma_start3A_44 = arith.constant 2 : i32
    %dma_start3A_45 = arith.constant 0 : i32
    %dma_start3A_46 = tpu.memref_slice %arg7[%dma_start3A_44, %dma_start3A_45] : memref<80x128xi32, #tpu.memory_space<vmem>> -> memref<1x128xi32, #tpu.memory_space<vmem>>
    %dma_start3A_47 = tpu.memref_squeeze %dma_start3A_46 : memref<1x128xi32, #tpu.memory_space<vmem>> -> memref<128xi32, #tpu.memory_space<vmem>>
    %dma_start3A_48 = arith.constant 0 : i32
    %dma_start3A_49 = arith.constant 0 : i32
    %dma_start3A_50 = tpu.memref_slice %arg2[%arg0, %dma_start3A_48, %dma_start3A_49] : memref<2x10240x64xbf16, #tpu.memory_space<hbm>> -> memref<1x10240x64xbf16, #tpu.memory_space<hbm>>
    %dma_start3A_51 = tpu.memref_squeeze %dma_start3A_50 : memref<1x10240x64xbf16, #tpu.memory_space<hbm>> -> memref<10240x64xbf16, #tpu.memory_space<hbm>>
    %dma_start3A_52 = arith.constant 0 : i32
    %dma_start3A_53 = arith.constant 0 : i32
    %dma_start3A_54 = tpu.memref_slice %dma_start3A_51[%dma_start3A_52, %dma_start3A_53] : memref<10240x64xbf16, #tpu.memory_space<hbm>> -> memref<10240x64xbf16, #tpu.memory_space<hbm>>
    tpu.enqueue_indirect_dma source(%dma_start3A_54 : memref<10240x64xbf16, #tpu.memory_space<hbm>>) target(%arg11 : memref<128x64xbf16, #tpu.memory_space<vmem>>) offsets(%dma_start3A_47 : memref<128xi32, #tpu.memory_space<vmem>>) semaphore(%arg15 : memref<!tpu.dma_semaphore, #tpu.memory_space<semaphore_mem>>)
    %dma_start3A_55 = arith.constant 3 : i32
    %dma_start3A_56 = arith.constant 0 : i32
    %dma_start3A_57 = tpu.memref_slice %arg7[%dma_start3A_55, %dma_start3A_56] : memref<80x128xi32, #tpu.memory_space<vmem>> -> memref<1x128xi32, #tpu.memory_space<vmem>>
    %dma_start3A_58 = tpu.memref_squeeze %dma_start3A_57 : memref<1x128xi32, #tpu.memory_space<vmem>> -> memref<128xi32, #tpu.memory_space<vmem>>
    %dma_start3A_59 = arith.constant 0 : i32
    %dma_start3A_60 = arith.constant 0 : i32
    %dma_start3A_61 = tpu.memref_slice %arg2[%arg0, %dma_start3A_59, %dma_start3A_60] : memref<2x10240x64xbf16, #tpu.memory_space<hbm>> -> memref<1x10240x64xbf16, #tpu.memory_space<hbm>>
    %dma_start3A_62 = tpu.memref_squeeze %dma_start3A_61 : memref<1x10240x64xbf16, #tpu.memory_space<hbm>> -> memref<10240x64xbf16, #tpu.memory_space<hbm>>
    %dma_start3A_63 = arith.constant 0 : i32
    %dma_start3A_64 = arith.constant 0 : i32
    %dma_start3A_65 = tpu.memref_slice %dma_start3A_62[%dma_start3A_63, %dma_start3A_64] : memref<10240x64xbf16, #tpu.memory_space<hbm>> -> memref<10240x64xbf16, #tpu.memory_space<hbm>>
    tpu.enqueue_indirect_dma source(%dma_start3A_65 : memref<10240x64xbf16, #tpu.memory_space<hbm>>) target(%arg12 : memref<128x64xbf16, #tpu.memory_space<vmem>>) offsets(%dma_start3A_58 : memref<128xi32, #tpu.memory_space<vmem>>) semaphore(%arg16 : memref<!tpu.dma_semaphore, #tpu.memory_space<semaphore_mem>>)
    %scan3A = arith.constant 0 : i32
    %scan3A_66 = arith.constant 0 : i32
    %scan3A_67 = arith.constant 20 : i32
    %scan3A_68 = arith.addi %scan3A_66, %scan3A_67 : i32
    %scan3A_69 = arith.constant 1 : i32
    scf.for %scan3A_92 = %scan3A_66 to %scan3A_68 step %scan3A_69  : i32 {
      %mul3A_93 = arith.constant 4 : i32
      %mul3A_94 = arith.muli %scan3A_92, %mul3A_93 : i32
      %add3A_95 = arith.constant 0 : i32
      %add3A_96 = arith.addi %mul3A_94, %add3A_95 : i32
      %dma_wait3A = arith.constant 0 : i32
      %dma_wait3A_97 = tpu.memref_slice %arg7[%add3A_96, %dma_wait3A] : memref<80x128xi32, #tpu.memory_space<vmem>> -> memref<1x128xi32, #tpu.memory_space<vmem>>
      %dma_wait3A_98 = tpu.memref_squeeze %dma_wait3A_97 : memref<1x128xi32, #tpu.memory_space<vmem>> -> memref<128xi32, #tpu.memory_space<vmem>>
      %dma_wait3A_99 = arith.constant 0 : i32
      %dma_wait3A_100 = arith.constant 0 : i32
      %dma_wait3A_101 = tpu.memref_slice %arg2[%arg0, %dma_wait3A_99, %dma_wait3A_100] : memref<2x10240x64xbf16, #tpu.memory_space<hbm>> -> memref<1x10240x64xbf16, #tpu.memory_space<hbm>>
      %dma_wait3A_102 = tpu.memref_squeeze %dma_wait3A_101 : memref<1x10240x64xbf16, #tpu.memory_space<hbm>> -> memref<10240x64xbf16, #tpu.memory_space<hbm>>
      %dma_wait3A_103 = arith.constant 0 : i32
      %dma_wait3A_104 = arith.constant 0 : i32
      %dma_wait3A_105 = tpu.memref_slice %dma_wait3A_102[%dma_wait3A_103, %dma_wait3A_104] : memref<10240x64xbf16, #tpu.memory_space<hbm>> -> memref<10240x64xbf16, #tpu.memory_space<hbm>>
      tpu.wait_indirect_dma semaphore(%arg13 : memref<!tpu.dma_semaphore, #tpu.memory_space<semaphore_mem>>) src(%dma_wait3A_105 : memref<10240x64xbf16, #tpu.memory_space<hbm>>) dst(%arg9 : memref<128x64xbf16, #tpu.memory_space<vmem>>)
      "tpu.region"() ({
        %run_scoped3A = tpu.sem_alloc : memref<!tpu.dma_semaphore, #tpu.memory_space<semaphore_mem>>
        %dma_start3A_173 = arith.constant 0 : i32
        %dma_start3A_174 = tpu.memref_slice %arg8[%add3A_96, %dma_start3A_173] : memref<80x128xi32, #tpu.memory_space<vmem>> -> memref<1x128xi32, #tpu.memory_space<vmem>>
        %dma_start3A_175 = tpu.memref_squeeze %dma_start3A_174 : memref<1x128xi32, #tpu.memory_space<vmem>> -> memref<128xi32, #tpu.memory_space<vmem>>
        %dma_start3A_176 = arith.constant 0 : i32
        %dma_start3A_177 = arith.constant 0 : i32
        %dma_start3A_178 = tpu.memref_slice %arg17[%dma_start3A_176, %dma_start3A_177] : memref<10240x64xbf16, #tpu.memory_space<vmem_shared>> -> memref<10240x64xbf16, #tpu.memory_space<vmem_shared>>
        tpu.enqueue_indirect_dma source(%arg9 : memref<128x64xbf16, #tpu.memory_space<vmem>>) target(%dma_start3A_178 : memref<10240x64xbf16, #tpu.memory_space<vmem_shared>>) offsets(%dma_start3A_175 : memref<128xi32, #tpu.memory_space<vmem>>) semaphore(%run_scoped3A : memref<!tpu.dma_semaphore, #tpu.memory_space<semaphore_mem>>) {add = true}
        %dma_wait3A_179 = arith.constant 0 : i32
        %dma_wait3A_180 = tpu.memref_slice %arg8[%add3A_96, %dma_wait3A_179] : memref<80x128xi32, #tpu.memory_space<vmem>> -> memref<1x128xi32, #tpu.memory_space<vmem>>
        %dma_wait3A_181 = tpu.memref_squeeze %dma_wait3A_180 : memref<1x128xi32, #tpu.memory_space<vmem>> -> memref<128xi32, #tpu.memory_space<vmem>>
        %dma_wait3A_182 = arith.constant 0 : i32
        %dma_wait3A_183 = arith.constant 0 : i32
        %dma_wait3A_184 = tpu.memref_slice %arg17[%dma_wait3A_182, %dma_wait3A_183] : memref<10240x64xbf16, #tpu.memory_space<vmem_shared>> -> memref<10240x64xbf16, #tpu.memory_space<vmem_shared>>
        tpu.wait_indirect_dma semaphore(%run_scoped3A : memref<!tpu.dma_semaphore, #tpu.memory_space<semaphore_mem>>) src(%arg9 : memref<128x64xbf16, #tpu.memory_space<vmem>>) dst(%dma_wait3A_184 : memref<10240x64xbf16, #tpu.memory_space<vmem_shared>>)
        tpu.yield
      }) : () -> ()
      %add3A_106 = arith.constant 4 : i32
      %add3A_107 = arith.addi %add3A_96, %add3A_106 : i32
      %lt3A = arith.constant 80 : i32
      %lt3A_108 = arith.cmpi slt, %add3A_107, %lt3A : i32
      %convert_element_type3A = arith.extui %lt3A_108 : i1 to i32
      %cond3A = arith.constant 0 : i32
      %cond3A_109 = arith.cmpi ne, %convert_element_type3A, %cond3A : i32
      scf.if %cond3A_109 {
        %add3A_173 = arith.constant 4 : i32
        %add3A_174 = arith.addi %add3A_96, %add3A_173 : i32
        %dma_start3A_175 = arith.constant 0 : i32
        %dma_start3A_176 = tpu.memref_slice %arg7[%add3A_174, %dma_start3A_175] : memref<80x128xi32, #tpu.memory_space<vmem>> -> memref<1x128xi32, #tpu.memory_space<vmem>>
        %dma_start3A_177 = tpu.memref_squeeze %dma_start3A_176 : memref<1x128xi32, #tpu.memory_space<vmem>> -> memref<128xi32, #tpu.memory_space<vmem>>
        %dma_start3A_178 = arith.constant 0 : i32
        %dma_start3A_179 = arith.constant 0 : i32
        %dma_start3A_180 = tpu.memref_slice %arg2[%arg0, %dma_start3A_178, %dma_start3A_179] : memref<2x10240x64xbf16, #tpu.memory_space<hbm>> -> memref<1x10240x64xbf16, #tpu.memory_space<hbm>>
        %dma_start3A_181 = tpu.memref_squeeze %dma_start3A_180 : memref<1x10240x64xbf16, #tpu.memory_space<hbm>> -> memref<10240x64xbf16, #tpu.memory_space<hbm>>
        %dma_start3A_182 = arith.constant 0 : i32
        %dma_start3A_183 = arith.constant 0 : i32
        %dma_start3A_184 = tpu.memref_slice %dma_start3A_181[%dma_start3A_182, %dma_start3A_183] : memref<10240x64xbf16, #tpu.memory_space<hbm>> -> memref<10240x64xbf16, #tpu.memory_space<hbm>>
        tpu.enqueue_indirect_dma source(%dma_start3A_184 : memref<10240x64xbf16, #tpu.memory_space<hbm>>) target(%arg9 : memref<128x64xbf16, #tpu.memory_space<vmem>>) offsets(%dma_start3A_177 : memref<128xi32, #tpu.memory_space<vmem>>) semaphore(%arg13 : memref<!tpu.dma_semaphore, #tpu.memory_space<semaphore_mem>>)
      } else {
      }
      %mul3A_110 = arith.constant 4 : i32
      %mul3A_111 = arith.muli %scan3A_92, %mul3A_110 : i32
      %add3A_112 = arith.constant 1 : i32
      %add3A_113 = arith.addi %mul3A_111, %add3A_112 : i32
      %dma_wait3A_114 = arith.constant 0 : i32
      %dma_wait3A_115 = tpu.memref_slice %arg7[%add3A_113, %dma_wait3A_114] : memref<80x128xi32, #tpu.memory_space<vmem>> -> memref<1x128xi32, #tpu.memory_space<vmem>>
      %dma_wait3A_116 = tpu.memref_squeeze %dma_wait3A_115 : memref<1x128xi32, #tpu.memory_space<vmem>> -> memref<128xi32, #tpu.memory_space<vmem>>
      %dma_wait3A_117 = arith.constant 0 : i32
      %dma_wait3A_118 = arith.constant 0 : i32
      %dma_wait3A_119 = tpu.memref_slice %arg2[%arg0, %dma_wait3A_117, %dma_wait3A_118] : memref<2x10240x64xbf16, #tpu.memory_space<hbm>> -> memref<1x10240x64xbf16, #tpu.memory_space<hbm>>
      %dma_wait3A_120 = tpu.memref_squeeze %dma_wait3A_119 : memref<1x10240x64xbf16, #tpu.memory_space<hbm>> -> memref<10240x64xbf16, #tpu.memory_space<hbm>>
      %dma_wait3A_121 = arith.constant 0 : i32
      %dma_wait3A_122 = arith.constant 0 : i32
      %dma_wait3A_123 = tpu.memref_slice %dma_wait3A_120[%dma_wait3A_121, %dma_wait3A_122] : memref<10240x64xbf16, #tpu.memory_space<hbm>> -> memref<10240x64xbf16, #tpu.memory_space<hbm>>
      tpu.wait_indirect_dma semaphore(%arg14 : memref<!tpu.dma_semaphore, #tpu.memory_space<semaphore_mem>>) src(%dma_wait3A_123 : memref<10240x64xbf16, #tpu.memory_space<hbm>>) dst(%arg10 : memref<128x64xbf16, #tpu.memory_space<vmem>>)
      "tpu.region"() ({
        %run_scoped3A = tpu.sem_alloc : memref<!tpu.dma_semaphore, #tpu.memory_space<semaphore_mem>>
        %dma_start3A_173 = arith.constant 0 : i32
        %dma_start3A_174 = tpu.memref_slice %arg8[%add3A_113, %dma_start3A_173] : memref<80x128xi32, #tpu.memory_space<vmem>> -> memref<1x128xi32, #tpu.memory_space<vmem>>
        %dma_start3A_175 = tpu.memref_squeeze %dma_start3A_174 : memref<1x128xi32, #tpu.memory_space<vmem>> -> memref<128xi32, #tpu.memory_space<vmem>>
        %dma_start3A_176 = arith.constant 0 : i32
        %dma_start3A_177 = arith.constant 0 : i32
        %dma_start3A_178 = tpu.memref_slice %arg17[%dma_start3A_176, %dma_start3A_177] : memref<10240x64xbf16, #tpu.memory_space<vmem_shared>> -> memref<10240x64xbf16, #tpu.memory_space<vmem_shared>>
        tpu.enqueue_indirect_dma source(%arg10 : memref<128x64xbf16, #tpu.memory_space<vmem>>) target(%dma_start3A_178 : memref<10240x64xbf16, #tpu.memory_space<vmem_shared>>) offsets(%dma_start3A_175 : memref<128xi32, #tpu.memory_space<vmem>>) semaphore(%run_scoped3A : memref<!tpu.dma_semaphore, #tpu.memory_space<semaphore_mem>>) {add = true}
        %dma_wait3A_179 = arith.constant 0 : i32
        %dma_wait3A_180 = tpu.memref_slice %arg8[%add3A_113, %dma_wait3A_179] : memref<80x128xi32, #tpu.memory_space<vmem>> -> memref<1x128xi32, #tpu.memory_space<vmem>>
        %dma_wait3A_181 = tpu.memref_squeeze %dma_wait3A_180 : memref<1x128xi32, #tpu.memory_space<vmem>> -> memref<128xi32, #tpu.memory_space<vmem>>
        %dma_wait3A_182 = arith.constant 0 : i32
        %dma_wait3A_183 = arith.constant 0 : i32
        %dma_wait3A_184 = tpu.memref_slice %arg17[%dma_wait3A_182, %dma_wait3A_183] : memref<10240x64xbf16, #tpu.memory_space<vmem_shared>> -> memref<10240x64xbf16, #tpu.memory_space<vmem_shared>>
        tpu.wait_indirect_dma semaphore(%run_scoped3A : memref<!tpu.dma_semaphore, #tpu.memory_space<semaphore_mem>>) src(%arg10 : memref<128x64xbf16, #tpu.memory_space<vmem>>) dst(%dma_wait3A_184 : memref<10240x64xbf16, #tpu.memory_space<vmem_shared>>)
        tpu.yield
      }) : () -> ()
      %add3A_124 = arith.constant 4 : i32
      %add3A_125 = arith.addi %add3A_113, %add3A_124 : i32
      %lt3A_126 = arith.constant 80 : i32
      %lt3A_127 = arith.cmpi slt, %add3A_125, %lt3A_126 : i32
      %convert_element_type3A_128 = arith.extui %lt3A_127 : i1 to i32
      %cond3A_129 = arith.constant 0 : i32
      %cond3A_130 = arith.cmpi ne, %convert_element_type3A_128, %cond3A_129 : i32
      scf.if %cond3A_130 {
        %add3A_173 = arith.constant 4 : i32
        %add3A_174 = arith.addi %add3A_113, %add3A_173 : i32
        %dma_start3A_175 = arith.constant 0 : i32
        %dma_start3A_176 = tpu.memref_slice %arg7[%add3A_174, %dma_start3A_175] : memref<80x128xi32, #tpu.memory_space<vmem>> -> memref<1x128xi32, #tpu.memory_space<vmem>>
        %dma_start3A_177 = tpu.memref_squeeze %dma_start3A_176 : memref<1x128xi32, #tpu.memory_space<vmem>> -> memref<128xi32, #tpu.memory_space<vmem>>
        %dma_start3A_178 = arith.constant 0 : i32
        %dma_start3A_179 = arith.constant 0 : i32
        %dma_start3A_180 = tpu.memref_slice %arg2[%arg0, %dma_start3A_178, %dma_start3A_179] : memref<2x10240x64xbf16, #tpu.memory_space<hbm>> -> memref<1x10240x64xbf16, #tpu.memory_space<hbm>>
        %dma_start3A_181 = tpu.memref_squeeze %dma_start3A_180 : memref<1x10240x64xbf16, #tpu.memory_space<hbm>> -> memref<10240x64xbf16, #tpu.memory_space<hbm>>
        %dma_start3A_182 = arith.constant 0 : i32
        %dma_start3A_183 = arith.constant 0 : i32
        %dma_start3A_184 = tpu.memref_slice %dma_start3A_181[%dma_start3A_182, %dma_start3A_183] : memref<10240x64xbf16, #tpu.memory_space<hbm>> -> memref<10240x64xbf16, #tpu.memory_space<hbm>>
        tpu.enqueue_indirect_dma source(%dma_start3A_184 : memref<10240x64xbf16, #tpu.memory_space<hbm>>) target(%arg10 : memref<128x64xbf16, #tpu.memory_space<vmem>>) offsets(%dma_start3A_177 : memref<128xi32, #tpu.memory_space<vmem>>) semaphore(%arg14 : memref<!tpu.dma_semaphore, #tpu.memory_space<semaphore_mem>>)
      } else {
      }
      %mul3A_131 = arith.constant 4 : i32
      %mul3A_132 = arith.muli %scan3A_92, %mul3A_131 : i32
      %add3A_133 = arith.constant 2 : i32
      %add3A_134 = arith.addi %mul3A_132, %add3A_133 : i32
      %dma_wait3A_135 = arith.constant 0 : i32
      %dma_wait3A_136 = tpu.memref_slice %arg7[%add3A_134, %dma_wait3A_135] : memref<80x128xi32, #tpu.memory_space<vmem>> -> memref<1x128xi32, #tpu.memory_space<vmem>>
      %dma_wait3A_137 = tpu.memref_squeeze %dma_wait3A_136 : memref<1x128xi32, #tpu.memory_space<vmem>> -> memref<128xi32, #tpu.memory_space<vmem>>
      %dma_wait3A_138 = arith.constant 0 : i32
      %dma_wait3A_139 = arith.constant 0 : i32
      %dma_wait3A_140 = tpu.memref_slice %arg2[%arg0, %dma_wait3A_138, %dma_wait3A_139] : memref<2x10240x64xbf16, #tpu.memory_space<hbm>> -> memref<1x10240x64xbf16, #tpu.memory_space<hbm>>
      %dma_wait3A_141 = tpu.memref_squeeze %dma_wait3A_140 : memref<1x10240x64xbf16, #tpu.memory_space<hbm>> -> memref<10240x64xbf16, #tpu.memory_space<hbm>>
      %dma_wait3A_142 = arith.constant 0 : i32
      %dma_wait3A_143 = arith.constant 0 : i32
      %dma_wait3A_144 = tpu.memref_slice %dma_wait3A_141[%dma_wait3A_142, %dma_wait3A_143] : memref<10240x64xbf16, #tpu.memory_space<hbm>> -> memref<10240x64xbf16, #tpu.memory_space<hbm>>
      tpu.wait_indirect_dma semaphore(%arg15 : memref<!tpu.dma_semaphore, #tpu.memory_space<semaphore_mem>>) src(%dma_wait3A_144 : memref<10240x64xbf16, #tpu.memory_space<hbm>>) dst(%arg11 : memref<128x64xbf16, #tpu.memory_space<vmem>>)
      "tpu.region"() ({
        %run_scoped3A = tpu.sem_alloc : memref<!tpu.dma_semaphore, #tpu.memory_space<semaphore_mem>>
        %dma_start3A_173 = arith.constant 0 : i32
        %dma_start3A_174 = tpu.memref_slice %arg8[%add3A_134, %dma_start3A_173] : memref<80x128xi32, #tpu.memory_space<vmem>> -> memref<1x128xi32, #tpu.memory_space<vmem>>
        %dma_start3A_175 = tpu.memref_squeeze %dma_start3A_174 : memref<1x128xi32, #tpu.memory_space<vmem>> -> memref<128xi32, #tpu.memory_space<vmem>>
        %dma_start3A_176 = arith.constant 0 : i32
        %dma_start3A_177 = arith.constant 0 : i32
        %dma_start3A_178 = tpu.memref_slice %arg17[%dma_start3A_176, %dma_start3A_177] : memref<10240x64xbf16, #tpu.memory_space<vmem_shared>> -> memref<10240x64xbf16, #tpu.memory_space<vmem_shared>>
        tpu.enqueue_indirect_dma source(%arg11 : memref<128x64xbf16, #tpu.memory_space<vmem>>) target(%dma_start3A_178 : memref<10240x64xbf16, #tpu.memory_space<vmem_shared>>) offsets(%dma_start3A_175 : memref<128xi32, #tpu.memory_space<vmem>>) semaphore(%run_scoped3A : memref<!tpu.dma_semaphore, #tpu.memory_space<semaphore_mem>>) {add = true}
        %dma_wait3A_179 = arith.constant 0 : i32
        %dma_wait3A_180 = tpu.memref_slice %arg8[%add3A_134, %dma_wait3A_179] : memref<80x128xi32, #tpu.memory_space<vmem>> -> memref<1x128xi32, #tpu.memory_space<vmem>>
        %dma_wait3A_181 = tpu.memref_squeeze %dma_wait3A_180 : memref<1x128xi32, #tpu.memory_space<vmem>> -> memref<128xi32, #tpu.memory_space<vmem>>
        %dma_wait3A_182 = arith.constant 0 : i32
        %dma_wait3A_183 = arith.constant 0 : i32
        %dma_wait3A_184 = tpu.memref_slice %arg17[%dma_wait3A_182, %dma_wait3A_183] : memref<10240x64xbf16, #tpu.memory_space<vmem_shared>> -> memref<10240x64xbf16, #tpu.memory_space<vmem_shared>>
        tpu.wait_indirect_dma semaphore(%run_scoped3A : memref<!tpu.dma_semaphore, #tpu.memory_space<semaphore_mem>>) src(%arg11 : memref<128x64xbf16, #tpu.memory_space<vmem>>) dst(%dma_wait3A_184 : memref<10240x64xbf16, #tpu.memory_space<vmem_shared>>)
        tpu.yield
      }) : () -> ()
      %add3A_145 = arith.constant 4 : i32
      %add3A_146 = arith.addi %add3A_134, %add3A_145 : i32
      %lt3A_147 = arith.constant 80 : i32
      %lt3A_148 = arith.cmpi slt, %add3A_146, %lt3A_147 : i32
      %convert_element_type3A_149 = arith.extui %lt3A_148 : i1 to i32
      %cond3A_150 = arith.constant 0 : i32
      %cond3A_151 = arith.cmpi ne, %convert_element_type3A_149, %cond3A_150 : i32
      scf.if %cond3A_151 {
        %add3A_173 = arith.constant 4 : i32
        %add3A_174 = arith.addi %add3A_134, %add3A_173 : i32
        %dma_start3A_175 = arith.constant 0 : i32
        %dma_start3A_176 = tpu.memref_slice %arg7[%add3A_174, %dma_start3A_175] : memref<80x128xi32, #tpu.memory_space<vmem>> -> memref<1x128xi32, #tpu.memory_space<vmem>>
        %dma_start3A_177 = tpu.memref_squeeze %dma_start3A_176 : memref<1x128xi32, #tpu.memory_space<vmem>> -> memref<128xi32, #tpu.memory_space<vmem>>
        %dma_start3A_178 = arith.constant 0 : i32
        %dma_start3A_179 = arith.constant 0 : i32
        %dma_start3A_180 = tpu.memref_slice %arg2[%arg0, %dma_start3A_178, %dma_start3A_179] : memref<2x10240x64xbf16, #tpu.memory_space<hbm>> -> memref<1x10240x64xbf16, #tpu.memory_space<hbm>>
        %dma_start3A_181 = tpu.memref_squeeze %dma_start3A_180 : memref<1x10240x64xbf16, #tpu.memory_space<hbm>> -> memref<10240x64xbf16, #tpu.memory_space<hbm>>
        %dma_start3A_182 = arith.constant 0 : i32
        %dma_start3A_183 = arith.constant 0 : i32
        %dma_start3A_184 = tpu.memref_slice %dma_start3A_181[%dma_start3A_182, %dma_start3A_183] : memref<10240x64xbf16, #tpu.memory_space<hbm>> -> memref<10240x64xbf16, #tpu.memory_space<hbm>>
        tpu.enqueue_indirect_dma source(%dma_start3A_184 : memref<10240x64xbf16, #tpu.memory_space<hbm>>) target(%arg11 : memref<128x64xbf16, #tpu.memory_space<vmem>>) offsets(%dma_start3A_177 : memref<128xi32, #tpu.memory_space<vmem>>) semaphore(%arg15 : memref<!tpu.dma_semaphore, #tpu.memory_space<semaphore_mem>>)
      } else {
      }
      %mul3A_152 = arith.constant 4 : i32
      %mul3A_153 = arith.muli %scan3A_92, %mul3A_152 : i32
      %add3A_154 = arith.constant 3 : i32
      %add3A_155 = arith.addi %mul3A_153, %add3A_154 : i32
      %dma_wait3A_156 = arith.constant 0 : i32
      %dma_wait3A_157 = tpu.memref_slice %arg7[%add3A_155, %dma_wait3A_156] : memref<80x128xi32, #tpu.memory_space<vmem>> -> memref<1x128xi32, #tpu.memory_space<vmem>>
      %dma_wait3A_158 = tpu.memref_squeeze %dma_wait3A_157 : memref<1x128xi32, #tpu.memory_space<vmem>> -> memref<128xi32, #tpu.memory_space<vmem>>
      %dma_wait3A_159 = arith.constant 0 : i32
      %dma_wait3A_160 = arith.constant 0 : i32
      %dma_wait3A_161 = tpu.memref_slice %arg2[%arg0, %dma_wait3A_159, %dma_wait3A_160] : memref<2x10240x64xbf16, #tpu.memory_space<hbm>> -> memref<1x10240x64xbf16, #tpu.memory_space<hbm>>
      %dma_wait3A_162 = tpu.memref_squeeze %dma_wait3A_161 : memref<1x10240x64xbf16, #tpu.memory_space<hbm>> -> memref<10240x64xbf16, #tpu.memory_space<hbm>>
      %dma_wait3A_163 = arith.constant 0 : i32
      %dma_wait3A_164 = arith.constant 0 : i32
      %dma_wait3A_165 = tpu.memref_slice %dma_wait3A_162[%dma_wait3A_163, %dma_wait3A_164] : memref<10240x64xbf16, #tpu.memory_space<hbm>> -> memref<10240x64xbf16, #tpu.memory_space<hbm>>
      tpu.wait_indirect_dma semaphore(%arg16 : memref<!tpu.dma_semaphore, #tpu.memory_space<semaphore_mem>>) src(%dma_wait3A_165 : memref<10240x64xbf16, #tpu.memory_space<hbm>>) dst(%arg12 : memref<128x64xbf16, #tpu.memory_space<vmem>>)
      "tpu.region"() ({
        %run_scoped3A = tpu.sem_alloc : memref<!tpu.dma_semaphore, #tpu.memory_space<semaphore_mem>>
        %dma_start3A_173 = arith.constant 0 : i32
        %dma_start3A_174 = tpu.memref_slice %arg8[%add3A_155, %dma_start3A_173] : memref<80x128xi32, #tpu.memory_space<vmem>> -> memref<1x128xi32, #tpu.memory_space<vmem>>
        %dma_start3A_175 = tpu.memref_squeeze %dma_start3A_174 : memref<1x128xi32, #tpu.memory_space<vmem>> -> memref<128xi32, #tpu.memory_space<vmem>>
        %dma_start3A_176 = arith.constant 0 : i32
        %dma_start3A_177 = arith.constant 0 : i32
        %dma_start3A_178 = tpu.memref_slice %arg17[%dma_start3A_176, %dma_start3A_177] : memref<10240x64xbf16, #tpu.memory_space<vmem_shared>> -> memref<10240x64xbf16, #tpu.memory_space<vmem_shared>>
        tpu.enqueue_indirect_dma source(%arg12 : memref<128x64xbf16, #tpu.memory_space<vmem>>) target(%dma_start3A_178 : memref<10240x64xbf16, #tpu.memory_space<vmem_shared>>) offsets(%dma_start3A_175 : memref<128xi32, #tpu.memory_space<vmem>>) semaphore(%run_scoped3A : memref<!tpu.dma_semaphore, #tpu.memory_space<semaphore_mem>>) {add = true}
        %dma_wait3A_179 = arith.constant 0 : i32
        %dma_wait3A_180 = tpu.memref_slice %arg8[%add3A_155, %dma_wait3A_179] : memref<80x128xi32, #tpu.memory_space<vmem>> -> memref<1x128xi32, #tpu.memory_space<vmem>>
        %dma_wait3A_181 = tpu.memref_squeeze %dma_wait3A_180 : memref<1x128xi32, #tpu.memory_space<vmem>> -> memref<128xi32, #tpu.memory_space<vmem>>
        %dma_wait3A_182 = arith.constant 0 : i32
        %dma_wait3A_183 = arith.constant 0 : i32
        %dma_wait3A_184 = tpu.memref_slice %arg17[%dma_wait3A_182, %dma_wait3A_183] : memref<10240x64xbf16, #tpu.memory_space<vmem_shared>> -> memref<10240x64xbf16, #tpu.memory_space<vmem_shared>>
        tpu.wait_indirect_dma semaphore(%run_scoped3A : memref<!tpu.dma_semaphore, #tpu.memory_space<semaphore_mem>>) src(%arg12 : memref<128x64xbf16, #tpu.memory_space<vmem>>) dst(%dma_wait3A_184 : memref<10240x64xbf16, #tpu.memory_space<vmem_shared>>)
        tpu.yield
      }) : () -> ()
      %add3A_166 = arith.constant 4 : i32
      %add3A_167 = arith.addi %add3A_155, %add3A_166 : i32
      %lt3A_168 = arith.constant 80 : i32
      %lt3A_169 = arith.cmpi slt, %add3A_167, %lt3A_168 : i32
      %convert_element_type3A_170 = arith.extui %lt3A_169 : i1 to i32
      %cond3A_171 = arith.constant 0 : i32
      %cond3A_172 = arith.cmpi ne, %convert_element_type3A_170, %cond3A_171 : i32
      scf.if %cond3A_172 {
        %add3A_173 = arith.constant 4 : i32
        %add3A_174 = arith.addi %add3A_155, %add3A_173 : i32
        %dma_start3A_175 = arith.constant 0 : i32
        %dma_start3A_176 = tpu.memref_slice %arg7[%add3A_174, %dma_start3A_175] : memref<80x128xi32, #tpu.memory_space<vmem>> -> memref<1x128xi32, #tpu.memory_space<vmem>>
        %dma_start3A_177 = tpu.memref_squeeze %dma_start3A_176 : memref<1x128xi32, #tpu.memory_space<vmem>> -> memref<128xi32, #tpu.memory_space<vmem>>
        %dma_start3A_178 = arith.constant 0 : i32
        %dma_start3A_179 = arith.constant 0 : i32
        %dma_start3A_180 = tpu.memref_slice %arg2[%arg0, %dma_start3A_178, %dma_start3A_179] : memref<2x10240x64xbf16, #tpu.memory_space<hbm>> -> memref<1x10240x64xbf16, #tpu.memory_space<hbm>>
        %dma_start3A_181 = tpu.memref_squeeze %dma_start3A_180 : memref<1x10240x64xbf16, #tpu.memory_space<hbm>> -> memref<10240x64xbf16, #tpu.memory_space<hbm>>
        %dma_start3A_182 = arith.constant 0 : i32
        %dma_start3A_183 = arith.constant 0 : i32
        %dma_start3A_184 = tpu.memref_slice %dma_start3A_181[%dma_start3A_182, %dma_start3A_183] : memref<10240x64xbf16, #tpu.memory_space<hbm>> -> memref<10240x64xbf16, #tpu.memory_space<hbm>>
        tpu.enqueue_indirect_dma source(%dma_start3A_184 : memref<10240x64xbf16, #tpu.memory_space<hbm>>) target(%arg12 : memref<128x64xbf16, #tpu.memory_space<vmem>>) offsets(%dma_start3A_177 : memref<128xi32, #tpu.memory_space<vmem>>) semaphore(%arg16 : memref<!tpu.dma_semaphore, #tpu.memory_space<semaphore_mem>>)
      } else {
      }
    }
    %scan3A_70 = arith.constant 20 : i32
    %barrier3A_71 = arith.constant 0 : index
    tpu.barrier barrier_id(%barrier3A_71)
    %add3A_72 = arith.constant 0 : i32
    %add3A_73 = arith.addi %mul3A_2, %add3A_72 : i32
    "tpu.region"() ({
      %run_scoped3A = tpu.sem_alloc : memref<!tpu.dma_semaphore, #tpu.memory_space<semaphore_mem>>
      %dma_start3A_92 = arith.constant 0 : i32
      %dma_start3A_93 = arith.constant 0 : i32
      %dma_start3A_94 = tpu.memref_slice %arg9[%dma_start3A_92, %dma_start3A_93] : memref<128x64xbf16, #tpu.memory_space<vmem>> -> memref<64x64xbf16, #tpu.memory_space<vmem>>
      %dma_start3A_95 = arith.constant 0 : i32
      %dma_start3A_96 = tpu.memref_slice %arg17[%add3A_73, %dma_start3A_95] : memref<10240x64xbf16, #tpu.memory_space<vmem_shared>> -> memref<64x64xbf16, #tpu.memory_space<vmem_shared>>
      %dma_start3A_97 = arith.constant 0 : i32
      %dma_start3A_98 = arith.constant 0 : i32
      %dma_start3A_99 = tpu.memref_slice %arg9[%dma_start3A_97, %dma_start3A_98] : memref<128x64xbf16, #tpu.memory_space<vmem>> -> memref<64x64xbf16, #tpu.memory_space<vmem>>
      %dma_start3A_100 = arith.constant 0 : i32
      %dma_start3A_101 = tpu.memref_slice %arg17[%add3A_73, %dma_start3A_100] : memref<10240x64xbf16, #tpu.memory_space<vmem_shared>> -> memref<64x64xbf16, #tpu.memory_space<vmem_shared>>
      tpu.enqueue_dma source(%dma_start3A_101 : memref<64x64xbf16, #tpu.memory_space<vmem_shared>>) target(%dma_start3A_99 : memref<64x64xbf16, #tpu.memory_space<vmem>>) target_semaphore(%run_scoped3A : memref<!tpu.dma_semaphore, #tpu.memory_space<semaphore_mem>>)
      %dma_wait3A = arith.constant 0 : i32
      %dma_wait3A_102 = arith.constant 0 : i32
      %dma_wait3A_103 = tpu.memref_slice %arg9[%dma_wait3A, %dma_wait3A_102] : memref<128x64xbf16, #tpu.memory_space<vmem>> -> memref<64x64xbf16, #tpu.memory_space<vmem>>
      %dma_wait3A_104 = arith.constant 0 : i32
      %dma_wait3A_105 = tpu.memref_slice %arg17[%add3A_73, %dma_wait3A_104] : memref<10240x64xbf16, #tpu.memory_space<vmem_shared>> -> memref<64x64xbf16, #tpu.memory_space<vmem_shared>>
      %dma_wait3A_106 = arith.constant 0 : i32
      %dma_wait3A_107 = arith.constant 0 : i32
      %dma_wait3A_108 = tpu.memref_slice %arg9[%dma_wait3A_106, %dma_wait3A_107] : memref<128x64xbf16, #tpu.memory_space<vmem>> -> memref<64x64xbf16, #tpu.memory_space<vmem>>
      %dma_wait3A_109 = arith.constant 0 : i32
      %dma_wait3A_110 = tpu.memref_slice %arg17[%add3A_73, %dma_wait3A_109] : memref<10240x64xbf16, #tpu.memory_space<vmem_shared>> -> memref<64x64xbf16, #tpu.memory_space<vmem_shared>>
      tpu.wait_dma2 semaphore(%run_scoped3A : memref<!tpu.dma_semaphore, #tpu.memory_space<semaphore_mem>>) src(%dma_wait3A_110 : memref<64x64xbf16, #tpu.memory_space<vmem_shared>>) dst(%dma_wait3A_108 : memref<64x64xbf16, #tpu.memory_space<vmem>>)
      tpu.yield
    }) : () -> ()
    "tpu.region"() ({
      %run_scoped3A = tpu.sem_alloc : memref<!tpu.dma_semaphore, #tpu.memory_space<semaphore_mem>>
      %dma_start3A_92 = arith.constant 0 : i32
      %dma_start3A_93 = arith.constant 0 : i32
      %dma_start3A_94 = tpu.memref_slice %arg9[%dma_start3A_92, %dma_start3A_93] : memref<128x64xbf16, #tpu.memory_space<vmem>> -> memref<64x64xbf16, #tpu.memory_space<vmem>>
      %dma_start3A_95 = arith.constant 0 : i32
      %dma_start3A_96 = tpu.memref_slice %arg6[%arg0, %add3A_73, %dma_start3A_95] : memref<2x10240x64xbf16, #tpu.memory_space<hbm>> -> memref<1x64x64xbf16, #tpu.memory_space<hbm>>
      %dma_start3A_97 = tpu.memref_squeeze %dma_start3A_96 : memref<1x64x64xbf16, #tpu.memory_space<hbm>> -> memref<64x64xbf16, #tpu.memory_space<hbm>>
      %dma_start3A_98 = arith.constant 0 : i32
      %dma_start3A_99 = tpu.memref_slice %arg6[%arg0, %add3A_73, %dma_start3A_98] : memref<2x10240x64xbf16, #tpu.memory_space<hbm>> -> memref<1x64x64xbf16, #tpu.memory_space<hbm>>
      %dma_start3A_100 = tpu.memref_squeeze %dma_start3A_99 : memref<1x64x64xbf16, #tpu.memory_space<hbm>> -> memref<64x64xbf16, #tpu.memory_space<hbm>>
      %dma_start3A_101 = arith.constant 0 : i32
      %dma_start3A_102 = arith.constant 0 : i32
      %dma_start3A_103 = tpu.memref_slice %arg9[%dma_start3A_101, %dma_start3A_102] : memref<128x64xbf16, #tpu.memory_space<vmem>> -> memref<64x64xbf16, #tpu.memory_space<vmem>>
      tpu.enqueue_dma source(%dma_start3A_103 : memref<64x64xbf16, #tpu.memory_space<vmem>>) target(%dma_start3A_100 : memref<64x64xbf16, #tpu.memory_space<hbm>>) target_semaphore(%run_scoped3A : memref<!tpu.dma_semaphore, #tpu.memory_space<semaphore_mem>>)
      %dma_wait3A = arith.constant 0 : i32
      %dma_wait3A_104 = arith.constant 0 : i32
      %dma_wait3A_105 = tpu.memref_slice %arg9[%dma_wait3A, %dma_wait3A_104] : memref<128x64xbf16, #tpu.memory_space<vmem>> -> memref<64x64xbf16, #tpu.memory_space<vmem>>
      %dma_wait3A_106 = arith.constant 0 : i32
      %dma_wait3A_107 = tpu.memref_slice %arg6[%arg0, %add3A_73, %dma_wait3A_106] : memref<2x10240x64xbf16, #tpu.memory_space<hbm>> -> memref<1x64x64xbf16, #tpu.memory_space<hbm>>
      %dma_wait3A_108 = tpu.memref_squeeze %dma_wait3A_107 : memref<1x64x64xbf16, #tpu.memory_space<hbm>> -> memref<64x64xbf16, #tpu.memory_space<hbm>>
      %dma_wait3A_109 = arith.constant 0 : i32
      %dma_wait3A_110 = tpu.memref_slice %arg6[%arg0, %add3A_73, %dma_wait3A_109] : memref<2x10240x64xbf16, #tpu.memory_space<hbm>> -> memref<1x64x64xbf16, #tpu.memory_space<hbm>>
      %dma_wait3A_111 = tpu.memref_squeeze %dma_wait3A_110 : memref<1x64x64xbf16, #tpu.memory_space<hbm>> -> memref<64x64xbf16, #tpu.memory_space<hbm>>
      %dma_wait3A_112 = arith.constant 0 : i32
      %dma_wait3A_113 = arith.constant 0 : i32
      %dma_wait3A_114 = tpu.memref_slice %arg9[%dma_wait3A_112, %dma_wait3A_113] : memref<128x64xbf16, #tpu.memory_space<vmem>> -> memref<64x64xbf16, #tpu.memory_space<vmem>>
      tpu.wait_dma2 semaphore(%run_scoped3A : memref<!tpu.dma_semaphore, #tpu.memory_space<semaphore_mem>>) src(%dma_wait3A_114 : memref<64x64xbf16, #tpu.memory_space<vmem>>) dst(%dma_wait3A_111 : memref<64x64xbf16, #tpu.memory_space<hbm>>)
      tpu.yield
    }) : () -> ()
    %add3A_74 = arith.constant 64 : i32
    %add3A_75 = arith.addi %mul3A_2, %add3A_74 : i32
    "tpu.region"() ({
      %run_scoped3A = tpu.sem_alloc : memref<!tpu.dma_semaphore, #tpu.memory_space<semaphore_mem>>
      %dma_start3A_92 = arith.constant 0 : i32
      %dma_start3A_93 = arith.constant 0 : i32
      %dma_start3A_94 = tpu.memref_slice %arg9[%dma_start3A_92, %dma_start3A_93] : memref<128x64xbf16, #tpu.memory_space<vmem>> -> memref<64x64xbf16, #tpu.memory_space<vmem>>
      %dma_start3A_95 = arith.constant 0 : i32
      %dma_start3A_96 = tpu.memref_slice %arg17[%add3A_75, %dma_start3A_95] : memref<10240x64xbf16, #tpu.memory_space<vmem_shared>> -> memref<64x64xbf16, #tpu.memory_space<vmem_shared>>
      %dma_start3A_97 = arith.constant 0 : i32
      %dma_start3A_98 = arith.constant 0 : i32
      %dma_start3A_99 = tpu.memref_slice %arg9[%dma_start3A_97, %dma_start3A_98] : memref<128x64xbf16, #tpu.memory_space<vmem>> -> memref<64x64xbf16, #tpu.memory_space<vmem>>
      %dma_start3A_100 = arith.constant 0 : i32
      %dma_start3A_101 = tpu.memref_slice %arg17[%add3A_75, %dma_start3A_100] : memref<10240x64xbf16, #tpu.memory_space<vmem_shared>> -> memref<64x64xbf16, #tpu.memory_space<vmem_shared>>
      tpu.enqueue_dma source(%dma_start3A_101 : memref<64x64xbf16, #tpu.memory_space<vmem_shared>>) target(%dma_start3A_99 : memref<64x64xbf16, #tpu.memory_space<vmem>>) target_semaphore(%run_scoped3A : memref<!tpu.dma_semaphore, #tpu.memory_space<semaphore_mem>>)
      %dma_wait3A = arith.constant 0 : i32
      %dma_wait3A_102 = arith.constant 0 : i32
      %dma_wait3A_103 = tpu.memref_slice %arg9[%dma_wait3A, %dma_wait3A_102] : memref<128x64xbf16, #tpu.memory_space<vmem>> -> memref<64x64xbf16, #tpu.memory_space<vmem>>
      %dma_wait3A_104 = arith.constant 0 : i32
      %dma_wait3A_105 = tpu.memref_slice %arg17[%add3A_75, %dma_wait3A_104] : memref<10240x64xbf16, #tpu.memory_space<vmem_shared>> -> memref<64x64xbf16, #tpu.memory_space<vmem_shared>>
      %dma_wait3A_106 = arith.constant 0 : i32
      %dma_wait3A_107 = arith.constant 0 : i32
      %dma_wait3A_108 = tpu.memref_slice %arg9[%dma_wait3A_106, %dma_wait3A_107] : memref<128x64xbf16, #tpu.memory_space<vmem>> -> memref<64x64xbf16, #tpu.memory_space<vmem>>
      %dma_wait3A_109 = arith.constant 0 : i32
      %dma_wait3A_110 = tpu.memref_slice %arg17[%add3A_75, %dma_wait3A_109] : memref<10240x64xbf16, #tpu.memory_space<vmem_shared>> -> memref<64x64xbf16, #tpu.memory_space<vmem_shared>>
      tpu.wait_dma2 semaphore(%run_scoped3A : memref<!tpu.dma_semaphore, #tpu.memory_space<semaphore_mem>>) src(%dma_wait3A_110 : memref<64x64xbf16, #tpu.memory_space<vmem_shared>>) dst(%dma_wait3A_108 : memref<64x64xbf16, #tpu.memory_space<vmem>>)
      tpu.yield
    }) : () -> ()
    "tpu.region"() ({
      %run_scoped3A = tpu.sem_alloc : memref<!tpu.dma_semaphore, #tpu.memory_space<semaphore_mem>>
      %dma_start3A_92 = arith.constant 0 : i32
      %dma_start3A_93 = arith.constant 0 : i32
      %dma_start3A_94 = tpu.memref_slice %arg9[%dma_start3A_92, %dma_start3A_93] : memref<128x64xbf16, #tpu.memory_space<vmem>> -> memref<64x64xbf16, #tpu.memory_space<vmem>>
      %dma_start3A_95 = arith.constant 0 : i32
      %dma_start3A_96 = tpu.memref_slice %arg6[%arg0, %add3A_75, %dma_start3A_95] : memref<2x10240x64xbf16, #tpu.memory_space<hbm>> -> memref<1x64x64xbf16, #tpu.memory_space<hbm>>
      %dma_start3A_97 = tpu.memref_squeeze %dma_start3A_96 : memref<1x64x64xbf16, #tpu.memory_space<hbm>> -> memref<64x64xbf16, #tpu.memory_space<hbm>>
      %dma_start3A_98 = arith.constant 0 : i32
      %dma_start3A_99 = tpu.memref_slice %arg6[%arg0, %add3A_75, %dma_start3A_98] : memref<2x10240x64xbf16, #tpu.memory_space<hbm>> -> memref<1x64x64xbf16, #tpu.memory_space<hbm>>
      %dma_start3A_100 = tpu.memref_squeeze %dma_start3A_99 : memref<1x64x64xbf16, #tpu.memory_space<hbm>> -> memref<64x64xbf16, #tpu.memory_space<hbm>>
      %dma_start3A_101 = arith.constant 0 : i32
      %dma_start3A_102 = arith.constant 0 : i32
      %dma_start3A_103 = tpu.memref_slice %arg9[%dma_start3A_101, %dma_start3A_102] : memref<128x64xbf16, #tpu.memory_space<vmem>> -> memref<64x64xbf16, #tpu.memory_space<vmem>>
      tpu.enqueue_dma source(%dma_start3A_103 : memref<64x64xbf16, #tpu.memory_space<vmem>>) target(%dma_start3A_100 : memref<64x64xbf16, #tpu.memory_space<hbm>>) target_semaphore(%run_scoped3A : memref<!tpu.dma_semaphore, #tpu.memory_space<semaphore_mem>>)
      %dma_wait3A = arith.constant 0 : i32
      %dma_wait3A_104 = arith.constant 0 : i32
      %dma_wait3A_105 = tpu.memref_slice %arg9[%dma_wait3A, %dma_wait3A_104] : memref<128x64xbf16, #tpu.memory_space<vmem>> -> memref<64x64xbf16, #tpu.memory_space<vmem>>
      %dma_wait3A_106 = arith.constant 0 : i32
      %dma_wait3A_107 = tpu.memref_slice %arg6[%arg0, %add3A_75, %dma_wait3A_106] : memref<2x10240x64xbf16, #tpu.memory_space<hbm>> -> memref<1x64x64xbf16, #tpu.memory_space<hbm>>
      %dma_wait3A_108 = tpu.memref_squeeze %dma_wait3A_107 : memref<1x64x64xbf16, #tpu.memory_space<hbm>> -> memref<64x64xbf16, #tpu.memory_space<hbm>>
      %dma_wait3A_109 = arith.constant 0 : i32
      %dma_wait3A_110 = tpu.memref_slice %arg6[%arg0, %add3A_75, %dma_wait3A_109] : memref<2x10240x64xbf16, #tpu.memory_space<hbm>> -> memref<1x64x64xbf16, #tpu.memory_space<hbm>>
      %dma_wait3A_111 = tpu.memref_squeeze %dma_wait3A_110 : memref<1x64x64xbf16, #tpu.memory_space<hbm>> -> memref<64x64xbf16, #tpu.memory_space<hbm>>
      %dma_wait3A_112 = arith.constant 0 : i32
      %dma_wait3A_113 = arith.constant 0 : i32
      %dma_wait3A_114 = tpu.memref_slice %arg9[%dma_wait3A_112, %dma_wait3A_113] : memref<128x64xbf16, #tpu.memory_space<vmem>> -> memref<64x64xbf16, #tpu.memory_space<vmem>>
      tpu.wait_dma2 semaphore(%run_scoped3A : memref<!tpu.dma_semaphore, #tpu.memory_space<semaphore_mem>>) src(%dma_wait3A_114 : memref<64x64xbf16, #tpu.memory_space<vmem>>) dst(%dma_wait3A_111 : memref<64x64xbf16, #tpu.memory_space<hbm>>)
      tpu.yield
    }) : () -> ()
    %add3A_76 = arith.constant 128 : i32
    %add3A_77 = arith.addi %mul3A_2, %add3A_76 : i32
    "tpu.region"() ({
      %run_scoped3A = tpu.sem_alloc : memref<!tpu.dma_semaphore, #tpu.memory_space<semaphore_mem>>
      %dma_start3A_92 = arith.constant 0 : i32
      %dma_start3A_93 = arith.constant 0 : i32
      %dma_start3A_94 = tpu.memref_slice %arg9[%dma_start3A_92, %dma_start3A_93] : memref<128x64xbf16, #tpu.memory_space<vmem>> -> memref<64x64xbf16, #tpu.memory_space<vmem>>
      %dma_start3A_95 = arith.constant 0 : i32
      %dma_start3A_96 = tpu.memref_slice %arg17[%add3A_77, %dma_start3A_95] : memref<10240x64xbf16, #tpu.memory_space<vmem_shared>> -> memref<64x64xbf16, #tpu.memory_space<vmem_shared>>
      %dma_start3A_97 = arith.constant 0 : i32
      %dma_start3A_98 = arith.constant 0 : i32
      %dma_start3A_99 = tpu.memref_slice %arg9[%dma_start3A_97, %dma_start3A_98] : memref<128x64xbf16, #tpu.memory_space<vmem>> -> memref<64x64xbf16, #tpu.memory_space<vmem>>
      %dma_start3A_100 = arith.constant 0 : i32
      %dma_start3A_101 = tpu.memref_slice %arg17[%add3A_77, %dma_start3A_100] : memref<10240x64xbf16, #tpu.memory_space<vmem_shared>> -> memref<64x64xbf16, #tpu.memory_space<vmem_shared>>
      tpu.enqueue_dma source(%dma_start3A_101 : memref<64x64xbf16, #tpu.memory_space<vmem_shared>>) target(%dma_start3A_99 : memref<64x64xbf16, #tpu.memory_space<vmem>>) target_semaphore(%run_scoped3A : memref<!tpu.dma_semaphore, #tpu.memory_space<semaphore_mem>>)
      %dma_wait3A = arith.constant 0 : i32
      %dma_wait3A_102 = arith.constant 0 : i32
      %dma_wait3A_103 = tpu.memref_slice %arg9[%dma_wait3A, %dma_wait3A_102] : memref<128x64xbf16, #tpu.memory_space<vmem>> -> memref<64x64xbf16, #tpu.memory_space<vmem>>
      %dma_wait3A_104 = arith.constant 0 : i32
      %dma_wait3A_105 = tpu.memref_slice %arg17[%add3A_77, %dma_wait3A_104] : memref<10240x64xbf16, #tpu.memory_space<vmem_shared>> -> memref<64x64xbf16, #tpu.memory_space<vmem_shared>>
      %dma_wait3A_106 = arith.constant 0 : i32
      %dma_wait3A_107 = arith.constant 0 : i32
      %dma_wait3A_108 = tpu.memref_slice %arg9[%dma_wait3A_106, %dma_wait3A_107] : memref<128x64xbf16, #tpu.memory_space<vmem>> -> memref<64x64xbf16, #tpu.memory_space<vmem>>
      %dma_wait3A_109 = arith.constant 0 : i32
      %dma_wait3A_110 = tpu.memref_slice %arg17[%add3A_77, %dma_wait3A_109] : memref<10240x64xbf16, #tpu.memory_space<vmem_shared>> -> memref<64x64xbf16, #tpu.memory_space<vmem_shared>>
      tpu.wait_dma2 semaphore(%run_scoped3A : memref<!tpu.dma_semaphore, #tpu.memory_space<semaphore_mem>>) src(%dma_wait3A_110 : memref<64x64xbf16, #tpu.memory_space<vmem_shared>>) dst(%dma_wait3A_108 : memref<64x64xbf16, #tpu.memory_space<vmem>>)
      tpu.yield
    }) : () -> ()
    "tpu.region"() ({
      %run_scoped3A = tpu.sem_alloc : memref<!tpu.dma_semaphore, #tpu.memory_space<semaphore_mem>>
      %dma_start3A_92 = arith.constant 0 : i32
      %dma_start3A_93 = arith.constant 0 : i32
      %dma_start3A_94 = tpu.memref_slice %arg9[%dma_start3A_92, %dma_start3A_93] : memref<128x64xbf16, #tpu.memory_space<vmem>> -> memref<64x64xbf16, #tpu.memory_space<vmem>>
      %dma_start3A_95 = arith.constant 0 : i32
      %dma_start3A_96 = tpu.memref_slice %arg6[%arg0, %add3A_77, %dma_start3A_95] : memref<2x10240x64xbf16, #tpu.memory_space<hbm>> -> memref<1x64x64xbf16, #tpu.memory_space<hbm>>
      %dma_start3A_97 = tpu.memref_squeeze %dma_start3A_96 : memref<1x64x64xbf16, #tpu.memory_space<hbm>> -> memref<64x64xbf16, #tpu.memory_space<hbm>>
      %dma_start3A_98 = arith.constant 0 : i32
      %dma_start3A_99 = tpu.memref_slice %arg6[%arg0, %add3A_77, %dma_start3A_98] : memref<2x10240x64xbf16, #tpu.memory_space<hbm>> -> memref<1x64x64xbf16, #tpu.memory_space<hbm>>
      %dma_start3A_100 = tpu.memref_squeeze %dma_start3A_99 : memref<1x64x64xbf16, #tpu.memory_space<hbm>> -> memref<64x64xbf16, #tpu.memory_space<hbm>>
      %dma_start3A_101 = arith.constant 0 : i32
      %dma_start3A_102 = arith.constant 0 : i32
      %dma_start3A_103 = tpu.memref_slice %arg9[%dma_start3A_101, %dma_start3A_102] : memref<128x64xbf16, #tpu.memory_space<vmem>> -> memref<64x64xbf16, #tpu.memory_space<vmem>>
      tpu.enqueue_dma source(%dma_start3A_103 : memref<64x64xbf16, #tpu.memory_space<vmem>>) target(%dma_start3A_100 : memref<64x64xbf16, #tpu.memory_space<hbm>>) target_semaphore(%run_scoped3A : memref<!tpu.dma_semaphore, #tpu.memory_space<semaphore_mem>>)
      %dma_wait3A = arith.constant 0 : i32
      %dma_wait3A_104 = arith.constant 0 : i32
      %dma_wait3A_105 = tpu.memref_slice %arg9[%dma_wait3A, %dma_wait3A_104] : memref<128x64xbf16, #tpu.memory_space<vmem>> -> memref<64x64xbf16, #tpu.memory_space<vmem>>
      %dma_wait3A_106 = arith.constant 0 : i32
      %dma_wait3A_107 = tpu.memref_slice %arg6[%arg0, %add3A_77, %dma_wait3A_106] : memref<2x10240x64xbf16, #tpu.memory_space<hbm>> -> memref<1x64x64xbf16, #tpu.memory_space<hbm>>
      %dma_wait3A_108 = tpu.memref_squeeze %dma_wait3A_107 : memref<1x64x64xbf16, #tpu.memory_space<hbm>> -> memref<64x64xbf16, #tpu.memory_space<hbm>>
      %dma_wait3A_109 = arith.constant 0 : i32
      %dma_wait3A_110 = tpu.memref_slice %arg6[%arg0, %add3A_77, %dma_wait3A_109] : memref<2x10240x64xbf16, #tpu.memory_space<hbm>> -> memref<1x64x64xbf16, #tpu.memory_space<hbm>>
      %dma_wait3A_111 = tpu.memref_squeeze %dma_wait3A_110 : memref<1x64x64xbf16, #tpu.memory_space<hbm>> -> memref<64x64xbf16, #tpu.memory_space<hbm>>
      %dma_wait3A_112 = arith.constant 0 : i32
      %dma_wait3A_113 = arith.constant 0 : i32
      %dma_wait3A_114 = tpu.memref_slice %arg9[%dma_wait3A_112, %dma_wait3A_113] : memref<128x64xbf16, #tpu.memory_space<vmem>> -> memref<64x64xbf16, #tpu.memory_space<vmem>>
      tpu.wait_dma2 semaphore(%run_scoped3A : memref<!tpu.dma_semaphore, #tpu.memory_space<semaphore_mem>>) src(%dma_wait3A_114 : memref<64x64xbf16, #tpu.memory_space<vmem>>) dst(%dma_wait3A_111 : memref<64x64xbf16, #tpu.memory_space<hbm>>)
      tpu.yield
    }) : () -> ()
    %add3A_78 = arith.constant 192 : i32
    %add3A_79 = arith.addi %mul3A_2, %add3A_78 : i32
    "tpu.region"() ({
      %run_scoped3A = tpu.sem_alloc : memref<!tpu.dma_semaphore, #tpu.memory_space<semaphore_mem>>
      %dma_start3A_92 = arith.constant 0 : i32
      %dma_start3A_93 = arith.constant 0 : i32
      %dma_start3A_94 = tpu.memref_slice %arg9[%dma_start3A_92, %dma_start3A_93] : memref<128x64xbf16, #tpu.memory_space<vmem>> -> memref<64x64xbf16, #tpu.memory_space<vmem>>
      %dma_start3A_95 = arith.constant 0 : i32
      %dma_start3A_96 = tpu.memref_slice %arg17[%add3A_79, %dma_start3A_95] : memref<10240x64xbf16, #tpu.memory_space<vmem_shared>> -> memref<64x64xbf16, #tpu.memory_space<vmem_shared>>
      %dma_start3A_97 = arith.constant 0 : i32
      %dma_start3A_98 = arith.constant 0 : i32
      %dma_start3A_99 = tpu.memref_slice %arg9[%dma_start3A_97, %dma_start3A_98] : memref<128x64xbf16, #tpu.memory_space<vmem>> -> memref<64x64xbf16, #tpu.memory_space<vmem>>
      %dma_start3A_100 = arith.constant 0 : i32
      %dma_start3A_101 = tpu.memref_slice %arg17[%add3A_79, %dma_start3A_100] : memref<10240x64xbf16, #tpu.memory_space<vmem_shared>> -> memref<64x64xbf16, #tpu.memory_space<vmem_shared>>
      tpu.enqueue_dma source(%dma_start3A_101 : memref<64x64xbf16, #tpu.memory_space<vmem_shared>>) target(%dma_start3A_99 : memref<64x64xbf16, #tpu.memory_space<vmem>>) target_semaphore(%run_scoped3A : memref<!tpu.dma_semaphore, #tpu.memory_space<semaphore_mem>>)
      %dma_wait3A = arith.constant 0 : i32
      %dma_wait3A_102 = arith.constant 0 : i32
      %dma_wait3A_103 = tpu.memref_slice %arg9[%dma_wait3A, %dma_wait3A_102] : memref<128x64xbf16, #tpu.memory_space<vmem>> -> memref<64x64xbf16, #tpu.memory_space<vmem>>
      %dma_wait3A_104 = arith.constant 0 : i32
      %dma_wait3A_105 = tpu.memref_slice %arg17[%add3A_79, %dma_wait3A_104] : memref<10240x64xbf16, #tpu.memory_space<vmem_shared>> -> memref<64x64xbf16, #tpu.memory_space<vmem_shared>>
      %dma_wait3A_106 = arith.constant 0 : i32
      %dma_wait3A_107 = arith.constant 0 : i32
      %dma_wait3A_108 = tpu.memref_slice %arg9[%dma_wait3A_106, %dma_wait3A_107] : memref<128x64xbf16, #tpu.memory_space<vmem>> -> memref<64x64xbf16, #tpu.memory_space<vmem>>
      %dma_wait3A_109 = arith.constant 0 : i32
      %dma_wait3A_110 = tpu.memref_slice %arg17[%add3A_79, %dma_wait3A_109] : memref<10240x64xbf16, #tpu.memory_space<vmem_shared>> -> memref<64x64xbf16, #tpu.memory_space<vmem_shared>>
      tpu.wait_dma2 semaphore(%run_scoped3A : memref<!tpu.dma_semaphore, #tpu.memory_space<semaphore_mem>>) src(%dma_wait3A_110 : memref<64x64xbf16, #tpu.memory_space<vmem_shared>>) dst(%dma_wait3A_108 : memref<64x64xbf16, #tpu.memory_space<vmem>>)
      tpu.yield
    }) : () -> ()
    "tpu.region"() ({
      %run_scoped3A = tpu.sem_alloc : memref<!tpu.dma_semaphore, #tpu.memory_space<semaphore_mem>>
      %dma_start3A_92 = arith.constant 0 : i32
      %dma_start3A_93 = arith.constant 0 : i32
      %dma_start3A_94 = tpu.memref_slice %arg9[%dma_start3A_92, %dma_start3A_93] : memref<128x64xbf16, #tpu.memory_space<vmem>> -> memref<64x64xbf16, #tpu.memory_space<vmem>>
      %dma_start3A_95 = arith.constant 0 : i32
      %dma_start3A_96 = tpu.memref_slice %arg6[%arg0, %add3A_79, %dma_start3A_95] : memref<2x10240x64xbf16, #tpu.memory_space<hbm>> -> memref<1x64x64xbf16, #tpu.memory_space<hbm>>
      %dma_start3A_97 = tpu.memref_squeeze %dma_start3A_96 : memref<1x64x64xbf16, #tpu.memory_space<hbm>> -> memref<64x64xbf16, #tpu.memory_space<hbm>>
      %dma_start3A_98 = arith.constant 0 : i32
      %dma_start3A_99 = tpu.memref_slice %arg6[%arg0, %add3A_79, %dma_start3A_98] : memref<2x10240x64xbf16, #tpu.memory_space<hbm>> -> memref<1x64x64xbf16, #tpu.memory_space<hbm>>
      %dma_start3A_100 = tpu.memref_squeeze %dma_start3A_99 : memref<1x64x64xbf16, #tpu.memory_space<hbm>> -> memref<64x64xbf16, #tpu.memory_space<hbm>>
      %dma_start3A_101 = arith.constant 0 : i32
      %dma_start3A_102 = arith.constant 0 : i32
      %dma_start3A_103 = tpu.memref_slice %arg9[%dma_start3A_101, %dma_start3A_102] : memref<128x64xbf16, #tpu.memory_space<vmem>> -> memref<64x64xbf16, #tpu.memory_space<vmem>>
      tpu.enqueue_dma source(%dma_start3A_103 : memref<64x64xbf16, #tpu.memory_space<vmem>>) target(%dma_start3A_100 : memref<64x64xbf16, #tpu.memory_space<hbm>>) target_semaphore(%run_scoped3A : memref<!tpu.dma_semaphore, #tpu.memory_space<semaphore_mem>>)
      %dma_wait3A = arith.constant 0 : i32
      %dma_wait3A_104 = arith.constant 0 : i32
      %dma_wait3A_105 = tpu.memref_slice %arg9[%dma_wait3A, %dma_wait3A_104] : memref<128x64xbf16, #tpu.memory_space<vmem>> -> memref<64x64xbf16, #tpu.memory_space<vmem>>
      %dma_wait3A_106 = arith.constant 0 : i32
      %dma_wait3A_107 = tpu.memref_slice %arg6[%arg0, %add3A_79, %dma_wait3A_106] : memref<2x10240x64xbf16, #tpu.memory_space<hbm>> -> memref<1x64x64xbf16, #tpu.memory_space<hbm>>
      %dma_wait3A_108 = tpu.memref_squeeze %dma_wait3A_107 : memref<1x64x64xbf16, #tpu.memory_space<hbm>> -> memref<64x64xbf16, #tpu.memory_space<hbm>>
      %dma_wait3A_109 = arith.constant 0 : i32
      %dma_wait3A_110 = tpu.memref_slice %arg6[%arg0, %add3A_79, %dma_wait3A_109] : memref<2x10240x64xbf16, #tpu.memory_space<hbm>> -> memref<1x64x64xbf16, #tpu.memory_space<hbm>>
      %dma_wait3A_111 = tpu.memref_squeeze %dma_wait3A_110 : memref<1x64x64xbf16, #tpu.memory_space<hbm>> -> memref<64x64xbf16, #tpu.memory_space<hbm>>
      %dma_wait3A_112 = arith.constant 0 : i32
      %dma_wait3A_113 = arith.constant 0 : i32
      %dma_wait3A_114 = tpu.memref_slice %arg9[%dma_wait3A_112, %dma_wait3A_113] : memref<128x64xbf16, #tpu.memory_space<vmem>> -> memref<64x64xbf16, #tpu.memory_space<vmem>>
      tpu.wait_dma2 semaphore(%run_scoped3A : memref<!tpu.dma_semaphore, #tpu.memory_space<semaphore_mem>>) src(%dma_wait3A_114 : memref<64x64xbf16, #tpu.memory_space<vmem>>) dst(%dma_wait3A_111 : memref<64x64xbf16, #tpu.memory_space<hbm>>)
      tpu.yield
    }) : () -> ()
    %add3A_80 = arith.constant 256 : i32
    %add3A_81 = arith.addi %mul3A_2, %add3A_80 : i32
    "tpu.region"() ({
      %run_scoped3A = tpu.sem_alloc : memref<!tpu.dma_semaphore, #tpu.memory_space<semaphore_mem>>
      %dma_start3A_92 = arith.constant 0 : i32
      %dma_start3A_93 = arith.constant 0 : i32
      %dma_start3A_94 = tpu.memref_slice %arg9[%dma_start3A_92, %dma_start3A_93] : memref<128x64xbf16, #tpu.memory_space<vmem>> -> memref<64x64xbf16, #tpu.memory_space<vmem>>
      %dma_start3A_95 = arith.constant 0 : i32
      %dma_start3A_96 = tpu.memref_slice %arg17[%add3A_81, %dma_start3A_95] : memref<10240x64xbf16, #tpu.memory_space<vmem_shared>> -> memref<64x64xbf16, #tpu.memory_space<vmem_shared>>
      %dma_start3A_97 = arith.constant 0 : i32
      %dma_start3A_98 = arith.constant 0 : i32
      %dma_start3A_99 = tpu.memref_slice %arg9[%dma_start3A_97, %dma_start3A_98] : memref<128x64xbf16, #tpu.memory_space<vmem>> -> memref<64x64xbf16, #tpu.memory_space<vmem>>
      %dma_start3A_100 = arith.constant 0 : i32
      %dma_start3A_101 = tpu.memref_slice %arg17[%add3A_81, %dma_start3A_100] : memref<10240x64xbf16, #tpu.memory_space<vmem_shared>> -> memref<64x64xbf16, #tpu.memory_space<vmem_shared>>
      tpu.enqueue_dma source(%dma_start3A_101 : memref<64x64xbf16, #tpu.memory_space<vmem_shared>>) target(%dma_start3A_99 : memref<64x64xbf16, #tpu.memory_space<vmem>>) target_semaphore(%run_scoped3A : memref<!tpu.dma_semaphore, #tpu.memory_space<semaphore_mem>>)
      %dma_wait3A = arith.constant 0 : i32
      %dma_wait3A_102 = arith.constant 0 : i32
      %dma_wait3A_103 = tpu.memref_slice %arg9[%dma_wait3A, %dma_wait3A_102] : memref<128x64xbf16, #tpu.memory_space<vmem>> -> memref<64x64xbf16, #tpu.memory_space<vmem>>
      %dma_wait3A_104 = arith.constant 0 : i32
      %dma_wait3A_105 = tpu.memref_slice %arg17[%add3A_81, %dma_wait3A_104] : memref<10240x64xbf16, #tpu.memory_space<vmem_shared>> -> memref<64x64xbf16, #tpu.memory_space<vmem_shared>>
      %dma_wait3A_106 = arith.constant 0 : i32
      %dma_wait3A_107 = arith.constant 0 : i32
      %dma_wait3A_108 = tpu.memref_slice %arg9[%dma_wait3A_106, %dma_wait3A_107] : memref<128x64xbf16, #tpu.memory_space<vmem>> -> memref<64x64xbf16, #tpu.memory_space<vmem>>
      %dma_wait3A_109 = arith.constant 0 : i32
      %dma_wait3A_110 = tpu.memref_slice %arg17[%add3A_81, %dma_wait3A_109] : memref<10240x64xbf16, #tpu.memory_space<vmem_shared>> -> memref<64x64xbf16, #tpu.memory_space<vmem_shared>>
      tpu.wait_dma2 semaphore(%run_scoped3A : memref<!tpu.dma_semaphore, #tpu.memory_space<semaphore_mem>>) src(%dma_wait3A_110 : memref<64x64xbf16, #tpu.memory_space<vmem_shared>>) dst(%dma_wait3A_108 : memref<64x64xbf16, #tpu.memory_space<vmem>>)
      tpu.yield
    }) : () -> ()
    "tpu.region"() ({
      %run_scoped3A = tpu.sem_alloc : memref<!tpu.dma_semaphore, #tpu.memory_space<semaphore_mem>>
      %dma_start3A_92 = arith.constant 0 : i32
      %dma_start3A_93 = arith.constant 0 : i32
      %dma_start3A_94 = tpu.memref_slice %arg9[%dma_start3A_92, %dma_start3A_93] : memref<128x64xbf16, #tpu.memory_space<vmem>> -> memref<64x64xbf16, #tpu.memory_space<vmem>>
      %dma_start3A_95 = arith.constant 0 : i32
      %dma_start3A_96 = tpu.memref_slice %arg6[%arg0, %add3A_81, %dma_start3A_95] : memref<2x10240x64xbf16, #tpu.memory_space<hbm>> -> memref<1x64x64xbf16, #tpu.memory_space<hbm>>
      %dma_start3A_97 = tpu.memref_squeeze %dma_start3A_96 : memref<1x64x64xbf16, #tpu.memory_space<hbm>> -> memref<64x64xbf16, #tpu.memory_space<hbm>>
      %dma_start3A_98 = arith.constant 0 : i32
      %dma_start3A_99 = tpu.memref_slice %arg6[%arg0, %add3A_81, %dma_start3A_98] : memref<2x10240x64xbf16, #tpu.memory_space<hbm>> -> memref<1x64x64xbf16, #tpu.memory_space<hbm>>
      %dma_start3A_100 = tpu.memref_squeeze %dma_start3A_99 : memref<1x64x64xbf16, #tpu.memory_space<hbm>> -> memref<64x64xbf16, #tpu.memory_space<hbm>>
      %dma_start3A_101 = arith.constant 0 : i32
      %dma_start3A_102 = arith.constant 0 : i32
      %dma_start3A_103 = tpu.memref_slice %arg9[%dma_start3A_101, %dma_start3A_102] : memref<128x64xbf16, #tpu.memory_space<vmem>> -> memref<64x64xbf16, #tpu.memory_space<vmem>>
      tpu.enqueue_dma source(%dma_start3A_103 : memref<64x64xbf16, #tpu.memory_space<vmem>>) target(%dma_start3A_100 : memref<64x64xbf16, #tpu.memory_space<hbm>>) target_semaphore(%run_scoped3A : memref<!tpu.dma_semaphore, #tpu.memory_space<semaphore_mem>>)
      %dma_wait3A = arith.constant 0 : i32
      %dma_wait3A_104 = arith.constant 0 : i32
      %dma_wait3A_105 = tpu.memref_slice %arg9[%dma_wait3A, %dma_wait3A_104] : memref<128x64xbf16, #tpu.memory_space<vmem>> -> memref<64x64xbf16, #tpu.memory_space<vmem>>
      %dma_wait3A_106 = arith.constant 0 : i32
      %dma_wait3A_107 = tpu.memref_slice %arg6[%arg0, %add3A_81, %dma_wait3A_106] : memref<2x10240x64xbf16, #tpu.memory_space<hbm>> -> memref<1x64x64xbf16, #tpu.memory_space<hbm>>
      %dma_wait3A_108 = tpu.memref_squeeze %dma_wait3A_107 : memref<1x64x64xbf16, #tpu.memory_space<hbm>> -> memref<64x64xbf16, #tpu.memory_space<hbm>>
      %dma_wait3A_109 = arith.constant 0 : i32
      %dma_wait3A_110 = tpu.memref_slice %arg6[%arg0, %add3A_81, %dma_wait3A_109] : memref<2x10240x64xbf16, #tpu.memory_space<hbm>> -> memref<1x64x64xbf16, #tpu.memory_space<hbm>>
      %dma_wait3A_111 = tpu.memref_squeeze %dma_wait3A_110 : memref<1x64x64xbf16, #tpu.memory_space<hbm>> -> memref<64x64xbf16, #tpu.memory_space<hbm>>
      %dma_wait3A_112 = arith.constant 0 : i32
      %dma_wait3A_113 = arith.constant 0 : i32
      %dma_wait3A_114 = tpu.memref_slice %arg9[%dma_wait3A_112, %dma_wait3A_113] : memref<128x64xbf16, #tpu.memory_space<vmem>> -> memref<64x64xbf16, #tpu.memory_space<vmem>>
      tpu.wait_dma2 semaphore(%run_scoped3A : memref<!tpu.dma_semaphore, #tpu.memory_space<semaphore_mem>>) src(%dma_wait3A_114 : memref<64x64xbf16, #tpu.memory_space<vmem>>) dst(%dma_wait3A_111 : memref<64x64xbf16, #tpu.memory_space<hbm>>)
      tpu.yield
    }) : () -> ()
    %add3A_82 = arith.constant 320 : i32
    %add3A_83 = arith.addi %mul3A_2, %add3A_82 : i32
    "tpu.region"() ({
      %run_scoped3A = tpu.sem_alloc : memref<!tpu.dma_semaphore, #tpu.memory_space<semaphore_mem>>
      %dma_start3A_92 = arith.constant 0 : i32
      %dma_start3A_93 = arith.constant 0 : i32
      %dma_start3A_94 = tpu.memref_slice %arg9[%dma_start3A_92, %dma_start3A_93] : memref<128x64xbf16, #tpu.memory_space<vmem>> -> memref<64x64xbf16, #tpu.memory_space<vmem>>
      %dma_start3A_95 = arith.constant 0 : i32
      %dma_start3A_96 = tpu.memref_slice %arg17[%add3A_83, %dma_start3A_95] : memref<10240x64xbf16, #tpu.memory_space<vmem_shared>> -> memref<64x64xbf16, #tpu.memory_space<vmem_shared>>
      %dma_start3A_97 = arith.constant 0 : i32
      %dma_start3A_98 = arith.constant 0 : i32
      %dma_start3A_99 = tpu.memref_slice %arg9[%dma_start3A_97, %dma_start3A_98] : memref<128x64xbf16, #tpu.memory_space<vmem>> -> memref<64x64xbf16, #tpu.memory_space<vmem>>
      %dma_start3A_100 = arith.constant 0 : i32
      %dma_start3A_101 = tpu.memref_slice %arg17[%add3A_83, %dma_start3A_100] : memref<10240x64xbf16, #tpu.memory_space<vmem_shared>> -> memref<64x64xbf16, #tpu.memory_space<vmem_shared>>
      tpu.enqueue_dma source(%dma_start3A_101 : memref<64x64xbf16, #tpu.memory_space<vmem_shared>>) target(%dma_start3A_99 : memref<64x64xbf16, #tpu.memory_space<vmem>>) target_semaphore(%run_scoped3A : memref<!tpu.dma_semaphore, #tpu.memory_space<semaphore_mem>>)
      %dma_wait3A = arith.constant 0 : i32
      %dma_wait3A_102 = arith.constant 0 : i32
      %dma_wait3A_103 = tpu.memref_slice %arg9[%dma_wait3A, %dma_wait3A_102] : memref<128x64xbf16, #tpu.memory_space<vmem>> -> memref<64x64xbf16, #tpu.memory_space<vmem>>
      %dma_wait3A_104 = arith.constant 0 : i32
      %dma_wait3A_105 = tpu.memref_slice %arg17[%add3A_83, %dma_wait3A_104] : memref<10240x64xbf16, #tpu.memory_space<vmem_shared>> -> memref<64x64xbf16, #tpu.memory_space<vmem_shared>>
      %dma_wait3A_106 = arith.constant 0 : i32
      %dma_wait3A_107 = arith.constant 0 : i32
      %dma_wait3A_108 = tpu.memref_slice %arg9[%dma_wait3A_106, %dma_wait3A_107] : memref<128x64xbf16, #tpu.memory_space<vmem>> -> memref<64x64xbf16, #tpu.memory_space<vmem>>
      %dma_wait3A_109 = arith.constant 0 : i32
      %dma_wait3A_110 = tpu.memref_slice %arg17[%add3A_83, %dma_wait3A_109] : memref<10240x64xbf16, #tpu.memory_space<vmem_shared>> -> memref<64x64xbf16, #tpu.memory_space<vmem_shared>>
      tpu.wait_dma2 semaphore(%run_scoped3A : memref<!tpu.dma_semaphore, #tpu.memory_space<semaphore_mem>>) src(%dma_wait3A_110 : memref<64x64xbf16, #tpu.memory_space<vmem_shared>>) dst(%dma_wait3A_108 : memref<64x64xbf16, #tpu.memory_space<vmem>>)
      tpu.yield
    }) : () -> ()
    "tpu.region"() ({
      %run_scoped3A = tpu.sem_alloc : memref<!tpu.dma_semaphore, #tpu.memory_space<semaphore_mem>>
      %dma_start3A_92 = arith.constant 0 : i32
      %dma_start3A_93 = arith.constant 0 : i32
      %dma_start3A_94 = tpu.memref_slice %arg9[%dma_start3A_92, %dma_start3A_93] : memref<128x64xbf16, #tpu.memory_space<vmem>> -> memref<64x64xbf16, #tpu.memory_space<vmem>>
      %dma_start3A_95 = arith.constant 0 : i32
      %dma_start3A_96 = tpu.memref_slice %arg6[%arg0, %add3A_83, %dma_start3A_95] : memref<2x10240x64xbf16, #tpu.memory_space<hbm>> -> memref<1x64x64xbf16, #tpu.memory_space<hbm>>
      %dma_start3A_97 = tpu.memref_squeeze %dma_start3A_96 : memref<1x64x64xbf16, #tpu.memory_space<hbm>> -> memref<64x64xbf16, #tpu.memory_space<hbm>>
      %dma_start3A_98 = arith.constant 0 : i32
      %dma_start3A_99 = tpu.memref_slice %arg6[%arg0, %add3A_83, %dma_start3A_98] : memref<2x10240x64xbf16, #tpu.memory_space<hbm>> -> memref<1x64x64xbf16, #tpu.memory_space<hbm>>
      %dma_start3A_100 = tpu.memref_squeeze %dma_start3A_99 : memref<1x64x64xbf16, #tpu.memory_space<hbm>> -> memref<64x64xbf16, #tpu.memory_space<hbm>>
      %dma_start3A_101 = arith.constant 0 : i32
      %dma_start3A_102 = arith.constant 0 : i32
      %dma_start3A_103 = tpu.memref_slice %arg9[%dma_start3A_101, %dma_start3A_102] : memref<128x64xbf16, #tpu.memory_space<vmem>> -> memref<64x64xbf16, #tpu.memory_space<vmem>>
      tpu.enqueue_dma source(%dma_start3A_103 : memref<64x64xbf16, #tpu.memory_space<vmem>>) target(%dma_start3A_100 : memref<64x64xbf16, #tpu.memory_space<hbm>>) target_semaphore(%run_scoped3A : memref<!tpu.dma_semaphore, #tpu.memory_space<semaphore_mem>>)
      %dma_wait3A = arith.constant 0 : i32
      %dma_wait3A_104 = arith.constant 0 : i32
      %dma_wait3A_105 = tpu.memref_slice %arg9[%dma_wait3A, %dma_wait3A_104] : memref<128x64xbf16, #tpu.memory_space<vmem>> -> memref<64x64xbf16, #tpu.memory_space<vmem>>
      %dma_wait3A_106 = arith.constant 0 : i32
      %dma_wait3A_107 = tpu.memref_slice %arg6[%arg0, %add3A_83, %dma_wait3A_106] : memref<2x10240x64xbf16, #tpu.memory_space<hbm>> -> memref<1x64x64xbf16, #tpu.memory_space<hbm>>
      %dma_wait3A_108 = tpu.memref_squeeze %dma_wait3A_107 : memref<1x64x64xbf16, #tpu.memory_space<hbm>> -> memref<64x64xbf16, #tpu.memory_space<hbm>>
      %dma_wait3A_109 = arith.constant 0 : i32
      %dma_wait3A_110 = tpu.memref_slice %arg6[%arg0, %add3A_83, %dma_wait3A_109] : memref<2x10240x64xbf16, #tpu.memory_space<hbm>> -> memref<1x64x64xbf16, #tpu.memory_space<hbm>>
      %dma_wait3A_111 = tpu.memref_squeeze %dma_wait3A_110 : memref<1x64x64xbf16, #tpu.memory_space<hbm>> -> memref<64x64xbf16, #tpu.memory_space<hbm>>
      %dma_wait3A_112 = arith.constant 0 : i32
      %dma_wait3A_113 = arith.constant 0 : i32
      %dma_wait3A_114 = tpu.memref_slice %arg9[%dma_wait3A_112, %dma_wait3A_113] : memref<128x64xbf16, #tpu.memory_space<vmem>> -> memref<64x64xbf16, #tpu.memory_space<vmem>>
      tpu.wait_dma2 semaphore(%run_scoped3A : memref<!tpu.dma_semaphore, #tpu.memory_space<semaphore_mem>>) src(%dma_wait3A_114 : memref<64x64xbf16, #tpu.memory_space<vmem>>) dst(%dma_wait3A_111 : memref<64x64xbf16, #tpu.memory_space<hbm>>)
      tpu.yield
    }) : () -> ()
    %add3A_84 = arith.constant 384 : i32
    %add3A_85 = arith.addi %mul3A_2, %add3A_84 : i32
    "tpu.region"() ({
      %run_scoped3A = tpu.sem_alloc : memref<!tpu.dma_semaphore, #tpu.memory_space<semaphore_mem>>
      %dma_start3A_92 = arith.constant 0 : i32
      %dma_start3A_93 = arith.constant 0 : i32
      %dma_start3A_94 = tpu.memref_slice %arg9[%dma_start3A_92, %dma_start3A_93] : memref<128x64xbf16, #tpu.memory_space<vmem>> -> memref<64x64xbf16, #tpu.memory_space<vmem>>
      %dma_start3A_95 = arith.constant 0 : i32
      %dma_start3A_96 = tpu.memref_slice %arg17[%add3A_85, %dma_start3A_95] : memref<10240x64xbf16, #tpu.memory_space<vmem_shared>> -> memref<64x64xbf16, #tpu.memory_space<vmem_shared>>
      %dma_start3A_97 = arith.constant 0 : i32
      %dma_start3A_98 = arith.constant 0 : i32
      %dma_start3A_99 = tpu.memref_slice %arg9[%dma_start3A_97, %dma_start3A_98] : memref<128x64xbf16, #tpu.memory_space<vmem>> -> memref<64x64xbf16, #tpu.memory_space<vmem>>
      %dma_start3A_100 = arith.constant 0 : i32
      %dma_start3A_101 = tpu.memref_slice %arg17[%add3A_85, %dma_start3A_100] : memref<10240x64xbf16, #tpu.memory_space<vmem_shared>> -> memref<64x64xbf16, #tpu.memory_space<vmem_shared>>
      tpu.enqueue_dma source(%dma_start3A_101 : memref<64x64xbf16, #tpu.memory_space<vmem_shared>>) target(%dma_start3A_99 : memref<64x64xbf16, #tpu.memory_space<vmem>>) target_semaphore(%run_scoped3A : memref<!tpu.dma_semaphore, #tpu.memory_space<semaphore_mem>>)
      %dma_wait3A = arith.constant 0 : i32
      %dma_wait3A_102 = arith.constant 0 : i32
      %dma_wait3A_103 = tpu.memref_slice %arg9[%dma_wait3A, %dma_wait3A_102] : memref<128x64xbf16, #tpu.memory_space<vmem>> -> memref<64x64xbf16, #tpu.memory_space<vmem>>
      %dma_wait3A_104 = arith.constant 0 : i32
      %dma_wait3A_105 = tpu.memref_slice %arg17[%add3A_85, %dma_wait3A_104] : memref<10240x64xbf16, #tpu.memory_space<vmem_shared>> -> memref<64x64xbf16, #tpu.memory_space<vmem_shared>>
      %dma_wait3A_106 = arith.constant 0 : i32
      %dma_wait3A_107 = arith.constant 0 : i32
      %dma_wait3A_108 = tpu.memref_slice %arg9[%dma_wait3A_106, %dma_wait3A_107] : memref<128x64xbf16, #tpu.memory_space<vmem>> -> memref<64x64xbf16, #tpu.memory_space<vmem>>
      %dma_wait3A_109 = arith.constant 0 : i32
      %dma_wait3A_110 = tpu.memref_slice %arg17[%add3A_85, %dma_wait3A_109] : memref<10240x64xbf16, #tpu.memory_space<vmem_shared>> -> memref<64x64xbf16, #tpu.memory_space<vmem_shared>>
      tpu.wait_dma2 semaphore(%run_scoped3A : memref<!tpu.dma_semaphore, #tpu.memory_space<semaphore_mem>>) src(%dma_wait3A_110 : memref<64x64xbf16, #tpu.memory_space<vmem_shared>>) dst(%dma_wait3A_108 : memref<64x64xbf16, #tpu.memory_space<vmem>>)
      tpu.yield
    }) : () -> ()
    "tpu.region"() ({
      %run_scoped3A = tpu.sem_alloc : memref<!tpu.dma_semaphore, #tpu.memory_space<semaphore_mem>>
      %dma_start3A_92 = arith.constant 0 : i32
      %dma_start3A_93 = arith.constant 0 : i32
      %dma_start3A_94 = tpu.memref_slice %arg9[%dma_start3A_92, %dma_start3A_93] : memref<128x64xbf16, #tpu.memory_space<vmem>> -> memref<64x64xbf16, #tpu.memory_space<vmem>>
      %dma_start3A_95 = arith.constant 0 : i32
      %dma_start3A_96 = tpu.memref_slice %arg6[%arg0, %add3A_85, %dma_start3A_95] : memref<2x10240x64xbf16, #tpu.memory_space<hbm>> -> memref<1x64x64xbf16, #tpu.memory_space<hbm>>
      %dma_start3A_97 = tpu.memref_squeeze %dma_start3A_96 : memref<1x64x64xbf16, #tpu.memory_space<hbm>> -> memref<64x64xbf16, #tpu.memory_space<hbm>>
      %dma_start3A_98 = arith.constant 0 : i32
      %dma_start3A_99 = tpu.memref_slice %arg6[%arg0, %add3A_85, %dma_start3A_98] : memref<2x10240x64xbf16, #tpu.memory_space<hbm>> -> memref<1x64x64xbf16, #tpu.memory_space<hbm>>
      %dma_start3A_100 = tpu.memref_squeeze %dma_start3A_99 : memref<1x64x64xbf16, #tpu.memory_space<hbm>> -> memref<64x64xbf16, #tpu.memory_space<hbm>>
      %dma_start3A_101 = arith.constant 0 : i32
      %dma_start3A_102 = arith.constant 0 : i32
      %dma_start3A_103 = tpu.memref_slice %arg9[%dma_start3A_101, %dma_start3A_102] : memref<128x64xbf16, #tpu.memory_space<vmem>> -> memref<64x64xbf16, #tpu.memory_space<vmem>>
      tpu.enqueue_dma source(%dma_start3A_103 : memref<64x64xbf16, #tpu.memory_space<vmem>>) target(%dma_start3A_100 : memref<64x64xbf16, #tpu.memory_space<hbm>>) target_semaphore(%run_scoped3A : memref<!tpu.dma_semaphore, #tpu.memory_space<semaphore_mem>>)
      %dma_wait3A = arith.constant 0 : i32
      %dma_wait3A_104 = arith.constant 0 : i32
      %dma_wait3A_105 = tpu.memref_slice %arg9[%dma_wait3A, %dma_wait3A_104] : memref<128x64xbf16, #tpu.memory_space<vmem>> -> memref<64x64xbf16, #tpu.memory_space<vmem>>
      %dma_wait3A_106 = arith.constant 0 : i32
      %dma_wait3A_107 = tpu.memref_slice %arg6[%arg0, %add3A_85, %dma_wait3A_106] : memref<2x10240x64xbf16, #tpu.memory_space<hbm>> -> memref<1x64x64xbf16, #tpu.memory_space<hbm>>
      %dma_wait3A_108 = tpu.memref_squeeze %dma_wait3A_107 : memref<1x64x64xbf16, #tpu.memory_space<hbm>> -> memref<64x64xbf16, #tpu.memory_space<hbm>>
      %dma_wait3A_109 = arith.constant 0 : i32
      %dma_wait3A_110 = tpu.memref_slice %arg6[%arg0, %add3A_85, %dma_wait3A_109] : memref<2x10240x64xbf16, #tpu.memory_space<hbm>> -> memref<1x64x64xbf16, #tpu.memory_space<hbm>>
      %dma_wait3A_111 = tpu.memref_squeeze %dma_wait3A_110 : memref<1x64x64xbf16, #tpu.memory_space<hbm>> -> memref<64x64xbf16, #tpu.memory_space<hbm>>
      %dma_wait3A_112 = arith.constant 0 : i32
      %dma_wait3A_113 = arith.constant 0 : i32
      %dma_wait3A_114 = tpu.memref_slice %arg9[%dma_wait3A_112, %dma_wait3A_113] : memref<128x64xbf16, #tpu.memory_space<vmem>> -> memref<64x64xbf16, #tpu.memory_space<vmem>>
      tpu.wait_dma2 semaphore(%run_scoped3A : memref<!tpu.dma_semaphore, #tpu.memory_space<semaphore_mem>>) src(%dma_wait3A_114 : memref<64x64xbf16, #tpu.memory_space<vmem>>) dst(%dma_wait3A_111 : memref<64x64xbf16, #tpu.memory_space<hbm>>)
      tpu.yield
    }) : () -> ()
    %add3A_86 = arith.constant 448 : i32
    %add3A_87 = arith.addi %mul3A_2, %add3A_86 : i32
    "tpu.region"() ({
      %run_scoped3A = tpu.sem_alloc : memref<!tpu.dma_semaphore, #tpu.memory_space<semaphore_mem>>
      %dma_start3A_92 = arith.constant 0 : i32
      %dma_start3A_93 = arith.constant 0 : i32
      %dma_start3A_94 = tpu.memref_slice %arg9[%dma_start3A_92, %dma_start3A_93] : memref<128x64xbf16, #tpu.memory_space<vmem>> -> memref<64x64xbf16, #tpu.memory_space<vmem>>
      %dma_start3A_95 = arith.constant 0 : i32
      %dma_start3A_96 = tpu.memref_slice %arg17[%add3A_87, %dma_start3A_95] : memref<10240x64xbf16, #tpu.memory_space<vmem_shared>> -> memref<64x64xbf16, #tpu.memory_space<vmem_shared>>
      %dma_start3A_97 = arith.constant 0 : i32
      %dma_start3A_98 = arith.constant 0 : i32
      %dma_start3A_99 = tpu.memref_slice %arg9[%dma_start3A_97, %dma_start3A_98] : memref<128x64xbf16, #tpu.memory_space<vmem>> -> memref<64x64xbf16, #tpu.memory_space<vmem>>
      %dma_start3A_100 = arith.constant 0 : i32
      %dma_start3A_101 = tpu.memref_slice %arg17[%add3A_87, %dma_start3A_100] : memref<10240x64xbf16, #tpu.memory_space<vmem_shared>> -> memref<64x64xbf16, #tpu.memory_space<vmem_shared>>
      tpu.enqueue_dma source(%dma_start3A_101 : memref<64x64xbf16, #tpu.memory_space<vmem_shared>>) target(%dma_start3A_99 : memref<64x64xbf16, #tpu.memory_space<vmem>>) target_semaphore(%run_scoped3A : memref<!tpu.dma_semaphore, #tpu.memory_space<semaphore_mem>>)
      %dma_wait3A = arith.constant 0 : i32
      %dma_wait3A_102 = arith.constant 0 : i32
      %dma_wait3A_103 = tpu.memref_slice %arg9[%dma_wait3A, %dma_wait3A_102] : memref<128x64xbf16, #tpu.memory_space<vmem>> -> memref<64x64xbf16, #tpu.memory_space<vmem>>
      %dma_wait3A_104 = arith.constant 0 : i32
      %dma_wait3A_105 = tpu.memref_slice %arg17[%add3A_87, %dma_wait3A_104] : memref<10240x64xbf16, #tpu.memory_space<vmem_shared>> -> memref<64x64xbf16, #tpu.memory_space<vmem_shared>>
      %dma_wait3A_106 = arith.constant 0 : i32
      %dma_wait3A_107 = arith.constant 0 : i32
      %dma_wait3A_108 = tpu.memref_slice %arg9[%dma_wait3A_106, %dma_wait3A_107] : memref<128x64xbf16, #tpu.memory_space<vmem>> -> memref<64x64xbf16, #tpu.memory_space<vmem>>
      %dma_wait3A_109 = arith.constant 0 : i32
      %dma_wait3A_110 = tpu.memref_slice %arg17[%add3A_87, %dma_wait3A_109] : memref<10240x64xbf16, #tpu.memory_space<vmem_shared>> -> memref<64x64xbf16, #tpu.memory_space<vmem_shared>>
      tpu.wait_dma2 semaphore(%run_scoped3A : memref<!tpu.dma_semaphore, #tpu.memory_space<semaphore_mem>>) src(%dma_wait3A_110 : memref<64x64xbf16, #tpu.memory_space<vmem_shared>>) dst(%dma_wait3A_108 : memref<64x64xbf16, #tpu.memory_space<vmem>>)
      tpu.yield
    }) : () -> ()
    "tpu.region"() ({
      %run_scoped3A = tpu.sem_alloc : memref<!tpu.dma_semaphore, #tpu.memory_space<semaphore_mem>>
      %dma_start3A_92 = arith.constant 0 : i32
      %dma_start3A_93 = arith.constant 0 : i32
      %dma_start3A_94 = tpu.memref_slice %arg9[%dma_start3A_92, %dma_start3A_93] : memref<128x64xbf16, #tpu.memory_space<vmem>> -> memref<64x64xbf16, #tpu.memory_space<vmem>>
      %dma_start3A_95 = arith.constant 0 : i32
      %dma_start3A_96 = tpu.memref_slice %arg6[%arg0, %add3A_87, %dma_start3A_95] : memref<2x10240x64xbf16, #tpu.memory_space<hbm>> -> memref<1x64x64xbf16, #tpu.memory_space<hbm>>
      %dma_start3A_97 = tpu.memref_squeeze %dma_start3A_96 : memref<1x64x64xbf16, #tpu.memory_space<hbm>> -> memref<64x64xbf16, #tpu.memory_space<hbm>>
      %dma_start3A_98 = arith.constant 0 : i32
      %dma_start3A_99 = tpu.memref_slice %arg6[%arg0, %add3A_87, %dma_start3A_98] : memref<2x10240x64xbf16, #tpu.memory_space<hbm>> -> memref<1x64x64xbf16, #tpu.memory_space<hbm>>
      %dma_start3A_100 = tpu.memref_squeeze %dma_start3A_99 : memref<1x64x64xbf16, #tpu.memory_space<hbm>> -> memref<64x64xbf16, #tpu.memory_space<hbm>>
      %dma_start3A_101 = arith.constant 0 : i32
      %dma_start3A_102 = arith.constant 0 : i32
      %dma_start3A_103 = tpu.memref_slice %arg9[%dma_start3A_101, %dma_start3A_102] : memref<128x64xbf16, #tpu.memory_space<vmem>> -> memref<64x64xbf16, #tpu.memory_space<vmem>>
      tpu.enqueue_dma source(%dma_start3A_103 : memref<64x64xbf16, #tpu.memory_space<vmem>>) target(%dma_start3A_100 : memref<64x64xbf16, #tpu.memory_space<hbm>>) target_semaphore(%run_scoped3A : memref<!tpu.dma_semaphore, #tpu.memory_space<semaphore_mem>>)
      %dma_wait3A = arith.constant 0 : i32
      %dma_wait3A_104 = arith.constant 0 : i32
      %dma_wait3A_105 = tpu.memref_slice %arg9[%dma_wait3A, %dma_wait3A_104] : memref<128x64xbf16, #tpu.memory_space<vmem>> -> memref<64x64xbf16, #tpu.memory_space<vmem>>
      %dma_wait3A_106 = arith.constant 0 : i32
      %dma_wait3A_107 = tpu.memref_slice %arg6[%arg0, %add3A_87, %dma_wait3A_106] : memref<2x10240x64xbf16, #tpu.memory_space<hbm>> -> memref<1x64x64xbf16, #tpu.memory_space<hbm>>
      %dma_wait3A_108 = tpu.memref_squeeze %dma_wait3A_107 : memref<1x64x64xbf16, #tpu.memory_space<hbm>> -> memref<64x64xbf16, #tpu.memory_space<hbm>>
      %dma_wait3A_109 = arith.constant 0 : i32
      %dma_wait3A_110 = tpu.memref_slice %arg6[%arg0, %add3A_87, %dma_wait3A_109] : memref<2x10240x64xbf16, #tpu.memory_space<hbm>> -> memref<1x64x64xbf16, #tpu.memory_space<hbm>>
      %dma_wait3A_111 = tpu.memref_squeeze %dma_wait3A_110 : memref<1x64x64xbf16, #tpu.memory_space<hbm>> -> memref<64x64xbf16, #tpu.memory_space<hbm>>
      %dma_wait3A_112 = arith.constant 0 : i32
      %dma_wait3A_113 = arith.constant 0 : i32
      %dma_wait3A_114 = tpu.memref_slice %arg9[%dma_wait3A_112, %dma_wait3A_113] : memref<128x64xbf16, #tpu.memory_space<vmem>> -> memref<64x64xbf16, #tpu.memory_space<vmem>>
      tpu.wait_dma2 semaphore(%run_scoped3A : memref<!tpu.dma_semaphore, #tpu.memory_space<semaphore_mem>>) src(%dma_wait3A_114 : memref<64x64xbf16, #tpu.memory_space<vmem>>) dst(%dma_wait3A_111 : memref<64x64xbf16, #tpu.memory_space<hbm>>)
      tpu.yield
    }) : () -> ()
    %add3A_88 = arith.constant 512 : i32
    %add3A_89 = arith.addi %mul3A_2, %add3A_88 : i32
    "tpu.region"() ({
      %run_scoped3A = tpu.sem_alloc : memref<!tpu.dma_semaphore, #tpu.memory_space<semaphore_mem>>
      %dma_start3A_92 = arith.constant 0 : i32
      %dma_start3A_93 = arith.constant 0 : i32
      %dma_start3A_94 = tpu.memref_slice %arg9[%dma_start3A_92, %dma_start3A_93] : memref<128x64xbf16, #tpu.memory_space<vmem>> -> memref<64x64xbf16, #tpu.memory_space<vmem>>
      %dma_start3A_95 = arith.constant 0 : i32
      %dma_start3A_96 = tpu.memref_slice %arg17[%add3A_89, %dma_start3A_95] : memref<10240x64xbf16, #tpu.memory_space<vmem_shared>> -> memref<64x64xbf16, #tpu.memory_space<vmem_shared>>
      %dma_start3A_97 = arith.constant 0 : i32
      %dma_start3A_98 = arith.constant 0 : i32
      %dma_start3A_99 = tpu.memref_slice %arg9[%dma_start3A_97, %dma_start3A_98] : memref<128x64xbf16, #tpu.memory_space<vmem>> -> memref<64x64xbf16, #tpu.memory_space<vmem>>
      %dma_start3A_100 = arith.constant 0 : i32
      %dma_start3A_101 = tpu.memref_slice %arg17[%add3A_89, %dma_start3A_100] : memref<10240x64xbf16, #tpu.memory_space<vmem_shared>> -> memref<64x64xbf16, #tpu.memory_space<vmem_shared>>
      tpu.enqueue_dma source(%dma_start3A_101 : memref<64x64xbf16, #tpu.memory_space<vmem_shared>>) target(%dma_start3A_99 : memref<64x64xbf16, #tpu.memory_space<vmem>>) target_semaphore(%run_scoped3A : memref<!tpu.dma_semaphore, #tpu.memory_space<semaphore_mem>>)
      %dma_wait3A = arith.constant 0 : i32
      %dma_wait3A_102 = arith.constant 0 : i32
      %dma_wait3A_103 = tpu.memref_slice %arg9[%dma_wait3A, %dma_wait3A_102] : memref<128x64xbf16, #tpu.memory_space<vmem>> -> memref<64x64xbf16, #tpu.memory_space<vmem>>
      %dma_wait3A_104 = arith.constant 0 : i32
      %dma_wait3A_105 = tpu.memref_slice %arg17[%add3A_89, %dma_wait3A_104] : memref<10240x64xbf16, #tpu.memory_space<vmem_shared>> -> memref<64x64xbf16, #tpu.memory_space<vmem_shared>>
      %dma_wait3A_106 = arith.constant 0 : i32
      %dma_wait3A_107 = arith.constant 0 : i32
      %dma_wait3A_108 = tpu.memref_slice %arg9[%dma_wait3A_106, %dma_wait3A_107] : memref<128x64xbf16, #tpu.memory_space<vmem>> -> memref<64x64xbf16, #tpu.memory_space<vmem>>
      %dma_wait3A_109 = arith.constant 0 : i32
      %dma_wait3A_110 = tpu.memref_slice %arg17[%add3A_89, %dma_wait3A_109] : memref<10240x64xbf16, #tpu.memory_space<vmem_shared>> -> memref<64x64xbf16, #tpu.memory_space<vmem_shared>>
      tpu.wait_dma2 semaphore(%run_scoped3A : memref<!tpu.dma_semaphore, #tpu.memory_space<semaphore_mem>>) src(%dma_wait3A_110 : memref<64x64xbf16, #tpu.memory_space<vmem_shared>>) dst(%dma_wait3A_108 : memref<64x64xbf16, #tpu.memory_space<vmem>>)
      tpu.yield
    }) : () -> ()
    "tpu.region"() ({
      %run_scoped3A = tpu.sem_alloc : memref<!tpu.dma_semaphore, #tpu.memory_space<semaphore_mem>>
      %dma_start3A_92 = arith.constant 0 : i32
      %dma_start3A_93 = arith.constant 0 : i32
      %dma_start3A_94 = tpu.memref_slice %arg9[%dma_start3A_92, %dma_start3A_93] : memref<128x64xbf16, #tpu.memory_space<vmem>> -> memref<64x64xbf16, #tpu.memory_space<vmem>>
      %dma_start3A_95 = arith.constant 0 : i32
      %dma_start3A_96 = tpu.memref_slice %arg6[%arg0, %add3A_89, %dma_start3A_95] : memref<2x10240x64xbf16, #tpu.memory_space<hbm>> -> memref<1x64x64xbf16, #tpu.memory_space<hbm>>
      %dma_start3A_97 = tpu.memref_squeeze %dma_start3A_96 : memref<1x64x64xbf16, #tpu.memory_space<hbm>> -> memref<64x64xbf16, #tpu.memory_space<hbm>>
      %dma_start3A_98 = arith.constant 0 : i32
      %dma_start3A_99 = tpu.memref_slice %arg6[%arg0, %add3A_89, %dma_start3A_98] : memref<2x10240x64xbf16, #tpu.memory_space<hbm>> -> memref<1x64x64xbf16, #tpu.memory_space<hbm>>
      %dma_start3A_100 = tpu.memref_squeeze %dma_start3A_99 : memref<1x64x64xbf16, #tpu.memory_space<hbm>> -> memref<64x64xbf16, #tpu.memory_space<hbm>>
      %dma_start3A_101 = arith.constant 0 : i32
      %dma_start3A_102 = arith.constant 0 : i32
      %dma_start3A_103 = tpu.memref_slice %arg9[%dma_start3A_101, %dma_start3A_102] : memref<128x64xbf16, #tpu.memory_space<vmem>> -> memref<64x64xbf16, #tpu.memory_space<vmem>>
      tpu.enqueue_dma source(%dma_start3A_103 : memref<64x64xbf16, #tpu.memory_space<vmem>>) target(%dma_start3A_100 : memref<64x64xbf16, #tpu.memory_space<hbm>>) target_semaphore(%run_scoped3A : memref<!tpu.dma_semaphore, #tpu.memory_space<semaphore_mem>>)
      %dma_wait3A = arith.constant 0 : i32
      %dma_wait3A_104 = arith.constant 0 : i32
      %dma_wait3A_105 = tpu.memref_slice %arg9[%dma_wait3A, %dma_wait3A_104] : memref<128x64xbf16, #tpu.memory_space<vmem>> -> memref<64x64xbf16, #tpu.memory_space<vmem>>
      %dma_wait3A_106 = arith.constant 0 : i32
      %dma_wait3A_107 = tpu.memref_slice %arg6[%arg0, %add3A_89, %dma_wait3A_106] : memref<2x10240x64xbf16, #tpu.memory_space<hbm>> -> memref<1x64x64xbf16, #tpu.memory_space<hbm>>
      %dma_wait3A_108 = tpu.memref_squeeze %dma_wait3A_107 : memref<1x64x64xbf16, #tpu.memory_space<hbm>> -> memref<64x64xbf16, #tpu.memory_space<hbm>>
      %dma_wait3A_109 = arith.constant 0 : i32
      %dma_wait3A_110 = tpu.memref_slice %arg6[%arg0, %add3A_89, %dma_wait3A_109] : memref<2x10240x64xbf16, #tpu.memory_space<hbm>> -> memref<1x64x64xbf16, #tpu.memory_space<hbm>>
      %dma_wait3A_111 = tpu.memref_squeeze %dma_wait3A_110 : memref<1x64x64xbf16, #tpu.memory_space<hbm>> -> memref<64x64xbf16, #tpu.memory_space<hbm>>
      %dma_wait3A_112 = arith.constant 0 : i32
      %dma_wait3A_113 = arith.constant 0 : i32
      %dma_wait3A_114 = tpu.memref_slice %arg9[%dma_wait3A_112, %dma_wait3A_113] : memref<128x64xbf16, #tpu.memory_space<vmem>> -> memref<64x64xbf16, #tpu.memory_space<vmem>>
      tpu.wait_dma2 semaphore(%run_scoped3A : memref<!tpu.dma_semaphore, #tpu.memory_space<semaphore_mem>>) src(%dma_wait3A_114 : memref<64x64xbf16, #tpu.memory_space<vmem>>) dst(%dma_wait3A_111 : memref<64x64xbf16, #tpu.memory_space<hbm>>)
      tpu.yield
    }) : () -> ()
    %add3A_90 = arith.constant 576 : i32
    %add3A_91 = arith.addi %mul3A_2, %add3A_90 : i32
    "tpu.region"() ({
      %run_scoped3A = tpu.sem_alloc : memref<!tpu.dma_semaphore, #tpu.memory_space<semaphore_mem>>
      %dma_start3A_92 = arith.constant 0 : i32
      %dma_start3A_93 = arith.constant 0 : i32
      %dma_start3A_94 = tpu.memref_slice %arg9[%dma_start3A_92, %dma_start3A_93] : memref<128x64xbf16, #tpu.memory_space<vmem>> -> memref<64x64xbf16, #tpu.memory_space<vmem>>
      %dma_start3A_95 = arith.constant 0 : i32
      %dma_start3A_96 = tpu.memref_slice %arg17[%add3A_91, %dma_start3A_95] : memref<10240x64xbf16, #tpu.memory_space<vmem_shared>> -> memref<64x64xbf16, #tpu.memory_space<vmem_shared>>
      %dma_start3A_97 = arith.constant 0 : i32
      %dma_start3A_98 = arith.constant 0 : i32
      %dma_start3A_99 = tpu.memref_slice %arg9[%dma_start3A_97, %dma_start3A_98] : memref<128x64xbf16, #tpu.memory_space<vmem>> -> memref<64x64xbf16, #tpu.memory_space<vmem>>
      %dma_start3A_100 = arith.constant 0 : i32
      %dma_start3A_101 = tpu.memref_slice %arg17[%add3A_91, %dma_start3A_100] : memref<10240x64xbf16, #tpu.memory_space<vmem_shared>> -> memref<64x64xbf16, #tpu.memory_space<vmem_shared>>
      tpu.enqueue_dma source(%dma_start3A_101 : memref<64x64xbf16, #tpu.memory_space<vmem_shared>>) target(%dma_start3A_99 : memref<64x64xbf16, #tpu.memory_space<vmem>>) target_semaphore(%run_scoped3A : memref<!tpu.dma_semaphore, #tpu.memory_space<semaphore_mem>>)
      %dma_wait3A = arith.constant 0 : i32
      %dma_wait3A_102 = arith.constant 0 : i32
      %dma_wait3A_103 = tpu.memref_slice %arg9[%dma_wait3A, %dma_wait3A_102] : memref<128x64xbf16, #tpu.memory_space<vmem>> -> memref<64x64xbf16, #tpu.memory_space<vmem>>
      %dma_wait3A_104 = arith.constant 0 : i32
      %dma_wait3A_105 = tpu.memref_slice %arg17[%add3A_91, %dma_wait3A_104] : memref<10240x64xbf16, #tpu.memory_space<vmem_shared>> -> memref<64x64xbf16, #tpu.memory_space<vmem_shared>>
      %dma_wait3A_106 = arith.constant 0 : i32
      %dma_wait3A_107 = arith.constant 0 : i32
      %dma_wait3A_108 = tpu.memref_slice %arg9[%dma_wait3A_106, %dma_wait3A_107] : memref<128x64xbf16, #tpu.memory_space<vmem>> -> memref<64x64xbf16, #tpu.memory_space<vmem>>
      %dma_wait3A_109 = arith.constant 0 : i32
      %dma_wait3A_110 = tpu.memref_slice %arg17[%add3A_91, %dma_wait3A_109] : memref<10240x64xbf16, #tpu.memory_space<vmem_shared>> -> memref<64x64xbf16, #tpu.memory_space<vmem_shared>>
      tpu.wait_dma2 semaphore(%run_scoped3A : memref<!tpu.dma_semaphore, #tpu.memory_space<semaphore_mem>>) src(%dma_wait3A_110 : memref<64x64xbf16, #tpu.memory_space<vmem_shared>>) dst(%dma_wait3A_108 : memref<64x64xbf16, #tpu.memory_space<vmem>>)
      tpu.yield
    }) : () -> ()
    "tpu.region"() ({
      %run_scoped3A = tpu.sem_alloc : memref<!tpu.dma_semaphore, #tpu.memory_space<semaphore_mem>>
      %dma_start3A_92 = arith.constant 0 : i32
      %dma_start3A_93 = arith.constant 0 : i32
      %dma_start3A_94 = tpu.memref_slice %arg9[%dma_start3A_92, %dma_start3A_93] : memref<128x64xbf16, #tpu.memory_space<vmem>> -> memref<64x64xbf16, #tpu.memory_space<vmem>>
      %dma_start3A_95 = arith.constant 0 : i32
      %dma_start3A_96 = tpu.memref_slice %arg6[%arg0, %add3A_91, %dma_start3A_95] : memref<2x10240x64xbf16, #tpu.memory_space<hbm>> -> memref<1x64x64xbf16, #tpu.memory_space<hbm>>
      %dma_start3A_97 = tpu.memref_squeeze %dma_start3A_96 : memref<1x64x64xbf16, #tpu.memory_space<hbm>> -> memref<64x64xbf16, #tpu.memory_space<hbm>>
      %dma_start3A_98 = arith.constant 0 : i32
      %dma_start3A_99 = tpu.memref_slice %arg6[%arg0, %add3A_91, %dma_start3A_98] : memref<2x10240x64xbf16, #tpu.memory_space<hbm>> -> memref<1x64x64xbf16, #tpu.memory_space<hbm>>
      %dma_start3A_100 = tpu.memref_squeeze %dma_start3A_99 : memref<1x64x64xbf16, #tpu.memory_space<hbm>> -> memref<64x64xbf16, #tpu.memory_space<hbm>>
      %dma_start3A_101 = arith.constant 0 : i32
      %dma_start3A_102 = arith.constant 0 : i32
      %dma_start3A_103 = tpu.memref_slice %arg9[%dma_start3A_101, %dma_start3A_102] : memref<128x64xbf16, #tpu.memory_space<vmem>> -> memref<64x64xbf16, #tpu.memory_space<vmem>>
      tpu.enqueue_dma source(%dma_start3A_103 : memref<64x64xbf16, #tpu.memory_space<vmem>>) target(%dma_start3A_100 : memref<64x64xbf16, #tpu.memory_space<hbm>>) target_semaphore(%run_scoped3A : memref<!tpu.dma_semaphore, #tpu.memory_space<semaphore_mem>>)
      %dma_wait3A = arith.constant 0 : i32
      %dma_wait3A_104 = arith.constant 0 : i32
      %dma_wait3A_105 = tpu.memref_slice %arg9[%dma_wait3A, %dma_wait3A_104] : memref<128x64xbf16, #tpu.memory_space<vmem>> -> memref<64x64xbf16, #tpu.memory_space<vmem>>
      %dma_wait3A_106 = arith.constant 0 : i32
      %dma_wait3A_107 = tpu.memref_slice %arg6[%arg0, %add3A_91, %dma_wait3A_106] : memref<2x10240x64xbf16, #tpu.memory_space<hbm>> -> memref<1x64x64xbf16, #tpu.memory_space<hbm>>
      %dma_wait3A_108 = tpu.memref_squeeze %dma_wait3A_107 : memref<1x64x64xbf16, #tpu.memory_space<hbm>> -> memref<64x64xbf16, #tpu.memory_space<hbm>>
      %dma_wait3A_109 = arith.constant 0 : i32
      %dma_wait3A_110 = tpu.memref_slice %arg6[%arg0, %add3A_91, %dma_wait3A_109] : memref<2x10240x64xbf16, #tpu.memory_space<hbm>> -> memref<1x64x64xbf16, #tpu.memory_space<hbm>>
      %dma_wait3A_111 = tpu.memref_squeeze %dma_wait3A_110 : memref<1x64x64xbf16, #tpu.memory_space<hbm>> -> memref<64x64xbf16, #tpu.memory_space<hbm>>
      %dma_wait3A_112 = arith.constant 0 : i32
      %dma_wait3A_113 = arith.constant 0 : i32
      %dma_wait3A_114 = tpu.memref_slice %arg9[%dma_wait3A_112, %dma_wait3A_113] : memref<128x64xbf16, #tpu.memory_space<vmem>> -> memref<64x64xbf16, #tpu.memory_space<vmem>>
      tpu.wait_dma2 semaphore(%run_scoped3A : memref<!tpu.dma_semaphore, #tpu.memory_space<semaphore_mem>>) src(%dma_wait3A_114 : memref<64x64xbf16, #tpu.memory_space<vmem>>) dst(%dma_wait3A_111 : memref<64x64xbf16, #tpu.memory_space<hbm>>)
      tpu.yield
    }) : () -> ()
    return
  }
}

module attributes {stable_mosaic.version = 14 : i64} {
  func.func @_tc1_body(%arg0: i32, %arg1: memref<512x128xf32, #tpu.memory_space<vmem>>, %arg2: memref<128x128xf32, #tpu.memory_space<vmem>>, %arg3: memref<512xf32, #tpu.memory_space<vmem>>, %arg4: memref<512xf32, #tpu.memory_space<vmem>>, %arg5: memref<512x128xf32, #tpu.memory_space<vmem>>, %arg6: memref<2x512x128xbf16, #tpu.memory_space<vmem>>, %arg7: memref<512xf32, #tpu.memory_space<vmem>>) attributes {dimension_semantics = [#tpu.dimension_semantics<arbitrary>], iteration_bounds = array<i64: 20>, scalar_prefetch = 0 : i64, scratch_operands = 0 : i64, tpu.core_type = #tpu.core_type<tc>, window_params = [{transform_indices = @transform_0, window_bounds = array<i64: 512, 128>}, {pipeline_mode = #tpu.pipeline_mode<synchronous>, transform_indices = @transform_1, window_bounds = array<i64: 128, 128>}, {transform_indices = @transform_2, window_bounds = array<i64: 512>}, {transform_indices = @transform_3, window_bounds = array<i64: 512>}, {transform_indices = @transform_4, window_bounds = array<i64: 512, 128>}, {transform_indices = @transform_5, window_bounds = array<i64: 2, 512, 128>}, {transform_indices = @transform_6, window_bounds = array<i64: 512>}]} {
    %get3A = arith.constant 0 : index
    %get3A_0 = vector.load %arg3[%get3A] : memref<512xf32, #tpu.memory_space<vmem>>, vector<512xf32>
    %add3A = arith.constant 1.000000e+00 : f32
    %add3A_1 = vector.broadcast %add3A : f32 to vector<512xf32>
    %add3A_2 = arith.addf %add3A_1, %get3A_0 : vector<512xf32>
    %get3A_3 = arith.constant 0 : index
    %get3A_4 = vector.load %arg4[%get3A_3] : memref<512xf32, #tpu.memory_space<vmem>>, vector<512xf32>
    %add3A_5 = arith.addf %add3A_2, %get3A_4 : vector<512xf32>
    %rsqrt3A = math.rsqrt %add3A_5 : vector<512xf32>
    %swap3A = arith.constant 0 : index
    %swap3A_6 = vector.load %arg7[%swap3A] : memref<512xf32, #tpu.memory_space<vmem>>, vector<512xf32>
    tpu.vector_store %arg7[%swap3A], %rsqrt3A {strides = array<i32>} : memref<512xf32, #tpu.memory_space<vmem>>, vector<512xf32>,
    %get3A_7 = arith.constant 0 : index
    %get3A_8 = arith.constant 0 : index
    %get3A_9 = vector.load %arg1[%get3A_7, %get3A_8] : memref<512x128xf32, #tpu.memory_space<vmem>>, vector<512x128xf32>
    %get3A_10 = arith.constant 0 : index
    %get3A_11 = arith.constant 0 : index
    %get3A_12 = vector.load %arg2[%get3A_10, %get3A_11] : memref<128x128xf32, #tpu.memory_space<vmem>>, vector<128x128xf32>
    %dot_general3A = arith.constant dense<0.000000e+00> : vector<512x128xf32>
    %dot_general3A_13 = tpu.matmul %get3A_9, %get3A_12, %dot_general3A {dimension_numbers = #tpu.dot_dimension_numbers<[1], [0], [0], [1], [0, 0, 1, 1], [], []>, transpose_lhs_hint = false} : vector<512x128xf32>, vector<128x128xf32>, vector<512x128xf32> -> vector<512x128xf32>
    %broadcast_in_dim3A = vector.shape_cast %rsqrt3A : vector<512xf32> to vector<512x1xf32>
    %mul3A = vector.broadcast %broadcast_in_dim3A : vector<512x1xf32> to vector<512x128xf32>
    %mul3A_14 = arith.mulf %dot_general3A_13, %mul3A : vector<512x128xf32>
    %swap3A_15 = arith.constant 0 : index
    %swap3A_16 = arith.constant 0 : index
    %swap3A_17 = vector.load %arg5[%swap3A_15, %swap3A_16] : memref<512x128xf32, #tpu.memory_space<vmem>>, vector<512x128xf32>
    tpu.vector_store %arg5[%swap3A_15, %swap3A_16], %mul3A_14 {strides = array<i32>} : memref<512x128xf32, #tpu.memory_space<vmem>>, vector<512x128xf32>,
    %convert_element_type3A = arith.truncf %mul3A_14 : vector<512x128xf32> to vector<512x128xbf16>
    %swap3A_18 = arith.constant 0 : index
    %swap3A_19 = arith.constant 0 : index
    %swap3A_20 = arith.constant 0 : index
    %swap3A_21 = vector.load %arg6[%swap3A_18, %swap3A_19, %swap3A_20] : memref<2x512x128xbf16, #tpu.memory_space<vmem>>, vector<1x512x128xbf16>
    %swap3A_22 = vector.shape_cast %swap3A_21 : vector<1x512x128xbf16> to vector<512x128xbf16>
    %swap3A_23 = vector.shape_cast %convert_element_type3A : vector<512x128xbf16> to vector<1x512x128xbf16>
    tpu.vector_store %arg6[%swap3A_18, %swap3A_19, %swap3A_20], %swap3A_23 {strides = array<i32>} : memref<2x512x128xbf16, #tpu.memory_space<vmem>>, vector<1x512x128xbf16>,
    %swap3A_24 = arith.constant 1 : index
    %swap3A_25 = arith.constant 0 : index
    %swap3A_26 = arith.constant 0 : index
    %swap3A_27 = vector.load %arg6[%swap3A_24, %swap3A_25, %swap3A_26] : memref<2x512x128xbf16, #tpu.memory_space<vmem>>, vector<1x512x128xbf16>
    %swap3A_28 = vector.shape_cast %swap3A_27 : vector<1x512x128xbf16> to vector<512x128xbf16>
    %swap3A_29 = vector.shape_cast %convert_element_type3A : vector<512x128xbf16> to vector<1x512x128xbf16>
    tpu.vector_store %arg6[%swap3A_24, %swap3A_25, %swap3A_26], %swap3A_29 {strides = array<i32>} : memref<2x512x128xbf16, #tpu.memory_space<vmem>>, vector<1x512x128xbf16>,
    return
  }
  func.func @transform_0(%arg0: i32) -> (i32, i32) {
    %c0_i32 = arith.constant 0 : i32
    %c0_i32_0 = arith.constant 0 : i32
    return %arg0, %c0_i32 : i32, i32
  }
  func.func @transform_1(%arg0: i32) -> (i32, i32) {
    %c0_i32 = arith.constant 0 : i32
    %c0_i32_0 = arith.constant 0 : i32
    %c0_i32_1 = arith.constant 0 : i32
    return %c0_i32, %c0_i32_0 : i32, i32
  }
  func.func @transform_2(%arg0: i32) -> i32 {
    %c0_i32 = arith.constant 0 : i32
    return %arg0 : i32
  }
  func.func @transform_3(%arg0: i32) -> i32 {
    %add3A = arith.constant 20 : i32
    %add3A_0 = arith.addi %add3A, %arg0 : i32
    %c0_i32 = arith.constant 0 : i32
    return %add3A_0 : i32
  }
  func.func @transform_4(%arg0: i32) -> (i32, i32) {
    %c0_i32 = arith.constant 0 : i32
    %c0_i32_0 = arith.constant 0 : i32
    return %arg0, %c0_i32 : i32, i32
  }
  func.func @transform_5(%arg0: i32) -> (i32, i32, i32) {
    %c0_i32 = arith.constant 0 : i32
    %c0_i32_0 = arith.constant 0 : i32
    %c0_i32_1 = arith.constant 0 : i32
    return %c0_i32, %arg0, %c0_i32_0 : i32, i32, i32
  }
  func.func @transform_6(%arg0: i32) -> i32 {
    %c0_i32 = arith.constant 0 : i32
    return %arg0 : i32
  }
}

module attributes {stable_mosaic.version = 14 : i64} {
  func.func @_tc2_body(%arg0: i32, %arg1: memref<2x512x128xbf16, #tpu.memory_space<vmem>>, %arg2: memref<512x128xf32, #tpu.memory_space<vmem>>, %arg3: memref<512xf32, #tpu.memory_space<vmem>>, %arg4: memref<128xf32, #tpu.memory_space<vmem>>, %arg5: memref<128x64xf32, #tpu.memory_space<vmem>>, %arg6: memref<512x64xf32, #tpu.memory_space<vmem>>, %arg7: memref<2x512x64xbf16, #tpu.memory_space<vmem>>) attributes {dimension_semantics = [#tpu.dimension_semantics<arbitrary>], iteration_bounds = array<i64: 20>, scalar_prefetch = 0 : i64, scratch_operands = 0 : i64, tpu.core_type = #tpu.core_type<tc>, window_params = [{transform_indices = @transform_0, window_bounds = array<i64: 2, 512, 128>}, {transform_indices = @transform_1, window_bounds = array<i64: 512, 128>}, {transform_indices = @transform_2, window_bounds = array<i64: 512>}, {pipeline_mode = #tpu.pipeline_mode<synchronous>, transform_indices = @transform_3, window_bounds = array<i64: 128>}, {pipeline_mode = #tpu.pipeline_mode<synchronous>, transform_indices = @transform_4, window_bounds = array<i64: 128, 64>}, {transform_indices = @transform_5, window_bounds = array<i64: 512, 64>}, {transform_indices = @transform_6, window_bounds = array<i64: 2, 512, 64>}]} {
    %get3A = arith.constant 0 : index
    %get3A_0 = vector.load %arg3[%get3A] : memref<512xf32, #tpu.memory_space<vmem>>, vector<512xf32>
    %get3A_1 = arith.constant 0 : index
    %get3A_2 = arith.constant 0 : index
    %get3A_3 = arith.constant 0 : index
    %get3A_4 = vector.load %arg1[%get3A_1, %get3A_2, %get3A_3] : memref<2x512x128xbf16, #tpu.memory_space<vmem>>, vector<1x512x128xbf16>
    %get3A_5 = vector.shape_cast %get3A_4 : vector<1x512x128xbf16> to vector<512x128xbf16>
    %convert_element_type3A = arith.extf %get3A_5 : vector<512x128xbf16> to vector<512x128xf32>
    %get3A_6 = arith.constant 1 : index
    %get3A_7 = arith.constant 0 : index
    %get3A_8 = arith.constant 0 : index
    %get3A_9 = vector.load %arg1[%get3A_6, %get3A_7, %get3A_8] : memref<2x512x128xbf16, #tpu.memory_space<vmem>>, vector<1x512x128xbf16>
    %get3A_10 = vector.shape_cast %get3A_9 : vector<1x512x128xbf16> to vector<512x128xbf16>
    %convert_element_type3A_11 = arith.extf %get3A_10 : vector<512x128xbf16> to vector<512x128xf32>
    %add3A = arith.addf %convert_element_type3A, %convert_element_type3A_11 : vector<512x128xf32>
    %get3A_12 = arith.constant 0 : index
    %get3A_13 = arith.constant 0 : index
    %get3A_14 = vector.load %arg2[%get3A_12, %get3A_13] : memref<512x128xf32, #tpu.memory_space<vmem>>, vector<512x128xf32>
    %add3A_15 = arith.addf %add3A, %get3A_14 : vector<512x128xf32>
    %broadcast_in_dim3A = vector.shape_cast %get3A_0 : vector<512xf32> to vector<512x1xf32>
    %mul3A = vector.broadcast %broadcast_in_dim3A : vector<512x1xf32> to vector<512x128xf32>
    %mul3A_16 = arith.mulf %mul3A, %add3A_15 : vector<512x128xf32>
    %get3A_17 = arith.constant 0 : index
    %get3A_18 = vector.load %arg4[%get3A_17] : memref<128xf32, #tpu.memory_space<vmem>>, vector<128xf32>
    %broadcast_in_dim3A_19 = vector.shape_cast %get3A_18 : vector<128xf32> to vector<1x128xf32>
    %add3A_20 = vector.broadcast %broadcast_in_dim3A_19 : vector<1x128xf32> to vector<512x128xf32>
    %add3A_21 = arith.addf %mul3A_16, %add3A_20 : vector<512x128xf32>
    %max3A = arith.constant 0.000000e+00 : f32
    %max3A_22 = vector.broadcast %max3A : f32 to vector<512x128xf32>
    %max3A_23 = arith.maximumf %add3A_21, %max3A_22 : vector<512x128xf32>
    %get3A_24 = arith.constant 0 : index
    %get3A_25 = arith.constant 0 : index
    %get3A_26 = vector.load %arg5[%get3A_24, %get3A_25] : memref<128x64xf32, #tpu.memory_space<vmem>>, vector<128x64xf32>
    %dot_general3A = arith.constant dense<0.000000e+00> : vector<512x64xf32>
    %dot_general3A_27 = tpu.matmul %max3A_23, %get3A_26, %dot_general3A {dimension_numbers = #tpu.dot_dimension_numbers<[1], [0], [0], [1], [0, 0, 1, 1], [], []>, transpose_lhs_hint = false} : vector<512x128xf32>, vector<128x64xf32>, vector<512x64xf32> -> vector<512x64xf32>
    %broadcast_in_dim3A_28 = vector.shape_cast %get3A_0 : vector<512xf32> to vector<512x1xf32>
    %mul3A_29 = vector.broadcast %broadcast_in_dim3A_28 : vector<512x1xf32> to vector<512x64xf32>
    %mul3A_30 = arith.mulf %dot_general3A_27, %mul3A_29 : vector<512x64xf32>
    %swap3A = arith.constant 0 : index
    %swap3A_31 = arith.constant 0 : index
    %swap3A_32 = vector.load %arg6[%swap3A, %swap3A_31] : memref<512x64xf32, #tpu.memory_space<vmem>>, vector<512x64xf32>
    tpu.vector_store %arg6[%swap3A, %swap3A_31], %mul3A_30 {strides = array<i32>} : memref<512x64xf32, #tpu.memory_space<vmem>>, vector<512x64xf32>,
    %convert_element_type3A_33 = arith.truncf %mul3A_30 : vector<512x64xf32> to vector<512x64xbf16>
    %swap3A_34 = arith.constant 0 : index
    %swap3A_35 = arith.constant 0 : index
    %swap3A_36 = arith.constant 0 : index
    %swap3A_37 = vector.load %arg7[%swap3A_34, %swap3A_35, %swap3A_36] : memref<2x512x64xbf16, #tpu.memory_space<vmem>>, vector<1x512x64xbf16>
    %swap3A_38 = vector.shape_cast %swap3A_37 : vector<1x512x64xbf16> to vector<512x64xbf16>
    %swap3A_39 = vector.shape_cast %convert_element_type3A_33 : vector<512x64xbf16> to vector<1x512x64xbf16>
    tpu.vector_store %arg7[%swap3A_34, %swap3A_35, %swap3A_36], %swap3A_39 {strides = array<i32>} : memref<2x512x64xbf16, #tpu.memory_space<vmem>>, vector<1x512x64xbf16>,
    %swap3A_40 = arith.constant 1 : index
    %swap3A_41 = arith.constant 0 : index
    %swap3A_42 = arith.constant 0 : index
    %swap3A_43 = vector.load %arg7[%swap3A_40, %swap3A_41, %swap3A_42] : memref<2x512x64xbf16, #tpu.memory_space<vmem>>, vector<1x512x64xbf16>
    %swap3A_44 = vector.shape_cast %swap3A_43 : vector<1x512x64xbf16> to vector<512x64xbf16>
    %swap3A_45 = vector.shape_cast %convert_element_type3A_33 : vector<512x64xbf16> to vector<1x512x64xbf16>
    tpu.vector_store %arg7[%swap3A_40, %swap3A_41, %swap3A_42], %swap3A_45 {strides = array<i32>} : memref<2x512x64xbf16, #tpu.memory_space<vmem>>, vector<1x512x64xbf16>,
    return
  }
  func.func @transform_0(%arg0: i32) -> (i32, i32, i32) {
    %c0_i32 = arith.constant 0 : i32
    %c0_i32_0 = arith.constant 0 : i32
    %c0_i32_1 = arith.constant 0 : i32
    return %c0_i32, %arg0, %c0_i32_0 : i32, i32, i32
  }
  func.func @transform_1(%arg0: i32) -> (i32, i32) {
    %c0_i32 = arith.constant 0 : i32
    %c0_i32_0 = arith.constant 0 : i32
    return %arg0, %c0_i32 : i32, i32
  }
  func.func @transform_2(%arg0: i32) -> i32 {
    %c0_i32 = arith.constant 0 : i32
    return %arg0 : i32
  }
  func.func @transform_3(%arg0: i32) -> i32 {
    %c0_i32 = arith.constant 0 : i32
    %c0_i32_0 = arith.constant 0 : i32
    return %c0_i32 : i32
  }
  func.func @transform_4(%arg0: i32) -> (i32, i32) {
    %c0_i32 = arith.constant 0 : i32
    %c0_i32_0 = arith.constant 0 : i32
    %c0_i32_1 = arith.constant 0 : i32
    return %c0_i32, %c0_i32_0 : i32, i32
  }
  func.func @transform_5(%arg0: i32) -> (i32, i32) {
    %c0_i32 = arith.constant 0 : i32
    %c0_i32_0 = arith.constant 0 : i32
    return %arg0, %c0_i32 : i32, i32
  }
  func.func @transform_6(%arg0: i32) -> (i32, i32, i32) {
    %c0_i32 = arith.constant 0 : i32
    %c0_i32_0 = arith.constant 0 : i32
    %c0_i32_1 = arith.constant 0 : i32
    return %c0_i32, %arg0, %c0_i32_0 : i32, i32, i32
  }
}

module attributes {stable_mosaic.version = 14 : i64} {
  func.func @_tc3_body(%arg0: i32, %arg1: memref<2x512x64xbf16, #tpu.memory_space<vmem>>, %arg2: memref<512x64xf32, #tpu.memory_space<vmem>>, %arg3: memref<512xf32, #tpu.memory_space<vmem>>, %arg4: memref<64xf32, #tpu.memory_space<vmem>>, %arg5: memref<512x64xf32, #tpu.memory_space<vmem>>) attributes {dimension_semantics = [#tpu.dimension_semantics<arbitrary>], iteration_bounds = array<i64: 20>, scalar_prefetch = 0 : i64, scratch_operands = 0 : i64, tpu.core_type = #tpu.core_type<tc>, window_params = [{transform_indices = @transform_0, window_bounds = array<i64: 2, 512, 64>}, {transform_indices = @transform_1, window_bounds = array<i64: 512, 64>}, {transform_indices = @transform_2, window_bounds = array<i64: 512>}, {pipeline_mode = #tpu.pipeline_mode<synchronous>, transform_indices = @transform_3, window_bounds = array<i64: 64>}, {transform_indices = @transform_4, window_bounds = array<i64: 512, 64>}]} {
    %get3A = arith.constant 0 : index
    %get3A_0 = vector.load %arg3[%get3A] : memref<512xf32, #tpu.memory_space<vmem>>, vector<512xf32>
    %get3A_1 = arith.constant 0 : index
    %get3A_2 = arith.constant 0 : index
    %get3A_3 = arith.constant 0 : index
    %get3A_4 = vector.load %arg1[%get3A_1, %get3A_2, %get3A_3] : memref<2x512x64xbf16, #tpu.memory_space<vmem>>, vector<1x512x64xbf16>
    %get3A_5 = vector.shape_cast %get3A_4 : vector<1x512x64xbf16> to vector<512x64xbf16>
    %convert_element_type3A = arith.extf %get3A_5 : vector<512x64xbf16> to vector<512x64xf32>
    %get3A_6 = arith.constant 1 : index
    %get3A_7 = arith.constant 0 : index
    %get3A_8 = arith.constant 0 : index
    %get3A_9 = vector.load %arg1[%get3A_6, %get3A_7, %get3A_8] : memref<2x512x64xbf16, #tpu.memory_space<vmem>>, vector<1x512x64xbf16>
    %get3A_10 = vector.shape_cast %get3A_9 : vector<1x512x64xbf16> to vector<512x64xbf16>
    %convert_element_type3A_11 = arith.extf %get3A_10 : vector<512x64xbf16> to vector<512x64xf32>
    %add3A = arith.addf %convert_element_type3A, %convert_element_type3A_11 : vector<512x64xf32>
    %get3A_12 = arith.constant 0 : index
    %get3A_13 = arith.constant 0 : index
    %get3A_14 = vector.load %arg2[%get3A_12, %get3A_13] : memref<512x64xf32, #tpu.memory_space<vmem>>, vector<512x64xf32>
    %add3A_15 = arith.addf %add3A, %get3A_14 : vector<512x64xf32>
    %broadcast_in_dim3A = vector.shape_cast %get3A_0 : vector<512xf32> to vector<512x1xf32>
    %mul3A = vector.broadcast %broadcast_in_dim3A : vector<512x1xf32> to vector<512x64xf32>
    %mul3A_16 = arith.mulf %mul3A, %add3A_15 : vector<512x64xf32>
    %get3A_17 = arith.constant 0 : index
    %get3A_18 = vector.load %arg4[%get3A_17] : memref<64xf32, #tpu.memory_space<vmem>>, vector<64xf32>
    %broadcast_in_dim3A_19 = vector.shape_cast %get3A_18 : vector<64xf32> to vector<1x64xf32>
    %add3A_20 = vector.broadcast %broadcast_in_dim3A_19 : vector<1x64xf32> to vector<512x64xf32>
    %add3A_21 = arith.addf %mul3A_16, %add3A_20 : vector<512x64xf32>
    %swap3A = arith.constant 0 : index
    %swap3A_22 = arith.constant 0 : index
    %swap3A_23 = vector.load %arg5[%swap3A, %swap3A_22] : memref<512x64xf32, #tpu.memory_space<vmem>>, vector<512x64xf32>
    tpu.vector_store %arg5[%swap3A, %swap3A_22], %add3A_21 {strides = array<i32>} : memref<512x64xf32, #tpu.memory_space<vmem>>, vector<512x64xf32>,
    return
  }
  func.func @transform_0(%arg0: i32) -> (i32, i32, i32) {
    %c0_i32 = arith.constant 0 : i32
    %c0_i32_0 = arith.constant 0 : i32
    %c0_i32_1 = arith.constant 0 : i32
    return %c0_i32, %arg0, %c0_i32_0 : i32, i32, i32
  }
  func.func @transform_1(%arg0: i32) -> (i32, i32) {
    %c0_i32 = arith.constant 0 : i32
    %c0_i32_0 = arith.constant 0 : i32
    return %arg0, %c0_i32 : i32, i32
  }
  func.func @transform_2(%arg0: i32) -> i32 {
    %c0_i32 = arith.constant 0 : i32
    return %arg0 : i32
  }
  func.func @transform_3(%arg0: i32) -> i32 {
    %c0_i32 = arith.constant 0 : i32
    %c0_i32_0 = arith.constant 0 : i32
    return %c0_i32 : i32
  }
  func.func @transform_4(%arg0: i32) -> (i32, i32) {
    %c0_i32 = arith.constant 0 : i32
    %c0_i32_0 = arith.constant 0 : i32
    return %arg0, %c0_i32 : i32, i32
  }
}

</mosaic_0001>

<sc_bundles>
// kernel: kernel.11.cloned.1.call-start
scs
__scs_entry_jumppad:
0x0: {  	(pc) =	sbr.rel $0x88, $3  }
0x1: {  	(tag) =	ssettag $0x0;
	lr =	simm.s32 $0x1  }
0x2: {  	[smem:$0x3F9B] =	sst lr;
	_ =	strace $0xD0000000  }
0x3: {  	_ = 	snop  }
0x4: {  	_ = 	snop  }
0x5: {  	_ = 	snop  }
0x6: {  	_ = 	snop  }
0x7: {  	_ = 	snop  }
__scs_overlays_trampoline_lowered:
0x8: {  	[smem:$0x3FAA] =	sst s0  }
0x9: {  	[smem:$0x3FAB] =	sst s1  }
0xa: {  	[smem:$0x3FAC] =	sst s2  }
0xb: {  	[smem:$0x3FAD] =	sst s3  }
0xc: {  	[smem:$0x3FAE] =	sst s4  }
0xd: {  	[smem:$0x3FAF] =	sst s5  }
0xe: {  	[smem:$0x3FB0] =	sst s6  }
0xf: {  	[smem:$0x3FB1] =	sst s7  }
0x10: {  	[smem:$0x3FB2] =	sst s8  }
0x11: {  	[smem:$0x3FB3] =	sst s9;
	s0 =	simm.s32 @!p0 $0x0  }
0x12: {  	s1 =	sld [smem:$0x3F99];
	s0 =	simm.s32 @p0 $0x1  }
0x13: {  	[smem:$0x3FB4] =	sst s0;
	s0 =	simm.s32 @!p1 $0x0  }
0x14: {  	s2 =	sld [smem:$0x3F98];
	s0 =	simm.s32 @p1 $0x1  }
0x15: {  	[smem:$0x3FB5] =	sst s0;
	s0 =	simm.s32 @!p2 $0x0  }
0x16: {  	s3 =	sld [smem:$0x3FDB];
	s0 =	simm.s32 @p2 $0x1  }
0x17: {  	s4 =	simm.s32 $0x1BF5;
	[smem:$0x3FB7] =	sst s0  }
0x18: {  	s0 =	sld [smem:$0x3F9A];
	_ =	swait.ge [sflag:s4], $0x0  }
0x19: {  	s7 =	sld [smem:$0x3F9B]  }
0x1a: {  	s8 =	sadd.s32 $0xFFFFE003, lr  }
0x1b: {  	s9 =	sadd.s32 $0xFFFFFEF7, lr;
	s5 =	simm.s32 $0xFFFFFFFF;
	p2 =	slt.u32 s8, $0xFFFFF086  }
0x1c: {  	p1 =	slt.u32 s9, $0xF7A;
	s5 =	simm.s32 @!p2 $0x0  }
0x1d: {  	s5 =	simm.s32 @p1 $0x1;
	p0 =	seq.s32 s7, s2  }
0x1e: {  	s7 =	smul.u32 @!p0 $0xF7A, s2;
	p2 =	seq.s32 @!p0 s5, $0x0  }
0x1f: {  	s9 =	smul.u32 $0xF7A, s1;
	s8 =	simm.s32 @!p0 $0x1BF5;
	p2 =	por !p2, p0  }
0x20: {  	[sflag:s8] =	ssyncset.s32 @!p0 $0xFFFFF086;
	s6 =	sadd.s32 @!p0 s3, s7;
	s7 =	simm.s32 @!p0 $0x108  }
0x21: {  	s3 =	sadd.s32 s3, s9;
	s6 =	sadd.s32 @!p0 $0x88, s6;
	s7 =	simm.s32 @p2 $0x1082  }
0x22: {  	[simem:s7], [sflag:s8] =	dma.local @!p0 [hbm:s6], $0xF7A  }
0x23: {  	s9 =	sor.u32 $0xD0000000, s2;
	s6 =	simm.s32 $0x108;
	_ =	swait.ge @!p0 [sflag:s8], $0x0  }
0x24: {  	s3 =	sadd.s32 $0x88, s3;
	s6 =	simm.s32 @!p1 $0x1082;
	[sflag:s4] =	ssyncset.s32 $0xFFFFF086  }
0x25: {  	[simem:s6], [sflag:s4] =	dma.local [hbm:s3], $0xF7A  }
0x26: {  	[smem:$0x3F9B] =	sst s1;
	(tag) =	ssettag s2;
	_ =	strace s9  }
0x27: {  	s1 =	sld [smem:$0x3FAB]  }
0x28: {  	s2 =	sld [smem:$0x3FAC]  }
0x29: {  	s4 =	sld [smem:$0x3FAE]  }
0x2a: {  	p0 =	seq.s32 s5, $0x0;
	s5 =	sld [smem:$0x3FAF]  }
0x2b: {  	s6 =	sld [smem:$0x3FB0]  }
0x2c: {  	s7 =	sld [smem:$0x3FB1]  }
0x2d: {  	s3 =	simm.s32 $0x108;
	s8 =	sld [smem:$0x3FB2]  }
0x2e: {  	s3 =	simm.s32 @!p0 $0x1082;
	s9 =	sld [smem:$0x3FB3]  }
0x2f: {  	lr =	sadd.s32 s0, s3;
	s0 =	sld [smem:$0x3FAA]  }
0x30: {  	s3 =	sld [smem:$0x3FAD]  }
0x31: {  	[smem:$0x3FB6] =	sst s10  }
0x32: {  	s10 =	sld [smem:$0x3FB4];
	_ =	sdelay $0x3  }
0x33: {  	p0 =	seq.s32 s10, $0x1;
	s10 =	sld [smem:$0x3FB6];
	_ =	sdelay $0x3  }
0x34: {  	[smem:$0x3FB6] =	sst s10  }
0x35: {  	s10 =	sld [smem:$0x3FB5];
	_ =	sdelay $0x3  }
0x36: {  	p1 =	seq.s32 s10, $0x1;
	s10 =	sld [smem:$0x3FB6];
	_ =	sdelay $0x3  }
0x37: {  	[smem:$0x3FB6] =	sst s10  }
0x38: {  	s10 =	sld [smem:$0x3FB7]  }
0x39: {  	_ = 	snop;
	(pc) =	sbr.ind lr, $3  }
0x3a: {  	_ = 	snop  }
0x3b: {  	_ = 	snop  }
0x3c: {  	p2 =	seq.s32 s10, $0x1;
	s10 =	sld [smem:$0x3FB6]  }
0x3d: {  	_ =	shalt  }
0x3e: {  	_ =	shalt  }
0x3f: {  	_ =	shalt  }
0x40: {  	_ =	shalt  }
0x41: {  	_ =	shalt  }
0x42: {  	_ =	shalt  }
0x43: {  	_ =	shalt  }
0x44: {  	_ =	shalt  }
0x45: {  	_ =	shalt  }
0x46: {  	_ =	shalt  }
0x47: {  	_ =	shalt  }
0x48: {  	_ =	shalt  }
0x49: {  	_ =	shalt  }
0x4a: {  	_ =	shalt  }
0x4b: {  	_ =	shalt  }
0x4c: {  	_ =	shalt  }
0x4d: {  	_ =	shalt  }
0x4e: {  	_ =	shalt  }
0x4f: {  	_ =	shalt  }
0x50: {  	_ =	shalt  }
0x51: {  	_ =	shalt  }
0x52: {  	_ =	shalt  }
0x53: {  	_ =	shalt  }
0x54: {  	_ =	shalt  }
0x55: {  	_ =	shalt  }
0x56: {  	_ =	shalt  }
0x57: {  	_ =	shalt  }
0x58: {  	_ =	shalt  }
0x59: {  	_ =	shalt  }
0x5a: {  	_ =	shalt  }
0x5b: {  	_ =	shalt  }
0x5c: {  	_ =	shalt  }
0x5d: {  	_ =	shalt  }
0x5e: {  	_ =	shalt  }
0x5f: {  	_ =	shalt  }
0x60: {  	_ =	shalt  }
0x61: {  	_ =	shalt  }
0x62: {  	_ =	shalt  }
0x63: {  	_ =	shalt  }
0x64: {  	_ =	shalt  }
0x65: {  	_ =	shalt  }
0x66: {  	_ =	shalt  }
0x67: {  	_ =	shalt  }
0x68: {  	_ =	shalt  }
0x69: {  	_ =	shalt  }
0x6a: {  	_ =	shalt  }
0x6b: {  	_ =	shalt  }
0x6c: {  	_ =	shalt  }
0x6d: {  	_ =	shalt  }
0x6e: {  	_ =	shalt  }
0x6f: {  	_ =	shalt  }
0x70: {  	_ =	shalt  }
0x71: {  	_ =	shalt  }
0x72: {  	_ =	shalt  }
0x73: {  	_ =	shalt  }
0x74: {  	_ =	shalt  }
0x75: {  	_ =	shalt  }
0x76: {  	_ =	shalt  }
0x77: {  	_ =	shalt  }
0x78: {  	_ =	shalt  }
0x79: {  	_ =	shalt  }
0x7a: {  	_ =	shalt  }
0x7b: {  	_ =	shalt  }
0x7c: {  	_ =	shalt  }
0x7d: {  	_ =	shalt  }
0x7e: {  	_ =	shalt  }
0x7f: {  	_ =	shalt  }
0x80: {  	_ =	shalt  }
0x81: {  	_ =	shalt  }
0x82: {  	_ =	shalt  }
0x83: {  	_ =	shalt  }
0x84: {  	_ =	shalt  }
0x85: {  	_ =	shalt  }
0x86: {  	_ =	shalt  }
0x87: {  	_ =	shalt  }
.Lfunc_end0:
.L_simem_size_0:
called_computation.1_lowered:
.L_overlay_start_0:
0x88: {  	s2 =	sld [smem:$0x3FD9]  }
0x89: {  	s3 =	sld [smem:$0x3FFE];
	_ =	sdelay $0x1  }
0x8a: {  	s1 =	srdreg.scid  }
0x8b: {  	s0 =	sand.u32 $0x1, s1  }
0x8c: {  	s17 =	sshll.u32 s0, $0xA;
	s2 =	sadd.s32 s3, s2  }
0x8d: {  	s2 =	sadd.s32 s2, s17  }
0x8e: {  	[smem:$0x3FC2] =	sst s2  }
0x8f: {  	_ = 	snop  }
0x90: {  	s2 =	sld [smem:$0x3FD0];
	(tm) =	ssettm $0x1  }
0x91: {  	s18 =	sld [smem:$0x3FFB];
	_ =	sdelay $0x3  }
0x92: {  	_ =	strace s18  }
0x93: {  	s3 =	sld [smem:$0x3FFC];
	_ =	sdelay $0x3  }
0x94: {  	_ =	strace s3  }
0x95: {  	s3 =	sld [smem:$0x3FFD];
	_ =	sdelay $0x3  }
0x96: {  	_ =	strace s3  }
0x97: {  	_ =	strace $0x8FFFFFFF  }
0x98: {  	s19 =	sld [smem:$0x3FDB];
	_ =	sdelay $0x1  }
0x99: {  	s4 =	simm.s32 $_scs_section_size  }
0x9a: {  	s5 =	simm.s32 $_size__tile_overlayer_lowered;
	s6 =	simm.s32 $_tile_overlayer_lowered  }
0x9b: {  	s22 =	simm.s32 $0x1BFF;
	s21 =	sshll.u32 s6, $0x1;
	s3 =	sadd.s32 s4, s19  }
0x9c: {  	s7 =	simm.s32 $0x0;
	s20 =	sshll.u32 s5, $0x1;
	s5 =	sadd.s32 s21, s3  }
0x9d: {  	[timem:s7], [sflag:s22] =	dma.local [hbm:s5], s20  }
0x9e: {  	_ =	swait.ge [sflag:s22], s20  }
0x9f: {  	s4 =	ssub.s32 $0x0, s20;
	[sflag:s22] =	ssyncset.done $0x0  }
0xa0: {  	[sflag:s22] =	ssyncadd.s32 s4;
	_ =	sdelay $0x1  }
0xa1: {  	s23 =	simm.s32 $0x1B8B  }
0xa2: {  	_ =	swait.ge [sflag:s23], $0x1  }
0xa3: {  	[sflag:s23] =	ssyncset.done $0x0  }
0xa4: {  	s25 =	simm.s32 $0x1B8E;
	s24 =	sld [smem:$0x3FFE];
	[sflag:s23] =	ssyncadd.s32 $0xFFFFFFFF  }
0xa5: {  	s26 =	simm.s32 $execute0_lowered;
	[smem:$0x3FD2] =	sst s25  }
0xa6: {  	s5 =	sshll.u32 s26, $0x1;
	_ =	strace $0x80000049;
	[dreg:$0x1] =	wrdreg $0xFFFFFFFF  }
0xa7: {  	s28 =	simm.s32 $_size_execute0_lowered;
	s3 =	sadd.s32 s3, s5;
	[dreg:$0x0] =	wrdreg $0x0  }
0xa8: {  	s5 =	sshll.u32 s28, $0x1;
	[dreg:$0x2] =	wrdreg s3  }
0xa9: {  	[dreg:$0x3] =	wrdreg s5  }
0xaa: {  	[dreg:$0x4] =	wrdreg $0xC0  }
0xab: {  	_ =	task [dreg:s7], $0x5FFFF  }
0xac: {  	[dreg:$0x1] =	wrdreg $0xFFFFFFFF  }
0xad: {  	[dreg:$0x0] =	wrdreg $0x60  }
0xae: {  	[dreg:$0x2] =	wrdreg s24  }
0xaf: {  	[dreg:$0x3] =	wrdreg s2  }
0xb0: {  	[dreg:$0x4] =	wrdreg $0xD0000  }
0xb1: {  	[dreg:$0x5] =	wrdreg $0x9  }
0xb2: {  	_ =	task.clear_ibuf [dreg:s7], $0x6FFFF;
	_ =	strace $0x90000049  }
0xb3: {  	s29 =	simm.s32 $0x9;
	_ =	strace $0x8000004B  }
0xb4: {  	_ =	swait.ge [sflag:s29], $0x1  }
0xb5: {  	[sflag:s29] =	ssyncadd.s32 $0xFFFFFFFF  }
0xb6: {  	_ =	strace $0x9000004B  }
0xb7: {  	_ =	sfence  }
0xb8: {  	s30 =	sld [smem:$0x0];
	_ =	sdelay $0x2  }
0xb9: {  	s31 =	sshll.u32 s1, $0xD;
	s1 =	sshrl.u32 s1, $0x2  }
0xba: {  	s3 =	sand.u32 $0x4000, s31;
	s1 =	sadd.s32 s1, s30  }
0xbb: {  	s0 =	sor.u32 s3, s0;
	s1 =	sshll.u32 s1, $0x11  }
0xbc: {  	s0 =	sor.u32 s1, s0  }
0xbd: {  	s0 =	sadd.s32 $0x8F2B, s0  }
0xbe: {  	[sflag:s0] =	ssyncadd.remote.s32 $0x1  }
0xbf: {  	_ =	sfence.sel $0xFFFF  }
0xc0: {  	[dreg:$0x0] =	wrdreg $0xFFFFFFFF;
	(pc) =	sbr.abs _section_cstart, $3  }
0xc1: {  	[dreg:$0x1] =	wrdreg $0xFFFFFFFF  }
0xc2: {  	_ =	task.clear_ibuf [dreg:s7], $0x2FFFF;
	_ =	strace $0x9FFFFFFF  }
0xc3: {  	(tm) =	ssettm $0x7FFFFFFF  }
tec
execute0_lowered:
.L_overlay_start_1:
0x0: {  	(tag) =	ssettag $0x1  }
0x1: {  	s2 =	rddreg [dreg:$0x0]  }
0x2: {  	s0 =	srdreg.scid;
	s3 =	rddreg [dreg:$0x1];
	s1 =	simm.s32 $0x0  }
0x3: {  	s6 =	stileid.u32;
	s30 =	simm.s32 $0x5;
	s0 =	sand.u32 $0x1, s0  }
0x4: {  	s31 =	simm.s32 $0x7000;
	s4 =	smul.u32 $0x140000, s0;
	s5 =	sshll.u32 s0, $0x4  }
0x5: {  	s0 =	ssub.s32 $0x2, s0;
	s5 =	sor.u32 s6, s5;
	s6 =	smul.u32 $0x14000, s6  }
0x6: {  	[smem:$0x7FF] =	sst s1;
	s8 =	sadd.s32 $0x34600, s2;
	s7 =	sshrl.u32 s0, $0x1  }
0x7: {  	s5 =	smul.u32 $0x500, s5;
	s0 =	ssub.s32 s0, s7;
	s7 =	sor.u32 $0x2000, s6  }
0x8: {  	s9 =	sadd.s32 $0x4000, s6;
	s10 =	sadd.s32 $0x6000, s6;
	s12 =	sadd.s32 $0x8000, s6  }
0x9: {  	s21 =	sadd.s32 $0xA000, s6;
	s23 =	sadd.s32 $0xC000, s6;
	s24 =	sadd.s32 $0xE000, s6  }
0xa: {  	s25 =	sadd.s32 $0x10000, s6;
	s11 =	sadd.s32 s6, s4;
	s26 =	sadd.s32 $0x12000, s6  }
0xb: {  	s6 =	sshrl.u32 s6, $0x1;
	s29 =	smax.u32 s0, $0x1;
	s0 =	simm.s32 $0x80  }
0xc: {  	s13 =	sadd.s32 s4, s7;
	s11 =	sshrl.u32 s11, $0x4;
	s14 =	sadd.s32 s4, s9  }
0xd: {  	s15 =	sadd.s32 s4, s10;
	s19 =	sadd.s32 s4, s21;
	s20 =	sadd.s32 s4, s23  }
0xe: {  	s22 =	sadd.s32 s4, s24;
	s9 =	sshrl.u32 s9, $0x1;
	s10 =	sshrl.u32 s10, $0x1  }
0xf: {  	s23 =	sshrl.u32 s23, $0x1;
	s24 =	sshrl.u32 s24, $0x1;
	s13 =	sshrl.u32 s13, $0x4  }
0x10: {  	s11 =	sadd.s32 s8, s11;
	s16 =	sshrl.u32 s15, $0x4;
	s15 =	sshrl.u32 s20, $0x4  }
0x11: {  	s20 =	sadd.s32 s4, s26;
	s26 =	sshrl.u32 s26, $0x1;
	[dreg:$0x4] =	wrdreg s11  }
0x12: {  	s13 =	sadd.s32 s8, s13;
	s11 =	sshrl.u32 s14, $0x4;
	s14 =	sadd.s32 s4, s12  }
0x13: {  	[dreg:$0x5] =	wrdreg s13;
	s11 =	sadd.s32 s8, s11;
	s17 =	sshrl.u32 s14, $0x4  }
0x14: {  	s14 =	sadd.s32 s3, s5;
	s5 =	sadd.s32 s5, s2;
	s3 =	simm.s32 $0xB000  }
0x15: {  	[dreg:$0x6] =	wrdreg s11;
	s11 =	sadd.s32 s8, s16;
	s18 =	sadd.s32 s8, s17  }
0x16: {  	s16 =	sshrl.u32 s22, $0x4;
	s22 =	sshrl.u32 s20, $0x4;
	[dreg:$0x7] =	wrdreg s11  }
0x17: {  	[dreg:$0x8] =	wrdreg s18;
	s11 =	sshrl.u32 s19, $0x4;
	s17 =	sadd.s32 s8, s16  }
0x18: {  	s18 =	sadd.s32 s4, s25;
	s4 =	sshrl.u32 s4, $0x4;
	s16 =	sadd.s32 $0x2400, s5  }
0x19: {  	s25 =	sshrl.u32 s25, $0x1;
	s5 =	simm.s32 $0x2;
	s11 =	sadd.s32 s8, s11  }
0x1a: {  	[dreg:$0xb] =	wrdreg s17;
	s19 =	sshrl.u32 s18, $0x4;
	s4 =	sadd.s32 s4, s2  }
0x1b: {  	[dreg:$0x9] =	wrdreg s11;
	s11 =	sadd.s32 s8, s15;
	s13 =	sadd.s32 s8, s19  }
0x1c: {  	s8 =	sadd.s32 s8, s22;
	s15 =	sadd.s32 $0xC400, s2;
	[dreg:$0xa] =	wrdreg s11  }
0x1d: {  	s22 =	sshrl.u32 s21, $0x1;
	s28 =	sadd.s32 $0xC600, s4;
	s11 =	rddreg [dreg:$0x2]  }
0x1e: {  	s2 =	simm.s32 $0x9000;
	s4 =	simm.s32 $0x1;
	[dreg:$0xc] =	wrdreg s13  }
0x1f: {  	[dreg:$0xd] =	wrdreg s8;
	s8 =	sshrl.u32 s7, $0x1;
	s13 =	sshrl.u32 s12, $0x1  }
0x20: {  	s7 =	simm.s32 $0x4;
	_ =	strace $0x8000004A;
	s17 =	sadd.s32 s6, s11  }
0x21: {  	s18 =	sadd.s32 s8, s11;
	s19 =	sadd.s32 s9, s11;
	s20 =	sadd.s32 s10, s11  }
0x22: {  	s21 =	sadd.s32 s13, s11;
	s22 =	sadd.s32 s22, s11;
	s23 =	sadd.s32 s23, s11  }
0x23: {  	s24 =	sadd.s32 s24, s11;
	s25 =	sadd.s32 s25, s11;
	s26 =	sadd.s32 s26, s11  }
0x24: {  	s10 =	simm.s32 $0x5000;
	s6 =	simm.s32 $0x3;
	s8 =	simm.s32 $0x0  }
.LBB2_1:
0x25: {  	[tilespmem:s1], [sflag:$0x5] =	stream.linear.gather [hbm4b:s16+s1], $0x2800, $0x38;
	[tilespmem:$0x17000] =	vst v63  }
0x26: {  	_ =	swait.ge [sflag:s30], $0x2800  }
0x27: {  	[sflag:s30] =	ssyncset.done $0x0  }
0x28: {  	s9 =	simm.s32 $0x2800;
	[sflag:s30] =	ssyncadd.s32 $0xFFFFD800  }
0x29: {  	[tilespmem:s9], [sflag:$0x5] =	stream.linear.gather [hbm4b:s14+s1], $0x2800, $0x38;
	[tilespmem:$0x17000] =	vst v63  }
0x2a: {  	_ =	swait.ge [sflag:s30], $0x2800  }
0x2b: {  	[sflag:s30] =	ssyncset.done $0x0  }
0x2c: {  	[sflag:s30] =	ssyncadd.s32 $0xFFFFD800  }
0x2d: {  	[tilespmem:s10], [sflag:$0x5] =	stream.linear.gather [hbm4b:s15+s1], $0x1000, $0x38;
	[tilespmem:$0x17000] =	vst v63  }
0x2e: {  	_ =	swait.ge [sflag:s30], $0x1000  }
0x2f: {  	[sflag:s30] =	ssyncset.done $0x0  }
0x30: {  	[sflag:s30] =	ssyncadd.s32 $0xFFFFF000  }
0x31: {  	[spmem:s17] =	stream.linear.scatter [tilespmem:s10], [sflag:$0x5], $0x1000, $0x38;
	[tilespmem:$0x17000] =	vst v63  }
0x32: {  	_ =	swait.ge [sflag:s30], $0x1000  }
0x33: {  	[sflag:s30] =	ssyncset.done $0x0  }
0x34: {  	[sflag:s30] =	ssyncadd.s32 $0xFFFFF000  }
0x35: {  	[spmem:s18] =	stream.linear.scatter [tilespmem:s10], [sflag:$0x5], $0x1000, $0x38;
	[tilespmem:$0x17000] =	vst v63  }
0x36: {  	_ =	swait.ge [sflag:s30], $0x1000  }
0x37: {  	[sflag:s30] =	ssyncset.done $0x0  }
0x38: {  	[sflag:s30] =	ssyncadd.s32 $0xFFFFF000  }
0x39: {  	[spmem:s19] =	stream.linear.scatter [tilespmem:s10], [sflag:$0x5], $0x1000, $0x38;
	[tilespmem:$0x17000] =	vst v63  }
0x3a: {  	_ =	swait.ge [sflag:s30], $0x1000  }
0x3b: {  	[sflag:s30] =	ssyncset.done $0x0  }
0x3c: {  	[sflag:s30] =	ssyncadd.s32 $0xFFFFF000  }
0x3d: {  	[spmem:s20] =	stream.linear.scatter [tilespmem:s10], [sflag:$0x5], $0x1000, $0x38;
	[tilespmem:$0x17000] =	vst v63  }
0x3e: {  	_ =	swait.ge [sflag:s30], $0x1000  }
0x3f: {  	[sflag:s30] =	ssyncset.done $0x0  }
0x40: {  	[sflag:s30] =	ssyncadd.s32 $0xFFFFF000  }
0x41: {  	[spmem:s21] =	stream.linear.scatter [tilespmem:s10], [sflag:$0x5], $0x1000, $0x38;
	[tilespmem:$0x17000] =	vst v63  }
0x42: {  	_ =	swait.ge [sflag:s30], $0x1000  }
0x43: {  	[sflag:s30] =	ssyncset.done $0x0  }
0x44: {  	[sflag:s30] =	ssyncadd.s32 $0xFFFFF000  }
0x45: {  	[spmem:s22] =	stream.linear.scatter [tilespmem:s10], [sflag:$0x5], $0x1000, $0x38;
	[tilespmem:$0x17000] =	vst v63  }
0x46: {  	_ =	swait.ge [sflag:s30], $0x1000  }
0x47: {  	[sflag:s30] =	ssyncset.done $0x0  }
0x48: {  	[sflag:s30] =	ssyncadd.s32 $0xFFFFF000  }
0x49: {  	[spmem:s23] =	stream.linear.scatter [tilespmem:s10], [sflag:$0x5], $0x1000, $0x38;
	[tilespmem:$0x17000] =	vst v63  }
0x4a: {  	_ =	swait.ge [sflag:s30], $0x1000  }
0x4b: {  	[sflag:s30] =	ssyncset.done $0x0  }
0x4c: {  	[sflag:s30] =	ssyncadd.s32 $0xFFFFF000  }
0x4d: {  	[spmem:s24] =	stream.linear.scatter [tilespmem:s10], [sflag:$0x5], $0x1000, $0x38;
	[tilespmem:$0x17000] =	vst v63  }
0x4e: {  	_ =	swait.ge [sflag:s30], $0x1000  }
0x4f: {  	[sflag:s30] =	ssyncset.done $0x0  }
0x50: {  	[sflag:s30] =	ssyncadd.s32 $0xFFFFF000  }
0x51: {  	[spmem:s25] =	stream.linear.scatter [tilespmem:s10], [sflag:$0x5], $0x1000, $0x38;
	[tilespmem:$0x17000] =	vst v63  }
0x52: {  	_ =	swait.ge [sflag:s30], $0x1000  }
0x53: {  	[sflag:s30] =	ssyncset.done $0x0  }
0x54: {  	[sflag:s30] =	ssyncadd.s32 $0xFFFFF000  }
0x55: {  	[spmem:s26] =	stream.linear.scatter [tilespmem:s10], [sflag:$0x5], $0x1000, $0x38;
	[tilespmem:$0x17000] =	vst v63  }
0x56: {  	_ =	swait.ge [sflag:s30], $0x1000  }
0x57: {  	[sflag:s30] =	ssyncset.done $0x0  }
0x58: {  	[sflag:s30] =	ssyncadd.s32 $0xFFFFF000  }
0x59: {  	[bflag:$0x0] =	sbarrier.arrive $0xFFFF  }
0x5a: {  	[tilespmem:s10], [sflag:$0x1] =	stream.indirect.gather [hbm4b:s28+s0], $0x40, s1, s0, $0xb8;
	[tilespmem:$0x17000] =	vst v63  }
0x5b: {  	_ = 	snop  }
0x5c: {  	[tilespmem:s31], [sflag:$0x2] =	stream.indirect.gather [hbm4b:s28+s0], $0x40, s0, s0, $0xb8;
	[tilespmem:$0x17000] =	vst v63  }
0x5d: {  	s13 =	simm.s32 $0x100  }
0x5e: {  	[tilespmem:s2], [sflag:$0x3] =	stream.indirect.gather [hbm4b:s28+s0], $0x40, s13, s0, $0xb8;
	[tilespmem:$0x17000] =	vst v63  }
0x5f: {  	s12 =	simm.s32 $0x180  }
0x60: {  	[tilespmem:s3], [sflag:$0x4] =	stream.indirect.gather [hbm4b:s28+s0], $0x40, s12, s0, $0xb8;
	[tilespmem:$0x17000] =	vst v63  }
0x61: {  	_ =	swait.ge [sflag:s4], $0x2000  }
0x62: {  	[sflag:s4] =	ssyncset.done $0x0  }
0x63: {  	s13 =	simm.s32 $0x2800;
	[sflag:s4] =	ssyncadd.s32 $0xFFFFE000  }
0x64: {  	[spmem:s11] =	stream.indirect.scatter.add.bf16 [tilespmem:s10], [sflag:$0x5], $0x40, s13, s0, $0xb8;
	[tilespmem:$0x17000] =	vst v63  }
0x65: {  	_ =	swait.ge [sflag:s30], $0x2000  }
0x66: {  	[sflag:s30] =	ssyncset.done $0x0  }
0x67: {  	s12 =	simm.s32 $0x200;
	[sflag:s30] =	ssyncadd.s32 $0xFFFFE000  }
0x68: {  	[tilespmem:s10], [sflag:$0x1] =	stream.indirect.gather [hbm4b:s28+s0], $0x40, s12, s0, $0xb8;
	[tilespmem:$0x17000] =	vst v63  }
0x69: {  	_ =	swait.ge [sflag:s5], $0x2000  }
0x6a: {  	[sflag:s5] =	ssyncset.done $0x0  }
0x6b: {  	s13 =	simm.s32 $0x2880;
	[sflag:s5] =	ssyncadd.s32 $0xFFFFE000  }
0x6c: {  	[spmem:s11] =	stream.indirect.scatter.add.bf16 [tilespmem:s31], [sflag:$0x5], $0x40, s13, s0, $0xb8;
	[tilespmem:$0x17000] =	vst v63  }
0x6d: {  	_ =	swait.ge [sflag:s30], $0x2000  }
0x6e: {  	[sflag:s30] =	ssyncset.done $0x0  }
0x6f: {  	s12 =	simm.s32 $0x280;
	[sflag:s30] =	ssyncadd.s32 $0xFFFFE000  }
0x70: {  	[tilespmem:s31], [sflag:$0x2] =	stream.indirect.gather [hbm4b:s28+s0], $0x40, s12, s0, $0xb8;
	[tilespmem:$0x17000] =	vst v63  }
0x71: {  	_ =	swait.ge [sflag:s6], $0x2000  }
0x72: {  	[sflag:s6] =	ssyncset.done $0x0  }
0x73: {  	s13 =	simm.s32 $0x2900;
	[sflag:s6] =	ssyncadd.s32 $0xFFFFE000  }
0x74: {  	[spmem:s11] =	stream.indirect.scatter.add.bf16 [tilespmem:s2], [sflag:$0x5], $0x40, s13, s0, $0xb8;
	[tilespmem:$0x17000] =	vst v63  }
0x75: {  	_ =	swait.ge [sflag:s30], $0x2000  }
0x76: {  	[sflag:s30] =	ssyncset.done $0x0  }
0x77: {  	s12 =	simm.s32 $0x300;
	[sflag:s30] =	ssyncadd.s32 $0xFFFFE000  }
0x78: {  	[tilespmem:s2], [sflag:$0x3] =	stream.indirect.gather [hbm4b:s28+s0], $0x40, s12, s0, $0xb8;
	[tilespmem:$0x17000] =	vst v63  }
0x79: {  	_ =	swait.ge [sflag:s7], $0x2000  }
0x7a: {  	[sflag:s7] =	ssyncset.done $0x0  }
0x7b: {  	s13 =	simm.s32 $0x2980;
	[sflag:s7] =	ssyncadd.s32 $0xFFFFE000  }
0x7c: {  	[spmem:s11] =	stream.indirect.scatter.add.bf16 [tilespmem:s3], [sflag:$0x5], $0x40, s13, s0, $0xb8;
	[tilespmem:$0x17000] =	vst v63  }
0x7d: {  	_ =	swait.ge [sflag:s30], $0x2000  }
0x7e: {  	[sflag:s30] =	ssyncset.done $0x0  }
0x7f: {  	s9 =	simm.s32 $0x800;
	s12 =	simm.s32 $0x380;
	[sflag:s30] =	ssyncadd.s32 $0xFFFFE000  }
.LBB2_2:
0x80: {  	[tilespmem:s3], [sflag:$0x4] =	stream.indirect.gather [hbm4b:s28+s0], $0x40, s12, s0, $0xb8;
	[tilespmem:$0x17000] =	vst v63  }
0x81: {  	s12 =	smov.u32 s9  }
0x82: {  	p0 =	sne.s32 s9, $0x9000;
	s9 =	sadd.s32 $0x800, s9;
	_ =	swait.ge [sflag:s4], $0x2000  }
0x83: {  	s12 =	sshra.s32 s12, $0x2;
	[sflag:s4] =	ssyncset.done $0x0  }
0x84: {  	s13 =	sadd.s32 $0x2800, s12;
	[sflag:s4] =	ssyncadd.s32 $0xFFFFE000  }
0x85: {  	[spmem:s11] =	stream.indirect.scatter.add.bf16 [tilespmem:s10], [sflag:$0x5], $0x40, s13, s0, $0xb8;
	[tilespmem:$0x17000] =	vst v63  }
0x86: {  	_ =	swait.ge [sflag:s30], $0x2000  }
0x87: {  	[sflag:s30] =	ssyncset.done $0x0  }
0x88: {  	s13 =	sadd.s32 $0x200, s12;
	[sflag:s30] =	ssyncadd.s32 $0xFFFFE000  }
0x89: {  	[tilespmem:s10], [sflag:$0x1] =	stream.indirect.gather [hbm4b:s28+s0], $0x40, s13, s0, $0xb8;
	[tilespmem:$0x17000] =	vst v63  }
0x8a: {  	_ =	swait.ge [sflag:s5], $0x2000  }
0x8b: {  	[sflag:s5] =	ssyncset.done $0x0  }
0x8c: {  	s13 =	sadd.s32 $0x2880, s12;
	[sflag:s5] =	ssyncadd.s32 $0xFFFFE000  }
0x8d: {  	[spmem:s11] =	stream.indirect.scatter.add.bf16 [tilespmem:s31], [sflag:$0x5], $0x40, s13, s0, $0xb8;
	[tilespmem:$0x17000] =	vst v63  }
0x8e: {  	_ =	swait.ge [sflag:s30], $0x2000  }
0x8f: {  	[sflag:s30] =	ssyncset.done $0x0  }
0x90: {  	s13 =	sadd.s32 $0x280, s12;
	[sflag:s30] =	ssyncadd.s32 $0xFFFFE000  }
0x91: {  	[tilespmem:s31], [sflag:$0x2] =	stream.indirect.gather [hbm4b:s28+s0], $0x40, s13, s0, $0xb8;
	[tilespmem:$0x17000] =	vst v63  }
0x92: {  	_ =	swait.ge [sflag:s6], $0x2000  }
0x93: {  	[sflag:s6] =	ssyncset.done $0x0  }
0x94: {  	s13 =	sadd.s32 $0x2900, s12;
	[sflag:s6] =	ssyncadd.s32 $0xFFFFE000  }
0x95: {  	[spmem:s11] =	stream.indirect.scatter.add.bf16 [tilespmem:s2], [sflag:$0x5], $0x40, s13, s0, $0xb8;
	[tilespmem:$0x17000] =	vst v63  }
0x96: {  	_ =	swait.ge [sflag:s30], $0x2000  }
0x97: {  	[sflag:s30] =	ssyncset.done $0x0  }
0x98: {  	s13 =	sadd.s32 $0x300, s12;
	[sflag:s30] =	ssyncadd.s32 $0xFFFFE000  }
0x99: {  	[tilespmem:s2], [sflag:$0x3] =	stream.indirect.gather [hbm4b:s28+s0], $0x40, s13, s0, $0xb8;
	[tilespmem:$0x17000] =	vst v63  }
0x9a: {  	_ =	swait.ge [sflag:s7], $0x2000  }
0x9b: {  	[sflag:s7] =	ssyncset.done $0x0  }
.Ltmp0:
0x9c: {  	s13 =	sadd.s32 $0x2980, s12;
	[sflag:s7] =	ssyncadd.s32 $0xFFFFE000;
	(pc) =	sbr.rel @p0 .LBB2_2-.Ltmp0, $4  }
0x9d: {  	[spmem:s11] =	stream.indirect.scatter.add.bf16 [tilespmem:s3], [sflag:$0x5], $0x40, s13, s0, $0xb8;
	[tilespmem:$0x17000] =	vst v63  }
0x9e: {  	_ =	swait.ge [sflag:s30], $0x2000  }
0x9f: {  	[sflag:s30] =	ssyncset.done $0x0  }
0xa0: {  	s12 =	sadd.s32 $0x380, s12;
	[sflag:s30] =	ssyncadd.s32 $0xFFFFE000  }
0xa1: {  	[tilespmem:s3], [sflag:$0x4] =	stream.indirect.gather [hbm4b:s28+s0], $0x40, s12, s0, $0xb8;
	[tilespmem:$0x17000] =	vst v63  }
0xa2: {  	_ =	swait.ge [sflag:s4], $0x2000  }
0xa3: {  	[sflag:s4] =	ssyncset.done $0x0  }
0xa4: {  	s9 =	simm.s32 $0x4E00;
	[sflag:s4] =	ssyncadd.s32 $0xFFFFE000  }
0xa5: {  	[spmem:s11] =	stream.indirect.scatter.add.bf16 [tilespmem:s10], [sflag:$0x5], $0x40, s9, s0, $0xb8;
	[tilespmem:$0x17000] =	vst v63  }
0xa6: {  	_ =	swait.ge [sflag:s30], $0x2000  }
0xa7: {  	[sflag:s30] =	ssyncset.done $0x0  }
0xa8: {  	[sflag:s30] =	ssyncadd.s32 $0xFFFFE000  }
0xa9: {  	_ =	swait.ge [sflag:s5], $0x2000  }
0xaa: {  	[sflag:s5] =	ssyncset.done $0x0  }
0xab: {  	s13 =	simm.s32 $0x4E80;
	[sflag:s5] =	ssyncadd.s32 $0xFFFFE000  }
0xac: {  	[spmem:s11] =	stream.indirect.scatter.add.bf16 [tilespmem:s31], [sflag:$0x5], $0x40, s13, s0, $0xb8;
	[tilespmem:$0x17000] =	vst v63  }
0xad: {  	_ =	swait.ge [sflag:s30], $0x2000  }
0xae: {  	[sflag:s30] =	ssyncset.done $0x0  }
0xaf: {  	[sflag:s30] =	ssyncadd.s32 $0xFFFFE000  }
0xb0: {  	_ =	swait.ge [sflag:s6], $0x2000  }
0xb1: {  	[sflag:s6] =	ssyncset.done $0x0  }
0xb2: {  	s12 =	simm.s32 $0x4F00;
	[sflag:s6] =	ssyncadd.s32 $0xFFFFE000  }
0xb3: {  	[spmem:s11] =	stream.indirect.scatter.add.bf16 [tilespmem:s2], [sflag:$0x5], $0x40, s12, s0, $0xb8;
	[tilespmem:$0x17000] =	vst v63  }
0xb4: {  	_ =	swait.ge [sflag:s30], $0x2000  }
0xb5: {  	[sflag:s30] =	ssyncset.done $0x0  }
0xb6: {  	[sflag:s30] =	ssyncadd.s32 $0xFFFFE000  }
0xb7: {  	_ =	swait.ge [sflag:s7], $0x2000  }
0xb8: {  	[sflag:s7] =	ssyncset.done $0x0  }
0xb9: {  	s13 =	simm.s32 $0x4F80;
	[sflag:s7] =	ssyncadd.s32 $0xFFFFE000  }
0xba: {  	[spmem:s11] =	stream.indirect.scatter.add.bf16 [tilespmem:s3], [sflag:$0x5], $0x40, s13, s0, $0xb8;
	[tilespmem:$0x17000] =	vst v63  }
0xbb: {  	_ =	swait.ge [sflag:s30], $0x2000  }
0xbc: {  	[sflag:s30] =	ssyncset.done $0x0  }
0xbd: {  	[sflag:s30] =	ssyncadd.s32 $0xFFFFE000  }
0xbe: {  	[bflag:$0x0] =	sbarrier.arrive $0xFFFF  }
0xbf: {  	[tilespmem:s10], [sflag:$0x5] =	stream.linear.gather [spmem:s17], $0x1000, $0x38;
	[tilespmem:$0x17000] =	vst v63  }
0xc0: {  	_ =	swait.ge [sflag:s30], $0x1000  }
0xc1: {  	[sflag:s30] =	ssyncset.done $0x0  }
0xc2: {  	s12 =	rddreg [dreg:$0x4];
	[sflag:s30] =	ssyncadd.s32 $0xFFFFF000  }
0xc3: {  	[hbm4b:s12+s1] =	stream.linear.scatter [tilespmem:s10], [sflag:$0x5], $0x1000, $0x38;
	[tilespmem:$0x17000] =	vst v63  }
0xc4: {  	_ =	swait.ge [sflag:s30], $0x1000  }
0xc5: {  	[sflag:s30] =	ssyncset.done $0x0  }
0xc6: {  	[sflag:s30] =	ssyncadd.s32 $0xFFFFF000  }
0xc7: {  	[tilespmem:s10], [sflag:$0x5] =	stream.linear.gather [spmem:s18], $0x1000, $0x38;
	[tilespmem:$0x17000] =	vst v63  }
0xc8: {  	_ =	swait.ge [sflag:s30], $0x1000  }
0xc9: {  	[sflag:s30] =	ssyncset.done $0x0  }
0xca: {  	s13 =	rddreg [dreg:$0x5];
	[sflag:s30] =	ssyncadd.s32 $0xFFFFF000  }
0xcb: {  	[hbm4b:s13+s1] =	stream.linear.scatter [tilespmem:s10], [sflag:$0x5], $0x1000, $0x38;
	[tilespmem:$0x17000] =	vst v63  }
0xcc: {  	_ =	swait.ge [sflag:s30], $0x1000  }
0xcd: {  	[sflag:s30] =	ssyncset.done $0x0  }
0xce: {  	[sflag:s30] =	ssyncadd.s32 $0xFFFFF000  }
0xcf: {  	[tilespmem:s10], [sflag:$0x5] =	stream.linear.gather [spmem:s19], $0x1000, $0x38;
	[tilespmem:$0x17000] =	vst v63  }
0xd0: {  	_ =	swait.ge [sflag:s30], $0x1000  }
0xd1: {  	[sflag:s30] =	ssyncset.done $0x0  }
0xd2: {  	s12 =	rddreg [dreg:$0x6];
	[sflag:s30] =	ssyncadd.s32 $0xFFFFF000  }
0xd3: {  	[hbm4b:s12+s1] =	stream.linear.scatter [tilespmem:s10], [sflag:$0x5], $0x1000, $0x38;
	[tilespmem:$0x17000] =	vst v63  }
0xd4: {  	_ =	swait.ge [sflag:s30], $0x1000  }
0xd5: {  	[sflag:s30] =	ssyncset.done $0x0  }
0xd6: {  	[sflag:s30] =	ssyncadd.s32 $0xFFFFF000  }
0xd7: {  	[tilespmem:s10], [sflag:$0x5] =	stream.linear.gather [spmem:s20], $0x1000, $0x38;
	[tilespmem:$0x17000] =	vst v63  }
0xd8: {  	_ =	swait.ge [sflag:s30], $0x1000  }
0xd9: {  	[sflag:s30] =	ssyncset.done $0x0  }
0xda: {  	s13 =	rddreg [dreg:$0x7];
	[sflag:s30] =	ssyncadd.s32 $0xFFFFF000  }
0xdb: {  	[hbm4b:s13+s1] =	stream.linear.scatter [tilespmem:s10], [sflag:$0x5], $0x1000, $0x38;
	[tilespmem:$0x17000] =	vst v63  }
0xdc: {  	_ =	swait.ge [sflag:s30], $0x1000  }
0xdd: {  	[sflag:s30] =	ssyncset.done $0x0  }
0xde: {  	[sflag:s30] =	ssyncadd.s32 $0xFFFFF000  }
0xdf: {  	[tilespmem:s10], [sflag:$0x5] =	stream.linear.gather [spmem:s21], $0x1000, $0x38;
	[tilespmem:$0x17000] =	vst v63  }
0xe0: {  	_ =	swait.ge [sflag:s30], $0x1000  }
0xe1: {  	[sflag:s30] =	ssyncset.done $0x0  }
0xe2: {  	s12 =	rddreg [dreg:$0x8];
	[sflag:s30] =	ssyncadd.s32 $0xFFFFF000  }
0xe3: {  	[hbm4b:s12+s1] =	stream.linear.scatter [tilespmem:s10], [sflag:$0x5], $0x1000, $0x38;
	[tilespmem:$0x17000] =	vst v63  }
0xe4: {  	_ =	swait.ge [sflag:s30], $0x1000  }
0xe5: {  	[sflag:s30] =	ssyncset.done $0x0  }
0xe6: {  	[sflag:s30] =	ssyncadd.s32 $0xFFFFF000  }
0xe7: {  	[tilespmem:s10], [sflag:$0x5] =	stream.linear.gather [spmem:s22], $0x1000, $0x38;
	[tilespmem:$0x17000] =	vst v63  }
0xe8: {  	_ =	swait.ge [sflag:s30], $0x1000  }
0xe9: {  	[sflag:s30] =	ssyncset.done $0x0  }
0xea: {  	s13 =	rddreg [dreg:$0x9];
	[sflag:s30] =	ssyncadd.s32 $0xFFFFF000  }
0xeb: {  	[hbm4b:s13+s1] =	stream.linear.scatter [tilespmem:s10], [sflag:$0x5], $0x1000, $0x38;
	[tilespmem:$0x17000] =	vst v63  }
0xec: {  	_ =	swait.ge [sflag:s30], $0x1000  }
0xed: {  	[sflag:s30] =	ssyncset.done $0x0  }
0xee: {  	[sflag:s30] =	ssyncadd.s32 $0xFFFFF000  }
0xef: {  	[tilespmem:s10], [sflag:$0x5] =	stream.linear.gather [spmem:s23], $0x1000, $0x38;
	[tilespmem:$0x17000] =	vst v63  }
0xf0: {  	_ =	swait.ge [sflag:s30], $0x1000  }
0xf1: {  	[sflag:s30] =	ssyncset.done $0x0  }
0xf2: {  	s12 =	rddreg [dreg:$0xa];
	[sflag:s30] =	ssyncadd.s32 $0xFFFFF000  }
0xf3: {  	[hbm4b:s12+s1] =	stream.linear.scatter [tilespmem:s10], [sflag:$0x5], $0x1000, $0x38;
	[tilespmem:$0x17000] =	vst v63  }
0xf4: {  	_ =	swait.ge [sflag:s30], $0x1000  }
0xf5: {  	[sflag:s30] =	ssyncset.done $0x0  }
0xf6: {  	[sflag:s30] =	ssyncadd.s32 $0xFFFFF000  }
0xf7: {  	[tilespmem:s10], [sflag:$0x5] =	stream.linear.gather [spmem:s24], $0x1000, $0x38;
	[tilespmem:$0x17000] =	vst v63  }
0xf8: {  	_ =	swait.ge [sflag:s30], $0x1000  }
0xf9: {  	[sflag:s30] =	ssyncset.done $0x0  }
0xfa: {  	s13 =	rddreg [dreg:$0xb];
	[sflag:s30] =	ssyncadd.s32 $0xFFFFF000  }
0xfb: {  	[hbm4b:s13+s1] =	stream.linear.scatter [tilespmem:s10], [sflag:$0x5], $0x1000, $0x38;
	[tilespmem:$0x17000] =	vst v63  }
0xfc: {  	_ =	swait.ge [sflag:s30], $0x1000  }
0xfd: {  	[sflag:s30] =	ssyncset.done $0x0  }
0xfe: {  	[sflag:s30] =	ssyncadd.s32 $0xFFFFF000  }
0xff: {  	[tilespmem:s10], [sflag:$0x5] =	stream.linear.gather [spmem:s25], $0x1000, $0x38;
	[tilespmem:$0x17000] =	vst v63  }
0x100: {  	_ =	swait.ge [sflag:s30], $0x1000  }
0x101: {  	[sflag:s30] =	ssyncset.done $0x0  }
0x102: {  	s12 =	rddreg [dreg:$0xc];
	[sflag:s30] =	ssyncadd.s32 $0xFFFFF000  }
0x103: {  	[hbm4b:s12+s1] =	stream.linear.scatter [tilespmem:s10], [sflag:$0x5], $0x1000, $0x38;
	[tilespmem:$0x17000] =	vst v63  }
0x104: {  	_ =	swait.ge [sflag:s30], $0x1000  }
0x105: {  	[sflag:s30] =	ssyncset.done $0x0  }
0x106: {  	[sflag:s30] =	ssyncadd.s32 $0xFFFFF000  }
0x107: {  	[tilespmem:s10], [sflag:$0x5] =	stream.linear.gather [spmem:s26], $0x1000, $0x38;
	[tilespmem:$0x17000] =	vst v63  }
0x108: {  	s8 =	sadd.s32 $0x1, s8;
	_ =	swait.ge [sflag:s30], $0x1000  }
0x109: {  	p0 =	sne.s32 s8, s29;
	[sflag:s30] =	ssyncset.done $0x0  }
.Ltmp1:
0x10a: {  	s13 =	rddreg [dreg:$0xd];
	[sflag:s30] =	ssyncadd.s32 $0xFFFFF000;
	(pc) =	sbr.rel @p0 .LBB2_1-.Ltmp1, $4  }
0x10b: {  	[hbm4b:s13+s1] =	stream.linear.scatter [tilespmem:s10], [sflag:$0x5], $0x1000, $0x38;
	[tilespmem:$0x17000] =	vst v63  }
0x10c: {  	_ =	swait.ge [sflag:s30], $0x1000  }
0x10d: {  	[sflag:s30] =	ssyncset.done $0x0  }
0x10e: {  	[sflag:s30] =	ssyncadd.s32 $0xFFFFF000  }
0x10f: {  	_ =	sfence.sel $0x180000  }
0x110: {  	[bflag:$0x0] =	sbarrier.arrive $0xFFFF  }
0x111: {  	_ =	strace $0x9000004A  }
0x112: {  	s0 =	stileid.u32;
	[bflag:$0x2] =	sbarrier.arrive $0xFFFF  }
0x113: {  	p0 =	sne.s32 s0, $0x0;
	s0 =	rddreg [dreg:$0x3]  }
0x114: {  	s0 =	sadd.s32 @!p0 $0x100000, s0  }
0x115: {  	[sflag:s0] =	ssyncadd.tile.s32 @!p0 $0x1;
	_ =	shalt  }
.Lfunc_end2:
_tile_overlayer_lowered:
.L_overlay_start_2:
0x116: {  	(tag) =	ssettag $0x2  }
0x117: {  	s0 =	rddreg [dreg:$0x0];
	s2 =	stileid.u32  }
0x118: {  	s1 =	rddreg [dreg:$0x1];
	p0 =	sne.s32 s2, $0x0  }
0x119: {  	s3 =	rddreg [dreg:$0x2];
	[bflag:$0x3] =	sbarrier.arrive $0xFFFF;
	s2 =	simm.s32 @!p0 $0x1C05  }
0x11a: {  	[timem:s3], [sflag:s2] =	dma.local @!p0 [hbm:s0], s1  }
0x11b: {  	s0 =	simm.s32 @!p0 $0x5  }
0x11c: {  	_ =	swait.ge @!p0 [sflag:s0], s1  }
0x11d: {  	s1 =	ssub.s32 @!p0 $0x0, s1;
	[sflag:s0] =	ssyncset.done @!p0 $0x0  }
0x11e: {  	[sflag:s0] =	ssyncadd.s32 @!p0 s1  }
0x11f: {  	[bflag:$0x3] =	sbarrier.arrive $0xFFFF  }
0x120: {  	_ =	shalt  }

// kernel: kernel.14.cloned.1.call-start
scs
__scs_entry_jumppad:
0x0: {  	(pc) =	sbr.rel $0x88, $3  }
0x1: {  	(tag) =	ssettag $0x0;
	lr =	simm.s32 $0x1  }
0x2: {  	[smem:$0x3F9B] =	sst lr;
	_ =	strace $0xD0000000  }
0x3: {  	_ = 	snop  }
0x4: {  	_ = 	snop  }
0x5: {  	_ = 	snop  }
0x6: {  	_ = 	snop  }
0x7: {  	_ = 	snop  }
__scs_overlays_trampoline_lowered:
0x8: {  	[smem:$0x3FAA] =	sst s0  }
0x9: {  	[smem:$0x3FAB] =	sst s1  }
0xa: {  	[smem:$0x3FAC] =	sst s2  }
0xb: {  	[smem:$0x3FAD] =	sst s3  }
0xc: {  	[smem:$0x3FAE] =	sst s4  }
0xd: {  	[smem:$0x3FAF] =	sst s5  }
0xe: {  	[smem:$0x3FB0] =	sst s6  }
0xf: {  	[smem:$0x3FB1] =	sst s7  }
0x10: {  	[smem:$0x3FB2] =	sst s8  }
0x11: {  	[smem:$0x3FB3] =	sst s9;
	s0 =	simm.s32 @!p0 $0x0  }
0x12: {  	s1 =	sld [smem:$0x3F99];
	s0 =	simm.s32 @p0 $0x1  }
0x13: {  	[smem:$0x3FB4] =	sst s0;
	s0 =	simm.s32 @!p1 $0x0  }
0x14: {  	s2 =	sld [smem:$0x3F98];
	s0 =	simm.s32 @p1 $0x1  }
0x15: {  	[smem:$0x3FB5] =	sst s0;
	s0 =	simm.s32 @!p2 $0x0  }
0x16: {  	s3 =	sld [smem:$0x3FDB];
	s0 =	simm.s32 @p2 $0x1  }
0x17: {  	s4 =	simm.s32 $0x1BF5;
	[smem:$0x3FB7] =	sst s0  }
0x18: {  	s0 =	sld [smem:$0x3F9A];
	_ =	swait.ge [sflag:s4], $0x0  }
0x19: {  	s7 =	sld [smem:$0x3F9B]  }
0x1a: {  	s8 =	sadd.s32 $0xFFFFE003, lr  }
0x1b: {  	s9 =	sadd.s32 $0xFFFFFEF7, lr;
	s5 =	simm.s32 $0xFFFFFFFF;
	p2 =	slt.u32 s8, $0xFFFFF086  }
0x1c: {  	p1 =	slt.u32 s9, $0xF7A;
	s5 =	simm.s32 @!p2 $0x0  }
0x1d: {  	s5 =	simm.s32 @p1 $0x1;
	p0 =	seq.s32 s7, s2  }
0x1e: {  	s7 =	smul.u32 @!p0 $0xF7A, s2;
	p2 =	seq.s32 @!p0 s5, $0x0  }
0x1f: {  	s9 =	smul.u32 $0xF7A, s1;
	s8 =	simm.s32 @!p0 $0x1BF5;
	p2 =	por !p2, p0  }
0x20: {  	[sflag:s8] =	ssyncset.s32 @!p0 $0xFFFFF086;
	s6 =	sadd.s32 @!p0 s3, s7;
	s7 =	simm.s32 @!p0 $0x108  }
0x21: {  	s3 =	sadd.s32 s3, s9;
	s6 =	sadd.s32 @!p0 $0x88, s6;
	s7 =	simm.s32 @p2 $0x1082  }
0x22: {  	[simem:s7], [sflag:s8] =	dma.local @!p0 [hbm:s6], $0xF7A  }
0x23: {  	s9 =	sor.u32 $0xD0000000, s2;
	s6 =	simm.s32 $0x108;
	_ =	swait.ge @!p0 [sflag:s8], $0x0  }
0x24: {  	s3 =	sadd.s32 $0x88, s3;
	s6 =	simm.s32 @!p1 $0x1082;
	[sflag:s4] =	ssyncset.s32 $0xFFFFF086  }
0x25: {  	[simem:s6], [sflag:s4] =	dma.local [hbm:s3], $0xF7A  }
0x26: {  	[smem:$0x3F9B] =	sst s1;
	(tag) =	ssettag s2;
	_ =	strace s9  }
0x27: {  	s1 =	sld [smem:$0x3FAB]  }
0x28: {  	s2 =	sld [smem:$0x3FAC]  }
0x29: {  	s4 =	sld [smem:$0x3FAE]  }
0x2a: {  	p0 =	seq.s32 s5, $0x0;
	s5 =	sld [smem:$0x3FAF]  }
0x2b: {  	s6 =	sld [smem:$0x3FB0]  }
0x2c: {  	s7 =	sld [smem:$0x3FB1]  }
0x2d: {  	s3 =	simm.s32 $0x108;
	s8 =	sld [smem:$0x3FB2]  }
0x2e: {  	s3 =	simm.s32 @!p0 $0x1082;
	s9 =	sld [smem:$0x3FB3]  }
0x2f: {  	lr =	sadd.s32 s0, s3;
	s0 =	sld [smem:$0x3FAA]  }
0x30: {  	s3 =	sld [smem:$0x3FAD]  }
0x31: {  	[smem:$0x3FB6] =	sst s10  }
0x32: {  	s10 =	sld [smem:$0x3FB4];
	_ =	sdelay $0x3  }
0x33: {  	p0 =	seq.s32 s10, $0x1;
	s10 =	sld [smem:$0x3FB6];
	_ =	sdelay $0x3  }
0x34: {  	[smem:$0x3FB6] =	sst s10  }
0x35: {  	s10 =	sld [smem:$0x3FB5];
	_ =	sdelay $0x3  }
0x36: {  	p1 =	seq.s32 s10, $0x1;
	s10 =	sld [smem:$0x3FB6];
	_ =	sdelay $0x3  }
0x37: {  	[smem:$0x3FB6] =	sst s10  }
0x38: {  	s10 =	sld [smem:$0x3FB7]  }
0x39: {  	_ = 	snop;
	(pc) =	sbr.ind lr, $3  }
0x3a: {  	_ = 	snop  }
0x3b: {  	_ = 	snop  }
0x3c: {  	p2 =	seq.s32 s10, $0x1;
	s10 =	sld [smem:$0x3FB6]  }
0x3d: {  	_ =	shalt  }
0x3e: {  	_ =	shalt  }
0x3f: {  	_ =	shalt  }
0x40: {  	_ =	shalt  }
0x41: {  	_ =	shalt  }
0x42: {  	_ =	shalt  }
0x43: {  	_ =	shalt  }
0x44: {  	_ =	shalt  }
0x45: {  	_ =	shalt  }
0x46: {  	_ =	shalt  }
0x47: {  	_ =	shalt  }
0x48: {  	_ =	shalt  }
0x49: {  	_ =	shalt  }
0x4a: {  	_ =	shalt  }
0x4b: {  	_ =	shalt  }
0x4c: {  	_ =	shalt  }
0x4d: {  	_ =	shalt  }
0x4e: {  	_ =	shalt  }
0x4f: {  	_ =	shalt  }
0x50: {  	_ =	shalt  }
0x51: {  	_ =	shalt  }
0x52: {  	_ =	shalt  }
0x53: {  	_ =	shalt  }
0x54: {  	_ =	shalt  }
0x55: {  	_ =	shalt  }
0x56: {  	_ =	shalt  }
0x57: {  	_ =	shalt  }
0x58: {  	_ =	shalt  }
0x59: {  	_ =	shalt  }
0x5a: {  	_ =	shalt  }
0x5b: {  	_ =	shalt  }
0x5c: {  	_ =	shalt  }
0x5d: {  	_ =	shalt  }
0x5e: {  	_ =	shalt  }
0x5f: {  	_ =	shalt  }
0x60: {  	_ =	shalt  }
0x61: {  	_ =	shalt  }
0x62: {  	_ =	shalt  }
0x63: {  	_ =	shalt  }
0x64: {  	_ =	shalt  }
0x65: {  	_ =	shalt  }
0x66: {  	_ =	shalt  }
0x67: {  	_ =	shalt  }
0x68: {  	_ =	shalt  }
0x69: {  	_ =	shalt  }
0x6a: {  	_ =	shalt  }
0x6b: {  	_ =	shalt  }
0x6c: {  	_ =	shalt  }
0x6d: {  	_ =	shalt  }
0x6e: {  	_ =	shalt  }
0x6f: {  	_ =	shalt  }
0x70: {  	_ =	shalt  }
0x71: {  	_ =	shalt  }
0x72: {  	_ =	shalt  }
0x73: {  	_ =	shalt  }
0x74: {  	_ =	shalt  }
0x75: {  	_ =	shalt  }
0x76: {  	_ =	shalt  }
0x77: {  	_ =	shalt  }
0x78: {  	_ =	shalt  }
0x79: {  	_ =	shalt  }
0x7a: {  	_ =	shalt  }
0x7b: {  	_ =	shalt  }
0x7c: {  	_ =	shalt  }
0x7d: {  	_ =	shalt  }
0x7e: {  	_ =	shalt  }
0x7f: {  	_ =	shalt  }
0x80: {  	_ =	shalt  }
0x81: {  	_ =	shalt  }
0x82: {  	_ =	shalt  }
0x83: {  	_ =	shalt  }
0x84: {  	_ =	shalt  }
0x85: {  	_ =	shalt  }
0x86: {  	_ =	shalt  }
0x87: {  	_ =	shalt  }
.Lfunc_end0:
.L_simem_size_0:
called_computation.2_lowered:
.L_overlay_start_0:
0x88: {  	s2 =	sld [smem:$0x3FD9]  }
0x89: {  	s3 =	sld [smem:$0x3FFE];
	_ =	sdelay $0x1  }
0x8a: {  	s1 =	srdreg.scid  }
0x8b: {  	s0 =	sand.u32 $0x1, s1  }
0x8c: {  	s17 =	sshll.u32 s0, $0xA;
	s2 =	sadd.s32 s3, s2  }
0x8d: {  	s2 =	sadd.s32 s2, s17  }
0x8e: {  	[smem:$0x3FC2] =	sst s2  }
0x8f: {  	_ = 	snop  }
0x90: {  	s2 =	sld [smem:$0x3FD0];
	(tm) =	ssettm $0x1  }
0x91: {  	s18 =	sld [smem:$0x3FFB];
	_ =	sdelay $0x3  }
0x92: {  	_ =	strace s18  }
0x93: {  	s3 =	sld [smem:$0x3FFC];
	_ =	sdelay $0x3  }
0x94: {  	_ =	strace s3  }
0x95: {  	s3 =	sld [smem:$0x3FFD];
	_ =	sdelay $0x3  }
0x96: {  	_ =	strace s3  }
0x97: {  	_ =	strace $0x8FFFFFFF  }
0x98: {  	s19 =	sld [smem:$0x3FDB];
	_ =	sdelay $0x1  }
0x99: {  	s4 =	simm.s32 $_scs_section_size  }
0x9a: {  	s5 =	simm.s32 $_size__tile_overlayer_lowered;
	s6 =	simm.s32 $_tile_overlayer_lowered  }
0x9b: {  	s22 =	simm.s32 $0x1BFF;
	s21 =	sshll.u32 s6, $0x1;
	s3 =	sadd.s32 s4, s19  }
0x9c: {  	s7 =	simm.s32 $0x0;
	s20 =	sshll.u32 s5, $0x1;
	s5 =	sadd.s32 s21, s3  }
0x9d: {  	[timem:s7], [sflag:s22] =	dma.local [hbm:s5], s20  }
0x9e: {  	_ =	swait.ge [sflag:s22], s20  }
0x9f: {  	s4 =	ssub.s32 $0x0, s20;
	[sflag:s22] =	ssyncset.done $0x0  }
0xa0: {  	[sflag:s22] =	ssyncadd.s32 s4;
	_ =	sdelay $0x1  }
0xa1: {  	s23 =	simm.s32 $0x1B8B  }
0xa2: {  	_ =	swait.ge [sflag:s23], $0x1  }
0xa3: {  	[sflag:s23] =	ssyncset.done $0x0  }
0xa4: {  	s25 =	simm.s32 $0x1B8E;
	s24 =	sld [smem:$0x3FFE];
	[sflag:s23] =	ssyncadd.s32 $0xFFFFFFFF  }
0xa5: {  	s26 =	simm.s32 $execute0_lowered;
	[smem:$0x3FD2] =	sst s25  }
0xa6: {  	s5 =	sshll.u32 s26, $0x1;
	_ =	strace $0x8000004C;
	[dreg:$0x1] =	wrdreg $0xFFFFFFFF  }
0xa7: {  	s28 =	simm.s32 $_size_execute0_lowered;
	s3 =	sadd.s32 s3, s5;
	[dreg:$0x0] =	wrdreg $0x0  }
0xa8: {  	s5 =	sshll.u32 s28, $0x1;
	[dreg:$0x2] =	wrdreg s3  }
0xa9: {  	[dreg:$0x3] =	wrdreg s5  }
0xaa: {  	[dreg:$0x4] =	wrdreg $0xC0  }
0xab: {  	_ =	task [dreg:s7], $0x5FFFF  }
0xac: {  	[dreg:$0x1] =	wrdreg $0xFFFFFFFF  }
0xad: {  	[dreg:$0x0] =	wrdreg $0x60  }
0xae: {  	[dreg:$0x2] =	wrdreg s24  }
0xaf: {  	[dreg:$0x3] =	wrdreg s2  }
0xb0: {  	[dreg:$0x4] =	wrdreg $0x90000  }
0xb1: {  	[dreg:$0x5] =	wrdreg $0x9  }
0xb2: {  	_ =	task.clear_ibuf [dreg:s7], $0x6FFFF;
	_ =	strace $0x9000004C  }
0xb3: {  	s29 =	simm.s32 $0x9;
	_ =	strace $0x8000004E  }
0xb4: {  	_ =	swait.ge [sflag:s29], $0x1  }
0xb5: {  	[sflag:s29] =	ssyncadd.s32 $0xFFFFFFFF  }
0xb6: {  	_ =	strace $0x9000004E  }
0xb7: {  	_ =	sfence  }
0xb8: {  	s30 =	sld [smem:$0x0];
	_ =	sdelay $0x2  }
0xb9: {  	s31 =	sshll.u32 s1, $0xD;
	s1 =	sshrl.u32 s1, $0x2  }
0xba: {  	s3 =	sand.u32 $0x4000, s31;
	s1 =	sadd.s32 s1, s30  }
0xbb: {  	s0 =	sor.u32 s3, s0;
	s1 =	sshll.u32 s1, $0x11  }
0xbc: {  	s0 =	sor.u32 s1, s0  }
0xbd: {  	s0 =	sadd.s32 $0x8F2B, s0  }
0xbe: {  	[sflag:s0] =	ssyncadd.remote.s32 $0x1  }
0xbf: {  	_ =	sfence.sel $0xFFFF  }
0xc0: {  	[dreg:$0x0] =	wrdreg $0xFFFFFFFF;
	(pc) =	sbr.abs _section_cstart, $3  }
0xc1: {  	[dreg:$0x1] =	wrdreg $0xFFFFFFFF  }
0xc2: {  	_ =	task.clear_ibuf [dreg:s7], $0x2FFFF;
	_ =	strace $0x9FFFFFFF  }
0xc3: {  	(tm) =	ssettm $0x7FFFFFFF  }
tec
execute0_lowered:
.L_overlay_start_1:
0x0: {  	(tag) =	ssettag $0x1  }
0x1: {  	s2 =	rddreg [dreg:$0x0]  }
0x2: {  	s0 =	srdreg.scid;
	s3 =	rddreg [dreg:$0x1];
	s1 =	simm.s32 $0x0  }
0x3: {  	s6 =	stileid.u32;
	s30 =	simm.s32 $0x5;
	s0 =	sand.u32 $0x1, s0  }
0x4: {  	s31 =	simm.s32 $0x6000;
	s4 =	smul.u32 $0xA0000, s0;
	s5 =	sshll.u32 s0, $0x4  }
0x5: {  	s0 =	ssub.s32 $0x2, s0;
	s5 =	sor.u32 s6, s5;
	s6 =	smul.u32 $0xA000, s6  }
0x6: {  	[smem:$0x7FF] =	sst s1;
	s8 =	sadd.s32 $0x20400, s2;
	s7 =	sshrl.u32 s0, $0x1  }
0x7: {  	s5 =	smul.u32 $0x500, s5;
	s0 =	ssub.s32 s0, s7;
	s7 =	sor.u32 $0x1000, s6  }
0x8: {  	s9 =	sadd.s32 $0x2000, s6;
	s10 =	sadd.s32 $0x3000, s6;
	s12 =	sadd.s32 $0x4000, s6  }
0x9: {  	s21 =	sadd.s32 $0x5000, s6;
	s23 =	sadd.s32 $0x6000, s6;
	s24 =	sadd.s32 $0x7000, s6  }
0xa: {  	s25 =	sadd.s32 $0x8000, s6;
	s11 =	sadd.s32 s6, s4;
	s26 =	sadd.s32 $0x9000, s6  }
0xb: {  	s6 =	sshrl.u32 s6, $0x1;
	s29 =	smax.u32 s0, $0x1;
	s0 =	simm.s32 $0x80  }
0xc: {  	s13 =	sadd.s32 s4, s7;
	s11 =	sshrl.u32 s11, $0x4;
	s14 =	sadd.s32 s4, s9  }
0xd: {  	s15 =	sadd.s32 s4, s10;
	s19 =	sadd.s32 s4, s21;
	s20 =	sadd.s32 s4, s23  }
0xe: {  	s22 =	sadd.s32 s4, s24;
	s9 =	sshrl.u32 s9, $0x1;
	s10 =	sshrl.u32 s10, $0x1  }
0xf: {  	s23 =	sshrl.u32 s23, $0x1;
	s24 =	sshrl.u32 s24, $0x1;
	s13 =	sshrl.u32 s13, $0x4  }
0x10: {  	s11 =	sadd.s32 s8, s11;
	s16 =	sshrl.u32 s15, $0x4;
	s15 =	sshrl.u32 s20, $0x4  }
0x11: {  	s20 =	sadd.s32 s4, s26;
	s26 =	sshrl.u32 s26, $0x1;
	[dreg:$0x4] =	wrdreg s11  }
0x12: {  	s13 =	sadd.s32 s8, s13;
	s11 =	sshrl.u32 s14, $0x4;
	s14 =	sadd.s32 s4, s12  }
0x13: {  	[dreg:$0x5] =	wrdreg s13;
	s11 =	sadd.s32 s8, s11;
	s17 =	sshrl.u32 s14, $0x4  }
0x14: {  	s14 =	sadd.s32 s3, s5;
	s5 =	sadd.s32 s5, s2;
	s3 =	simm.s32 $0x8000  }
0x15: {  	[dreg:$0x6] =	wrdreg s11;
	s11 =	sadd.s32 s8, s16;
	s18 =	sadd.s32 s8, s17  }
0x16: {  	s16 =	sshrl.u32 s22, $0x4;
	s22 =	sshrl.u32 s20, $0x4;
	[dreg:$0x7] =	wrdreg s11  }
0x17: {  	[dreg:$0x8] =	wrdreg s18;
	s11 =	sshrl.u32 s19, $0x4;
	s17 =	sadd.s32 s8, s16  }
0x18: {  	s18 =	sadd.s32 s4, s25;
	s4 =	sshrl.u32 s4, $0x4;
	s16 =	sadd.s32 $0x2400, s5  }
0x19: {  	s25 =	sshrl.u32 s25, $0x1;
	s5 =	simm.s32 $0x2;
	s11 =	sadd.s32 s8, s11  }
0x1a: {  	[dreg:$0xb] =	wrdreg s17;
	s19 =	sshrl.u32 s18, $0x4;
	s4 =	sadd.s32 s4, s2  }
0x1b: {  	[dreg:$0x9] =	wrdreg s11;
	s11 =	sadd.s32 s8, s15;
	s13 =	sadd.s32 s8, s19  }
0x1c: {  	s8 =	sadd.s32 s8, s22;
	s15 =	sadd.s32 $0x1400, s2;
	[dreg:$0xa] =	wrdreg s11  }
0x1d: {  	s22 =	sshrl.u32 s21, $0x1;
	s28 =	sadd.s32 $0xC400, s4;
	s11 =	rddreg [dreg:$0x2]  }
0x1e: {  	s2 =	simm.s32 $0x7000;
	s4 =	simm.s32 $0x1;
	[dreg:$0xc] =	wrdreg s13  }
0x1f: {  	[dreg:$0xd] =	wrdreg s8;
	s8 =	sshrl.u32 s7, $0x1;
	s13 =	sshrl.u32 s12, $0x1  }
0x20: {  	s7 =	simm.s32 $0x4;
	_ =	strace $0x8000004D;
	s17 =	sadd.s32 s6, s11  }
0x21: {  	s18 =	sadd.s32 s8, s11;
	s19 =	sadd.s32 s9, s11;
	s20 =	sadd.s32 s10, s11  }
0x22: {  	s21 =	sadd.s32 s13, s11;
	s22 =	sadd.s32 s22, s11;
	s23 =	sadd.s32 s23, s11  }
0x23: {  	s24 =	sadd.s32 s24, s11;
	s25 =	sadd.s32 s25, s11;
	s26 =	sadd.s32 s26, s11  }
0x24: {  	s10 =	simm.s32 $0x5000;
	s6 =	simm.s32 $0x3;
	s8 =	simm.s32 $0x0  }
.LBB2_1:
0x25: {  	[tilespmem:s1], [sflag:$0x5] =	stream.linear.gather [hbm4b:s16+s1], $0x2800, $0x38;
	[tilespmem:$0xE000] =	vst v63  }
0x26: {  	_ =	swait.ge [sflag:s30], $0x2800  }
0x27: {  	[sflag:s30] =	ssyncset.done $0x0  }
0x28: {  	s9 =	simm.s32 $0x2800;
	[sflag:s30] =	ssyncadd.s32 $0xFFFFD800  }
0x29: {  	[tilespmem:s9], [sflag:$0x5] =	stream.linear.gather [hbm4b:s14+s1], $0x2800, $0x38;
	[tilespmem:$0xE000] =	vst v63  }
0x2a: {  	_ =	swait.ge [sflag:s30], $0x2800  }
0x2b: {  	[sflag:s30] =	ssyncset.done $0x0  }
0x2c: {  	[sflag:s30] =	ssyncadd.s32 $0xFFFFD800  }
0x2d: {  	[tilespmem:s10], [sflag:$0x5] =	stream.linear.gather [hbm4b:s15+s1], $0x800, $0x38;
	[tilespmem:$0xE000] =	vst v63  }
0x2e: {  	_ =	swait.ge [sflag:s30], $0x800  }
0x2f: {  	[sflag:s30] =	ssyncset.done $0x0  }
0x30: {  	[sflag:s30] =	ssyncadd.s32 $0xFFFFF800  }
0x31: {  	[spmem:s17] =	stream.linear.scatter [tilespmem:s10], [sflag:$0x5], $0x800, $0x38;
	[tilespmem:$0xE000] =	vst v63  }
0x32: {  	_ =	swait.ge [sflag:s30], $0x800  }
0x33: {  	[sflag:s30] =	ssyncset.done $0x0  }
0x34: {  	[sflag:s30] =	ssyncadd.s32 $0xFFFFF800  }
0x35: {  	[spmem:s18] =	stream.linear.scatter [tilespmem:s10], [sflag:$0x5], $0x800, $0x38;
	[tilespmem:$0xE000] =	vst v63  }
0x36: {  	_ =	swait.ge [sflag:s30], $0x800  }
0x37: {  	[sflag:s30] =	ssyncset.done $0x0  }
0x38: {  	[sflag:s30] =	ssyncadd.s32 $0xFFFFF800  }
0x39: {  	[spmem:s19] =	stream.linear.scatter [tilespmem:s10], [sflag:$0x5], $0x800, $0x38;
	[tilespmem:$0xE000] =	vst v63  }
0x3a: {  	_ =	swait.ge [sflag:s30], $0x800  }
0x3b: {  	[sflag:s30] =	ssyncset.done $0x0  }
0x3c: {  	[sflag:s30] =	ssyncadd.s32 $0xFFFFF800  }
0x3d: {  	[spmem:s20] =	stream.linear.scatter [tilespmem:s10], [sflag:$0x5], $0x800, $0x38;
	[tilespmem:$0xE000] =	vst v63  }
0x3e: {  	_ =	swait.ge [sflag:s30], $0x800  }
0x3f: {  	[sflag:s30] =	ssyncset.done $0x0  }
0x40: {  	[sflag:s30] =	ssyncadd.s32 $0xFFFFF800  }
0x41: {  	[spmem:s21] =	stream.linear.scatter [tilespmem:s10], [sflag:$0x5], $0x800, $0x38;
	[tilespmem:$0xE000] =	vst v63  }
0x42: {  	_ =	swait.ge [sflag:s30], $0x800  }
0x43: {  	[sflag:s30] =	ssyncset.done $0x0  }
0x44: {  	[sflag:s30] =	ssyncadd.s32 $0xFFFFF800  }
0x45: {  	[spmem:s22] =	stream.linear.scatter [tilespmem:s10], [sflag:$0x5], $0x800, $0x38;
	[tilespmem:$0xE000] =	vst v63  }
0x46: {  	_ =	swait.ge [sflag:s30], $0x800  }
0x47: {  	[sflag:s30] =	ssyncset.done $0x0  }
0x48: {  	[sflag:s30] =	ssyncadd.s32 $0xFFFFF800  }
0x49: {  	[spmem:s23] =	stream.linear.scatter [tilespmem:s10], [sflag:$0x5], $0x800, $0x38;
	[tilespmem:$0xE000] =	vst v63  }
0x4a: {  	_ =	swait.ge [sflag:s30], $0x800  }
0x4b: {  	[sflag:s30] =	ssyncset.done $0x0  }
0x4c: {  	[sflag:s30] =	ssyncadd.s32 $0xFFFFF800  }
0x4d: {  	[spmem:s24] =	stream.linear.scatter [tilespmem:s10], [sflag:$0x5], $0x800, $0x38;
	[tilespmem:$0xE000] =	vst v63  }
0x4e: {  	_ =	swait.ge [sflag:s30], $0x800  }
0x4f: {  	[sflag:s30] =	ssyncset.done $0x0  }
0x50: {  	[sflag:s30] =	ssyncadd.s32 $0xFFFFF800  }
0x51: {  	[spmem:s25] =	stream.linear.scatter [tilespmem:s10], [sflag:$0x5], $0x800, $0x38;
	[tilespmem:$0xE000] =	vst v63  }
0x52: {  	_ =	swait.ge [sflag:s30], $0x800  }
0x53: {  	[sflag:s30] =	ssyncset.done $0x0  }
0x54: {  	[sflag:s30] =	ssyncadd.s32 $0xFFFFF800  }
0x55: {  	[spmem:s26] =	stream.linear.scatter [tilespmem:s10], [sflag:$0x5], $0x800, $0x38;
	[tilespmem:$0xE000] =	vst v63  }
0x56: {  	_ =	swait.ge [sflag:s30], $0x800  }
0x57: {  	[sflag:s30] =	ssyncset.done $0x0  }
0x58: {  	[sflag:s30] =	ssyncadd.s32 $0xFFFFF800  }
0x59: {  	[bflag:$0x0] =	sbarrier.arrive $0xFFFF  }
0x5a: {  	[tilespmem:s10], [sflag:$0x1] =	stream.indirect.gather [hbm4b:s28+s0], $0x20, s1, s0, $0xb8;
	[tilespmem:$0xE000] =	vst v63  }
0x5b: {  	_ = 	snop  }
0x5c: {  	[tilespmem:s31], [sflag:$0x2] =	stream.indirect.gather [hbm4b:s28+s0], $0x20, s0, s0, $0xb8;
	[tilespmem:$0xE000] =	vst v63  }
0x5d: {  	s13 =	simm.s32 $0x100  }
0x5e: {  	[tilespmem:s2], [sflag:$0x3] =	stream.indirect.gather [hbm4b:s28+s0], $0x20, s13, s0, $0xb8;
	[tilespmem:$0xE000] =	vst v63  }
0x5f: {  	s12 =	simm.s32 $0x180  }
0x60: {  	[tilespmem:s3], [sflag:$0x4] =	stream.indirect.gather [hbm4b:s28+s0], $0x20, s12, s0, $0xb8;
	[tilespmem:$0xE000] =	vst v63  }
0x61: {  	_ =	swait.ge [sflag:s4], $0x1000  }
0x62: {  	[sflag:s4] =	ssyncset.done $0x0  }
0x63: {  	s13 =	simm.s32 $0x2800;
	[sflag:s4] =	ssyncadd.s32 $0xFFFFF000  }
0x64: {  	[spmem:s11] =	stream.indirect.scatter.add.bf16 [tilespmem:s10], [sflag:$0x5], $0x20, s13, s0, $0xb8;
	[tilespmem:$0xE000] =	vst v63  }
0x65: {  	_ =	swait.ge [sflag:s30], $0x1000  }
0x66: {  	[sflag:s30] =	ssyncset.done $0x0  }
0x67: {  	s12 =	simm.s32 $0x200;
	[sflag:s30] =	ssyncadd.s32 $0xFFFFF000  }
0x68: {  	[tilespmem:s10], [sflag:$0x1] =	stream.indirect.gather [hbm4b:s28+s0], $0x20, s12, s0, $0xb8;
	[tilespmem:$0xE000] =	vst v63  }
0x69: {  	_ =	swait.ge [sflag:s5], $0x1000  }
0x6a: {  	[sflag:s5] =	ssyncset.done $0x0  }
0x6b: {  	s13 =	simm.s32 $0x2880;
	[sflag:s5] =	ssyncadd.s32 $0xFFFFF000  }
0x6c: {  	[spmem:s11] =	stream.indirect.scatter.add.bf16 [tilespmem:s31], [sflag:$0x5], $0x20, s13, s0, $0xb8;
	[tilespmem:$0xE000] =	vst v63  }
0x6d: {  	_ =	swait.ge [sflag:s30], $0x1000  }
0x6e: {  	[sflag:s30] =	ssyncset.done $0x0  }
0x6f: {  	s12 =	simm.s32 $0x280;
	[sflag:s30] =	ssyncadd.s32 $0xFFFFF000  }
0x70: {  	[tilespmem:s31], [sflag:$0x2] =	stream.indirect.gather [hbm4b:s28+s0], $0x20, s12, s0, $0xb8;
	[tilespmem:$0xE000] =	vst v63  }
0x71: {  	_ =	swait.ge [sflag:s6], $0x1000  }
0x72: {  	[sflag:s6] =	ssyncset.done $0x0  }
0x73: {  	s13 =	simm.s32 $0x2900;
	[sflag:s6] =	ssyncadd.s32 $0xFFFFF000  }
0x74: {  	[spmem:s11] =	stream.indirect.scatter.add.bf16 [tilespmem:s2], [sflag:$0x5], $0x20, s13, s0, $0xb8;
	[tilespmem:$0xE000] =	vst v63  }
0x75: {  	_ =	swait.ge [sflag:s30], $0x1000  }
0x76: {  	[sflag:s30] =	ssyncset.done $0x0  }
0x77: {  	s12 =	simm.s32 $0x300;
	[sflag:s30] =	ssyncadd.s32 $0xFFFFF000  }
0x78: {  	[tilespmem:s2], [sflag:$0x3] =	stream.indirect.gather [hbm4b:s28+s0], $0x20, s12, s0, $0xb8;
	[tilespmem:$0xE000] =	vst v63  }
0x79: {  	_ =	swait.ge [sflag:s7], $0x1000  }
0x7a: {  	[sflag:s7] =	ssyncset.done $0x0  }
0x7b: {  	s13 =	simm.s32 $0x2980;
	[sflag:s7] =	ssyncadd.s32 $0xFFFFF000  }
0x7c: {  	[spmem:s11] =	stream.indirect.scatter.add.bf16 [tilespmem:s3], [sflag:$0x5], $0x20, s13, s0, $0xb8;
	[tilespmem:$0xE000] =	vst v63  }
0x7d: {  	_ =	swait.ge [sflag:s30], $0x1000  }
0x7e: {  	[sflag:s30] =	ssyncset.done $0x0  }
0x7f: {  	s9 =	simm.s32 $0x800;
	s12 =	simm.s32 $0x380;
	[sflag:s30] =	ssyncadd.s32 $0xFFFFF000  }
.LBB2_2:
0x80: {  	[tilespmem:s3], [sflag:$0x4] =	stream.indirect.gather [hbm4b:s28+s0], $0x20, s12, s0, $0xb8;
	[tilespmem:$0xE000] =	vst v63  }
0x81: {  	s12 =	smov.u32 s9  }
0x82: {  	p0 =	sne.s32 s9, $0x9000;
	s9 =	sadd.s32 $0x800, s9;
	_ =	swait.ge [sflag:s4], $0x1000  }
0x83: {  	s12 =	sshra.s32 s12, $0x2;
	[sflag:s4] =	ssyncset.done $0x0  }
0x84: {  	s13 =	sadd.s32 $0x2800, s12;
	[sflag:s4] =	ssyncadd.s32 $0xFFFFF000  }
0x85: {  	[spmem:s11] =	stream.indirect.scatter.add.bf16 [tilespmem:s10], [sflag:$0x5], $0x20, s13, s0, $0xb8;
	[tilespmem:$0xE000] =	vst v63  }
0x86: {  	_ =	swait.ge [sflag:s30], $0x1000  }
0x87: {  	[sflag:s30] =	ssyncset.done $0x0  }
0x88: {  	s13 =	sadd.s32 $0x200, s12;
	[sflag:s30] =	ssyncadd.s32 $0xFFFFF000  }
0x89: {  	[tilespmem:s10], [sflag:$0x1] =	stream.indirect.gather [hbm4b:s28+s0], $0x20, s13, s0, $0xb8;
	[tilespmem:$0xE000] =	vst v63  }
0x8a: {  	_ =	swait.ge [sflag:s5], $0x1000  }
0x8b: {  	[sflag:s5] =	ssyncset.done $0x0  }
0x8c: {  	s13 =	sadd.s32 $0x2880, s12;
	[sflag:s5] =	ssyncadd.s32 $0xFFFFF000  }
0x8d: {  	[spmem:s11] =	stream.indirect.scatter.add.bf16 [tilespmem:s31], [sflag:$0x5], $0x20, s13, s0, $0xb8;
	[tilespmem:$0xE000] =	vst v63  }
0x8e: {  	_ =	swait.ge [sflag:s30], $0x1000  }
0x8f: {  	[sflag:s30] =	ssyncset.done $0x0  }
0x90: {  	s13 =	sadd.s32 $0x280, s12;
	[sflag:s30] =	ssyncadd.s32 $0xFFFFF000  }
0x91: {  	[tilespmem:s31], [sflag:$0x2] =	stream.indirect.gather [hbm4b:s28+s0], $0x20, s13, s0, $0xb8;
	[tilespmem:$0xE000] =	vst v63  }
0x92: {  	_ =	swait.ge [sflag:s6], $0x1000  }
0x93: {  	[sflag:s6] =	ssyncset.done $0x0  }
0x94: {  	s13 =	sadd.s32 $0x2900, s12;
	[sflag:s6] =	ssyncadd.s32 $0xFFFFF000  }
0x95: {  	[spmem:s11] =	stream.indirect.scatter.add.bf16 [tilespmem:s2], [sflag:$0x5], $0x20, s13, s0, $0xb8;
	[tilespmem:$0xE000] =	vst v63  }
0x96: {  	_ =	swait.ge [sflag:s30], $0x1000  }
0x97: {  	[sflag:s30] =	ssyncset.done $0x0  }
0x98: {  	s13 =	sadd.s32 $0x300, s12;
	[sflag:s30] =	ssyncadd.s32 $0xFFFFF000  }
0x99: {  	[tilespmem:s2], [sflag:$0x3] =	stream.indirect.gather [hbm4b:s28+s0], $0x20, s13, s0, $0xb8;
	[tilespmem:$0xE000] =	vst v63  }
0x9a: {  	_ =	swait.ge [sflag:s7], $0x1000  }
0x9b: {  	[sflag:s7] =	ssyncset.done $0x0  }
.Ltmp0:
0x9c: {  	s13 =	sadd.s32 $0x2980, s12;
	[sflag:s7] =	ssyncadd.s32 $0xFFFFF000;
	(pc) =	sbr.rel @p0 .LBB2_2-.Ltmp0, $4  }
0x9d: {  	[spmem:s11] =	stream.indirect.scatter.add.bf16 [tilespmem:s3], [sflag:$0x5], $0x20, s13, s0, $0xb8;
	[tilespmem:$0xE000] =	vst v63  }
0x9e: {  	_ =	swait.ge [sflag:s30], $0x1000  }
0x9f: {  	[sflag:s30] =	ssyncset.done $0x0  }
0xa0: {  	s12 =	sadd.s32 $0x380, s12;
	[sflag:s30] =	ssyncadd.s32 $0xFFFFF000  }
0xa1: {  	[tilespmem:s3], [sflag:$0x4] =	stream.indirect.gather [hbm4b:s28+s0], $0x20, s12, s0, $0xb8;
	[tilespmem:$0xE000] =	vst v63  }
0xa2: {  	_ =	swait.ge [sflag:s4], $0x1000  }
0xa3: {  	[sflag:s4] =	ssyncset.done $0x0  }
0xa4: {  	s9 =	simm.s32 $0x4E00;
	[sflag:s4] =	ssyncadd.s32 $0xFFFFF000  }
0xa5: {  	[spmem:s11] =	stream.indirect.scatter.add.bf16 [tilespmem:s10], [sflag:$0x5], $0x20, s9, s0, $0xb8;
	[tilespmem:$0xE000] =	vst v63  }
0xa6: {  	_ =	swait.ge [sflag:s30], $0x1000  }
0xa7: {  	[sflag:s30] =	ssyncset.done $0x0  }
0xa8: {  	[sflag:s30] =	ssyncadd.s32 $0xFFFFF000  }
0xa9: {  	_ =	swait.ge [sflag:s5], $0x1000  }
0xaa: {  	[sflag:s5] =	ssyncset.done $0x0  }
0xab: {  	s13 =	simm.s32 $0x4E80;
	[sflag:s5] =	ssyncadd.s32 $0xFFFFF000  }
0xac: {  	[spmem:s11] =	stream.indirect.scatter.add.bf16 [tilespmem:s31], [sflag:$0x5], $0x20, s13, s0, $0xb8;
	[tilespmem:$0xE000] =	vst v63  }
0xad: {  	_ =	swait.ge [sflag:s30], $0x1000  }
0xae: {  	[sflag:s30] =	ssyncset.done $0x0  }
0xaf: {  	[sflag:s30] =	ssyncadd.s32 $0xFFFFF000  }
0xb0: {  	_ =	swait.ge [sflag:s6], $0x1000  }
0xb1: {  	[sflag:s6] =	ssyncset.done $0x0  }
0xb2: {  	s12 =	simm.s32 $0x4F00;
	[sflag:s6] =	ssyncadd.s32 $0xFFFFF000  }
0xb3: {  	[spmem:s11] =	stream.indirect.scatter.add.bf16 [tilespmem:s2], [sflag:$0x5], $0x20, s12, s0, $0xb8;
	[tilespmem:$0xE000] =	vst v63  }
0xb4: {  	_ =	swait.ge [sflag:s30], $0x1000  }
0xb5: {  	[sflag:s30] =	ssyncset.done $0x0  }
0xb6: {  	[sflag:s30] =	ssyncadd.s32 $0xFFFFF000  }
0xb7: {  	_ =	swait.ge [sflag:s7], $0x1000  }
0xb8: {  	[sflag:s7] =	ssyncset.done $0x0  }
0xb9: {  	s13 =	simm.s32 $0x4F80;
	[sflag:s7] =	ssyncadd.s32 $0xFFFFF000  }
0xba: {  	[spmem:s11] =	stream.indirect.scatter.add.bf16 [tilespmem:s3], [sflag:$0x5], $0x20, s13, s0, $0xb8;
	[tilespmem:$0xE000] =	vst v63  }
0xbb: {  	_ =	swait.ge [sflag:s30], $0x1000  }
0xbc: {  	[sflag:s30] =	ssyncset.done $0x0  }
0xbd: {  	[sflag:s30] =	ssyncadd.s32 $0xFFFFF000  }
0xbe: {  	[bflag:$0x0] =	sbarrier.arrive $0xFFFF  }
0xbf: {  	[tilespmem:s10], [sflag:$0x5] =	stream.linear.gather [spmem:s17], $0x800, $0x38;
	[tilespmem:$0xE000] =	vst v63  }
0xc0: {  	_ =	swait.ge [sflag:s30], $0x800  }
0xc1: {  	[sflag:s30] =	ssyncset.done $0x0  }
0xc2: {  	s12 =	rddreg [dreg:$0x4];
	[sflag:s30] =	ssyncadd.s32 $0xFFFFF800  }
0xc3: {  	[hbm4b:s12+s1] =	stream.linear.scatter [tilespmem:s10], [sflag:$0x5], $0x800, $0x38;
	[tilespmem:$0xE000] =	vst v63  }
0xc4: {  	_ =	swait.ge [sflag:s30], $0x800  }
0xc5: {  	[sflag:s30] =	ssyncset.done $0x0  }
0xc6: {  	[sflag:s30] =	ssyncadd.s32 $0xFFFFF800  }
0xc7: {  	[tilespmem:s10], [sflag:$0x5] =	stream.linear.gather [spmem:s18], $0x800, $0x38;
	[tilespmem:$0xE000] =	vst v63  }
0xc8: {  	_ =	swait.ge [sflag:s30], $0x800  }
0xc9: {  	[sflag:s30] =	ssyncset.done $0x0  }
0xca: {  	s13 =	rddreg [dreg:$0x5];
	[sflag:s30] =	ssyncadd.s32 $0xFFFFF800  }
0xcb: {  	[hbm4b:s13+s1] =	stream.linear.scatter [tilespmem:s10], [sflag:$0x5], $0x800, $0x38;
	[tilespmem:$0xE000] =	vst v63  }
0xcc: {  	_ =	swait.ge [sflag:s30], $0x800  }
0xcd: {  	[sflag:s30] =	ssyncset.done $0x0  }
0xce: {  	[sflag:s30] =	ssyncadd.s32 $0xFFFFF800  }
0xcf: {  	[tilespmem:s10], [sflag:$0x5] =	stream.linear.gather [spmem:s19], $0x800, $0x38;
	[tilespmem:$0xE000] =	vst v63  }
0xd0: {  	_ =	swait.ge [sflag:s30], $0x800  }
0xd1: {  	[sflag:s30] =	ssyncset.done $0x0  }
0xd2: {  	s12 =	rddreg [dreg:$0x6];
	[sflag:s30] =	ssyncadd.s32 $0xFFFFF800  }
0xd3: {  	[hbm4b:s12+s1] =	stream.linear.scatter [tilespmem:s10], [sflag:$0x5], $0x800, $0x38;
	[tilespmem:$0xE000] =	vst v63  }
0xd4: {  	_ =	swait.ge [sflag:s30], $0x800  }
0xd5: {  	[sflag:s30] =	ssyncset.done $0x0  }
0xd6: {  	[sflag:s30] =	ssyncadd.s32 $0xFFFFF800  }
0xd7: {  	[tilespmem:s10], [sflag:$0x5] =	stream.linear.gather [spmem:s20], $0x800, $0x38;
	[tilespmem:$0xE000] =	vst v63  }
0xd8: {  	_ =	swait.ge [sflag:s30], $0x800  }
0xd9: {  	[sflag:s30] =	ssyncset.done $0x0  }
0xda: {  	s13 =	rddreg [dreg:$0x7];
	[sflag:s30] =	ssyncadd.s32 $0xFFFFF800  }
0xdb: {  	[hbm4b:s13+s1] =	stream.linear.scatter [tilespmem:s10], [sflag:$0x5], $0x800, $0x38;
	[tilespmem:$0xE000] =	vst v63  }
0xdc: {  	_ =	swait.ge [sflag:s30], $0x800  }
0xdd: {  	[sflag:s30] =	ssyncset.done $0x0  }
0xde: {  	[sflag:s30] =	ssyncadd.s32 $0xFFFFF800  }
0xdf: {  	[tilespmem:s10], [sflag:$0x5] =	stream.linear.gather [spmem:s21], $0x800, $0x38;
	[tilespmem:$0xE000] =	vst v63  }
0xe0: {  	_ =	swait.ge [sflag:s30], $0x800  }
0xe1: {  	[sflag:s30] =	ssyncset.done $0x0  }
0xe2: {  	s12 =	rddreg [dreg:$0x8];
	[sflag:s30] =	ssyncadd.s32 $0xFFFFF800  }
0xe3: {  	[hbm4b:s12+s1] =	stream.linear.scatter [tilespmem:s10], [sflag:$0x5], $0x800, $0x38;
	[tilespmem:$0xE000] =	vst v63  }
0xe4: {  	_ =	swait.ge [sflag:s30], $0x800  }
0xe5: {  	[sflag:s30] =	ssyncset.done $0x0  }
0xe6: {  	[sflag:s30] =	ssyncadd.s32 $0xFFFFF800  }
0xe7: {  	[tilespmem:s10], [sflag:$0x5] =	stream.linear.gather [spmem:s22], $0x800, $0x38;
	[tilespmem:$0xE000] =	vst v63  }
0xe8: {  	_ =	swait.ge [sflag:s30], $0x800  }
0xe9: {  	[sflag:s30] =	ssyncset.done $0x0  }
0xea: {  	s13 =	rddreg [dreg:$0x9];
	[sflag:s30] =	ssyncadd.s32 $0xFFFFF800  }
0xeb: {  	[hbm4b:s13+s1] =	stream.linear.scatter [tilespmem:s10], [sflag:$0x5], $0x800, $0x38;
	[tilespmem:$0xE000] =	vst v63  }
0xec: {  	_ =	swait.ge [sflag:s30], $0x800  }
0xed: {  	[sflag:s30] =	ssyncset.done $0x0  }
0xee: {  	[sflag:s30] =	ssyncadd.s32 $0xFFFFF800  }
0xef: {  	[tilespmem:s10], [sflag:$0x5] =	stream.linear.gather [spmem:s23], $0x800, $0x38;
	[tilespmem:$0xE000] =	vst v63  }
0xf0: {  	_ =	swait.ge [sflag:s30], $0x800  }
0xf1: {  	[sflag:s30] =	ssyncset.done $0x0  }
0xf2: {  	s12 =	rddreg [dreg:$0xa];
	[sflag:s30] =	ssyncadd.s32 $0xFFFFF800  }
0xf3: {  	[hbm4b:s12+s1] =	stream.linear.scatter [tilespmem:s10], [sflag:$0x5], $0x800, $0x38;
	[tilespmem:$0xE000] =	vst v63  }
0xf4: {  	_ =	swait.ge [sflag:s30], $0x800  }
0xf5: {  	[sflag:s30] =	ssyncset.done $0x0  }
0xf6: {  	[sflag:s30] =	ssyncadd.s32 $0xFFFFF800  }
0xf7: {  	[tilespmem:s10], [sflag:$0x5] =	stream.linear.gather [spmem:s24], $0x800, $0x38;
	[tilespmem:$0xE000] =	vst v63  }
0xf8: {  	_ =	swait.ge [sflag:s30], $0x800  }
0xf9: {  	[sflag:s30] =	ssyncset.done $0x0  }
0xfa: {  	s13 =	rddreg [dreg:$0xb];
	[sflag:s30] =	ssyncadd.s32 $0xFFFFF800  }
0xfb: {  	[hbm4b:s13+s1] =	stream.linear.scatter [tilespmem:s10], [sflag:$0x5], $0x800, $0x38;
	[tilespmem:$0xE000] =	vst v63  }
0xfc: {  	_ =	swait.ge [sflag:s30], $0x800  }
0xfd: {  	[sflag:s30] =	ssyncset.done $0x0  }
0xfe: {  	[sflag:s30] =	ssyncadd.s32 $0xFFFFF800  }
0xff: {  	[tilespmem:s10], [sflag:$0x5] =	stream.linear.gather [spmem:s25], $0x800, $0x38;
	[tilespmem:$0xE000] =	vst v63  }
0x100: {  	_ =	swait.ge [sflag:s30], $0x800  }
0x101: {  	[sflag:s30] =	ssyncset.done $0x0  }
0x102: {  	s12 =	rddreg [dreg:$0xc];
	[sflag:s30] =	ssyncadd.s32 $0xFFFFF800  }
0x103: {  	[hbm4b:s12+s1] =	stream.linear.scatter [tilespmem:s10], [sflag:$0x5], $0x800, $0x38;
	[tilespmem:$0xE000] =	vst v63  }
0x104: {  	_ =	swait.ge [sflag:s30], $0x800  }
0x105: {  	[sflag:s30] =	ssyncset.done $0x0  }
0x106: {  	[sflag:s30] =	ssyncadd.s32 $0xFFFFF800  }
0x107: {  	[tilespmem:s10], [sflag:$0x5] =	stream.linear.gather [spmem:s26], $0x800, $0x38;
	[tilespmem:$0xE000] =	vst v63  }
0x108: {  	s8 =	sadd.s32 $0x1, s8;
	_ =	swait.ge [sflag:s30], $0x800  }
0x109: {  	p0 =	sne.s32 s8, s29;
	[sflag:s30] =	ssyncset.done $0x0  }
.Ltmp1:
0x10a: {  	s13 =	rddreg [dreg:$0xd];
	[sflag:s30] =	ssyncadd.s32 $0xFFFFF800;
	(pc) =	sbr.rel @p0 .LBB2_1-.Ltmp1, $4  }
0x10b: {  	[hbm4b:s13+s1] =	stream.linear.scatter [tilespmem:s10], [sflag:$0x5], $0x800, $0x38;
	[tilespmem:$0xE000] =	vst v63  }
0x10c: {  	_ =	swait.ge [sflag:s30], $0x800  }
0x10d: {  	[sflag:s30] =	ssyncset.done $0x0  }
0x10e: {  	[sflag:s30] =	ssyncadd.s32 $0xFFFFF800  }
0x10f: {  	_ =	sfence.sel $0x180000  }
0x110: {  	[bflag:$0x0] =	sbarrier.arrive $0xFFFF  }
0x111: {  	_ =	strace $0x9000004D  }
0x112: {  	s0 =	stileid.u32;
	[bflag:$0x2] =	sbarrier.arrive $0xFFFF  }
0x113: {  	p0 =	sne.s32 s0, $0x0;
	s0 =	rddreg [dreg:$0x3]  }
0x114: {  	s0 =	sadd.s32 @!p0 $0x100000, s0  }
0x115: {  	[sflag:s0] =	ssyncadd.tile.s32 @!p0 $0x1;
	_ =	shalt  }
.Lfunc_end2:
_tile_overlayer_lowered:
.L_overlay_start_2:
0x116: {  	(tag) =	ssettag $0x2  }
0x117: {  	s0 =	rddreg [dreg:$0x0];
	s2 =	stileid.u32  }
0x118: {  	s1 =	rddreg [dreg:$0x1];
	p0 =	sne.s32 s2, $0x0  }
0x119: {  	s3 =	rddreg [dreg:$0x2];
	[bflag:$0x3] =	sbarrier.arrive $0xFFFF;
	s2 =	simm.s32 @!p0 $0x1C05  }
0x11a: {  	[timem:s3], [sflag:s2] =	dma.local @!p0 [hbm:s0], s1  }
0x11b: {  	s0 =	simm.s32 @!p0 $0x5  }
0x11c: {  	_ =	swait.ge @!p0 [sflag:s0], s1  }
0x11d: {  	s1 =	ssub.s32 @!p0 $0x0, s1;
	[sflag:s0] =	ssyncset.done @!p0 $0x0  }
0x11e: {  	[sflag:s0] =	ssyncadd.s32 @!p0 s1  }
0x11f: {  	[bflag:$0x3] =	sbarrier.arrive $0xFFFF  }
0x120: {  	_ =	shalt  }

// kernel: kernel.8.cloned.1.call-start
scs
__scs_entry_jumppad:
0x0: {  	(pc) =	sbr.rel $0x88, $3  }
0x1: {  	(tag) =	ssettag $0x0;
	lr =	simm.s32 $0x1  }
0x2: {  	[smem:$0x3F9B] =	sst lr;
	_ =	strace $0xD0000000  }
0x3: {  	_ = 	snop  }
0x4: {  	_ = 	snop  }
0x5: {  	_ = 	snop  }
0x6: {  	_ = 	snop  }
0x7: {  	_ = 	snop  }
__scs_overlays_trampoline_lowered:
0x8: {  	[smem:$0x3FAA] =	sst s0  }
0x9: {  	[smem:$0x3FAB] =	sst s1  }
0xa: {  	[smem:$0x3FAC] =	sst s2  }
0xb: {  	[smem:$0x3FAD] =	sst s3  }
0xc: {  	[smem:$0x3FAE] =	sst s4  }
0xd: {  	[smem:$0x3FAF] =	sst s5  }
0xe: {  	[smem:$0x3FB0] =	sst s6  }
0xf: {  	[smem:$0x3FB1] =	sst s7  }
0x10: {  	[smem:$0x3FB2] =	sst s8  }
0x11: {  	[smem:$0x3FB3] =	sst s9;
	s0 =	simm.s32 @!p0 $0x0  }
0x12: {  	s1 =	sld [smem:$0x3F99];
	s0 =	simm.s32 @p0 $0x1  }
0x13: {  	[smem:$0x3FB4] =	sst s0;
	s0 =	simm.s32 @!p1 $0x0  }
0x14: {  	s2 =	sld [smem:$0x3F98];
	s0 =	simm.s32 @p1 $0x1  }
0x15: {  	[smem:$0x3FB5] =	sst s0;
	s0 =	simm.s32 @!p2 $0x0  }
0x16: {  	s3 =	sld [smem:$0x3FDB];
	s0 =	simm.s32 @p2 $0x1  }
0x17: {  	s4 =	simm.s32 $0x1BF5;
	[smem:$0x3FB7] =	sst s0  }
0x18: {  	s0 =	sld [smem:$0x3F9A];
	_ =	swait.ge [sflag:s4], $0x0  }
0x19: {  	s7 =	sld [smem:$0x3F9B]  }
0x1a: {  	s8 =	sadd.s32 $0xFFFFE003, lr  }
0x1b: {  	s9 =	sadd.s32 $0xFFFFFEF7, lr;
	s5 =	simm.s32 $0xFFFFFFFF;
	p2 =	slt.u32 s8, $0xFFFFF086  }
0x1c: {  	p1 =	slt.u32 s9, $0xF7A;
	s5 =	simm.s32 @!p2 $0x0  }
0x1d: {  	s5 =	simm.s32 @p1 $0x1;
	p0 =	seq.s32 s7, s2  }
0x1e: {  	s7 =	smul.u32 @!p0 $0xF7A, s2;
	p2 =	seq.s32 @!p0 s5, $0x0  }
0x1f: {  	s9 =	smul.u32 $0xF7A, s1;
	s8 =	simm.s32 @!p0 $0x1BF5;
	p2 =	por !p2, p0  }
0x20: {  	[sflag:s8] =	ssyncset.s32 @!p0 $0xFFFFF086;
	s6 =	sadd.s32 @!p0 s3, s7;
	s7 =	simm.s32 @!p0 $0x108  }
0x21: {  	s3 =	sadd.s32 s3, s9;
	s6 =	sadd.s32 @!p0 $0x88, s6;
	s7 =	simm.s32 @p2 $0x1082  }
0x22: {  	[simem:s7], [sflag:s8] =	dma.local @!p0 [hbm:s6], $0xF7A  }
0x23: {  	s9 =	sor.u32 $0xD0000000, s2;
	s6 =	simm.s32 $0x108;
	_ =	swait.ge @!p0 [sflag:s8], $0x0  }
0x24: {  	s3 =	sadd.s32 $0x88, s3;
	s6 =	simm.s32 @!p1 $0x1082;
	[sflag:s4] =	ssyncset.s32 $0xFFFFF086  }
0x25: {  	[simem:s6], [sflag:s4] =	dma.local [hbm:s3], $0xF7A  }
0x26: {  	[smem:$0x3F9B] =	sst s1;
	(tag) =	ssettag s2;
	_ =	strace s9  }
0x27: {  	s1 =	sld [smem:$0x3FAB]  }
0x28: {  	s2 =	sld [smem:$0x3FAC]  }
0x29: {  	s4 =	sld [smem:$0x3FAE]  }
0x2a: {  	p0 =	seq.s32 s5, $0x0;
	s5 =	sld [smem:$0x3FAF]  }
0x2b: {  	s6 =	sld [smem:$0x3FB0]  }
0x2c: {  	s7 =	sld [smem:$0x3FB1]  }
0x2d: {  	s3 =	simm.s32 $0x108;
	s8 =	sld [smem:$0x3FB2]  }
0x2e: {  	s3 =	simm.s32 @!p0 $0x1082;
	s9 =	sld [smem:$0x3FB3]  }
0x2f: {  	lr =	sadd.s32 s0, s3;
	s0 =	sld [smem:$0x3FAA]  }
0x30: {  	s3 =	sld [smem:$0x3FAD]  }
0x31: {  	[smem:$0x3FB6] =	sst s10  }
0x32: {  	s10 =	sld [smem:$0x3FB4];
	_ =	sdelay $0x3  }
0x33: {  	p0 =	seq.s32 s10, $0x1;
	s10 =	sld [smem:$0x3FB6];
	_ =	sdelay $0x3  }
0x34: {  	[smem:$0x3FB6] =	sst s10  }
0x35: {  	s10 =	sld [smem:$0x3FB5];
	_ =	sdelay $0x3  }
0x36: {  	p1 =	seq.s32 s10, $0x1;
	s10 =	sld [smem:$0x3FB6];
	_ =	sdelay $0x3  }
0x37: {  	[smem:$0x3FB6] =	sst s10  }
0x38: {  	s10 =	sld [smem:$0x3FB7]  }
0x39: {  	_ = 	snop;
	(pc) =	sbr.ind lr, $3  }
0x3a: {  	_ = 	snop  }
0x3b: {  	_ = 	snop  }
0x3c: {  	p2 =	seq.s32 s10, $0x1;
	s10 =	sld [smem:$0x3FB6]  }
0x3d: {  	_ =	shalt  }
0x3e: {  	_ =	shalt  }
0x3f: {  	_ =	shalt  }
0x40: {  	_ =	shalt  }
0x41: {  	_ =	shalt  }
0x42: {  	_ =	shalt  }
0x43: {  	_ =	shalt  }
0x44: {  	_ =	shalt  }
0x45: {  	_ =	shalt  }
0x46: {  	_ =	shalt  }
0x47: {  	_ =	shalt  }
0x48: {  	_ =	shalt  }
0x49: {  	_ =	shalt  }
0x4a: {  	_ =	shalt  }
0x4b: {  	_ =	shalt  }
0x4c: {  	_ =	shalt  }
0x4d: {  	_ =	shalt  }
0x4e: {  	_ =	shalt  }
0x4f: {  	_ =	shalt  }
0x50: {  	_ =	shalt  }
0x51: {  	_ =	shalt  }
0x52: {  	_ =	shalt  }
0x53: {  	_ =	shalt  }
0x54: {  	_ =	shalt  }
0x55: {  	_ =	shalt  }
0x56: {  	_ =	shalt  }
0x57: {  	_ =	shalt  }
0x58: {  	_ =	shalt  }
0x59: {  	_ =	shalt  }
0x5a: {  	_ =	shalt  }
0x5b: {  	_ =	shalt  }
0x5c: {  	_ =	shalt  }
0x5d: {  	_ =	shalt  }
0x5e: {  	_ =	shalt  }
0x5f: {  	_ =	shalt  }
0x60: {  	_ =	shalt  }
0x61: {  	_ =	shalt  }
0x62: {  	_ =	shalt  }
0x63: {  	_ =	shalt  }
0x64: {  	_ =	shalt  }
0x65: {  	_ =	shalt  }
0x66: {  	_ =	shalt  }
0x67: {  	_ =	shalt  }
0x68: {  	_ =	shalt  }
0x69: {  	_ =	shalt  }
0x6a: {  	_ =	shalt  }
0x6b: {  	_ =	shalt  }
0x6c: {  	_ =	shalt  }
0x6d: {  	_ =	shalt  }
0x6e: {  	_ =	shalt  }
0x6f: {  	_ =	shalt  }
0x70: {  	_ =	shalt  }
0x71: {  	_ =	shalt  }
0x72: {  	_ =	shalt  }
0x73: {  	_ =	shalt  }
0x74: {  	_ =	shalt  }
0x75: {  	_ =	shalt  }
0x76: {  	_ =	shalt  }
0x77: {  	_ =	shalt  }
0x78: {  	_ =	shalt  }
0x79: {  	_ =	shalt  }
0x7a: {  	_ =	shalt  }
0x7b: {  	_ =	shalt  }
0x7c: {  	_ =	shalt  }
0x7d: {  	_ =	shalt  }
0x7e: {  	_ =	shalt  }
0x7f: {  	_ =	shalt  }
0x80: {  	_ =	shalt  }
0x81: {  	_ =	shalt  }
0x82: {  	_ =	shalt  }
0x83: {  	_ =	shalt  }
0x84: {  	_ =	shalt  }
0x85: {  	_ =	shalt  }
0x86: {  	_ =	shalt  }
0x87: {  	_ =	shalt  }
.Lfunc_end0:
.L_simem_size_0:
called_computation_lowered:
.L_overlay_start_0:
0x88: {  	s2 =	sld [smem:$0x3FD9]  }
0x89: {  	s3 =	sld [smem:$0x3FFE];
	_ =	sdelay $0x1  }
0x8a: {  	s1 =	srdreg.scid  }
0x8b: {  	s0 =	sand.u32 $0x1, s1  }
0x8c: {  	s17 =	sshll.u32 s0, $0xA;
	s2 =	sadd.s32 s3, s2  }
0x8d: {  	s2 =	sadd.s32 s2, s17  }
0x8e: {  	[smem:$0x3FC2] =	sst s2  }
0x8f: {  	_ = 	snop  }
0x90: {  	s2 =	sld [smem:$0x3FD0];
	(tm) =	ssettm $0x1  }
0x91: {  	s18 =	sld [smem:$0x3FFB];
	_ =	sdelay $0x3  }
0x92: {  	_ =	strace s18  }
0x93: {  	s3 =	sld [smem:$0x3FFC];
	_ =	sdelay $0x3  }
0x94: {  	_ =	strace s3  }
0x95: {  	s3 =	sld [smem:$0x3FFD];
	_ =	sdelay $0x3  }
0x96: {  	_ =	strace s3  }
0x97: {  	_ =	strace $0x8FFFFFFF  }
0x98: {  	s19 =	sld [smem:$0x3FDB];
	_ =	sdelay $0x1  }
0x99: {  	s4 =	simm.s32 $_scs_section_size  }
0x9a: {  	s5 =	simm.s32 $_size__tile_overlayer_lowered;
	s6 =	simm.s32 $_tile_overlayer_lowered  }
0x9b: {  	s22 =	simm.s32 $0x1BFF;
	s21 =	sshll.u32 s6, $0x1;
	s3 =	sadd.s32 s4, s19  }
0x9c: {  	s7 =	simm.s32 $0x0;
	s20 =	sshll.u32 s5, $0x1;
	s5 =	sadd.s32 s21, s3  }
0x9d: {  	[timem:s7], [sflag:s22] =	dma.local [hbm:s5], s20  }
0x9e: {  	_ =	swait.ge [sflag:s22], s20  }
0x9f: {  	s4 =	ssub.s32 $0x0, s20;
	[sflag:s22] =	ssyncset.done $0x0  }
0xa0: {  	[sflag:s22] =	ssyncadd.s32 s4;
	_ =	sdelay $0x1  }
0xa1: {  	s23 =	simm.s32 $0x1B8B  }
0xa2: {  	_ =	swait.ge [sflag:s23], $0x1  }
0xa3: {  	[sflag:s23] =	ssyncset.done $0x0  }
0xa4: {  	s25 =	simm.s32 $0x1B8E;
	s24 =	sld [smem:$0x3FFE];
	[sflag:s23] =	ssyncadd.s32 $0xFFFFFFFF  }
0xa5: {  	s26 =	simm.s32 $execute0_lowered;
	[smem:$0x3FD2] =	sst s25  }
0xa6: {  	s5 =	sshll.u32 s26, $0x1;
	_ =	strace $0x80000046;
	[dreg:$0x1] =	wrdreg $0xFFFFFFFF  }
0xa7: {  	s28 =	simm.s32 $_size_execute0_lowered;
	s3 =	sadd.s32 s3, s5;
	[dreg:$0x0] =	wrdreg $0x0  }
0xa8: {  	s5 =	sshll.u32 s28, $0x1;
	[dreg:$0x2] =	wrdreg s3  }
0xa9: {  	[dreg:$0x3] =	wrdreg s5  }
0xaa: {  	[dreg:$0x4] =	wrdreg $0xC0  }
0xab: {  	_ =	task [dreg:s7], $0x5FFFF  }
0xac: {  	[dreg:$0x1] =	wrdreg $0xFFFFFFFF  }
0xad: {  	[dreg:$0x0] =	wrdreg $0x60  }
0xae: {  	[dreg:$0x2] =	wrdreg s2  }
0xaf: {  	[dreg:$0x3] =	wrdreg s24  }
0xb0: {  	[dreg:$0x4] =	wrdreg $0x2B000  }
0xb1: {  	[dreg:$0x5] =	wrdreg $0x9  }
0xb2: {  	_ =	task.clear_ibuf [dreg:s7], $0x6FFFF;
	_ =	strace $0x90000046  }
0xb3: {  	s29 =	simm.s32 $0x9;
	_ =	strace $0x80000048  }
0xb4: {  	_ =	swait.ge [sflag:s29], $0x1  }
0xb5: {  	[sflag:s29] =	ssyncadd.s32 $0xFFFFFFFF  }
0xb6: {  	_ =	strace $0x90000048  }
0xb7: {  	_ =	sfence  }
0xb8: {  	s30 =	sld [smem:$0x0];
	_ =	sdelay $0x2  }
0xb9: {  	s31 =	sshll.u32 s1, $0xD;
	s1 =	sshrl.u32 s1, $0x2  }
0xba: {  	s3 =	sand.u32 $0x4000, s31;
	s1 =	sadd.s32 s1, s30  }
0xbb: {  	s0 =	sor.u32 s3, s0;
	s1 =	sshll.u32 s1, $0x11  }
0xbc: {  	s0 =	sor.u32 s1, s0  }
0xbd: {  	s0 =	sadd.s32 $0x8F2B, s0  }
0xbe: {  	[sflag:s0] =	ssyncadd.remote.s32 $0x1  }
0xbf: {  	_ =	sfence.sel $0xFFFF  }
0xc0: {  	[dreg:$0x0] =	wrdreg $0xFFFFFFFF;
	(pc) =	sbr.abs _section_cstart, $3  }
0xc1: {  	[dreg:$0x1] =	wrdreg $0xFFFFFFFF  }
0xc2: {  	_ =	task.clear_ibuf [dreg:s7], $0x2FFFF;
	_ =	strace $0x9FFFFFFF  }
0xc3: {  	(tm) =	ssettm $0x7FFFFFFF  }
tec
execute0_lowered:
.L_overlay_start_1:
0x0: {  	(tag) =	ssettag $0x1  }
0x1: {  	s4 =	rddreg [dreg:$0x0]  }
0x2: {  	s5 =	rddreg [dreg:$0x1]  }
0x3: {  	s2 =	rddreg [dreg:$0x2]  }
0x4: {  	s0 =	rddreg [dreg:$0x3]  }
0x5: {  	s1 =	stileid.u32;
	s6 =	srdreg.scid  }
0x6: {  	s3 =	simm.s32 $0x0;
	s12 =	simm.s32 $0x2800;
	s13 =	simm.s32 $0x0  }
0x7: {  	s7 =	smul.u32 $0x280, s1;
	s6 =	sand.u32 $0x1, s6;
	[smem:$0x7FF] =	sst s3  }
0x8: {  	s8 =	smul.u32 $0x2800, s6;
	s9 =	sshll.u32 s6, $0x4;
	_ =	strace $0x80000047  }
0x9: {  	s6 =	ssub.s32 $0x2, s6;
	s10 =	sshrl.u32 s7, $0x3;
	s9 =	sor.u32 s1, s9  }
0xa: {  	s11 =	sshrl.u32 s6, $0x1;
	s8 =	sadd.s32 s7, s8;
	s9 =	smul.u32 $0x500, s9  }
0xb: {  	s10 =	sadd.s32 s10, s5;
	s11 =	ssub.s32 s6, s11;
	s8 =	sshrl.u32 s8, $0x3  }
0xc: {  	s6 =	sadd.s32 s7, s2;
	s8 =	sadd.s32 s8, s5;
	s4 =	sadd.s32 s4, s9  }
0xd: {  	s5 =	sadd.s32 $0x1400, s10;
	s9 =	simm.s32 $0x1;
	s10 =	simm.s32 $0x2880  }
0xe: {  	v0 =	vimm.f32 $1.000000000e+00;
	s7 =	sadd.s32 $0x1A00, s8;
	s8 =	smax.u32 s11, $0x1;
	s11 =	simm.s32 $0x80  }
.LBB2_1:
0xf: {  	[tilespmem:s3], [sflag:$0x1] =	stream.linear.gather [hbm4b:s4+s3], $0x2800, $0x38;
	[tilespmem:$0x2D80] =	vst v63  }
0x10: {  	_ =	swait.ge [sflag:s9], $0x2800  }
0x11: {  	[sflag:s9] =	ssyncset.done $0x0  }
0x12: {  	[sflag:s9] =	ssyncadd.s32 $0xFFFFD800  }
0x13: {  	[tilespmem:$0x2800] =	vst v0  }
0x14: {  	[tilespmem:$0x2810] =	vst v0  }
0x15: {  	[tilespmem:$0x2820] =	vst v0  }
0x16: {  	[tilespmem:$0x2830] =	vst v0  }
0x17: {  	[tilespmem:$0x2840] =	vst v0  }
0x18: {  	[tilespmem:$0x2850] =	vst v0  }
0x19: {  	[tilespmem:$0x2860] =	vst v0  }
0x1a: {  	[tilespmem:$0x2870] =	vst v0  }
0x1b: {  	[tilespmem:s10], [sflag:$0x1] =	stream.linear.gather [hbm4b:s5+s3], $0x280, $0x38;
	[tilespmem:$0x2D80] =	vst v63  }
0x1c: {  	_ =	swait.ge [sflag:s9], $0x280  }
0x1d: {  	[sflag:s9] =	ssyncset.done $0x0  }
0x1e: {  	[sflag:s9] =	ssyncadd.s32 $0xFFFFFD80  }
0x1f: {  	[spmem:s6] =	stream.linear.scatter [tilespmem:s10], [sflag:$0x1], $0x280, $0x38;
	[tilespmem:$0x2D80] =	vst v63  }
0x20: {  	_ =	swait.ge [sflag:s9], $0x280  }
0x21: {  	[sflag:s9] =	ssyncset.done $0x0  }
0x22: {  	[sflag:s9] =	ssyncadd.s32 $0xFFFFFD80  }
0x23: {  	s14 =	simm.s32 $0x0;
	[bflag:$0x0] =	sbarrier.arrive $0xFFFF  }
0x24: {  	[spmem:s2] =	stream.indirect.scatter.add.f32 [tilespmem:s12], [sflag:$0x1], $0x1, s14, s11, $0xb8;
	[tilespmem:$0x2D80] =	vst v63  }
0x25: {  	_ =	swait.ge [sflag:s9], $0x80  }
0x26: {  	s14 =	simm.s32 $0x200;
	[sflag:s9] =	ssyncset.done $0x0  }
.LBB2_2:
0x27: {  	s15 =	sshra.s32 s14, $0x2;
	[sflag:s9] =	ssyncadd.s32 $0xFFFFFF80;
	p0 =	sne.s32 s14, $0x9E00  }
0x28: {  	[spmem:s2] =	stream.indirect.scatter.add.f32 [tilespmem:s12], [sflag:$0x1], $0x1, s15, s11, $0xb8;
	[tilespmem:$0x2D80] =	vst v63  }
.Ltmp0:
0x29: {  	_ = 	snop;
	(pc) =	sbr.rel @p0 .LBB2_2-.Ltmp0, $4  }
0x2a: {  	_ = 	snop  }
0x2b: {  	s14 =	sadd.s32 $0x200, s14  }
0x2c: {  	_ =	swait.ge [sflag:s9], $0x80  }
0x2d: {  	[sflag:s9] =	ssyncset.done $0x0  }
0x2e: {  	[sflag:s9] =	ssyncadd.s32 $0xFFFFFF80  }
0x2f: {  	[bflag:$0x0] =	sbarrier.arrive $0xFFFF  }
0x30: {  	[tilespmem:s10], [sflag:$0x1] =	stream.linear.gather [spmem:s6], $0x280, $0x38;
	[tilespmem:$0x2D80] =	vst v63  }
0x31: {  	s13 =	sadd.s32 $0x1, s13;
	_ =	swait.ge [sflag:s9], $0x280  }
0x32: {  	p0 =	sne.s32 s13, s8;
	[sflag:s9] =	ssyncset.done $0x0  }
.Ltmp1:
0x33: {  	[sflag:s9] =	ssyncadd.s32 $0xFFFFFD80;
	(pc) =	sbr.rel @p0 .LBB2_1-.Ltmp1, $4  }
0x34: {  	[hbm4b:s7+s3] =	stream.linear.scatter [tilespmem:s10], [sflag:$0x1], $0x280, $0x38;
	[tilespmem:$0x2D80] =	vst v63  }
0x35: {  	_ =	swait.ge [sflag:s9], $0x280  }
0x36: {  	[sflag:s9] =	ssyncset.done $0x0  }
0x37: {  	[sflag:s9] =	ssyncadd.s32 $0xFFFFFD80  }
0x38: {  	_ =	sfence.sel $0x180000  }
0x39: {  	[bflag:$0x0] =	sbarrier.arrive $0xFFFF  }
0x3a: {  	p0 =	sne.s32 s1, $0x0;
	_ =	strace $0x90000047  }
0x3b: {  	s0 =	sadd.s32 @!p0 $0x100000, s0;
	[bflag:$0x2] =	sbarrier.arrive $0xFFFF  }
0x3c: {  	[sflag:s0] =	ssyncadd.tile.s32 @!p0 $0x1;
	_ =	shalt  }
.Lfunc_end2:
_tile_overlayer_lowered:
.L_overlay_start_2:
0x3d: {  	(tag) =	ssettag $0x2  }
0x3e: {  	s0 =	rddreg [dreg:$0x0];
	s2 =	stileid.u32  }
0x3f: {  	s1 =	rddreg [dreg:$0x1];
	p0 =	sne.s32 s2, $0x0  }
0x40: {  	s3 =	rddreg [dreg:$0x2];
	[bflag:$0x3] =	sbarrier.arrive $0xFFFF;
	s2 =	simm.s32 @!p0 $0x1C01  }
0x41: {  	[timem:s3], [sflag:s2] =	dma.local @!p0 [hbm:s0], s1  }
0x42: {  	s0 =	simm.s32 @!p0 $0x1  }
0x43: {  	_ =	swait.ge @!p0 [sflag:s0], s1  }
0x44: {  	s1 =	ssub.s32 @!p0 $0x0, s1;
	[sflag:s0] =	ssyncset.done @!p0 $0x0  }
0x45: {  	[sflag:s0] =	ssyncadd.s32 @!p0 s1  }
0x46: {  	[bflag:$0x3] =	sbarrier.arrive $0xFFFF  }
0x47: {  	_ =	shalt  }

</sc_bundles>
